<compile_context>
chip_gen: v7x
topology: tpu7x:2x2x1
jax: 0.10.2.dev20260603
libtpu: 0.0.44.dev20260713+nightly
codegen_flags: <defaults>
</compile_context>

<pallas_src>
import functools

import jax
import jax.numpy as jnp
from jax import lax
from jax.experimental import pallas as pl
from jax.experimental.pallas import tpu as pltpu
from jax.experimental.pallas import tpu_sc as plsc

N_NODES = 10000
N_EDGES = 320000
D = 128

NC = 2
NS = 16
NW = NC * NS
EPW = N_EDGES // NW
CH = 125
NCHUNK = EPW // CH
RING = 3
NGRP = -(-NCHUNK // RING)
RPT = 624
RTAIL = N_NODES - NS * RPT



def _spmm_body(sup_hbm, edata_hbm, zeros_hbm, part_hbm,
               acc, ebuf, rows_v, sidx, esem, gsem, ssem, zsem):
    c = lax.axis_index("c")
    s = lax.axis_index("s")
    wid = s * NC + c
    my_edata = edata_hbm.at[wid]

    zsl = pl.ds(s * RPT, RPT)
    pltpu.async_copy(zeros_hbm.at[zsl], acc.at[zsl], zsem)

    @pl.when(s == NS - 1)
    def _zero_tail():
        tl = pl.ds(NS * RPT, RTAIL)
        pltpu.async_copy(zeros_hbm.at[tl], acc.at[tl], zsem)

    def e_issue(cj, k):
        pltpu.async_copy(my_edata.at[cj], ebuf.at[pl.ds(3 * k, 3)],
                         esem.at[k])

    def e_wait(k):
        pltpu.make_async_copy(my_edata.at[0], ebuf.at[pl.ds(3 * k, 3)],
                              esem.at[k]).wait()

    def rows_slot(k):
        return rows_v.at[pl.ds(k * CH, CH)]

    def g_issue(k):
        pltpu.async_copy(sup_hbm.at[ebuf.at[3 * k]], rows_slot(k),
                         gsem.at[k])

    def g_wait(k):
        pltpu.make_async_copy(sup_hbm.at[ebuf.at[3 * k]], rows_slot(k),
                              gsem.at[k]).wait()

    _SIDX_OFFS = tuple(range(0, CH - 15, 16)) + (CH - 16,)

    def s_issue(k):
        for off in _SIDX_OFFS:
            sl = pl.ds(off, 16)
            sidx[k, sl] = ebuf[3 * k + 1, sl]
        pltpu.async_copy(rows_slot(k), acc.at[sidx.at[k]],
                         ssem.at[k], add=True)

    def s_wait(k):
        pltpu.make_async_copy(rows_slot(k), acc.at[sidx.at[k]],
                              ssem.at[k]).wait()

    def scale_slot(k):
        @plsc.parallel_loop(0, CH, unroll=5)
        def edge_body(e):
            wbits = plsc.load_gather(
                ebuf, [jnp.full((16,), 3 * k + 2, dtype=jnp.int32),
                       jnp.full((16,), e, dtype=jnp.int32)])
            wvec = plsc.bitcast(wbits, jnp.float32)
            row = k * CH + e
            for j in range(D // 16):
                sl = pl.ds(j * 16, 16)
                rows_v[row, sl] = rows_v[row, sl] * wvec

    e_issue(0, 0)
    e_issue(1, 1)
    e_wait(0)
    g_issue(0)

    pltpu.make_async_copy(zeros_hbm.at[zsl], acc.at[zsl], zsem).wait()

    @pl.when(s == NS - 1)
    def _zero_tail_wait():
        tl = pl.ds(NS * RPT, RTAIL)
        pltpu.make_async_copy(zeros_hbm.at[tl], acc.at[tl], zsem).wait()

    plsc.subcore_barrier()

    def group_body(g, _):
        c0 = g * RING
        for k in range(RING):
            cj = c0 + k
            nb1 = (k + 1) % RING
            nb2 = (k + 2) % RING

            @pl.when(cj + 2 < NCHUNK)
            def _prefetch_edata():
                e_issue(cj + 2, nb2)

            @pl.when(cj + 1 < NCHUNK)
            def _prefetch_gather():
                @pl.when(cj + 1 >= RING)
                def _drain_scatter():
                    s_wait(nb1)
                e_wait(nb1)
                g_issue(nb1)

            @pl.when(cj < NCHUNK)
            def _process():
                g_wait(k)
                scale_slot(k)
                s_issue(k)
        return 0

    lax.fori_loop(0, NGRP, group_body, 0, unroll=False)
    for k in range(RING):
        s_wait(k)
    plsc.subcore_barrier()

    sl = pl.ds(s * RPT, RPT)
    pltpu.sync_copy(acc.at[sl], part_hbm.at[c].at[sl])

    @pl.when(s == NS - 1)
    def _write_tail():
        tl = pl.ds(NS * RPT, RTAIL)
        pltpu.sync_copy(acc.at[tl], part_hbm.at[c].at[tl])


@functools.lru_cache(maxsize=None)
def _make_spmm():
    return pl.kernel(
        _spmm_body,
        out_type=jax.ShapeDtypeStruct((NC, N_NODES, D), jnp.float32),
        mesh=plsc.VectorSubcoreMesh(core_axis_name="c", subcore_axis_name="s"),
        compiler_params=pltpu.CompilerParams(needs_layout_passes=False),
        scratch_types=[
            pltpu.VMEM_SHARED((N_NODES, D), jnp.float32),
            pltpu.VMEM((RING * 3, CH), jnp.int32),
            pltpu.VMEM((RING * CH, D), jnp.float32),
            pltpu.VMEM((RING, CH), jnp.int32),
            pltpu.SemaphoreType.DMA((RING,)),
            pltpu.SemaphoreType.DMA((RING,)),
            pltpu.SemaphoreType.DMA((RING,)),
            pltpu.SemaphoreType.DMA,
        ],
    )



_BLK = 1000


def _mm_kernel(x_ref, w_ref, o_ref):
    o_ref[...] = jnp.dot(x_ref[...], w_ref[...],
                         preferred_element_type=jnp.float32)


def _matmul(x, w):
    return pl.pallas_call(
        _mm_kernel,
        grid=(N_NODES // _BLK,),
        in_specs=[
            pl.BlockSpec((_BLK, D), lambda i: (i, 0)),
            pl.BlockSpec((D, D), lambda i: (0, 0)),
        ],
        out_specs=pl.BlockSpec((_BLK, D), lambda i: (i, 0)),
        out_shape=jax.ShapeDtypeStruct((N_NODES, D), jnp.float32),
    )(x, w)


def _add_mm_kernel(p_ref, b_ref, w_ref, o_ref):
    h = p_ref[0] + p_ref[1] + b_ref[...]
    o_ref[...] = jnp.dot(h, w_ref[...], preferred_element_type=jnp.float32)


def _add_matmul(parts, b2d, w):
    return pl.pallas_call(
        _add_mm_kernel,
        grid=(N_NODES // _BLK,),
        in_specs=[
            pl.BlockSpec((NC, _BLK, D), lambda i: (0, i, 0)),
            pl.BlockSpec((1, D), lambda i: (0, 0)),
            pl.BlockSpec((D, D), lambda i: (0, 0)),
        ],
        out_specs=pl.BlockSpec((_BLK, D), lambda i: (i, 0)),
        out_shape=jax.ShapeDtypeStruct((N_NODES, D), jnp.float32),
    )(parts, b2d, w)


def _add_bias_kernel(p_ref, b_ref, o_ref):
    o_ref[...] = p_ref[0] + p_ref[1] + b_ref[...]


def _add_bias(parts, b2d):
    return pl.pallas_call(
        _add_bias_kernel,
        grid=(N_NODES // _BLK,),
        in_specs=[
            pl.BlockSpec((NC, _BLK, D), lambda i: (0, i, 0)),
            pl.BlockSpec((1, D), lambda i: (0, 0)),
        ],
        out_specs=pl.BlockSpec((_BLK, D), lambda i: (i, 0)),
        out_shape=jax.ShapeDtypeStruct((N_NODES, D), jnp.float32),
    )(parts, b2d)



@jax.jit
def kernel(edge_index, edge_weight, x, W1, b1, W2, b2):
    src = edge_index[0].reshape(NW, NCHUNK, CH)
    dst = edge_index[1].reshape(NW, NCHUNK, CH)
    wbits = lax.bitcast_convert_type(edge_weight, jnp.int32)
    wbits = wbits.reshape(NW, NCHUNK, CH)
    edata = jnp.stack([src, dst, wbits], axis=2)
    zeros = jnp.zeros((N_NODES, D), jnp.float32)
    b1_2d = b1.reshape(1, D)
    b2_2d = b2.reshape(1, D)

    spmm = _make_spmm()
    support1 = _matmul(x, W1)
    p1 = spmm(support1, edata, zeros)
    support2 = _add_matmul(p1, b1_2d, W2)
    p2 = spmm(support2, edata, zeros)
    return _add_bias(p2, b2_2d)

# --- scband reference (transcript-rebuilt; emitter-appended) ---
"""Pipeline reference for scband-sp-gcn-13374528160101 (READ-ONLY COPY).

The authoritative reference and input builder live on the scoring server;
editing this copy changes nothing except your own understanding.
"""

import jax, jax.numpy as jnp
import numpy as np

N_NODES = 10000
N_EDGES = 320000
D_IN = 128
D_HID = 128
D_OUT = 128


def setup_inputs(seed: int = 0) -> dict:
    key = jax.random.key(seed)
    k1, k2, k3, k4, k5, k6, k7 = jax.random.split(key, 7)
    x = jax.random.normal(k1, (N_NODES, D_IN), dtype=jnp.float32)
    edge_index = jax.random.randint(k2, (2, N_EDGES), 0, N_NODES, dtype=jnp.int32)
    edge_weight = jax.random.uniform(k3, (N_EDGES,), dtype=jnp.float32)
    # learned parameters for the two SpGraphConvolutionLayers
    W1 = jax.random.normal(k4, (D_IN, D_HID), dtype=jnp.float32) * (1.0 / np.sqrt(D_IN))
    b1 = jnp.zeros((D_HID,), dtype=jnp.float32)
    W2 = jax.random.normal(k5, (D_HID, D_OUT), dtype=jnp.float32) * (1.0 / np.sqrt(D_HID))
    b2 = jnp.zeros((D_OUT,), dtype=jnp.float32)
    return {"edge_index": edge_index, "edge_weight": edge_weight, "x": x,
            "W1": W1, "b1": b1, "W2": W2, "b2": b2}


def _sp_gc_layer(x, edge_index, edge_weight, W, b):
    # support = x @ W ; out = spmm(adj, support) + b
    src = edge_index[0]
    dst = edge_index[1]
    support = x @ W
    msgs = jnp.take(support, src, axis=0) * edge_weight[:, None]
    out = jax.ops.segment_sum(msgs, dst, num_segments=N_NODES)
    return out + b


def reference(edge_index, edge_weight, x, W1, b1, W2, b2):
    # dropout=0.0 / eval mode -> dropout is identity
    h = _sp_gc_layer(x, edge_index, edge_weight, W1, b1)
    out = _sp_gc_layer(h, edge_index, edge_weight, W2, b2)
    return out

if __name__ == "__main__":
    import jax
    _d = setup_inputs()
    print(jax.jit(kernel)(*tuple(_d.values())))

</pallas_src>

<mosaic_0001>
#map = affine_map<(d0, d1) -> (0, 0)>
#map1 = affine_map<(d0, d1) -> (0, 0, 0, 0)>
#map2 = affine_map<(d0, d1) -> (0, 0, 0)>
module attributes {stable_mosaic.version = 14 : i64} {
  func.func @_spmm_body(%arg0: i32, %arg1: i32, %arg2: memref<10000x128xf32, #tpu.memory_space<hbm>>, %arg3: memref<32x80x3x125xi32, #tpu.memory_space<hbm>>, %arg4: memref<10000x128xf32, #tpu.memory_space<hbm>>, %arg5: memref<2x10000x128xf32, #tpu.memory_space<hbm>>, %arg6: memref<10000x128xf32, #tpu.memory_space<vmem_shared>>, %arg7: memref<9x125xi32, #tpu.memory_space<vmem>>, %arg8: memref<375x128xf32, #tpu.memory_space<vmem>>, %arg9: memref<3x125xi32, #tpu.memory_space<vmem>>, %arg10: memref<3x!tpu.dma_semaphore, #tpu.memory_space<semaphore_mem>>, %arg11: memref<3x!tpu.dma_semaphore, #tpu.memory_space<semaphore_mem>>, %arg12: memref<3x!tpu.dma_semaphore, #tpu.memory_space<semaphore_mem>>, %arg13: memref<!tpu.dma_semaphore, #tpu.memory_space<semaphore_mem>>) attributes {dimension_semantics = [#tpu.dimension_semantics<core_parallel>, #tpu.dimension_semantics<subcore_parallel>], iteration_bounds = array<i64: 2, 16>, scalar_prefetch = 0 : i64, scratch_operands = 8 : i64, tpu.core_type = #tpu.core_type<sc_vector_subcore>, window_params = [{transform_indices = #map}, {transform_indices = #map1}, {transform_indices = #map}, {transform_indices = #map2}]} {
    %mul3A = arith.constant 2 : i32
    %mul3A_0 = arith.muli %arg1, %mul3A : i32
    %add3A = arith.addi %mul3A_0, %arg0 : i32
    %mul3A_1 = arith.constant 624 : i32
    %mul3A_2 = arith.muli %arg1, %mul3A_1 : i32
    %dma_start3A = arith.constant 0 : i32
    %dma_start3A_3 = tpu.memref_slice %arg6[%mul3A_2, %dma_start3A] : memref<10000x128xf32, #tpu.memory_space<vmem_shared>> -> memref<624x128xf32, #tpu.memory_space<vmem_shared>>
    %dma_start3A_4 = arith.constant 0 : i32
    %dma_start3A_5 = tpu.memref_slice %arg4[%mul3A_2, %dma_start3A_4] : memref<10000x128xf32, #tpu.memory_space<hbm>> -> memref<624x128xf32, #tpu.memory_space<hbm>>
    tpu.enqueue_dma source(%dma_start3A_5 : memref<624x128xf32, #tpu.memory_space<hbm>>) target(%dma_start3A_3 : memref<624x128xf32, #tpu.memory_space<vmem_shared>>) target_semaphore(%arg13 : memref<!tpu.dma_semaphore, #tpu.memory_space<semaphore_mem>>)
    %eq3A = arith.constant 15 : i32
    %eq3A_6 = arith.cmpi eq, %arg1, %eq3A : i32
    %convert_element_type3A = arith.extui %eq3A_6 : i1 to i32
    %cond3A = arith.constant 0 : i32
    %cond3A_7 = arith.cmpi ne, %convert_element_type3A, %cond3A : i32
    scf.if %cond3A_7 {
      %dma_start3A_166 = arith.constant 9984 : i32
      %dma_start3A_167 = arith.constant 0 : i32
      %dma_start3A_168 = tpu.memref_slice %arg6[%dma_start3A_166, %dma_start3A_167] : memref<10000x128xf32, #tpu.memory_space<vmem_shared>> -> memref<16x128xf32, #tpu.memory_space<vmem_shared>>
      %dma_start3A_169 = arith.constant 9984 : i32
      %dma_start3A_170 = arith.constant 0 : i32
      %dma_start3A_171 = tpu.memref_slice %arg4[%dma_start3A_169, %dma_start3A_170] : memref<10000x128xf32, #tpu.memory_space<hbm>> -> memref<16x128xf32, #tpu.memory_space<hbm>>
      tpu.enqueue_dma source(%dma_start3A_171 : memref<16x128xf32, #tpu.memory_space<hbm>>) target(%dma_start3A_168 : memref<16x128xf32, #tpu.memory_space<vmem_shared>>) target_semaphore(%arg13 : memref<!tpu.dma_semaphore, #tpu.memory_space<semaphore_mem>>)
    } else {
    }
    %dma_start3A_8 = arith.constant 0 : i32
    %dma_start3A_9 = arith.constant 0 : i32
    %dma_start3A_10 = arith.constant 0 : i32
    %dma_start3A_11 = arith.constant 0 : i32
    %dma_start3A_12 = tpu.memref_slice %arg7[%dma_start3A_10, %dma_start3A_11] : memref<9x125xi32, #tpu.memory_space<vmem>> -> memref<3x125xi32, #tpu.memory_space<vmem>>
    %dma_start3A_13 = arith.constant 0 : i32
    %dma_start3A_14 = arith.constant 0 : i32
    %dma_start3A_15 = arith.constant 0 : i32
    %dma_start3A_16 = tpu.memref_slice %arg3[%add3A, %dma_start3A_13, %dma_start3A_14, %dma_start3A_15] : memref<32x80x3x125xi32, #tpu.memory_space<hbm>> -> memref<1x80x3x125xi32, #tpu.memory_space<hbm>>
    %dma_start3A_17 = tpu.memref_squeeze %dma_start3A_16 : memref<1x80x3x125xi32, #tpu.memory_space<hbm>> -> memref<80x3x125xi32, #tpu.memory_space<hbm>>
    %dma_start3A_18 = arith.constant 0 : i32
    %dma_start3A_19 = arith.constant 0 : i32
    %dma_start3A_20 = tpu.memref_slice %dma_start3A_17[%dma_start3A_8, %dma_start3A_18, %dma_start3A_19] : memref<80x3x125xi32, #tpu.memory_space<hbm>> -> memref<1x3x125xi32, #tpu.memory_space<hbm>>
    %dma_start3A_21 = tpu.memref_squeeze %dma_start3A_20 : memref<1x3x125xi32, #tpu.memory_space<hbm>> -> memref<3x125xi32, #tpu.memory_space<hbm>>
    %dma_start3A_22 = tpu.memref_slice %arg10[%dma_start3A_9] : memref<3x!tpu.dma_semaphore, #tpu.memory_space<semaphore_mem>> -> memref<1x!tpu.dma_semaphore, #tpu.memory_space<semaphore_mem>>
    %dma_start3A_23 = tpu.memref_squeeze %dma_start3A_22 : memref<1x!tpu.dma_semaphore, #tpu.memory_space<semaphore_mem>> -> memref<!tpu.dma_semaphore, #tpu.memory_space<semaphore_mem>>
    %dma_start3A_24 = arith.constant 0 : i32
    %dma_start3A_25 = arith.constant 0 : i32
    %dma_start3A_26 = tpu.memref_slice %arg7[%dma_start3A_24, %dma_start3A_25] : memref<9x125xi32, #tpu.memory_space<vmem>> -> memref<3x125xi32, #tpu.memory_space<vmem>>
    %dma_start3A_27 = arith.constant 0 : i32
    %dma_start3A_28 = arith.constant 0 : i32
    %dma_start3A_29 = arith.constant 0 : i32
    %dma_start3A_30 = tpu.memref_slice %arg3[%add3A, %dma_start3A_27, %dma_start3A_28, %dma_start3A_29] : memref<32x80x3x125xi32, #tpu.memory_space<hbm>> -> memref<1x80x3x125xi32, #tpu.memory_space<hbm>>
    %dma_start3A_31 = tpu.memref_squeeze %dma_start3A_30 : memref<1x80x3x125xi32, #tpu.memory_space<hbm>> -> memref<80x3x125xi32, #tpu.memory_space<hbm>>
    %dma_start3A_32 = arith.constant 0 : i32
    %dma_start3A_33 = arith.constant 0 : i32
    %dma_start3A_34 = tpu.memref_slice %dma_start3A_31[%dma_start3A_8, %dma_start3A_32, %dma_start3A_33] : memref<80x3x125xi32, #tpu.memory_space<hbm>> -> memref<1x3x125xi32, #tpu.memory_space<hbm>>
    %dma_start3A_35 = tpu.memref_squeeze %dma_start3A_34 : memref<1x3x125xi32, #tpu.memory_space<hbm>> -> memref<3x125xi32, #tpu.memory_space<hbm>>
    tpu.enqueue_dma source(%dma_start3A_35 : memref<3x125xi32, #tpu.memory_space<hbm>>) target(%dma_start3A_26 : memref<3x125xi32, #tpu.memory_space<vmem>>) target_semaphore(%dma_start3A_23 : memref<!tpu.dma_semaphore, #tpu.memory_space<semaphore_mem>>)
    %dma_start3A_36 = arith.constant 1 : i32
    %dma_start3A_37 = arith.constant 1 : i32
    %dma_start3A_38 = arith.constant 3 : i32
    %dma_start3A_39 = arith.constant 0 : i32
    %dma_start3A_40 = tpu.memref_slice %arg7[%dma_start3A_38, %dma_start3A_39] : memref<9x125xi32, #tpu.memory_space<vmem>> -> memref<3x125xi32, #tpu.memory_space<vmem>>
    %dma_start3A_41 = arith.constant 0 : i32
    %dma_start3A_42 = arith.constant 0 : i32
    %dma_start3A_43 = arith.constant 0 : i32
    %dma_start3A_44 = tpu.memref_slice %arg3[%add3A, %dma_start3A_41, %dma_start3A_42, %dma_start3A_43] : memref<32x80x3x125xi32, #tpu.memory_space<hbm>> -> memref<1x80x3x125xi32, #tpu.memory_space<hbm>>
    %dma_start3A_45 = tpu.memref_squeeze %dma_start3A_44 : memref<1x80x3x125xi32, #tpu.memory_space<hbm>> -> memref<80x3x125xi32, #tpu.memory_space<hbm>>
    %dma_start3A_46 = arith.constant 0 : i32
    %dma_start3A_47 = arith.constant 0 : i32
    %dma_start3A_48 = tpu.memref_slice %dma_start3A_45[%dma_start3A_36, %dma_start3A_46, %dma_start3A_47] : memref<80x3x125xi32, #tpu.memory_space<hbm>> -> memref<1x3x125xi32, #tpu.memory_space<hbm>>
    %dma_start3A_49 = tpu.memref_squeeze %dma_start3A_48 : memref<1x3x125xi32, #tpu.memory_space<hbm>> -> memref<3x125xi32, #tpu.memory_space<hbm>>
    %dma_start3A_50 = tpu.memref_slice %arg10[%dma_start3A_37] : memref<3x!tpu.dma_semaphore, #tpu.memory_space<semaphore_mem>> -> memref<1x!tpu.dma_semaphore, #tpu.memory_space<semaphore_mem>>
    %dma_start3A_51 = tpu.memref_squeeze %dma_start3A_50 : memref<1x!tpu.dma_semaphore, #tpu.memory_space<semaphore_mem>> -> memref<!tpu.dma_semaphore, #tpu.memory_space<semaphore_mem>>
    %dma_start3A_52 = arith.constant 3 : i32
    %dma_start3A_53 = arith.constant 0 : i32
    %dma_start3A_54 = tpu.memref_slice %arg7[%dma_start3A_52, %dma_start3A_53] : memref<9x125xi32, #tpu.memory_space<vmem>> -> memref<3x125xi32, #tpu.memory_space<vmem>>
    %dma_start3A_55 = arith.constant 0 : i32
    %dma_start3A_56 = arith.constant 0 : i32
    %dma_start3A_57 = arith.constant 0 : i32
    %dma_start3A_58 = tpu.memref_slice %arg3[%add3A, %dma_start3A_55, %dma_start3A_56, %dma_start3A_57] : memref<32x80x3x125xi32, #tpu.memory_space<hbm>> -> memref<1x80x3x125xi32, #tpu.memory_space<hbm>>
    %dma_start3A_59 = tpu.memref_squeeze %dma_start3A_58 : memref<1x80x3x125xi32, #tpu.memory_space<hbm>> -> memref<80x3x125xi32, #tpu.memory_space<hbm>>
    %dma_start3A_60 = arith.constant 0 : i32
    %dma_start3A_61 = arith.constant 0 : i32
    %dma_start3A_62 = tpu.memref_slice %dma_start3A_59[%dma_start3A_36, %dma_start3A_60, %dma_start3A_61] : memref<80x3x125xi32, #tpu.memory_space<hbm>> -> memref<1x3x125xi32, #tpu.memory_space<hbm>>
    %dma_start3A_63 = tpu.memref_squeeze %dma_start3A_62 : memref<1x3x125xi32, #tpu.memory_space<hbm>> -> memref<3x125xi32, #tpu.memory_space<hbm>>
    tpu.enqueue_dma source(%dma_start3A_63 : memref<3x125xi32, #tpu.memory_space<hbm>>) target(%dma_start3A_54 : memref<3x125xi32, #tpu.memory_space<vmem>>) target_semaphore(%dma_start3A_51 : memref<!tpu.dma_semaphore, #tpu.memory_space<semaphore_mem>>)
    %dma_wait3A = arith.constant 0 : i32
    %dma_wait3A_64 = arith.constant 0 : i32
    %dma_wait3A_65 = arith.constant 0 : i32
    %dma_wait3A_66 = arith.constant 0 : i32
    %dma_wait3A_67 = tpu.memref_slice %arg7[%dma_wait3A_65, %dma_wait3A_66] : memref<9x125xi32, #tpu.memory_space<vmem>> -> memref<3x125xi32, #tpu.memory_space<vmem>>
    %dma_wait3A_68 = arith.constant 0 : i32
    %dma_wait3A_69 = arith.constant 0 : i32
    %dma_wait3A_70 = arith.constant 0 : i32
    %dma_wait3A_71 = tpu.memref_slice %arg3[%add3A, %dma_wait3A_68, %dma_wait3A_69, %dma_wait3A_70] : memref<32x80x3x125xi32, #tpu.memory_space<hbm>> -> memref<1x80x3x125xi32, #tpu.memory_space<hbm>>
    %dma_wait3A_72 = tpu.memref_squeeze %dma_wait3A_71 : memref<1x80x3x125xi32, #tpu.memory_space<hbm>> -> memref<80x3x125xi32, #tpu.memory_space<hbm>>
    %dma_wait3A_73 = arith.constant 0 : i32
    %dma_wait3A_74 = arith.constant 0 : i32
    %dma_wait3A_75 = tpu.memref_slice %dma_wait3A_72[%dma_wait3A, %dma_wait3A_73, %dma_wait3A_74] : memref<80x3x125xi32, #tpu.memory_space<hbm>> -> memref<1x3x125xi32, #tpu.memory_space<hbm>>
    %dma_wait3A_76 = tpu.memref_squeeze %dma_wait3A_75 : memref<1x3x125xi32, #tpu.memory_space<hbm>> -> memref<3x125xi32, #tpu.memory_space<hbm>>
    %dma_wait3A_77 = tpu.memref_slice %arg10[%dma_wait3A_64] : memref<3x!tpu.dma_semaphore, #tpu.memory_space<semaphore_mem>> -> memref<1x!tpu.dma_semaphore, #tpu.memory_space<semaphore_mem>>
    %dma_wait3A_78 = tpu.memref_squeeze %dma_wait3A_77 : memref<1x!tpu.dma_semaphore, #tpu.memory_space<semaphore_mem>> -> memref<!tpu.dma_semaphore, #tpu.memory_space<semaphore_mem>>
    %dma_wait3A_79 = arith.constant 0 : i32
    %dma_wait3A_80 = arith.constant 0 : i32
    %dma_wait3A_81 = tpu.memref_slice %arg7[%dma_wait3A_79, %dma_wait3A_80] : memref<9x125xi32, #tpu.memory_space<vmem>> -> memref<3x125xi32, #tpu.memory_space<vmem>>
    %dma_wait3A_82 = arith.constant 0 : i32
    %dma_wait3A_83 = arith.constant 0 : i32
    %dma_wait3A_84 = arith.constant 0 : i32
    %dma_wait3A_85 = tpu.memref_slice %arg3[%add3A, %dma_wait3A_82, %dma_wait3A_83, %dma_wait3A_84] : memref<32x80x3x125xi32, #tpu.memory_space<hbm>> -> memref<1x80x3x125xi32, #tpu.memory_space<hbm>>
    %dma_wait3A_86 = tpu.memref_squeeze %dma_wait3A_85 : memref<1x80x3x125xi32, #tpu.memory_space<hbm>> -> memref<80x3x125xi32, #tpu.memory_space<hbm>>
    %dma_wait3A_87 = arith.constant 0 : i32
    %dma_wait3A_88 = arith.constant 0 : i32
    %dma_wait3A_89 = tpu.memref_slice %dma_wait3A_86[%dma_wait3A, %dma_wait3A_87, %dma_wait3A_88] : memref<80x3x125xi32, #tpu.memory_space<hbm>> -> memref<1x3x125xi32, #tpu.memory_space<hbm>>
    %dma_wait3A_90 = tpu.memref_squeeze %dma_wait3A_89 : memref<1x3x125xi32, #tpu.memory_space<hbm>> -> memref<3x125xi32, #tpu.memory_space<hbm>>
    tpu.wait_dma2 semaphore(%dma_wait3A_78 : memref<!tpu.dma_semaphore, #tpu.memory_space<semaphore_mem>>) src(%dma_wait3A_90 : memref<3x125xi32, #tpu.memory_space<hbm>>) dst(%dma_wait3A_81 : memref<3x125xi32, #tpu.memory_space<vmem>>)
    %dma_start3A_91 = arith.constant 0 : i32
    %dma_start3A_92 = arith.constant 0 : i32
    %dma_start3A_93 = arith.constant 0 : i32
    %dma_start3A_94 = arith.constant 0 : i32
    %dma_start3A_95 = tpu.memref_slice %arg8[%dma_start3A_93, %dma_start3A_94] : memref<375x128xf32, #tpu.memory_space<vmem>> -> memref<125x128xf32, #tpu.memory_space<vmem>>
    %dma_start3A_96 = arith.constant 0 : i32
    %dma_start3A_97 = tpu.memref_slice %arg7[%dma_start3A_91, %dma_start3A_96] : memref<9x125xi32, #tpu.memory_space<vmem>> -> memref<1x125xi32, #tpu.memory_space<vmem>>
    %dma_start3A_98 = tpu.memref_squeeze %dma_start3A_97 : memref<1x125xi32, #tpu.memory_space<vmem>> -> memref<125xi32, #tpu.memory_space<vmem>>
    %dma_start3A_99 = arith.constant 0 : i32
    %dma_start3A_100 = arith.constant 0 : i32
    %dma_start3A_101 = tpu.memref_slice %arg2[%dma_start3A_99, %dma_start3A_100] : memref<10000x128xf32, #tpu.memory_space<hbm>> -> memref<10000x128xf32, #tpu.memory_space<hbm>>
    %dma_start3A_102 = tpu.memref_slice %arg11[%dma_start3A_92] : memref<3x!tpu.dma_semaphore, #tpu.memory_space<semaphore_mem>> -> memref<1x!tpu.dma_semaphore, #tpu.memory_space<semaphore_mem>>
    %dma_start3A_103 = tpu.memref_squeeze %dma_start3A_102 : memref<1x!tpu.dma_semaphore, #tpu.memory_space<semaphore_mem>> -> memref<!tpu.dma_semaphore, #tpu.memory_space<semaphore_mem>>
    tpu.enqueue_indirect_dma source(%dma_start3A_101 : memref<10000x128xf32, #tpu.memory_space<hbm>>) target(%dma_start3A_95 : memref<125x128xf32, #tpu.memory_space<vmem>>) offsets(%dma_start3A_98 : memref<125xi32, #tpu.memory_space<vmem>>) semaphore(%dma_start3A_103 : memref<!tpu.dma_semaphore, #tpu.memory_space<semaphore_mem>>)
    %dma_wait3A_104 = arith.constant 0 : i32
    %dma_wait3A_105 = tpu.memref_slice %arg6[%mul3A_2, %dma_wait3A_104] : memref<10000x128xf32, #tpu.memory_space<vmem_shared>> -> memref<624x128xf32, #tpu.memory_space<vmem_shared>>
    %dma_wait3A_106 = arith.constant 0 : i32
    %dma_wait3A_107 = tpu.memref_slice %arg4[%mul3A_2, %dma_wait3A_106] : memref<10000x128xf32, #tpu.memory_space<hbm>> -> memref<624x128xf32, #tpu.memory_space<hbm>>
    tpu.wait_dma2 semaphore(%arg13 : memref<!tpu.dma_semaphore, #tpu.memory_space<semaphore_mem>>) src(%dma_wait3A_107 : memref<624x128xf32, #tpu.memory_space<hbm>>) dst(%dma_wait3A_105 : memref<624x128xf32, #tpu.memory_space<vmem_shared>>)
    %eq3A_108 = arith.constant 15 : i32
    %eq3A_109 = arith.cmpi eq, %arg1, %eq3A_108 : i32
    %convert_element_type3A_110 = arith.extui %eq3A_109 : i1 to i32
    %cond3A_111 = arith.constant 0 : i32
    %cond3A_112 = arith.cmpi ne, %convert_element_type3A_110, %cond3A_111 : i32
    scf.if %cond3A_112 {
      %dma_wait3A_166 = arith.constant 9984 : i32
      %dma_wait3A_167 = arith.constant 0 : i32
      %dma_wait3A_168 = tpu.memref_slice %arg6[%dma_wait3A_166, %dma_wait3A_167] : memref<10000x128xf32, #tpu.memory_space<vmem_shared>> -> memref<16x128xf32, #tpu.memory_space<vmem_shared>>
      %dma_wait3A_169 = arith.constant 9984 : i32
      %dma_wait3A_170 = arith.constant 0 : i32
      %dma_wait3A_171 = tpu.memref_slice %arg4[%dma_wait3A_169, %dma_wait3A_170] : memref<10000x128xf32, #tpu.memory_space<hbm>> -> memref<16x128xf32, #tpu.memory_space<hbm>>
      tpu.wait_dma2 semaphore(%arg13 : memref<!tpu.dma_semaphore, #tpu.memory_space<semaphore_mem>>) src(%dma_wait3A_171 : memref<16x128xf32, #tpu.memory_space<hbm>>) dst(%dma_wait3A_168 : memref<16x128xf32, #tpu.memory_space<vmem_shared>>)
    } else {
    }
    %barrier3A = arith.constant 0 : index
    tpu.barrier barrier_id(%barrier3A)
    %scan3A = arith.constant 0 : i32
    %scan3A_113 = arith.constant 0 : i32
    %scan3A_114 = arith.constant 27 : i32
    %scan3A_115 = arith.addi %scan3A_113, %scan3A_114 : i32
    %scan3A_116 = arith.constant 1 : i32
    %scan3A_117 = scf.for %scan3A_166 = %scan3A_113 to %scan3A_115 step %scan3A_116 iter_args(%scan3A_167 = %scan3A) -> (i32)  : i32 {
      %mul3A_168 = arith.constant 3 : i32
      %mul3A_169 = arith.muli %scan3A_166, %mul3A_168 : i32
      %add3A_170 = arith.constant 0 : i32
      %add3A_171 = arith.addi %mul3A_169, %add3A_170 : i32
      %add3A_172 = arith.constant 2 : i32
      %add3A_173 = arith.addi %add3A_171, %add3A_172 : i32
      %lt3A = arith.constant 80 : i32
      %lt3A_174 = arith.cmpi slt, %add3A_173, %lt3A : i32
      %convert_element_type3A_175 = arith.extui %lt3A_174 : i1 to i32
      %cond3A_176 = arith.constant 0 : i32
      %cond3A_177 = arith.cmpi ne, %convert_element_type3A_175, %cond3A_176 : i32
      scf.if %cond3A_177 {
        %add3A_233 = arith.constant 2 : i32
        %add3A_234 = arith.addi %add3A_171, %add3A_233 : i32
        %dma_start3A_235 = arith.constant 2 : i32
        %dma_start3A_236 = arith.constant 6 : i32
        %dma_start3A_237 = arith.constant 0 : i32
        %dma_start3A_238 = tpu.memref_slice %arg7[%dma_start3A_236, %dma_start3A_237] : memref<9x125xi32, #tpu.memory_space<vmem>> -> memref<3x125xi32, #tpu.memory_space<vmem>>
        %dma_start3A_239 = arith.constant 0 : i32
        %dma_start3A_240 = arith.constant 0 : i32
        %dma_start3A_241 = arith.constant 0 : i32
        %dma_start3A_242 = tpu.memref_slice %arg3[%add3A, %dma_start3A_239, %dma_start3A_240, %dma_start3A_241] : memref<32x80x3x125xi32, #tpu.memory_space<hbm>> -> memref<1x80x3x125xi32, #tpu.memory_space<hbm>>
        %dma_start3A_243 = tpu.memref_squeeze %dma_start3A_242 : memref<1x80x3x125xi32, #tpu.memory_space<hbm>> -> memref<80x3x125xi32, #tpu.memory_space<hbm>>
        %dma_start3A_244 = arith.constant 0 : i32
        %dma_start3A_245 = arith.constant 0 : i32
        %dma_start3A_246 = tpu.memref_slice %dma_start3A_243[%add3A_234, %dma_start3A_244, %dma_start3A_245] : memref<80x3x125xi32, #tpu.memory_space<hbm>> -> memref<1x3x125xi32, #tpu.memory_space<hbm>>
        %dma_start3A_247 = tpu.memref_squeeze %dma_start3A_246 : memref<1x3x125xi32, #tpu.memory_space<hbm>> -> memref<3x125xi32, #tpu.memory_space<hbm>>
        %dma_start3A_248 = tpu.memref_slice %arg10[%dma_start3A_235] : memref<3x!tpu.dma_semaphore, #tpu.memory_space<semaphore_mem>> -> memref<1x!tpu.dma_semaphore, #tpu.memory_space<semaphore_mem>>
        %dma_start3A_249 = tpu.memref_squeeze %dma_start3A_248 : memref<1x!tpu.dma_semaphore, #tpu.memory_space<semaphore_mem>> -> memref<!tpu.dma_semaphore, #tpu.memory_space<semaphore_mem>>
        %dma_start3A_250 = arith.constant 6 : i32
        %dma_start3A_251 = arith.constant 0 : i32
        %dma_start3A_252 = tpu.memref_slice %arg7[%dma_start3A_250, %dma_start3A_251] : memref<9x125xi32, #tpu.memory_space<vmem>> -> memref<3x125xi32, #tpu.memory_space<vmem>>
        %dma_start3A_253 = arith.constant 0 : i32
        %dma_start3A_254 = arith.constant 0 : i32
        %dma_start3A_255 = arith.constant 0 : i32
        %dma_start3A_256 = tpu.memref_slice %arg3[%add3A, %dma_start3A_253, %dma_start3A_254, %dma_start3A_255] : memref<32x80x3x125xi32, #tpu.memory_space<hbm>> -> memref<1x80x3x125xi32, #tpu.memory_space<hbm>>
        %dma_start3A_257 = tpu.memref_squeeze %dma_start3A_256 : memref<1x80x3x125xi32, #tpu.memory_space<hbm>> -> memref<80x3x125xi32, #tpu.memory_space<hbm>>
        %dma_start3A_258 = arith.constant 0 : i32
        %dma_start3A_259 = arith.constant 0 : i32
        %dma_start3A_260 = tpu.memref_slice %dma_start3A_257[%add3A_234, %dma_start3A_258, %dma_start3A_259] : memref<80x3x125xi32, #tpu.memory_space<hbm>> -> memref<1x3x125xi32, #tpu.memory_space<hbm>>
        %dma_start3A_261 = tpu.memref_squeeze %dma_start3A_260 : memref<1x3x125xi32, #tpu.memory_space<hbm>> -> memref<3x125xi32, #tpu.memory_space<hbm>>
        tpu.enqueue_dma source(%dma_start3A_261 : memref<3x125xi32, #tpu.memory_space<hbm>>) target(%dma_start3A_252 : memref<3x125xi32, #tpu.memory_space<vmem>>) target_semaphore(%dma_start3A_249 : memref<!tpu.dma_semaphore, #tpu.memory_space<semaphore_mem>>)
      } else {
      }
      %add3A_178 = arith.constant 1 : i32
      %add3A_179 = arith.addi %add3A_171, %add3A_178 : i32
      %lt3A_180 = arith.constant 80 : i32
      %lt3A_181 = arith.cmpi slt, %add3A_179, %lt3A_180 : i32
      %convert_element_type3A_182 = arith.extui %lt3A_181 : i1 to i32
      %cond3A_183 = arith.constant 0 : i32
      %cond3A_184 = arith.cmpi ne, %convert_element_type3A_182, %cond3A_183 : i32
      scf.if %cond3A_184 {
        %add3A_233 = arith.constant 1 : i32
        %add3A_234 = arith.addi %add3A_171, %add3A_233 : i32
        %ge3A = arith.constant 3 : i32
        %ge3A_235 = arith.cmpi sge, %add3A_234, %ge3A : i32
        %convert_element_type3A_236 = arith.extui %ge3A_235 : i1 to i32
        %cond3A_237 = arith.constant 0 : i32
        %cond3A_238 = arith.cmpi ne, %convert_element_type3A_236, %cond3A_237 : i32
        scf.if %cond3A_238 {
          %dma_wait3A_280 = arith.constant 1 : i32
          %dma_wait3A_281 = arith.constant 1 : i32
          %dma_wait3A_282 = arith.constant 125 : i32
          %dma_wait3A_283 = arith.constant 0 : i32
          %dma_wait3A_284 = tpu.memref_slice %arg8[%dma_wait3A_282, %dma_wait3A_283] : memref<375x128xf32, #tpu.memory_space<vmem>> -> memref<125x128xf32, #tpu.memory_space<vmem>>
          %dma_wait3A_285 = arith.constant 0 : i32
          %dma_wait3A_286 = tpu.memref_slice %arg9[%dma_wait3A_280, %dma_wait3A_285] : memref<3x125xi32, #tpu.memory_space<vmem>> -> memref<1x125xi32, #tpu.memory_space<vmem>>
          %dma_wait3A_287 = tpu.memref_squeeze %dma_wait3A_286 : memref<1x125xi32, #tpu.memory_space<vmem>> -> memref<125xi32, #tpu.memory_space<vmem>>
          %dma_wait3A_288 = arith.constant 0 : i32
          %dma_wait3A_289 = arith.constant 0 : i32
          %dma_wait3A_290 = tpu.memref_slice %arg6[%dma_wait3A_288, %dma_wait3A_289] : memref<10000x128xf32, #tpu.memory_space<vmem_shared>> -> memref<10000x128xf32, #tpu.memory_space<vmem_shared>>
          %dma_wait3A_291 = tpu.memref_slice %arg12[%dma_wait3A_281] : memref<3x!tpu.dma_semaphore, #tpu.memory_space<semaphore_mem>> -> memref<1x!tpu.dma_semaphore, #tpu.memory_space<semaphore_mem>>
          %dma_wait3A_292 = tpu.memref_squeeze %dma_wait3A_291 : memref<1x!tpu.dma_semaphore, #tpu.memory_space<semaphore_mem>> -> memref<!tpu.dma_semaphore, #tpu.memory_space<semaphore_mem>>
          tpu.wait_indirect_dma semaphore(%dma_wait3A_292 : memref<!tpu.dma_semaphore, #tpu.memory_space<semaphore_mem>>) src(%dma_wait3A_284 : memref<125x128xf32, #tpu.memory_space<vmem>>) dst(%dma_wait3A_290 : memref<10000x128xf32, #tpu.memory_space<vmem_shared>>)
        } else {
        }
        %dma_wait3A_239 = arith.constant 0 : i32
        %dma_wait3A_240 = arith.constant 1 : i32
        %dma_wait3A_241 = arith.constant 3 : i32
        %dma_wait3A_242 = arith.constant 0 : i32
        %dma_wait3A_243 = tpu.memref_slice %arg7[%dma_wait3A_241, %dma_wait3A_242] : memref<9x125xi32, #tpu.memory_space<vmem>> -> memref<3x125xi32, #tpu.memory_space<vmem>>
        %dma_wait3A_244 = arith.constant 0 : i32
        %dma_wait3A_245 = arith.constant 0 : i32
        %dma_wait3A_246 = arith.constant 0 : i32
        %dma_wait3A_247 = tpu.memref_slice %arg3[%add3A, %dma_wait3A_244, %dma_wait3A_245, %dma_wait3A_246] : memref<32x80x3x125xi32, #tpu.memory_space<hbm>> -> memref<1x80x3x125xi32, #tpu.memory_space<hbm>>
        %dma_wait3A_248 = tpu.memref_squeeze %dma_wait3A_247 : memref<1x80x3x125xi32, #tpu.memory_space<hbm>> -> memref<80x3x125xi32, #tpu.memory_space<hbm>>
        %dma_wait3A_249 = arith.constant 0 : i32
        %dma_wait3A_250 = arith.constant 0 : i32
        %dma_wait3A_251 = tpu.memref_slice %dma_wait3A_248[%dma_wait3A_239, %dma_wait3A_249, %dma_wait3A_250] : memref<80x3x125xi32, #tpu.memory_space<hbm>> -> memref<1x3x125xi32, #tpu.memory_space<hbm>>
        %dma_wait3A_252 = tpu.memref_squeeze %dma_wait3A_251 : memref<1x3x125xi32, #tpu.memory_space<hbm>> -> memref<3x125xi32, #tpu.memory_space<hbm>>
        %dma_wait3A_253 = tpu.memref_slice %arg10[%dma_wait3A_240] : memref<3x!tpu.dma_semaphore, #tpu.memory_space<semaphore_mem>> -> memref<1x!tpu.dma_semaphore, #tpu.memory_space<semaphore_mem>>
        %dma_wait3A_254 = tpu.memref_squeeze %dma_wait3A_253 : memref<1x!tpu.dma_semaphore, #tpu.memory_space<semaphore_mem>> -> memref<!tpu.dma_semaphore, #tpu.memory_space<semaphore_mem>>
        %dma_wait3A_255 = arith.constant 3 : i32
        %dma_wait3A_256 = arith.constant 0 : i32
        %dma_wait3A_257 = tpu.memref_slice %arg7[%dma_wait3A_255, %dma_wait3A_256] : memref<9x125xi32, #tpu.memory_space<vmem>> -> memref<3x125xi32, #tpu.memory_space<vmem>>
        %dma_wait3A_258 = arith.constant 0 : i32
        %dma_wait3A_259 = arith.constant 0 : i32
        %dma_wait3A_260 = arith.constant 0 : i32
        %dma_wait3A_261 = tpu.memref_slice %arg3[%add3A, %dma_wait3A_258, %dma_wait3A_259, %dma_wait3A_260] : memref<32x80x3x125xi32, #tpu.memory_space<hbm>> -> memref<1x80x3x125xi32, #tpu.memory_space<hbm>>
        %dma_wait3A_262 = tpu.memref_squeeze %dma_wait3A_261 : memref<1x80x3x125xi32, #tpu.memory_space<hbm>> -> memref<80x3x125xi32, #tpu.memory_space<hbm>>
        %dma_wait3A_263 = arith.constant 0 : i32
        %dma_wait3A_264 = arith.constant 0 : i32
        %dma_wait3A_265 = tpu.memref_slice %dma_wait3A_262[%dma_wait3A_239, %dma_wait3A_263, %dma_wait3A_264] : memref<80x3x125xi32, #tpu.memory_space<hbm>> -> memref<1x3x125xi32, #tpu.memory_space<hbm>>
        %dma_wait3A_266 = tpu.memref_squeeze %dma_wait3A_265 : memref<1x3x125xi32, #tpu.memory_space<hbm>> -> memref<3x125xi32, #tpu.memory_space<hbm>>
        tpu.wait_dma2 semaphore(%dma_wait3A_254 : memref<!tpu.dma_semaphore, #tpu.memory_space<semaphore_mem>>) src(%dma_wait3A_266 : memref<3x125xi32, #tpu.memory_space<hbm>>) dst(%dma_wait3A_257 : memref<3x125xi32, #tpu.memory_space<vmem>>)
        %dma_start3A_267 = arith.constant 3 : i32
        %dma_start3A_268 = arith.constant 1 : i32
        %dma_start3A_269 = arith.constant 125 : i32
        %dma_start3A_270 = arith.constant 0 : i32
        %dma_start3A_271 = tpu.memref_slice %arg8[%dma_start3A_269, %dma_start3A_270] : memref<375x128xf32, #tpu.memory_space<vmem>> -> memref<125x128xf32, #tpu.memory_space<vmem>>
        %dma_start3A_272 = arith.constant 0 : i32
        %dma_start3A_273 = tpu.memref_slice %arg7[%dma_start3A_267, %dma_start3A_272] : memref<9x125xi32, #tpu.memory_space<vmem>> -> memref<1x125xi32, #tpu.memory_space<vmem>>
        %dma_start3A_274 = tpu.memref_squeeze %dma_start3A_273 : memref<1x125xi32, #tpu.memory_space<vmem>> -> memref<125xi32, #tpu.memory_space<vmem>>
        %dma_start3A_275 = arith.constant 0 : i32
        %dma_start3A_276 = arith.constant 0 : i32
        %dma_start3A_277 = tpu.memref_slice %arg2[%dma_start3A_275, %dma_start3A_276] : memref<10000x128xf32, #tpu.memory_space<hbm>> -> memref<10000x128xf32, #tpu.memory_space<hbm>>
        %dma_start3A_278 = tpu.memref_slice %arg11[%dma_start3A_268] : memref<3x!tpu.dma_semaphore, #tpu.memory_space<semaphore_mem>> -> memref<1x!tpu.dma_semaphore, #tpu.memory_space<semaphore_mem>>
        %dma_start3A_279 = tpu.memref_squeeze %dma_start3A_278 : memref<1x!tpu.dma_semaphore, #tpu.memory_space<semaphore_mem>> -> memref<!tpu.dma_semaphore, #tpu.memory_space<semaphore_mem>>
        tpu.enqueue_indirect_dma source(%dma_start3A_277 : memref<10000x128xf32, #tpu.memory_space<hbm>>) target(%dma_start3A_271 : memref<125x128xf32, #tpu.memory_space<vmem>>) offsets(%dma_start3A_274 : memref<125xi32, #tpu.memory_space<vmem>>) semaphore(%dma_start3A_279 : memref<!tpu.dma_semaphore, #tpu.memory_space<semaphore_mem>>)
      } else {
      }
      %lt3A_185 = arith.constant 80 : i32
      %lt3A_186 = arith.cmpi slt, %add3A_171, %lt3A_185 : i32
      %convert_element_type3A_187 = arith.extui %lt3A_186 : i1 to i32
      %cond3A_188 = arith.constant 0 : i32
      %cond3A_189 = arith.cmpi ne, %convert_element_type3A_187, %cond3A_188 : i32
      scf.if %cond3A_189 {
        %dma_wait3A_233 = arith.constant 0 : i32
        %dma_wait3A_234 = arith.constant 0 : i32
        %dma_wait3A_235 = arith.constant 0 : i32
        %dma_wait3A_236 = arith.constant 0 : i32
        %dma_wait3A_237 = tpu.memref_slice %arg8[%dma_wait3A_235, %dma_wait3A_236] : memref<375x128xf32, #tpu.memory_space<vmem>> -> memref<125x128xf32, #tpu.memory_space<vmem>>
        %dma_wait3A_238 = arith.constant 0 : i32
        %dma_wait3A_239 = tpu.memref_slice %arg7[%dma_wait3A_233, %dma_wait3A_238] : memref<9x125xi32, #tpu.memory_space<vmem>> -> memref<1x125xi32, #tpu.memory_space<vmem>>
        %dma_wait3A_240 = tpu.memref_squeeze %dma_wait3A_239 : memref<1x125xi32, #tpu.memory_space<vmem>> -> memref<125xi32, #tpu.memory_space<vmem>>
        %dma_wait3A_241 = arith.constant 0 : i32
        %dma_wait3A_242 = arith.constant 0 : i32
        %dma_wait3A_243 = tpu.memref_slice %arg2[%dma_wait3A_241, %dma_wait3A_242] : memref<10000x128xf32, #tpu.memory_space<hbm>> -> memref<10000x128xf32, #tpu.memory_space<hbm>>
        %dma_wait3A_244 = tpu.memref_slice %arg11[%dma_wait3A_234] : memref<3x!tpu.dma_semaphore, #tpu.memory_space<semaphore_mem>> -> memref<1x!tpu.dma_semaphore, #tpu.memory_space<semaphore_mem>>
        %dma_wait3A_245 = tpu.memref_squeeze %dma_wait3A_244 : memref<1x!tpu.dma_semaphore, #tpu.memory_space<semaphore_mem>> -> memref<!tpu.dma_semaphore, #tpu.memory_space<semaphore_mem>>
        tpu.wait_indirect_dma semaphore(%dma_wait3A_245 : memref<!tpu.dma_semaphore, #tpu.memory_space<semaphore_mem>>) src(%dma_wait3A_243 : memref<10000x128xf32, #tpu.memory_space<hbm>>) dst(%dma_wait3A_237 : memref<125x128xf32, #tpu.memory_space<vmem>>)
        %parallel_loop3A = arith.constant 0 : i32
        %parallel_loop3A_246 = arith.constant 125 : i32
        %parallel_loop3A_247 = arith.constant 1 : i32
        scf.for %parallel_loop3A_323 = %parallel_loop3A to %parallel_loop3A_246 step %parallel_loop3A_247  : i32 {
          %parallel_loop3A_324 = arith.constant 2 : i32
          %parallel_loop3A_325 = vector.broadcast %parallel_loop3A_324 : i32 to vector<16xi32>
          %parallel_loop3A_326 = vector.broadcast %parallel_loop3A_323 : i32 to vector<16xi32>
          %parallel_loop3A_327 = tpu.vector_load_idx %arg7[%parallel_loop3A_325, %parallel_loop3A_326] : memref<9x125xi32, #tpu.memory_space<vmem>>[vector<16xi32>, vector<16xi32>], vector<16xi32>,
          %parallel_loop3A_328 = vector.bitcast %parallel_loop3A_327 : vector<16xi32> to vector<16xf32>
          %parallel_loop3A_329 = arith.constant 0 : i32
          %parallel_loop3A_330 = arith.addi %parallel_loop3A_329, %parallel_loop3A_323 : i32
          %parallel_loop3A_331 = arith.index_cast %parallel_loop3A_330 : i32 to index
          %parallel_loop3A_332 = arith.constant 0 : index
          %parallel_loop3A_333 = tpu.vector_load %arg8[%parallel_loop3A_331, %parallel_loop3A_332] {strides = array<i32>} : memref<375x128xf32, #tpu.memory_space<vmem>>, vector<16xf32>,
          %parallel_loop3A_334 = arith.mulf %parallel_loop3A_333, %parallel_loop3A_328 : vector<16xf32>
          %parallel_loop3A_335 = arith.index_cast %parallel_loop3A_330 : i32 to index
          %parallel_loop3A_336 = arith.constant 0 : index
          %parallel_loop3A_337 = tpu.vector_load %arg8[%parallel_loop3A_335, %parallel_loop3A_336] {strides = array<i32>} : memref<375x128xf32, #tpu.memory_space<vmem>>, vector<16xf32>,
          tpu.vector_store %arg8[%parallel_loop3A_335, %parallel_loop3A_336], %parallel_loop3A_334 {strides = array<i32>} : memref<375x128xf32, #tpu.memory_space<vmem>>, vector<16xf32>,
          %parallel_loop3A_338 = arith.index_cast %parallel_loop3A_330 : i32 to index
          %parallel_loop3A_339 = arith.constant 16 : index
          %parallel_loop3A_340 = tpu.vector_load %arg8[%parallel_loop3A_338, %parallel_loop3A_339] {strides = array<i32>} : memref<375x128xf32, #tpu.memory_space<vmem>>, vector<16xf32>,
          %parallel_loop3A_341 = arith.mulf %parallel_loop3A_340, %parallel_loop3A_328 : vector<16xf32>
          %parallel_loop3A_342 = arith.index_cast %parallel_loop3A_330 : i32 to index
          %parallel_loop3A_343 = arith.constant 16 : index
          %parallel_loop3A_344 = tpu.vector_load %arg8[%parallel_loop3A_342, %parallel_loop3A_343] {strides = array<i32>} : memref<375x128xf32, #tpu.memory_space<vmem>>, vector<16xf32>,
          tpu.vector_store %arg8[%parallel_loop3A_342, %parallel_loop3A_343], %parallel_loop3A_341 {strides = array<i32>} : memref<375x128xf32, #tpu.memory_space<vmem>>, vector<16xf32>,
          %parallel_loop3A_345 = arith.index_cast %parallel_loop3A_330 : i32 to index
          %parallel_loop3A_346 = arith.constant 32 : index
          %parallel_loop3A_347 = tpu.vector_load %arg8[%parallel_loop3A_345, %parallel_loop3A_346] {strides = array<i32>} : memref<375x128xf32, #tpu.memory_space<vmem>>, vector<16xf32>,
          %parallel_loop3A_348 = arith.mulf %parallel_loop3A_347, %parallel_loop3A_328 : vector<16xf32>
          %parallel_loop3A_349 = arith.index_cast %parallel_loop3A_330 : i32 to index
          %parallel_loop3A_350 = arith.constant 32 : index
          %parallel_loop3A_351 = tpu.vector_load %arg8[%parallel_loop3A_349, %parallel_loop3A_350] {strides = array<i32>} : memref<375x128xf32, #tpu.memory_space<vmem>>, vector<16xf32>,
          tpu.vector_store %arg8[%parallel_loop3A_349, %parallel_loop3A_350], %parallel_loop3A_348 {strides = array<i32>} : memref<375x128xf32, #tpu.memory_space<vmem>>, vector<16xf32>,
          %parallel_loop3A_352 = arith.index_cast %parallel_loop3A_330 : i32 to index
          %parallel_loop3A_353 = arith.constant 48 : index
          %parallel_loop3A_354 = tpu.vector_load %arg8[%parallel_loop3A_352, %parallel_loop3A_353] {strides = array<i32>} : memref<375x128xf32, #tpu.memory_space<vmem>>, vector<16xf32>,
          %parallel_loop3A_355 = arith.mulf %parallel_loop3A_354, %parallel_loop3A_328 : vector<16xf32>
          %parallel_loop3A_356 = arith.index_cast %parallel_loop3A_330 : i32 to index
          %parallel_loop3A_357 = arith.constant 48 : index
          %parallel_loop3A_358 = tpu.vector_load %arg8[%parallel_loop3A_356, %parallel_loop3A_357] {strides = array<i32>} : memref<375x128xf32, #tpu.memory_space<vmem>>, vector<16xf32>,
          tpu.vector_store %arg8[%parallel_loop3A_356, %parallel_loop3A_357], %parallel_loop3A_355 {strides = array<i32>} : memref<375x128xf32, #tpu.memory_space<vmem>>, vector<16xf32>,
          %parallel_loop3A_359 = arith.index_cast %parallel_loop3A_330 : i32 to index
          %parallel_loop3A_360 = arith.constant 64 : index
          %parallel_loop3A_361 = tpu.vector_load %arg8[%parallel_loop3A_359, %parallel_loop3A_360] {strides = array<i32>} : memref<375x128xf32, #tpu.memory_space<vmem>>, vector<16xf32>,
          %parallel_loop3A_362 = arith.mulf %parallel_loop3A_361, %parallel_loop3A_328 : vector<16xf32>
          %parallel_loop3A_363 = arith.index_cast %parallel_loop3A_330 : i32 to index
          %parallel_loop3A_364 = arith.constant 64 : index
          %parallel_loop3A_365 = tpu.vector_load %arg8[%parallel_loop3A_363, %parallel_loop3A_364] {strides = array<i32>} : memref<375x128xf32, #tpu.memory_space<vmem>>, vector<16xf32>,
          tpu.vector_store %arg8[%parallel_loop3A_363, %parallel_loop3A_364], %parallel_loop3A_362 {strides = array<i32>} : memref<375x128xf32, #tpu.memory_space<vmem>>, vector<16xf32>,
          %parallel_loop3A_366 = arith.index_cast %parallel_loop3A_330 : i32 to index
          %parallel_loop3A_367 = arith.constant 80 : index
          %parallel_loop3A_368 = tpu.vector_load %arg8[%parallel_loop3A_366, %parallel_loop3A_367] {strides = array<i32>} : memref<375x128xf32, #tpu.memory_space<vmem>>, vector<16xf32>,
          %parallel_loop3A_369 = arith.mulf %parallel_loop3A_368, %parallel_loop3A_328 : vector<16xf32>
          %parallel_loop3A_370 = arith.index_cast %parallel_loop3A_330 : i32 to index
          %parallel_loop3A_371 = arith.constant 80 : index
          %parallel_loop3A_372 = tpu.vector_load %arg8[%parallel_loop3A_370, %parallel_loop3A_371] {strides = array<i32>} : memref<375x128xf32, #tpu.memory_space<vmem>>, vector<16xf32>,
          tpu.vector_store %arg8[%parallel_loop3A_370, %parallel_loop3A_371], %parallel_loop3A_369 {strides = array<i32>} : memref<375x128xf32, #tpu.memory_space<vmem>>, vector<16xf32>,
          %parallel_loop3A_373 = arith.index_cast %parallel_loop3A_330 : i32 to index
          %parallel_loop3A_374 = arith.constant 96 : index
          %parallel_loop3A_375 = tpu.vector_load %arg8[%parallel_loop3A_373, %parallel_loop3A_374] {strides = array<i32>} : memref<375x128xf32, #tpu.memory_space<vmem>>, vector<16xf32>,
          %parallel_loop3A_376 = arith.mulf %parallel_loop3A_375, %parallel_loop3A_328 : vector<16xf32>
          %parallel_loop3A_377 = arith.index_cast %parallel_loop3A_330 : i32 to index
          %parallel_loop3A_378 = arith.constant 96 : index
          %parallel_loop3A_379 = tpu.vector_load %arg8[%parallel_loop3A_377, %parallel_loop3A_378] {strides = array<i32>} : memref<375x128xf32, #tpu.memory_space<vmem>>, vector<16xf32>,
          tpu.vector_store %arg8[%parallel_loop3A_377, %parallel_loop3A_378], %parallel_loop3A_376 {strides = array<i32>} : memref<375x128xf32, #tpu.memory_space<vmem>>, vector<16xf32>,
          %parallel_loop3A_380 = arith.index_cast %parallel_loop3A_330 : i32 to index
          %parallel_loop3A_381 = arith.constant 112 : index
          %parallel_loop3A_382 = tpu.vector_load %arg8[%parallel_loop3A_380, %parallel_loop3A_381] {strides = array<i32>} : memref<375x128xf32, #tpu.memory_space<vmem>>, vector<16xf32>,
          %parallel_loop3A_383 = arith.mulf %parallel_loop3A_382, %parallel_loop3A_328 : vector<16xf32>
          %parallel_loop3A_384 = arith.index_cast %parallel_loop3A_330 : i32 to index
          %parallel_loop3A_385 = arith.constant 112 : index
          %parallel_loop3A_386 = tpu.vector_load %arg8[%parallel_loop3A_384, %parallel_loop3A_385] {strides = array<i32>} : memref<375x128xf32, #tpu.memory_space<vmem>>, vector<16xf32>,
          tpu.vector_store %arg8[%parallel_loop3A_384, %parallel_loop3A_385], %parallel_loop3A_383 {strides = array<i32>} : memref<375x128xf32, #tpu.memory_space<vmem>>, vector<16xf32>,
        } {sc.loop_unroll_factor = 5 : i64, sc.parallel_access}
        %get3A = arith.constant 1 : i32
        %get3A_248 = arith.index_cast %get3A : i32 to index
        %get3A_249 = arith.constant 0 : index
        %get3A_250 = tpu.vector_load %arg7[%get3A_248, %get3A_249] {strides = array<i32>} : memref<9x125xi32, #tpu.memory_space<vmem>>, vector<16xi32>,
        %swap3A = arith.constant 0 : i32
        %swap3A_251 = arith.index_cast %swap3A : i32 to index
        %swap3A_252 = arith.constant 0 : index
        %swap3A_253 = tpu.vector_load %arg9[%swap3A_251, %swap3A_252] {strides = array<i32>} : memref<3x125xi32, #tpu.memory_space<vmem>>, vector<16xi32>,
        tpu.vector_store %arg9[%swap3A_251, %swap3A_252], %get3A_250 {strides = array<i32>} : memref<3x125xi32, #tpu.memory_space<vmem>>, vector<16xi32>,
        %get3A_254 = arith.constant 1 : i32
        %get3A_255 = arith.index_cast %get3A_254 : i32 to index
        %get3A_256 = arith.constant 16 : index
        %get3A_257 = tpu.vector_load %arg7[%get3A_255, %get3A_256] {strides = array<i32>} : memref<9x125xi32, #tpu.memory_space<vmem>>, vector<16xi32>,
        %swap3A_258 = arith.constant 0 : i32
        %swap3A_259 = arith.index_cast %swap3A_258 : i32 to index
        %swap3A_260 = arith.constant 16 : index
        %swap3A_261 = tpu.vector_load %arg9[%swap3A_259, %swap3A_260] {strides = array<i32>} : memref<3x125xi32, #tpu.memory_space<vmem>>, vector<16xi32>,
        tpu.vector_store %arg9[%swap3A_259, %swap3A_260], %get3A_257 {strides = array<i32>} : memref<3x125xi32, #tpu.memory_space<vmem>>, vector<16xi32>,
        %get3A_262 = arith.constant 1 : i32
        %get3A_263 = arith.index_cast %get3A_262 : i32 to index
        %get3A_264 = arith.constant 32 : index
        %get3A_265 = tpu.vector_load %arg7[%get3A_263, %get3A_264] {strides = array<i32>} : memref<9x125xi32, #tpu.memory_space<vmem>>, vector<16xi32>,
        %swap3A_266 = arith.constant 0 : i32
        %swap3A_267 = arith.index_cast %swap3A_266 : i32 to index
        %swap3A_268 = arith.constant 32 : index
        %swap3A_269 = tpu.vector_load %arg9[%swap3A_267, %swap3A_268] {strides = array<i32>} : memref<3x125xi32, #tpu.memory_space<vmem>>, vector<16xi32>,
        tpu.vector_store %arg9[%swap3A_267, %swap3A_268], %get3A_265 {strides = array<i32>} : memref<3x125xi32, #tpu.memory_space<vmem>>, vector<16xi32>,
        %get3A_270 = arith.constant 1 : i32
        %get3A_271 = arith.index_cast %get3A_270 : i32 to index
        %get3A_272 = arith.constant 48 : index
        %get3A_273 = tpu.vector_load %arg7[%get3A_271, %get3A_272] {strides = array<i32>} : memref<9x125xi32, #tpu.memory_space<vmem>>, vector<16xi32>,
        %swap3A_274 = arith.constant 0 : i32
        %swap3A_275 = arith.index_cast %swap3A_274 : i32 to index
        %swap3A_276 = arith.constant 48 : index
        %swap3A_277 = tpu.vector_load %arg9[%swap3A_275, %swap3A_276] {strides = array<i32>} : memref<3x125xi32, #tpu.memory_space<vmem>>, vector<16xi32>,
        tpu.vector_store %arg9[%swap3A_275, %swap3A_276], %get3A_273 {strides = array<i32>} : memref<3x125xi32, #tpu.memory_space<vmem>>, vector<16xi32>,
        %get3A_278 = arith.constant 1 : i32
        %get3A_279 = arith.index_cast %get3A_278 : i32 to index
        %get3A_280 = arith.constant 64 : index
        %get3A_281 = tpu.vector_load %arg7[%get3A_279, %get3A_280] {strides = array<i32>} : memref<9x125xi32, #tpu.memory_space<vmem>>, vector<16xi32>,
        %swap3A_282 = arith.constant 0 : i32
        %swap3A_283 = arith.index_cast %swap3A_282 : i32 to index
        %swap3A_284 = arith.constant 64 : index
        %swap3A_285 = tpu.vector_load %arg9[%swap3A_283, %swap3A_284] {strides = array<i32>} : memref<3x125xi32, #tpu.memory_space<vmem>>, vector<16xi32>,
        tpu.vector_store %arg9[%swap3A_283, %swap3A_284], %get3A_281 {strides = array<i32>} : memref<3x125xi32, #tpu.memory_space<vmem>>, vector<16xi32>,
        %get3A_286 = arith.constant 1 : i32
        %get3A_287 = arith.index_cast %get3A_286 : i32 to index
        %get3A_288 = arith.constant 80 : index
        %get3A_289 = tpu.vector_load %arg7[%get3A_287, %get3A_288] {strides = array<i32>} : memref<9x125xi32, #tpu.memory_space<vmem>>, vector<16xi32>,
        %swap3A_290 = arith.constant 0 : i32
        %swap3A_291 = arith.index_cast %swap3A_290 : i32 to index
        %swap3A_292 = arith.constant 80 : index
        %swap3A_293 = tpu.vector_load %arg9[%swap3A_291, %swap3A_292] {strides = array<i32>} : memref<3x125xi32, #tpu.memory_space<vmem>>, vector<16xi32>,
        tpu.vector_store %arg9[%swap3A_291, %swap3A_292], %get3A_289 {strides = array<i32>} : memref<3x125xi32, #tpu.memory_space<vmem>>, vector<16xi32>,
        %get3A_294 = arith.constant 1 : i32
        %get3A_295 = arith.index_cast %get3A_294 : i32 to index
        %get3A_296 = arith.constant 96 : index
        %get3A_297 = tpu.vector_load %arg7[%get3A_295, %get3A_296] {strides = array<i32>} : memref<9x125xi32, #tpu.memory_space<vmem>>, vector<16xi32>,
        %swap3A_298 = arith.constant 0 : i32
        %swap3A_299 = arith.index_cast %swap3A_298 : i32 to index
        %swap3A_300 = arith.constant 96 : index
        %swap3A_301 = tpu.vector_load %arg9[%swap3A_299, %swap3A_300] {strides = array<i32>} : memref<3x125xi32, #tpu.memory_space<vmem>>, vector<16xi32>,
        tpu.vector_store %arg9[%swap3A_299, %swap3A_300], %get3A_297 {strides = array<i32>} : memref<3x125xi32, #tpu.memory_space<vmem>>, vector<16xi32>,
        %get3A_302 = arith.constant 1 : i32
        %get3A_303 = arith.index_cast %get3A_302 : i32 to index
        %get3A_304 = arith.constant 109 : index
        %get3A_305 = tpu.vector_load %arg7[%get3A_303, %get3A_304] {strides = array<i32>} : memref<9x125xi32, #tpu.memory_space<vmem>>, vector<16xi32>,
        %swap3A_306 = arith.constant 0 : i32
        %swap3A_307 = arith.index_cast %swap3A_306 : i32 to index
        %swap3A_308 = arith.constant 109 : index
        %swap3A_309 = tpu.vector_load %arg9[%swap3A_307, %swap3A_308] {strides = array<i32>} : memref<3x125xi32, #tpu.memory_space<vmem>>, vector<16xi32>,
        tpu.vector_store %arg9[%swap3A_307, %swap3A_308], %get3A_305 {strides = array<i32>} : memref<3x125xi32, #tpu.memory_space<vmem>>, vector<16xi32>,
        %dma_start3A_310 = arith.constant 0 : i32
        %dma_start3A_311 = arith.constant 0 : i32
        %dma_start3A_312 = arith.constant 0 : i32
        %dma_start3A_313 = arith.constant 0 : i32
        %dma_start3A_314 = tpu.memref_slice %arg8[%dma_start3A_312, %dma_start3A_313] : memref<375x128xf32, #tpu.memory_space<vmem>> -> memref<125x128xf32, #tpu.memory_space<vmem>>
        %dma_start3A_315 = arith.constant 0 : i32
        %dma_start3A_316 = tpu.memref_slice %arg9[%dma_start3A_310, %dma_start3A_315] : memref<3x125xi32, #tpu.memory_space<vmem>> -> memref<1x125xi32, #tpu.memory_space<vmem>>
        %dma_start3A_317 = tpu.memref_squeeze %dma_start3A_316 : memref<1x125xi32, #tpu.memory_space<vmem>> -> memref<125xi32, #tpu.memory_space<vmem>>
        %dma_start3A_318 = arith.constant 0 : i32
        %dma_start3A_319 = arith.constant 0 : i32
        %dma_start3A_320 = tpu.memref_slice %arg6[%dma_start3A_318, %dma_start3A_319] : memref<10000x128xf32, #tpu.memory_space<vmem_shared>> -> memref<10000x128xf32, #tpu.memory_space<vmem_shared>>
        %dma_start3A_321 = tpu.memref_slice %arg12[%dma_start3A_311] : memref<3x!tpu.dma_semaphore, #tpu.memory_space<semaphore_mem>> -> memref<1x!tpu.dma_semaphore, #tpu.memory_space<semaphore_mem>>
        %dma_start3A_322 = tpu.memref_squeeze %dma_start3A_321 : memref<1x!tpu.dma_semaphore, #tpu.memory_space<semaphore_mem>> -> memref<!tpu.dma_semaphore, #tpu.memory_space<semaphore_mem>>
        tpu.enqueue_indirect_dma source(%dma_start3A_314 : memref<125x128xf32, #tpu.memory_space<vmem>>) target(%dma_start3A_320 : memref<10000x128xf32, #tpu.memory_space<vmem_shared>>) offsets(%dma_start3A_317 : memref<125xi32, #tpu.memory_space<vmem>>) semaphore(%dma_start3A_322 : memref<!tpu.dma_semaphore, #tpu.memory_space<semaphore_mem>>) {add = true}
      } else {
      }
      %add3A_190 = arith.constant 1 : i32
      %add3A_191 = arith.addi %mul3A_169, %add3A_190 : i32
      %add3A_192 = arith.constant 2 : i32
      %add3A_193 = arith.addi %add3A_191, %add3A_192 : i32
      %lt3A_194 = arith.constant 80 : i32
      %lt3A_195 = arith.cmpi slt, %add3A_193, %lt3A_194 : i32
      %convert_element_type3A_196 = arith.extui %lt3A_195 : i1 to i32
      %cond3A_197 = arith.constant 0 : i32
      %cond3A_198 = arith.cmpi ne, %convert_element_type3A_196, %cond3A_197 : i32
      scf.if %cond3A_198 {
        %add3A_233 = arith.constant 2 : i32
        %add3A_234 = arith.addi %add3A_191, %add3A_233 : i32
        %dma_start3A_235 = arith.constant 0 : i32
        %dma_start3A_236 = arith.constant 0 : i32
        %dma_start3A_237 = arith.constant 0 : i32
        %dma_start3A_238 = tpu.memref_slice %arg7[%dma_start3A_236, %dma_start3A_237] : memref<9x125xi32, #tpu.memory_space<vmem>> -> memref<3x125xi32, #tpu.memory_space<vmem>>
        %dma_start3A_239 = arith.constant 0 : i32
        %dma_start3A_240 = arith.constant 0 : i32
        %dma_start3A_241 = arith.constant 0 : i32
        %dma_start3A_242 = tpu.memref_slice %arg3[%add3A, %dma_start3A_239, %dma_start3A_240, %dma_start3A_241] : memref<32x80x3x125xi32, #tpu.memory_space<hbm>> -> memref<1x80x3x125xi32, #tpu.memory_space<hbm>>
        %dma_start3A_243 = tpu.memref_squeeze %dma_start3A_242 : memref<1x80x3x125xi32, #tpu.memory_space<hbm>> -> memref<80x3x125xi32, #tpu.memory_space<hbm>>
        %dma_start3A_244 = arith.constant 0 : i32
        %dma_start3A_245 = arith.constant 0 : i32
        %dma_start3A_246 = tpu.memref_slice %dma_start3A_243[%add3A_234, %dma_start3A_244, %dma_start3A_245] : memref<80x3x125xi32, #tpu.memory_space<hbm>> -> memref<1x3x125xi32, #tpu.memory_space<hbm>>
        %dma_start3A_247 = tpu.memref_squeeze %dma_start3A_246 : memref<1x3x125xi32, #tpu.memory_space<hbm>> -> memref<3x125xi32, #tpu.memory_space<hbm>>
        %dma_start3A_248 = tpu.memref_slice %arg10[%dma_start3A_235] : memref<3x!tpu.dma_semaphore, #tpu.memory_space<semaphore_mem>> -> memref<1x!tpu.dma_semaphore, #tpu.memory_space<semaphore_mem>>
        %dma_start3A_249 = tpu.memref_squeeze %dma_start3A_248 : memref<1x!tpu.dma_semaphore, #tpu.memory_space<semaphore_mem>> -> memref<!tpu.dma_semaphore, #tpu.memory_space<semaphore_mem>>
        %dma_start3A_250 = arith.constant 0 : i32
        %dma_start3A_251 = arith.constant 0 : i32
        %dma_start3A_252 = tpu.memref_slice %arg7[%dma_start3A_250, %dma_start3A_251] : memref<9x125xi32, #tpu.memory_space<vmem>> -> memref<3x125xi32, #tpu.memory_space<vmem>>
        %dma_start3A_253 = arith.constant 0 : i32
        %dma_start3A_254 = arith.constant 0 : i32
        %dma_start3A_255 = arith.constant 0 : i32
        %dma_start3A_256 = tpu.memref_slice %arg3[%add3A, %dma_start3A_253, %dma_start3A_254, %dma_start3A_255] : memref<32x80x3x125xi32, #tpu.memory_space<hbm>> -> memref<1x80x3x125xi32, #tpu.memory_space<hbm>>
        %dma_start3A_257 = tpu.memref_squeeze %dma_start3A_256 : memref<1x80x3x125xi32, #tpu.memory_space<hbm>> -> memref<80x3x125xi32, #tpu.memory_space<hbm>>
        %dma_start3A_258 = arith.constant 0 : i32
        %dma_start3A_259 = arith.constant 0 : i32
        %dma_start3A_260 = tpu.memref_slice %dma_start3A_257[%add3A_234, %dma_start3A_258, %dma_start3A_259] : memref<80x3x125xi32, #tpu.memory_space<hbm>> -> memref<1x3x125xi32, #tpu.memory_space<hbm>>
        %dma_start3A_261 = tpu.memref_squeeze %dma_start3A_260 : memref<1x3x125xi32, #tpu.memory_space<hbm>> -> memref<3x125xi32, #tpu.memory_space<hbm>>
        tpu.enqueue_dma source(%dma_start3A_261 : memref<3x125xi32, #tpu.memory_space<hbm>>) target(%dma_start3A_252 : memref<3x125xi32, #tpu.memory_space<vmem>>) target_semaphore(%dma_start3A_249 : memref<!tpu.dma_semaphore, #tpu.memory_space<semaphore_mem>>)
      } else {
      }
      %add3A_199 = arith.constant 1 : i32
      %add3A_200 = arith.addi %add3A_191, %add3A_199 : i32
      %lt3A_201 = arith.constant 80 : i32
      %lt3A_202 = arith.cmpi slt, %add3A_200, %lt3A_201 : i32
      %convert_element_type3A_203 = arith.extui %lt3A_202 : i1 to i32
      %cond3A_204 = arith.constant 0 : i32
      %cond3A_205 = arith.cmpi ne, %convert_element_type3A_203, %cond3A_204 : i32
      scf.if %cond3A_205 {
        %add3A_233 = arith.constant 1 : i32
        %add3A_234 = arith.addi %add3A_191, %add3A_233 : i32
        %ge3A = arith.constant 3 : i32
        %ge3A_235 = arith.cmpi sge, %add3A_234, %ge3A : i32
        %convert_element_type3A_236 = arith.extui %ge3A_235 : i1 to i32
        %cond3A_237 = arith.constant 0 : i32
        %cond3A_238 = arith.cmpi ne, %convert_element_type3A_236, %cond3A_237 : i32
        scf.if %cond3A_238 {
          %dma_wait3A_280 = arith.constant 2 : i32
          %dma_wait3A_281 = arith.constant 2 : i32
          %dma_wait3A_282 = arith.constant 250 : i32
          %dma_wait3A_283 = arith.constant 0 : i32
          %dma_wait3A_284 = tpu.memref_slice %arg8[%dma_wait3A_282, %dma_wait3A_283] : memref<375x128xf32, #tpu.memory_space<vmem>> -> memref<125x128xf32, #tpu.memory_space<vmem>>
          %dma_wait3A_285 = arith.constant 0 : i32
          %dma_wait3A_286 = tpu.memref_slice %arg9[%dma_wait3A_280, %dma_wait3A_285] : memref<3x125xi32, #tpu.memory_space<vmem>> -> memref<1x125xi32, #tpu.memory_space<vmem>>
          %dma_wait3A_287 = tpu.memref_squeeze %dma_wait3A_286 : memref<1x125xi32, #tpu.memory_space<vmem>> -> memref<125xi32, #tpu.memory_space<vmem>>
          %dma_wait3A_288 = arith.constant 0 : i32
          %dma_wait3A_289 = arith.constant 0 : i32
          %dma_wait3A_290 = tpu.memref_slice %arg6[%dma_wait3A_288, %dma_wait3A_289] : memref<10000x128xf32, #tpu.memory_space<vmem_shared>> -> memref<10000x128xf32, #tpu.memory_space<vmem_shared>>
          %dma_wait3A_291 = tpu.memref_slice %arg12[%dma_wait3A_281] : memref<3x!tpu.dma_semaphore, #tpu.memory_space<semaphore_mem>> -> memref<1x!tpu.dma_semaphore, #tpu.memory_space<semaphore_mem>>
          %dma_wait3A_292 = tpu.memref_squeeze %dma_wait3A_291 : memref<1x!tpu.dma_semaphore, #tpu.memory_space<semaphore_mem>> -> memref<!tpu.dma_semaphore, #tpu.memory_space<semaphore_mem>>
          tpu.wait_indirect_dma semaphore(%dma_wait3A_292 : memref<!tpu.dma_semaphore, #tpu.memory_space<semaphore_mem>>) src(%dma_wait3A_284 : memref<125x128xf32, #tpu.memory_space<vmem>>) dst(%dma_wait3A_290 : memref<10000x128xf32, #tpu.memory_space<vmem_shared>>)
        } else {
        }
        %dma_wait3A_239 = arith.constant 0 : i32
        %dma_wait3A_240 = arith.constant 2 : i32
        %dma_wait3A_241 = arith.constant 6 : i32
        %dma_wait3A_242 = arith.constant 0 : i32
        %dma_wait3A_243 = tpu.memref_slice %arg7[%dma_wait3A_241, %dma_wait3A_242] : memref<9x125xi32, #tpu.memory_space<vmem>> -> memref<3x125xi32, #tpu.memory_space<vmem>>
        %dma_wait3A_244 = arith.constant 0 : i32
        %dma_wait3A_245 = arith.constant 0 : i32
        %dma_wait3A_246 = arith.constant 0 : i32
        %dma_wait3A_247 = tpu.memref_slice %arg3[%add3A, %dma_wait3A_244, %dma_wait3A_245, %dma_wait3A_246] : memref<32x80x3x125xi32, #tpu.memory_space<hbm>> -> memref<1x80x3x125xi32, #tpu.memory_space<hbm>>
        %dma_wait3A_248 = tpu.memref_squeeze %dma_wait3A_247 : memref<1x80x3x125xi32, #tpu.memory_space<hbm>> -> memref<80x3x125xi32, #tpu.memory_space<hbm>>
        %dma_wait3A_249 = arith.constant 0 : i32
        %dma_wait3A_250 = arith.constant 0 : i32
        %dma_wait3A_251 = tpu.memref_slice %dma_wait3A_248[%dma_wait3A_239, %dma_wait3A_249, %dma_wait3A_250] : memref<80x3x125xi32, #tpu.memory_space<hbm>> -> memref<1x3x125xi32, #tpu.memory_space<hbm>>
        %dma_wait3A_252 = tpu.memref_squeeze %dma_wait3A_251 : memref<1x3x125xi32, #tpu.memory_space<hbm>> -> memref<3x125xi32, #tpu.memory_space<hbm>>
        %dma_wait3A_253 = tpu.memref_slice %arg10[%dma_wait3A_240] : memref<3x!tpu.dma_semaphore, #tpu.memory_space<semaphore_mem>> -> memref<1x!tpu.dma_semaphore, #tpu.memory_space<semaphore_mem>>
        %dma_wait3A_254 = tpu.memref_squeeze %dma_wait3A_253 : memref<1x!tpu.dma_semaphore, #tpu.memory_space<semaphore_mem>> -> memref<!tpu.dma_semaphore, #tpu.memory_space<semaphore_mem>>
        %dma_wait3A_255 = arith.constant 6 : i32
        %dma_wait3A_256 = arith.constant 0 : i32
        %dma_wait3A_257 = tpu.memref_slice %arg7[%dma_wait3A_255, %dma_wait3A_256] : memref<9x125xi32, #tpu.memory_space<vmem>> -> memref<3x125xi32, #tpu.memory_space<vmem>>
        %dma_wait3A_258 = arith.constant 0 : i32
        %dma_wait3A_259 = arith.constant 0 : i32
        %dma_wait3A_260 = arith.constant 0 : i32
        %dma_wait3A_261 = tpu.memref_slice %arg3[%add3A, %dma_wait3A_258, %dma_wait3A_259, %dma_wait3A_260] : memref<32x80x3x125xi32, #tpu.memory_space<hbm>> -> memref<1x80x3x125xi32, #tpu.memory_space<hbm>>
        %dma_wait3A_262 = tpu.memref_squeeze %dma_wait3A_261 : memref<1x80x3x125xi32, #tpu.memory_space<hbm>> -> memref<80x3x125xi32, #tpu.memory_space<hbm>>
        %dma_wait3A_263 = arith.constant 0 : i32
        %dma_wait3A_264 = arith.constant 0 : i32
        %dma_wait3A_265 = tpu.memref_slice %dma_wait3A_262[%dma_wait3A_239, %dma_wait3A_263, %dma_wait3A_264] : memref<80x3x125xi32, #tpu.memory_space<hbm>> -> memref<1x3x125xi32, #tpu.memory_space<hbm>>
        %dma_wait3A_266 = tpu.memref_squeeze %dma_wait3A_265 : memref<1x3x125xi32, #tpu.memory_space<hbm>> -> memref<3x125xi32, #tpu.memory_space<hbm>>
        tpu.wait_dma2 semaphore(%dma_wait3A_254 : memref<!tpu.dma_semaphore, #tpu.memory_space<semaphore_mem>>) src(%dma_wait3A_266 : memref<3x125xi32, #tpu.memory_space<hbm>>) dst(%dma_wait3A_257 : memref<3x125xi32, #tpu.memory_space<vmem>>)
        %dma_start3A_267 = arith.constant 6 : i32
        %dma_start3A_268 = arith.constant 2 : i32
        %dma_start3A_269 = arith.constant 250 : i32
        %dma_start3A_270 = arith.constant 0 : i32
        %dma_start3A_271 = tpu.memref_slice %arg8[%dma_start3A_269, %dma_start3A_270] : memref<375x128xf32, #tpu.memory_space<vmem>> -> memref<125x128xf32, #tpu.memory_space<vmem>>
        %dma_start3A_272 = arith.constant 0 : i32
        %dma_start3A_273 = tpu.memref_slice %arg7[%dma_start3A_267, %dma_start3A_272] : memref<9x125xi32, #tpu.memory_space<vmem>> -> memref<1x125xi32, #tpu.memory_space<vmem>>
        %dma_start3A_274 = tpu.memref_squeeze %dma_start3A_273 : memref<1x125xi32, #tpu.memory_space<vmem>> -> memref<125xi32, #tpu.memory_space<vmem>>
        %dma_start3A_275 = arith.constant 0 : i32
        %dma_start3A_276 = arith.constant 0 : i32
        %dma_start3A_277 = tpu.memref_slice %arg2[%dma_start3A_275, %dma_start3A_276] : memref<10000x128xf32, #tpu.memory_space<hbm>> -> memref<10000x128xf32, #tpu.memory_space<hbm>>
        %dma_start3A_278 = tpu.memref_slice %arg11[%dma_start3A_268] : memref<3x!tpu.dma_semaphore, #tpu.memory_space<semaphore_mem>> -> memref<1x!tpu.dma_semaphore, #tpu.memory_space<semaphore_mem>>
        %dma_start3A_279 = tpu.memref_squeeze %dma_start3A_278 : memref<1x!tpu.dma_semaphore, #tpu.memory_space<semaphore_mem>> -> memref<!tpu.dma_semaphore, #tpu.memory_space<semaphore_mem>>
        tpu.enqueue_indirect_dma source(%dma_start3A_277 : memref<10000x128xf32, #tpu.memory_space<hbm>>) target(%dma_start3A_271 : memref<125x128xf32, #tpu.memory_space<vmem>>) offsets(%dma_start3A_274 : memref<125xi32, #tpu.memory_space<vmem>>) semaphore(%dma_start3A_279 : memref<!tpu.dma_semaphore, #tpu.memory_space<semaphore_mem>>)
      } else {
      }
      %lt3A_206 = arith.constant 80 : i32
      %lt3A_207 = arith.cmpi slt, %add3A_191, %lt3A_206 : i32
      %convert_element_type3A_208 = arith.extui %lt3A_207 : i1 to i32
      %cond3A_209 = arith.constant 0 : i32
      %cond3A_210 = arith.cmpi ne, %convert_element_type3A_208, %cond3A_209 : i32
      scf.if %cond3A_210 {
        %dma_wait3A_233 = arith.constant 3 : i32
        %dma_wait3A_234 = arith.constant 1 : i32
        %dma_wait3A_235 = arith.constant 125 : i32
        %dma_wait3A_236 = arith.constant 0 : i32
        %dma_wait3A_237 = tpu.memref_slice %arg8[%dma_wait3A_235, %dma_wait3A_236] : memref<375x128xf32, #tpu.memory_space<vmem>> -> memref<125x128xf32, #tpu.memory_space<vmem>>
        %dma_wait3A_238 = arith.constant 0 : i32
        %dma_wait3A_239 = tpu.memref_slice %arg7[%dma_wait3A_233, %dma_wait3A_238] : memref<9x125xi32, #tpu.memory_space<vmem>> -> memref<1x125xi32, #tpu.memory_space<vmem>>
        %dma_wait3A_240 = tpu.memref_squeeze %dma_wait3A_239 : memref<1x125xi32, #tpu.memory_space<vmem>> -> memref<125xi32, #tpu.memory_space<vmem>>
        %dma_wait3A_241 = arith.constant 0 : i32
        %dma_wait3A_242 = arith.constant 0 : i32
        %dma_wait3A_243 = tpu.memref_slice %arg2[%dma_wait3A_241, %dma_wait3A_242] : memref<10000x128xf32, #tpu.memory_space<hbm>> -> memref<10000x128xf32, #tpu.memory_space<hbm>>
        %dma_wait3A_244 = tpu.memref_slice %arg11[%dma_wait3A_234] : memref<3x!tpu.dma_semaphore, #tpu.memory_space<semaphore_mem>> -> memref<1x!tpu.dma_semaphore, #tpu.memory_space<semaphore_mem>>
        %dma_wait3A_245 = tpu.memref_squeeze %dma_wait3A_244 : memref<1x!tpu.dma_semaphore, #tpu.memory_space<semaphore_mem>> -> memref<!tpu.dma_semaphore, #tpu.memory_space<semaphore_mem>>
        tpu.wait_indirect_dma semaphore(%dma_wait3A_245 : memref<!tpu.dma_semaphore, #tpu.memory_space<semaphore_mem>>) src(%dma_wait3A_243 : memref<10000x128xf32, #tpu.memory_space<hbm>>) dst(%dma_wait3A_237 : memref<125x128xf32, #tpu.memory_space<vmem>>)
        %parallel_loop3A = arith.constant 0 : i32
        %parallel_loop3A_246 = arith.constant 125 : i32
        %parallel_loop3A_247 = arith.constant 1 : i32
        scf.for %parallel_loop3A_323 = %parallel_loop3A to %parallel_loop3A_246 step %parallel_loop3A_247  : i32 {
          %parallel_loop3A_324 = arith.constant 5 : i32
          %parallel_loop3A_325 = vector.broadcast %parallel_loop3A_324 : i32 to vector<16xi32>
          %parallel_loop3A_326 = vector.broadcast %parallel_loop3A_323 : i32 to vector<16xi32>
          %parallel_loop3A_327 = tpu.vector_load_idx %arg7[%parallel_loop3A_325, %parallel_loop3A_326] : memref<9x125xi32, #tpu.memory_space<vmem>>[vector<16xi32>, vector<16xi32>], vector<16xi32>,
          %parallel_loop3A_328 = vector.bitcast %parallel_loop3A_327 : vector<16xi32> to vector<16xf32>
          %parallel_loop3A_329 = arith.constant 125 : i32
          %parallel_loop3A_330 = arith.addi %parallel_loop3A_329, %parallel_loop3A_323 : i32
          %parallel_loop3A_331 = arith.index_cast %parallel_loop3A_330 : i32 to index
          %parallel_loop3A_332 = arith.constant 0 : index
          %parallel_loop3A_333 = tpu.vector_load %arg8[%parallel_loop3A_331, %parallel_loop3A_332] {strides = array<i32>} : memref<375x128xf32, #tpu.memory_space<vmem>>, vector<16xf32>,
          %parallel_loop3A_334 = arith.mulf %parallel_loop3A_333, %parallel_loop3A_328 : vector<16xf32>
          %parallel_loop3A_335 = arith.index_cast %parallel_loop3A_330 : i32 to index
          %parallel_loop3A_336 = arith.constant 0 : index
          %parallel_loop3A_337 = tpu.vector_load %arg8[%parallel_loop3A_335, %parallel_loop3A_336] {strides = array<i32>} : memref<375x128xf32, #tpu.memory_space<vmem>>, vector<16xf32>,
          tpu.vector_store %arg8[%parallel_loop3A_335, %parallel_loop3A_336], %parallel_loop3A_334 {strides = array<i32>} : memref<375x128xf32, #tpu.memory_space<vmem>>, vector<16xf32>,
          %parallel_loop3A_338 = arith.index_cast %parallel_loop3A_330 : i32 to index
          %parallel_loop3A_339 = arith.constant 16 : index
          %parallel_loop3A_340 = tpu.vector_load %arg8[%parallel_loop3A_338, %parallel_loop3A_339] {strides = array<i32>} : memref<375x128xf32, #tpu.memory_space<vmem>>, vector<16xf32>,
          %parallel_loop3A_341 = arith.mulf %parallel_loop3A_340, %parallel_loop3A_328 : vector<16xf32>
          %parallel_loop3A_342 = arith.index_cast %parallel_loop3A_330 : i32 to index
          %parallel_loop3A_343 = arith.constant 16 : index
          %parallel_loop3A_344 = tpu.vector_load %arg8[%parallel_loop3A_342, %parallel_loop3A_343] {strides = array<i32>} : memref<375x128xf32, #tpu.memory_space<vmem>>, vector<16xf32>,
          tpu.vector_store %arg8[%parallel_loop3A_342, %parallel_loop3A_343], %parallel_loop3A_341 {strides = array<i32>} : memref<375x128xf32, #tpu.memory_space<vmem>>, vector<16xf32>,
          %parallel_loop3A_345 = arith.index_cast %parallel_loop3A_330 : i32 to index
          %parallel_loop3A_346 = arith.constant 32 : index
          %parallel_loop3A_347 = tpu.vector_load %arg8[%parallel_loop3A_345, %parallel_loop3A_346] {strides = array<i32>} : memref<375x128xf32, #tpu.memory_space<vmem>>, vector<16xf32>,
          %parallel_loop3A_348 = arith.mulf %parallel_loop3A_347, %parallel_loop3A_328 : vector<16xf32>
          %parallel_loop3A_349 = arith.index_cast %parallel_loop3A_330 : i32 to index
          %parallel_loop3A_350 = arith.constant 32 : index
          %parallel_loop3A_351 = tpu.vector_load %arg8[%parallel_loop3A_349, %parallel_loop3A_350] {strides = array<i32>} : memref<375x128xf32, #tpu.memory_space<vmem>>, vector<16xf32>,
          tpu.vector_store %arg8[%parallel_loop3A_349, %parallel_loop3A_350], %parallel_loop3A_348 {strides = array<i32>} : memref<375x128xf32, #tpu.memory_space<vmem>>, vector<16xf32>,
          %parallel_loop3A_352 = arith.index_cast %parallel_loop3A_330 : i32 to index
          %parallel_loop3A_353 = arith.constant 48 : index
          %parallel_loop3A_354 = tpu.vector_load %arg8[%parallel_loop3A_352, %parallel_loop3A_353] {strides = array<i32>} : memref<375x128xf32, #tpu.memory_space<vmem>>, vector<16xf32>,
          %parallel_loop3A_355 = arith.mulf %parallel_loop3A_354, %parallel_loop3A_328 : vector<16xf32>
          %parallel_loop3A_356 = arith.index_cast %parallel_loop3A_330 : i32 to index
          %parallel_loop3A_357 = arith.constant 48 : index
          %parallel_loop3A_358 = tpu.vector_load %arg8[%parallel_loop3A_356, %parallel_loop3A_357] {strides = array<i32>} : memref<375x128xf32, #tpu.memory_space<vmem>>, vector<16xf32>,
          tpu.vector_store %arg8[%parallel_loop3A_356, %parallel_loop3A_357], %parallel_loop3A_355 {strides = array<i32>} : memref<375x128xf32, #tpu.memory_space<vmem>>, vector<16xf32>,
          %parallel_loop3A_359 = arith.index_cast %parallel_loop3A_330 : i32 to index
          %parallel_loop3A_360 = arith.constant 64 : index
          %parallel_loop3A_361 = tpu.vector_load %arg8[%parallel_loop3A_359, %parallel_loop3A_360] {strides = array<i32>} : memref<375x128xf32, #tpu.memory_space<vmem>>, vector<16xf32>,
          %parallel_loop3A_362 = arith.mulf %parallel_loop3A_361, %parallel_loop3A_328 : vector<16xf32>
          %parallel_loop3A_363 = arith.index_cast %parallel_loop3A_330 : i32 to index
          %parallel_loop3A_364 = arith.constant 64 : index
          %parallel_loop3A_365 = tpu.vector_load %arg8[%parallel_loop3A_363, %parallel_loop3A_364] {strides = array<i32>} : memref<375x128xf32, #tpu.memory_space<vmem>>, vector<16xf32>,
          tpu.vector_store %arg8[%parallel_loop3A_363, %parallel_loop3A_364], %parallel_loop3A_362 {strides = array<i32>} : memref<375x128xf32, #tpu.memory_space<vmem>>, vector<16xf32>,
          %parallel_loop3A_366 = arith.index_cast %parallel_loop3A_330 : i32 to index
          %parallel_loop3A_367 = arith.constant 80 : index
          %parallel_loop3A_368 = tpu.vector_load %arg8[%parallel_loop3A_366, %parallel_loop3A_367] {strides = array<i32>} : memref<375x128xf32, #tpu.memory_space<vmem>>, vector<16xf32>,
          %parallel_loop3A_369 = arith.mulf %parallel_loop3A_368, %parallel_loop3A_328 : vector<16xf32>
          %parallel_loop3A_370 = arith.index_cast %parallel_loop3A_330 : i32 to index
          %parallel_loop3A_371 = arith.constant 80 : index
          %parallel_loop3A_372 = tpu.vector_load %arg8[%parallel_loop3A_370, %parallel_loop3A_371] {strides = array<i32>} : memref<375x128xf32, #tpu.memory_space<vmem>>, vector<16xf32>,
          tpu.vector_store %arg8[%parallel_loop3A_370, %parallel_loop3A_371], %parallel_loop3A_369 {strides = array<i32>} : memref<375x128xf32, #tpu.memory_space<vmem>>, vector<16xf32>,
          %parallel_loop3A_373 = arith.index_cast %parallel_loop3A_330 : i32 to index
          %parallel_loop3A_374 = arith.constant 96 : index
          %parallel_loop3A_375 = tpu.vector_load %arg8[%parallel_loop3A_373, %parallel_loop3A_374] {strides = array<i32>} : memref<375x128xf32, #tpu.memory_space<vmem>>, vector<16xf32>,
          %parallel_loop3A_376 = arith.mulf %parallel_loop3A_375, %parallel_loop3A_328 : vector<16xf32>
          %parallel_loop3A_377 = arith.index_cast %parallel_loop3A_330 : i32 to index
          %parallel_loop3A_378 = arith.constant 96 : index
          %parallel_loop3A_379 = tpu.vector_load %arg8[%parallel_loop3A_377, %parallel_loop3A_378] {strides = array<i32>} : memref<375x128xf32, #tpu.memory_space<vmem>>, vector<16xf32>,
          tpu.vector_store %arg8[%parallel_loop3A_377, %parallel_loop3A_378], %parallel_loop3A_376 {strides = array<i32>} : memref<375x128xf32, #tpu.memory_space<vmem>>, vector<16xf32>,
          %parallel_loop3A_380 = arith.index_cast %parallel_loop3A_330 : i32 to index
          %parallel_loop3A_381 = arith.constant 112 : index
          %parallel_loop3A_382 = tpu.vector_load %arg8[%parallel_loop3A_380, %parallel_loop3A_381] {strides = array<i32>} : memref<375x128xf32, #tpu.memory_space<vmem>>, vector<16xf32>,
          %parallel_loop3A_383 = arith.mulf %parallel_loop3A_382, %parallel_loop3A_328 : vector<16xf32>
          %parallel_loop3A_384 = arith.index_cast %parallel_loop3A_330 : i32 to index
          %parallel_loop3A_385 = arith.constant 112 : index
          %parallel_loop3A_386 = tpu.vector_load %arg8[%parallel_loop3A_384, %parallel_loop3A_385] {strides = array<i32>} : memref<375x128xf32, #tpu.memory_space<vmem>>, vector<16xf32>,
          tpu.vector_store %arg8[%parallel_loop3A_384, %parallel_loop3A_385], %parallel_loop3A_383 {strides = array<i32>} : memref<375x128xf32, #tpu.memory_space<vmem>>, vector<16xf32>,
        } {sc.loop_unroll_factor = 5 : i64, sc.parallel_access}
        %get3A = arith.constant 4 : i32
        %get3A_248 = arith.index_cast %get3A : i32 to index
        %get3A_249 = arith.constant 0 : index
        %get3A_250 = tpu.vector_load %arg7[%get3A_248, %get3A_249] {strides = array<i32>} : memref<9x125xi32, #tpu.memory_space<vmem>>, vector<16xi32>,
        %swap3A = arith.constant 1 : i32
        %swap3A_251 = arith.index_cast %swap3A : i32 to index
        %swap3A_252 = arith.constant 0 : index
        %swap3A_253 = tpu.vector_load %arg9[%swap3A_251, %swap3A_252] {strides = array<i32>} : memref<3x125xi32, #tpu.memory_space<vmem>>, vector<16xi32>,
        tpu.vector_store %arg9[%swap3A_251, %swap3A_252], %get3A_250 {strides = array<i32>} : memref<3x125xi32, #tpu.memory_space<vmem>>, vector<16xi32>,
        %get3A_254 = arith.constant 4 : i32
        %get3A_255 = arith.index_cast %get3A_254 : i32 to index
        %get3A_256 = arith.constant 16 : index
        %get3A_257 = tpu.vector_load %arg7[%get3A_255, %get3A_256] {strides = array<i32>} : memref<9x125xi32, #tpu.memory_space<vmem>>, vector<16xi32>,
        %swap3A_258 = arith.constant 1 : i32
        %swap3A_259 = arith.index_cast %swap3A_258 : i32 to index
        %swap3A_260 = arith.constant 16 : index
        %swap3A_261 = tpu.vector_load %arg9[%swap3A_259, %swap3A_260] {strides = array<i32>} : memref<3x125xi32, #tpu.memory_space<vmem>>, vector<16xi32>,
        tpu.vector_store %arg9[%swap3A_259, %swap3A_260], %get3A_257 {strides = array<i32>} : memref<3x125xi32, #tpu.memory_space<vmem>>, vector<16xi32>,
        %get3A_262 = arith.constant 4 : i32
        %get3A_263 = arith.index_cast %get3A_262 : i32 to index
        %get3A_264 = arith.constant 32 : index
        %get3A_265 = tpu.vector_load %arg7[%get3A_263, %get3A_264] {strides = array<i32>} : memref<9x125xi32, #tpu.memory_space<vmem>>, vector<16xi32>,
        %swap3A_266 = arith.constant 1 : i32
        %swap3A_267 = arith.index_cast %swap3A_266 : i32 to index
        %swap3A_268 = arith.constant 32 : index
        %swap3A_269 = tpu.vector_load %arg9[%swap3A_267, %swap3A_268] {strides = array<i32>} : memref<3x125xi32, #tpu.memory_space<vmem>>, vector<16xi32>,
        tpu.vector_store %arg9[%swap3A_267, %swap3A_268], %get3A_265 {strides = array<i32>} : memref<3x125xi32, #tpu.memory_space<vmem>>, vector<16xi32>,
        %get3A_270 = arith.constant 4 : i32
        %get3A_271 = arith.index_cast %get3A_270 : i32 to index
        %get3A_272 = arith.constant 48 : index
        %get3A_273 = tpu.vector_load %arg7[%get3A_271, %get3A_272] {strides = array<i32>} : memref<9x125xi32, #tpu.memory_space<vmem>>, vector<16xi32>,
        %swap3A_274 = arith.constant 1 : i32
        %swap3A_275 = arith.index_cast %swap3A_274 : i32 to index
        %swap3A_276 = arith.constant 48 : index
        %swap3A_277 = tpu.vector_load %arg9[%swap3A_275, %swap3A_276] {strides = array<i32>} : memref<3x125xi32, #tpu.memory_space<vmem>>, vector<16xi32>,
        tpu.vector_store %arg9[%swap3A_275, %swap3A_276], %get3A_273 {strides = array<i32>} : memref<3x125xi32, #tpu.memory_space<vmem>>, vector<16xi32>,
        %get3A_278 = arith.constant 4 : i32
        %get3A_279 = arith.index_cast %get3A_278 : i32 to index
        %get3A_280 = arith.constant 64 : index
        %get3A_281 = tpu.vector_load %arg7[%get3A_279, %get3A_280] {strides = array<i32>} : memref<9x125xi32, #tpu.memory_space<vmem>>, vector<16xi32>,
        %swap3A_282 = arith.constant 1 : i32
        %swap3A_283 = arith.index_cast %swap3A_282 : i32 to index
        %swap3A_284 = arith.constant 64 : index
        %swap3A_285 = tpu.vector_load %arg9[%swap3A_283, %swap3A_284] {strides = array<i32>} : memref<3x125xi32, #tpu.memory_space<vmem>>, vector<16xi32>,
        tpu.vector_store %arg9[%swap3A_283, %swap3A_284], %get3A_281 {strides = array<i32>} : memref<3x125xi32, #tpu.memory_space<vmem>>, vector<16xi32>,
        %get3A_286 = arith.constant 4 : i32
        %get3A_287 = arith.index_cast %get3A_286 : i32 to index
        %get3A_288 = arith.constant 80 : index
        %get3A_289 = tpu.vector_load %arg7[%get3A_287, %get3A_288] {strides = array<i32>} : memref<9x125xi32, #tpu.memory_space<vmem>>, vector<16xi32>,
        %swap3A_290 = arith.constant 1 : i32
        %swap3A_291 = arith.index_cast %swap3A_290 : i32 to index
        %swap3A_292 = arith.constant 80 : index
        %swap3A_293 = tpu.vector_load %arg9[%swap3A_291, %swap3A_292] {strides = array<i32>} : memref<3x125xi32, #tpu.memory_space<vmem>>, vector<16xi32>,
        tpu.vector_store %arg9[%swap3A_291, %swap3A_292], %get3A_289 {strides = array<i32>} : memref<3x125xi32, #tpu.memory_space<vmem>>, vector<16xi32>,
        %get3A_294 = arith.constant 4 : i32
        %get3A_295 = arith.index_cast %get3A_294 : i32 to index
        %get3A_296 = arith.constant 96 : index
        %get3A_297 = tpu.vector_load %arg7[%get3A_295, %get3A_296] {strides = array<i32>} : memref<9x125xi32, #tpu.memory_space<vmem>>, vector<16xi32>,
        %swap3A_298 = arith.constant 1 : i32
        %swap3A_299 = arith.index_cast %swap3A_298 : i32 to index
        %swap3A_300 = arith.constant 96 : index
        %swap3A_301 = tpu.vector_load %arg9[%swap3A_299, %swap3A_300] {strides = array<i32>} : memref<3x125xi32, #tpu.memory_space<vmem>>, vector<16xi32>,
        tpu.vector_store %arg9[%swap3A_299, %swap3A_300], %get3A_297 {strides = array<i32>} : memref<3x125xi32, #tpu.memory_space<vmem>>, vector<16xi32>,
        %get3A_302 = arith.constant 4 : i32
        %get3A_303 = arith.index_cast %get3A_302 : i32 to index
        %get3A_304 = arith.constant 109 : index
        %get3A_305 = tpu.vector_load %arg7[%get3A_303, %get3A_304] {strides = array<i32>} : memref<9x125xi32, #tpu.memory_space<vmem>>, vector<16xi32>,
        %swap3A_306 = arith.constant 1 : i32
        %swap3A_307 = arith.index_cast %swap3A_306 : i32 to index
        %swap3A_308 = arith.constant 109 : index
        %swap3A_309 = tpu.vector_load %arg9[%swap3A_307, %swap3A_308] {strides = array<i32>} : memref<3x125xi32, #tpu.memory_space<vmem>>, vector<16xi32>,
        tpu.vector_store %arg9[%swap3A_307, %swap3A_308], %get3A_305 {strides = array<i32>} : memref<3x125xi32, #tpu.memory_space<vmem>>, vector<16xi32>,
        %dma_start3A_310 = arith.constant 1 : i32
        %dma_start3A_311 = arith.constant 1 : i32
        %dma_start3A_312 = arith.constant 125 : i32
        %dma_start3A_313 = arith.constant 0 : i32
        %dma_start3A_314 = tpu.memref_slice %arg8[%dma_start3A_312, %dma_start3A_313] : memref<375x128xf32, #tpu.memory_space<vmem>> -> memref<125x128xf32, #tpu.memory_space<vmem>>
        %dma_start3A_315 = arith.constant 0 : i32
        %dma_start3A_316 = tpu.memref_slice %arg9[%dma_start3A_310, %dma_start3A_315] : memref<3x125xi32, #tpu.memory_space<vmem>> -> memref<1x125xi32, #tpu.memory_space<vmem>>
        %dma_start3A_317 = tpu.memref_squeeze %dma_start3A_316 : memref<1x125xi32, #tpu.memory_space<vmem>> -> memref<125xi32, #tpu.memory_space<vmem>>
        %dma_start3A_318 = arith.constant 0 : i32
        %dma_start3A_319 = arith.constant 0 : i32
        %dma_start3A_320 = tpu.memref_slice %arg6[%dma_start3A_318, %dma_start3A_319] : memref<10000x128xf32, #tpu.memory_space<vmem_shared>> -> memref<10000x128xf32, #tpu.memory_space<vmem_shared>>
        %dma_start3A_321 = tpu.memref_slice %arg12[%dma_start3A_311] : memref<3x!tpu.dma_semaphore, #tpu.memory_space<semaphore_mem>> -> memref<1x!tpu.dma_semaphore, #tpu.memory_space<semaphore_mem>>
        %dma_start3A_322 = tpu.memref_squeeze %dma_start3A_321 : memref<1x!tpu.dma_semaphore, #tpu.memory_space<semaphore_mem>> -> memref<!tpu.dma_semaphore, #tpu.memory_space<semaphore_mem>>
        tpu.enqueue_indirect_dma source(%dma_start3A_314 : memref<125x128xf32, #tpu.memory_space<vmem>>) target(%dma_start3A_320 : memref<10000x128xf32, #tpu.memory_space<vmem_shared>>) offsets(%dma_start3A_317 : memref<125xi32, #tpu.memory_space<vmem>>) semaphore(%dma_start3A_322 : memref<!tpu.dma_semaphore, #tpu.memory_space<semaphore_mem>>) {add = true}
      } else {
      }
      %add3A_211 = arith.constant 2 : i32
      %add3A_212 = arith.addi %mul3A_169, %add3A_211 : i32
      %add3A_213 = arith.constant 2 : i32
      %add3A_214 = arith.addi %add3A_212, %add3A_213 : i32
      %lt3A_215 = arith.constant 80 : i32
      %lt3A_216 = arith.cmpi slt, %add3A_214, %lt3A_215 : i32
      %convert_element_type3A_217 = arith.extui %lt3A_216 : i1 to i32
      %cond3A_218 = arith.constant 0 : i32
      %cond3A_219 = arith.cmpi ne, %convert_element_type3A_217, %cond3A_218 : i32
      scf.if %cond3A_219 {
        %add3A_233 = arith.constant 2 : i32
        %add3A_234 = arith.addi %add3A_212, %add3A_233 : i32
        %dma_start3A_235 = arith.constant 1 : i32
        %dma_start3A_236 = arith.constant 3 : i32
        %dma_start3A_237 = arith.constant 0 : i32
        %dma_start3A_238 = tpu.memref_slice %arg7[%dma_start3A_236, %dma_start3A_237] : memref<9x125xi32, #tpu.memory_space<vmem>> -> memref<3x125xi32, #tpu.memory_space<vmem>>
        %dma_start3A_239 = arith.constant 0 : i32
        %dma_start3A_240 = arith.constant 0 : i32
        %dma_start3A_241 = arith.constant 0 : i32
        %dma_start3A_242 = tpu.memref_slice %arg3[%add3A, %dma_start3A_239, %dma_start3A_240, %dma_start3A_241] : memref<32x80x3x125xi32, #tpu.memory_space<hbm>> -> memref<1x80x3x125xi32, #tpu.memory_space<hbm>>
        %dma_start3A_243 = tpu.memref_squeeze %dma_start3A_242 : memref<1x80x3x125xi32, #tpu.memory_space<hbm>> -> memref<80x3x125xi32, #tpu.memory_space<hbm>>
        %dma_start3A_244 = arith.constant 0 : i32
        %dma_start3A_245 = arith.constant 0 : i32
        %dma_start3A_246 = tpu.memref_slice %dma_start3A_243[%add3A_234, %dma_start3A_244, %dma_start3A_245] : memref<80x3x125xi32, #tpu.memory_space<hbm>> -> memref<1x3x125xi32, #tpu.memory_space<hbm>>
        %dma_start3A_247 = tpu.memref_squeeze %dma_start3A_246 : memref<1x3x125xi32, #tpu.memory_space<hbm>> -> memref<3x125xi32, #tpu.memory_space<hbm>>
        %dma_start3A_248 = tpu.memref_slice %arg10[%dma_start3A_235] : memref<3x!tpu.dma_semaphore, #tpu.memory_space<semaphore_mem>> -> memref<1x!tpu.dma_semaphore, #tpu.memory_space<semaphore_mem>>
        %dma_start3A_249 = tpu.memref_squeeze %dma_start3A_248 : memref<1x!tpu.dma_semaphore, #tpu.memory_space<semaphore_mem>> -> memref<!tpu.dma_semaphore, #tpu.memory_space<semaphore_mem>>
        %dma_start3A_250 = arith.constant 3 : i32
        %dma_start3A_251 = arith.constant 0 : i32
        %dma_start3A_252 = tpu.memref_slice %arg7[%dma_start3A_250, %dma_start3A_251] : memref<9x125xi32, #tpu.memory_space<vmem>> -> memref<3x125xi32, #tpu.memory_space<vmem>>
        %dma_start3A_253 = arith.constant 0 : i32
        %dma_start3A_254 = arith.constant 0 : i32
        %dma_start3A_255 = arith.constant 0 : i32
        %dma_start3A_256 = tpu.memref_slice %arg3[%add3A, %dma_start3A_253, %dma_start3A_254, %dma_start3A_255] : memref<32x80x3x125xi32, #tpu.memory_space<hbm>> -> memref<1x80x3x125xi32, #tpu.memory_space<hbm>>
        %dma_start3A_257 = tpu.memref_squeeze %dma_start3A_256 : memref<1x80x3x125xi32, #tpu.memory_space<hbm>> -> memref<80x3x125xi32, #tpu.memory_space<hbm>>
        %dma_start3A_258 = arith.constant 0 : i32
        %dma_start3A_259 = arith.constant 0 : i32
        %dma_start3A_260 = tpu.memref_slice %dma_start3A_257[%add3A_234, %dma_start3A_258, %dma_start3A_259] : memref<80x3x125xi32, #tpu.memory_space<hbm>> -> memref<1x3x125xi32, #tpu.memory_space<hbm>>
        %dma_start3A_261 = tpu.memref_squeeze %dma_start3A_260 : memref<1x3x125xi32, #tpu.memory_space<hbm>> -> memref<3x125xi32, #tpu.memory_space<hbm>>
        tpu.enqueue_dma source(%dma_start3A_261 : memref<3x125xi32, #tpu.memory_space<hbm>>) target(%dma_start3A_252 : memref<3x125xi32, #tpu.memory_space<vmem>>) target_semaphore(%dma_start3A_249 : memref<!tpu.dma_semaphore, #tpu.memory_space<semaphore_mem>>)
      } else {
      }
      %add3A_220 = arith.constant 1 : i32
      %add3A_221 = arith.addi %add3A_212, %add3A_220 : i32
      %lt3A_222 = arith.constant 80 : i32
      %lt3A_223 = arith.cmpi slt, %add3A_221, %lt3A_222 : i32
      %convert_element_type3A_224 = arith.extui %lt3A_223 : i1 to i32
      %cond3A_225 = arith.constant 0 : i32
      %cond3A_226 = arith.cmpi ne, %convert_element_type3A_224, %cond3A_225 : i32
      scf.if %cond3A_226 {
        %add3A_233 = arith.constant 1 : i32
        %add3A_234 = arith.addi %add3A_212, %add3A_233 : i32
        %ge3A = arith.constant 3 : i32
        %ge3A_235 = arith.cmpi sge, %add3A_234, %ge3A : i32
        %convert_element_type3A_236 = arith.extui %ge3A_235 : i1 to i32
        %cond3A_237 = arith.constant 0 : i32
        %cond3A_238 = arith.cmpi ne, %convert_element_type3A_236, %cond3A_237 : i32
        scf.if %cond3A_238 {
          %dma_wait3A_280 = arith.constant 0 : i32
          %dma_wait3A_281 = arith.constant 0 : i32
          %dma_wait3A_282 = arith.constant 0 : i32
          %dma_wait3A_283 = arith.constant 0 : i32
          %dma_wait3A_284 = tpu.memref_slice %arg8[%dma_wait3A_282, %dma_wait3A_283] : memref<375x128xf32, #tpu.memory_space<vmem>> -> memref<125x128xf32, #tpu.memory_space<vmem>>
          %dma_wait3A_285 = arith.constant 0 : i32
          %dma_wait3A_286 = tpu.memref_slice %arg9[%dma_wait3A_280, %dma_wait3A_285] : memref<3x125xi32, #tpu.memory_space<vmem>> -> memref<1x125xi32, #tpu.memory_space<vmem>>
          %dma_wait3A_287 = tpu.memref_squeeze %dma_wait3A_286 : memref<1x125xi32, #tpu.memory_space<vmem>> -> memref<125xi32, #tpu.memory_space<vmem>>
          %dma_wait3A_288 = arith.constant 0 : i32
          %dma_wait3A_289 = arith.constant 0 : i32
          %dma_wait3A_290 = tpu.memref_slice %arg6[%dma_wait3A_288, %dma_wait3A_289] : memref<10000x128xf32, #tpu.memory_space<vmem_shared>> -> memref<10000x128xf32, #tpu.memory_space<vmem_shared>>
          %dma_wait3A_291 = tpu.memref_slice %arg12[%dma_wait3A_281] : memref<3x!tpu.dma_semaphore, #tpu.memory_space<semaphore_mem>> -> memref<1x!tpu.dma_semaphore, #tpu.memory_space<semaphore_mem>>
          %dma_wait3A_292 = tpu.memref_squeeze %dma_wait3A_291 : memref<1x!tpu.dma_semaphore, #tpu.memory_space<semaphore_mem>> -> memref<!tpu.dma_semaphore, #tpu.memory_space<semaphore_mem>>
          tpu.wait_indirect_dma semaphore(%dma_wait3A_292 : memref<!tpu.dma_semaphore, #tpu.memory_space<semaphore_mem>>) src(%dma_wait3A_284 : memref<125x128xf32, #tpu.memory_space<vmem>>) dst(%dma_wait3A_290 : memref<10000x128xf32, #tpu.memory_space<vmem_shared>>)
        } else {
        }
        %dma_wait3A_239 = arith.constant 0 : i32
        %dma_wait3A_240 = arith.constant 0 : i32
        %dma_wait3A_241 = arith.constant 0 : i32
        %dma_wait3A_242 = arith.constant 0 : i32
        %dma_wait3A_243 = tpu.memref_slice %arg7[%dma_wait3A_241, %dma_wait3A_242] : memref<9x125xi32, #tpu.memory_space<vmem>> -> memref<3x125xi32, #tpu.memory_space<vmem>>
        %dma_wait3A_244 = arith.constant 0 : i32
        %dma_wait3A_245 = arith.constant 0 : i32
        %dma_wait3A_246 = arith.constant 0 : i32
        %dma_wait3A_247 = tpu.memref_slice %arg3[%add3A, %dma_wait3A_244, %dma_wait3A_245, %dma_wait3A_246] : memref<32x80x3x125xi32, #tpu.memory_space<hbm>> -> memref<1x80x3x125xi32, #tpu.memory_space<hbm>>
        %dma_wait3A_248 = tpu.memref_squeeze %dma_wait3A_247 : memref<1x80x3x125xi32, #tpu.memory_space<hbm>> -> memref<80x3x125xi32, #tpu.memory_space<hbm>>
        %dma_wait3A_249 = arith.constant 0 : i32
        %dma_wait3A_250 = arith.constant 0 : i32
        %dma_wait3A_251 = tpu.memref_slice %dma_wait3A_248[%dma_wait3A_239, %dma_wait3A_249, %dma_wait3A_250] : memref<80x3x125xi32, #tpu.memory_space<hbm>> -> memref<1x3x125xi32, #tpu.memory_space<hbm>>
        %dma_wait3A_252 = tpu.memref_squeeze %dma_wait3A_251 : memref<1x3x125xi32, #tpu.memory_space<hbm>> -> memref<3x125xi32, #tpu.memory_space<hbm>>
        %dma_wait3A_253 = tpu.memref_slice %arg10[%dma_wait3A_240] : memref<3x!tpu.dma_semaphore, #tpu.memory_space<semaphore_mem>> -> memref<1x!tpu.dma_semaphore, #tpu.memory_space<semaphore_mem>>
        %dma_wait3A_254 = tpu.memref_squeeze %dma_wait3A_253 : memref<1x!tpu.dma_semaphore, #tpu.memory_space<semaphore_mem>> -> memref<!tpu.dma_semaphore, #tpu.memory_space<semaphore_mem>>
        %dma_wait3A_255 = arith.constant 0 : i32
        %dma_wait3A_256 = arith.constant 0 : i32
        %dma_wait3A_257 = tpu.memref_slice %arg7[%dma_wait3A_255, %dma_wait3A_256] : memref<9x125xi32, #tpu.memory_space<vmem>> -> memref<3x125xi32, #tpu.memory_space<vmem>>
        %dma_wait3A_258 = arith.constant 0 : i32
        %dma_wait3A_259 = arith.constant 0 : i32
        %dma_wait3A_260 = arith.constant 0 : i32
        %dma_wait3A_261 = tpu.memref_slice %arg3[%add3A, %dma_wait3A_258, %dma_wait3A_259, %dma_wait3A_260] : memref<32x80x3x125xi32, #tpu.memory_space<hbm>> -> memref<1x80x3x125xi32, #tpu.memory_space<hbm>>
        %dma_wait3A_262 = tpu.memref_squeeze %dma_wait3A_261 : memref<1x80x3x125xi32, #tpu.memory_space<hbm>> -> memref<80x3x125xi32, #tpu.memory_space<hbm>>
        %dma_wait3A_263 = arith.constant 0 : i32
        %dma_wait3A_264 = arith.constant 0 : i32
        %dma_wait3A_265 = tpu.memref_slice %dma_wait3A_262[%dma_wait3A_239, %dma_wait3A_263, %dma_wait3A_264] : memref<80x3x125xi32, #tpu.memory_space<hbm>> -> memref<1x3x125xi32, #tpu.memory_space<hbm>>
        %dma_wait3A_266 = tpu.memref_squeeze %dma_wait3A_265 : memref<1x3x125xi32, #tpu.memory_space<hbm>> -> memref<3x125xi32, #tpu.memory_space<hbm>>
        tpu.wait_dma2 semaphore(%dma_wait3A_254 : memref<!tpu.dma_semaphore, #tpu.memory_space<semaphore_mem>>) src(%dma_wait3A_266 : memref<3x125xi32, #tpu.memory_space<hbm>>) dst(%dma_wait3A_257 : memref<3x125xi32, #tpu.memory_space<vmem>>)
        %dma_start3A_267 = arith.constant 0 : i32
        %dma_start3A_268 = arith.constant 0 : i32
        %dma_start3A_269 = arith.constant 0 : i32
        %dma_start3A_270 = arith.constant 0 : i32
        %dma_start3A_271 = tpu.memref_slice %arg8[%dma_start3A_269, %dma_start3A_270] : memref<375x128xf32, #tpu.memory_space<vmem>> -> memref<125x128xf32, #tpu.memory_space<vmem>>
        %dma_start3A_272 = arith.constant 0 : i32
        %dma_start3A_273 = tpu.memref_slice %arg7[%dma_start3A_267, %dma_start3A_272] : memref<9x125xi32, #tpu.memory_space<vmem>> -> memref<1x125xi32, #tpu.memory_space<vmem>>
        %dma_start3A_274 = tpu.memref_squeeze %dma_start3A_273 : memref<1x125xi32, #tpu.memory_space<vmem>> -> memref<125xi32, #tpu.memory_space<vmem>>
        %dma_start3A_275 = arith.constant 0 : i32
        %dma_start3A_276 = arith.constant 0 : i32
        %dma_start3A_277 = tpu.memref_slice %arg2[%dma_start3A_275, %dma_start3A_276] : memref<10000x128xf32, #tpu.memory_space<hbm>> -> memref<10000x128xf32, #tpu.memory_space<hbm>>
        %dma_start3A_278 = tpu.memref_slice %arg11[%dma_start3A_268] : memref<3x!tpu.dma_semaphore, #tpu.memory_space<semaphore_mem>> -> memref<1x!tpu.dma_semaphore, #tpu.memory_space<semaphore_mem>>
        %dma_start3A_279 = tpu.memref_squeeze %dma_start3A_278 : memref<1x!tpu.dma_semaphore, #tpu.memory_space<semaphore_mem>> -> memref<!tpu.dma_semaphore, #tpu.memory_space<semaphore_mem>>
        tpu.enqueue_indirect_dma source(%dma_start3A_277 : memref<10000x128xf32, #tpu.memory_space<hbm>>) target(%dma_start3A_271 : memref<125x128xf32, #tpu.memory_space<vmem>>) offsets(%dma_start3A_274 : memref<125xi32, #tpu.memory_space<vmem>>) semaphore(%dma_start3A_279 : memref<!tpu.dma_semaphore, #tpu.memory_space<semaphore_mem>>)
      } else {
      }
      %lt3A_227 = arith.constant 80 : i32
      %lt3A_228 = arith.cmpi slt, %add3A_212, %lt3A_227 : i32
      %convert_element_type3A_229 = arith.extui %lt3A_228 : i1 to i32
      %cond3A_230 = arith.constant 0 : i32
      %cond3A_231 = arith.cmpi ne, %convert_element_type3A_229, %cond3A_230 : i32
      scf.if %cond3A_231 {
        %dma_wait3A_233 = arith.constant 6 : i32
        %dma_wait3A_234 = arith.constant 2 : i32
        %dma_wait3A_235 = arith.constant 250 : i32
        %dma_wait3A_236 = arith.constant 0 : i32
        %dma_wait3A_237 = tpu.memref_slice %arg8[%dma_wait3A_235, %dma_wait3A_236] : memref<375x128xf32, #tpu.memory_space<vmem>> -> memref<125x128xf32, #tpu.memory_space<vmem>>
        %dma_wait3A_238 = arith.constant 0 : i32
        %dma_wait3A_239 = tpu.memref_slice %arg7[%dma_wait3A_233, %dma_wait3A_238] : memref<9x125xi32, #tpu.memory_space<vmem>> -> memref<1x125xi32, #tpu.memory_space<vmem>>
        %dma_wait3A_240 = tpu.memref_squeeze %dma_wait3A_239 : memref<1x125xi32, #tpu.memory_space<vmem>> -> memref<125xi32, #tpu.memory_space<vmem>>
        %dma_wait3A_241 = arith.constant 0 : i32
        %dma_wait3A_242 = arith.constant 0 : i32
        %dma_wait3A_243 = tpu.memref_slice %arg2[%dma_wait3A_241, %dma_wait3A_242] : memref<10000x128xf32, #tpu.memory_space<hbm>> -> memref<10000x128xf32, #tpu.memory_space<hbm>>
        %dma_wait3A_244 = tpu.memref_slice %arg11[%dma_wait3A_234] : memref<3x!tpu.dma_semaphore, #tpu.memory_space<semaphore_mem>> -> memref<1x!tpu.dma_semaphore, #tpu.memory_space<semaphore_mem>>
        %dma_wait3A_245 = tpu.memref_squeeze %dma_wait3A_244 : memref<1x!tpu.dma_semaphore, #tpu.memory_space<semaphore_mem>> -> memref<!tpu.dma_semaphore, #tpu.memory_space<semaphore_mem>>
        tpu.wait_indirect_dma semaphore(%dma_wait3A_245 : memref<!tpu.dma_semaphore, #tpu.memory_space<semaphore_mem>>) src(%dma_wait3A_243 : memref<10000x128xf32, #tpu.memory_space<hbm>>) dst(%dma_wait3A_237 : memref<125x128xf32, #tpu.memory_space<vmem>>)
        %parallel_loop3A = arith.constant 0 : i32
        %parallel_loop3A_246 = arith.constant 125 : i32
        %parallel_loop3A_247 = arith.constant 1 : i32
        scf.for %parallel_loop3A_323 = %parallel_loop3A to %parallel_loop3A_246 step %parallel_loop3A_247  : i32 {
          %parallel_loop3A_324 = arith.constant 8 : i32
          %parallel_loop3A_325 = vector.broadcast %parallel_loop3A_324 : i32 to vector<16xi32>
          %parallel_loop3A_326 = vector.broadcast %parallel_loop3A_323 : i32 to vector<16xi32>
          %parallel_loop3A_327 = tpu.vector_load_idx %arg7[%parallel_loop3A_325, %parallel_loop3A_326] : memref<9x125xi32, #tpu.memory_space<vmem>>[vector<16xi32>, vector<16xi32>], vector<16xi32>,
          %parallel_loop3A_328 = vector.bitcast %parallel_loop3A_327 : vector<16xi32> to vector<16xf32>
          %parallel_loop3A_329 = arith.constant 250 : i32
          %parallel_loop3A_330 = arith.addi %parallel_loop3A_329, %parallel_loop3A_323 : i32
          %parallel_loop3A_331 = arith.index_cast %parallel_loop3A_330 : i32 to index
          %parallel_loop3A_332 = arith.constant 0 : index
          %parallel_loop3A_333 = tpu.vector_load %arg8[%parallel_loop3A_331, %parallel_loop3A_332] {strides = array<i32>} : memref<375x128xf32, #tpu.memory_space<vmem>>, vector<16xf32>,
          %parallel_loop3A_334 = arith.mulf %parallel_loop3A_333, %parallel_loop3A_328 : vector<16xf32>
          %parallel_loop3A_335 = arith.index_cast %parallel_loop3A_330 : i32 to index
          %parallel_loop3A_336 = arith.constant 0 : index
          %parallel_loop3A_337 = tpu.vector_load %arg8[%parallel_loop3A_335, %parallel_loop3A_336] {strides = array<i32>} : memref<375x128xf32, #tpu.memory_space<vmem>>, vector<16xf32>,
          tpu.vector_store %arg8[%parallel_loop3A_335, %parallel_loop3A_336], %parallel_loop3A_334 {strides = array<i32>} : memref<375x128xf32, #tpu.memory_space<vmem>>, vector<16xf32>,
          %parallel_loop3A_338 = arith.index_cast %parallel_loop3A_330 : i32 to index
          %parallel_loop3A_339 = arith.constant 16 : index
          %parallel_loop3A_340 = tpu.vector_load %arg8[%parallel_loop3A_338, %parallel_loop3A_339] {strides = array<i32>} : memref<375x128xf32, #tpu.memory_space<vmem>>, vector<16xf32>,
          %parallel_loop3A_341 = arith.mulf %parallel_loop3A_340, %parallel_loop3A_328 : vector<16xf32>
          %parallel_loop3A_342 = arith.index_cast %parallel_loop3A_330 : i32 to index
          %parallel_loop3A_343 = arith.constant 16 : index
          %parallel_loop3A_344 = tpu.vector_load %arg8[%parallel_loop3A_342, %parallel_loop3A_343] {strides = array<i32>} : memref<375x128xf32, #tpu.memory_space<vmem>>, vector<16xf32>,
          tpu.vector_store %arg8[%parallel_loop3A_342, %parallel_loop3A_343], %parallel_loop3A_341 {strides = array<i32>} : memref<375x128xf32, #tpu.memory_space<vmem>>, vector<16xf32>,
          %parallel_loop3A_345 = arith.index_cast %parallel_loop3A_330 : i32 to index
          %parallel_loop3A_346 = arith.constant 32 : index
          %parallel_loop3A_347 = tpu.vector_load %arg8[%parallel_loop3A_345, %parallel_loop3A_346] {strides = array<i32>} : memref<375x128xf32, #tpu.memory_space<vmem>>, vector<16xf32>,
          %parallel_loop3A_348 = arith.mulf %parallel_loop3A_347, %parallel_loop3A_328 : vector<16xf32>
          %parallel_loop3A_349 = arith.index_cast %parallel_loop3A_330 : i32 to index
          %parallel_loop3A_350 = arith.constant 32 : index
          %parallel_loop3A_351 = tpu.vector_load %arg8[%parallel_loop3A_349, %parallel_loop3A_350] {strides = array<i32>} : memref<375x128xf32, #tpu.memory_space<vmem>>, vector<16xf32>,
          tpu.vector_store %arg8[%parallel_loop3A_349, %parallel_loop3A_350], %parallel_loop3A_348 {strides = array<i32>} : memref<375x128xf32, #tpu.memory_space<vmem>>, vector<16xf32>,
          %parallel_loop3A_352 = arith.index_cast %parallel_loop3A_330 : i32 to index
          %parallel_loop3A_353 = arith.constant 48 : index
          %parallel_loop3A_354 = tpu.vector_load %arg8[%parallel_loop3A_352, %parallel_loop3A_353] {strides = array<i32>} : memref<375x128xf32, #tpu.memory_space<vmem>>, vector<16xf32>,
          %parallel_loop3A_355 = arith.mulf %parallel_loop3A_354, %parallel_loop3A_328 : vector<16xf32>
          %parallel_loop3A_356 = arith.index_cast %parallel_loop3A_330 : i32 to index
          %parallel_loop3A_357 = arith.constant 48 : index
          %parallel_loop3A_358 = tpu.vector_load %arg8[%parallel_loop3A_356, %parallel_loop3A_357] {strides = array<i32>} : memref<375x128xf32, #tpu.memory_space<vmem>>, vector<16xf32>,
          tpu.vector_store %arg8[%parallel_loop3A_356, %parallel_loop3A_357], %parallel_loop3A_355 {strides = array<i32>} : memref<375x128xf32, #tpu.memory_space<vmem>>, vector<16xf32>,
          %parallel_loop3A_359 = arith.index_cast %parallel_loop3A_330 : i32 to index
          %parallel_loop3A_360 = arith.constant 64 : index
          %parallel_loop3A_361 = tpu.vector_load %arg8[%parallel_loop3A_359, %parallel_loop3A_360] {strides = array<i32>} : memref<375x128xf32, #tpu.memory_space<vmem>>, vector<16xf32>,
          %parallel_loop3A_362 = arith.mulf %parallel_loop3A_361, %parallel_loop3A_328 : vector<16xf32>
          %parallel_loop3A_363 = arith.index_cast %parallel_loop3A_330 : i32 to index
          %parallel_loop3A_364 = arith.constant 64 : index
          %parallel_loop3A_365 = tpu.vector_load %arg8[%parallel_loop3A_363, %parallel_loop3A_364] {strides = array<i32>} : memref<375x128xf32, #tpu.memory_space<vmem>>, vector<16xf32>,
          tpu.vector_store %arg8[%parallel_loop3A_363, %parallel_loop3A_364], %parallel_loop3A_362 {strides = array<i32>} : memref<375x128xf32, #tpu.memory_space<vmem>>, vector<16xf32>,
          %parallel_loop3A_366 = arith.index_cast %parallel_loop3A_330 : i32 to index
          %parallel_loop3A_367 = arith.constant 80 : index
          %parallel_loop3A_368 = tpu.vector_load %arg8[%parallel_loop3A_366, %parallel_loop3A_367] {strides = array<i32>} : memref<375x128xf32, #tpu.memory_space<vmem>>, vector<16xf32>,
          %parallel_loop3A_369 = arith.mulf %parallel_loop3A_368, %parallel_loop3A_328 : vector<16xf32>
          %parallel_loop3A_370 = arith.index_cast %parallel_loop3A_330 : i32 to index
          %parallel_loop3A_371 = arith.constant 80 : index
          %parallel_loop3A_372 = tpu.vector_load %arg8[%parallel_loop3A_370, %parallel_loop3A_371] {strides = array<i32>} : memref<375x128xf32, #tpu.memory_space<vmem>>, vector<16xf32>,
          tpu.vector_store %arg8[%parallel_loop3A_370, %parallel_loop3A_371], %parallel_loop3A_369 {strides = array<i32>} : memref<375x128xf32, #tpu.memory_space<vmem>>, vector<16xf32>,
          %parallel_loop3A_373 = arith.index_cast %parallel_loop3A_330 : i32 to index
          %parallel_loop3A_374 = arith.constant 96 : index
          %parallel_loop3A_375 = tpu.vector_load %arg8[%parallel_loop3A_373, %parallel_loop3A_374] {strides = array<i32>} : memref<375x128xf32, #tpu.memory_space<vmem>>, vector<16xf32>,
          %parallel_loop3A_376 = arith.mulf %parallel_loop3A_375, %parallel_loop3A_328 : vector<16xf32>
          %parallel_loop3A_377 = arith.index_cast %parallel_loop3A_330 : i32 to index
          %parallel_loop3A_378 = arith.constant 96 : index
          %parallel_loop3A_379 = tpu.vector_load %arg8[%parallel_loop3A_377, %parallel_loop3A_378] {strides = array<i32>} : memref<375x128xf32, #tpu.memory_space<vmem>>, vector<16xf32>,
          tpu.vector_store %arg8[%parallel_loop3A_377, %parallel_loop3A_378], %parallel_loop3A_376 {strides = array<i32>} : memref<375x128xf32, #tpu.memory_space<vmem>>, vector<16xf32>,
          %parallel_loop3A_380 = arith.index_cast %parallel_loop3A_330 : i32 to index
          %parallel_loop3A_381 = arith.constant 112 : index
          %parallel_loop3A_382 = tpu.vector_load %arg8[%parallel_loop3A_380, %parallel_loop3A_381] {strides = array<i32>} : memref<375x128xf32, #tpu.memory_space<vmem>>, vector<16xf32>,
          %parallel_loop3A_383 = arith.mulf %parallel_loop3A_382, %parallel_loop3A_328 : vector<16xf32>
          %parallel_loop3A_384 = arith.index_cast %parallel_loop3A_330 : i32 to index
          %parallel_loop3A_385 = arith.constant 112 : index
          %parallel_loop3A_386 = tpu.vector_load %arg8[%parallel_loop3A_384, %parallel_loop3A_385] {strides = array<i32>} : memref<375x128xf32, #tpu.memory_space<vmem>>, vector<16xf32>,
          tpu.vector_store %arg8[%parallel_loop3A_384, %parallel_loop3A_385], %parallel_loop3A_383 {strides = array<i32>} : memref<375x128xf32, #tpu.memory_space<vmem>>, vector<16xf32>,
        } {sc.loop_unroll_factor = 5 : i64, sc.parallel_access}
        %get3A = arith.constant 7 : i32
        %get3A_248 = arith.index_cast %get3A : i32 to index
        %get3A_249 = arith.constant 0 : index
        %get3A_250 = tpu.vector_load %arg7[%get3A_248, %get3A_249] {strides = array<i32>} : memref<9x125xi32, #tpu.memory_space<vmem>>, vector<16xi32>,
        %swap3A = arith.constant 2 : i32
        %swap3A_251 = arith.index_cast %swap3A : i32 to index
        %swap3A_252 = arith.constant 0 : index
        %swap3A_253 = tpu.vector_load %arg9[%swap3A_251, %swap3A_252] {strides = array<i32>} : memref<3x125xi32, #tpu.memory_space<vmem>>, vector<16xi32>,
        tpu.vector_store %arg9[%swap3A_251, %swap3A_252], %get3A_250 {strides = array<i32>} : memref<3x125xi32, #tpu.memory_space<vmem>>, vector<16xi32>,
        %get3A_254 = arith.constant 7 : i32
        %get3A_255 = arith.index_cast %get3A_254 : i32 to index
        %get3A_256 = arith.constant 16 : index
        %get3A_257 = tpu.vector_load %arg7[%get3A_255, %get3A_256] {strides = array<i32>} : memref<9x125xi32, #tpu.memory_space<vmem>>, vector<16xi32>,
        %swap3A_258 = arith.constant 2 : i32
        %swap3A_259 = arith.index_cast %swap3A_258 : i32 to index
        %swap3A_260 = arith.constant 16 : index
        %swap3A_261 = tpu.vector_load %arg9[%swap3A_259, %swap3A_260] {strides = array<i32>} : memref<3x125xi32, #tpu.memory_space<vmem>>, vector<16xi32>,
        tpu.vector_store %arg9[%swap3A_259, %swap3A_260], %get3A_257 {strides = array<i32>} : memref<3x125xi32, #tpu.memory_space<vmem>>, vector<16xi32>,
        %get3A_262 = arith.constant 7 : i32
        %get3A_263 = arith.index_cast %get3A_262 : i32 to index
        %get3A_264 = arith.constant 32 : index
        %get3A_265 = tpu.vector_load %arg7[%get3A_263, %get3A_264] {strides = array<i32>} : memref<9x125xi32, #tpu.memory_space<vmem>>, vector<16xi32>,
        %swap3A_266 = arith.constant 2 : i32
        %swap3A_267 = arith.index_cast %swap3A_266 : i32 to index
        %swap3A_268 = arith.constant 32 : index
        %swap3A_269 = tpu.vector_load %arg9[%swap3A_267, %swap3A_268] {strides = array<i32>} : memref<3x125xi32, #tpu.memory_space<vmem>>, vector<16xi32>,
        tpu.vector_store %arg9[%swap3A_267, %swap3A_268], %get3A_265 {strides = array<i32>} : memref<3x125xi32, #tpu.memory_space<vmem>>, vector<16xi32>,
        %get3A_270 = arith.constant 7 : i32
        %get3A_271 = arith.index_cast %get3A_270 : i32 to index
        %get3A_272 = arith.constant 48 : index
        %get3A_273 = tpu.vector_load %arg7[%get3A_271, %get3A_272] {strides = array<i32>} : memref<9x125xi32, #tpu.memory_space<vmem>>, vector<16xi32>,
        %swap3A_274 = arith.constant 2 : i32
        %swap3A_275 = arith.index_cast %swap3A_274 : i32 to index
        %swap3A_276 = arith.constant 48 : index
        %swap3A_277 = tpu.vector_load %arg9[%swap3A_275, %swap3A_276] {strides = array<i32>} : memref<3x125xi32, #tpu.memory_space<vmem>>, vector<16xi32>,
        tpu.vector_store %arg9[%swap3A_275, %swap3A_276], %get3A_273 {strides = array<i32>} : memref<3x125xi32, #tpu.memory_space<vmem>>, vector<16xi32>,
        %get3A_278 = arith.constant 7 : i32
        %get3A_279 = arith.index_cast %get3A_278 : i32 to index
        %get3A_280 = arith.constant 64 : index
        %get3A_281 = tpu.vector_load %arg7[%get3A_279, %get3A_280] {strides = array<i32>} : memref<9x125xi32, #tpu.memory_space<vmem>>, vector<16xi32>,
        %swap3A_282 = arith.constant 2 : i32
        %swap3A_283 = arith.index_cast %swap3A_282 : i32 to index
        %swap3A_284 = arith.constant 64 : index
        %swap3A_285 = tpu.vector_load %arg9[%swap3A_283, %swap3A_284] {strides = array<i32>} : memref<3x125xi32, #tpu.memory_space<vmem>>, vector<16xi32>,
        tpu.vector_store %arg9[%swap3A_283, %swap3A_284], %get3A_281 {strides = array<i32>} : memref<3x125xi32, #tpu.memory_space<vmem>>, vector<16xi32>,
        %get3A_286 = arith.constant 7 : i32
        %get3A_287 = arith.index_cast %get3A_286 : i32 to index
        %get3A_288 = arith.constant 80 : index
        %get3A_289 = tpu.vector_load %arg7[%get3A_287, %get3A_288] {strides = array<i32>} : memref<9x125xi32, #tpu.memory_space<vmem>>, vector<16xi32>,
        %swap3A_290 = arith.constant 2 : i32
        %swap3A_291 = arith.index_cast %swap3A_290 : i32 to index
        %swap3A_292 = arith.constant 80 : index
        %swap3A_293 = tpu.vector_load %arg9[%swap3A_291, %swap3A_292] {strides = array<i32>} : memref<3x125xi32, #tpu.memory_space<vmem>>, vector<16xi32>,
        tpu.vector_store %arg9[%swap3A_291, %swap3A_292], %get3A_289 {strides = array<i32>} : memref<3x125xi32, #tpu.memory_space<vmem>>, vector<16xi32>,
        %get3A_294 = arith.constant 7 : i32
        %get3A_295 = arith.index_cast %get3A_294 : i32 to index
        %get3A_296 = arith.constant 96 : index
        %get3A_297 = tpu.vector_load %arg7[%get3A_295, %get3A_296] {strides = array<i32>} : memref<9x125xi32, #tpu.memory_space<vmem>>, vector<16xi32>,
        %swap3A_298 = arith.constant 2 : i32
        %swap3A_299 = arith.index_cast %swap3A_298 : i32 to index
        %swap3A_300 = arith.constant 96 : index
        %swap3A_301 = tpu.vector_load %arg9[%swap3A_299, %swap3A_300] {strides = array<i32>} : memref<3x125xi32, #tpu.memory_space<vmem>>, vector<16xi32>,
        tpu.vector_store %arg9[%swap3A_299, %swap3A_300], %get3A_297 {strides = array<i32>} : memref<3x125xi32, #tpu.memory_space<vmem>>, vector<16xi32>,
        %get3A_302 = arith.constant 7 : i32
        %get3A_303 = arith.index_cast %get3A_302 : i32 to index
        %get3A_304 = arith.constant 109 : index
        %get3A_305 = tpu.vector_load %arg7[%get3A_303, %get3A_304] {strides = array<i32>} : memref<9x125xi32, #tpu.memory_space<vmem>>, vector<16xi32>,
        %swap3A_306 = arith.constant 2 : i32
        %swap3A_307 = arith.index_cast %swap3A_306 : i32 to index
        %swap3A_308 = arith.constant 109 : index
        %swap3A_309 = tpu.vector_load %arg9[%swap3A_307, %swap3A_308] {strides = array<i32>} : memref<3x125xi32, #tpu.memory_space<vmem>>, vector<16xi32>,
        tpu.vector_store %arg9[%swap3A_307, %swap3A_308], %get3A_305 {strides = array<i32>} : memref<3x125xi32, #tpu.memory_space<vmem>>, vector<16xi32>,
        %dma_start3A_310 = arith.constant 2 : i32
        %dma_start3A_311 = arith.constant 2 : i32
        %dma_start3A_312 = arith.constant 250 : i32
        %dma_start3A_313 = arith.constant 0 : i32
        %dma_start3A_314 = tpu.memref_slice %arg8[%dma_start3A_312, %dma_start3A_313] : memref<375x128xf32, #tpu.memory_space<vmem>> -> memref<125x128xf32, #tpu.memory_space<vmem>>
        %dma_start3A_315 = arith.constant 0 : i32
        %dma_start3A_316 = tpu.memref_slice %arg9[%dma_start3A_310, %dma_start3A_315] : memref<3x125xi32, #tpu.memory_space<vmem>> -> memref<1x125xi32, #tpu.memory_space<vmem>>
        %dma_start3A_317 = tpu.memref_squeeze %dma_start3A_316 : memref<1x125xi32, #tpu.memory_space<vmem>> -> memref<125xi32, #tpu.memory_space<vmem>>
        %dma_start3A_318 = arith.constant 0 : i32
        %dma_start3A_319 = arith.constant 0 : i32
        %dma_start3A_320 = tpu.memref_slice %arg6[%dma_start3A_318, %dma_start3A_319] : memref<10000x128xf32, #tpu.memory_space<vmem_shared>> -> memref<10000x128xf32, #tpu.memory_space<vmem_shared>>
        %dma_start3A_321 = tpu.memref_slice %arg12[%dma_start3A_311] : memref<3x!tpu.dma_semaphore, #tpu.memory_space<semaphore_mem>> -> memref<1x!tpu.dma_semaphore, #tpu.memory_space<semaphore_mem>>
        %dma_start3A_322 = tpu.memref_squeeze %dma_start3A_321 : memref<1x!tpu.dma_semaphore, #tpu.memory_space<semaphore_mem>> -> memref<!tpu.dma_semaphore, #tpu.memory_space<semaphore_mem>>
        tpu.enqueue_indirect_dma source(%dma_start3A_314 : memref<125x128xf32, #tpu.memory_space<vmem>>) target(%dma_start3A_320 : memref<10000x128xf32, #tpu.memory_space<vmem_shared>>) offsets(%dma_start3A_317 : memref<125xi32, #tpu.memory_space<vmem>>) semaphore(%dma_start3A_322 : memref<!tpu.dma_semaphore, #tpu.memory_space<semaphore_mem>>) {add = true}
      } else {
      }
      %scan3A_232 = arith.constant 0 : i32
      scf.yield %scan3A_232 : i32
    }
    %scan3A_118 = arith.constant 27 : i32
    %dma_wait3A_119 = arith.constant 0 : i32
    %dma_wait3A_120 = arith.constant 0 : i32
    %dma_wait3A_121 = arith.constant 0 : i32
    %dma_wait3A_122 = arith.constant 0 : i32
    %dma_wait3A_123 = tpu.memref_slice %arg8[%dma_wait3A_121, %dma_wait3A_122] : memref<375x128xf32, #tpu.memory_space<vmem>> -> memref<125x128xf32, #tpu.memory_space<vmem>>
    %dma_wait3A_124 = arith.constant 0 : i32
    %dma_wait3A_125 = tpu.memref_slice %arg9[%dma_wait3A_119, %dma_wait3A_124] : memref<3x125xi32, #tpu.memory_space<vmem>> -> memref<1x125xi32, #tpu.memory_space<vmem>>
    %dma_wait3A_126 = tpu.memref_squeeze %dma_wait3A_125 : memref<1x125xi32, #tpu.memory_space<vmem>> -> memref<125xi32, #tpu.memory_space<vmem>>
    %dma_wait3A_127 = arith.constant 0 : i32
    %dma_wait3A_128 = arith.constant 0 : i32
    %dma_wait3A_129 = tpu.memref_slice %arg6[%dma_wait3A_127, %dma_wait3A_128] : memref<10000x128xf32, #tpu.memory_space<vmem_shared>> -> memref<10000x128xf32, #tpu.memory_space<vmem_shared>>
    %dma_wait3A_130 = tpu.memref_slice %arg12[%dma_wait3A_120] : memref<3x!tpu.dma_semaphore, #tpu.memory_space<semaphore_mem>> -> memref<1x!tpu.dma_semaphore, #tpu.memory_space<semaphore_mem>>
    %dma_wait3A_131 = tpu.memref_squeeze %dma_wait3A_130 : memref<1x!tpu.dma_semaphore, #tpu.memory_space<semaphore_mem>> -> memref<!tpu.dma_semaphore, #tpu.memory_space<semaphore_mem>>
    tpu.wait_indirect_dma semaphore(%dma_wait3A_131 : memref<!tpu.dma_semaphore, #tpu.memory_space<semaphore_mem>>) src(%dma_wait3A_123 : memref<125x128xf32, #tpu.memory_space<vmem>>) dst(%dma_wait3A_129 : memref<10000x128xf32, #tpu.memory_space<vmem_shared>>)
    %dma_wait3A_132 = arith.constant 1 : i32
    %dma_wait3A_133 = arith.constant 1 : i32
    %dma_wait3A_134 = arith.constant 125 : i32
    %dma_wait3A_135 = arith.constant 0 : i32
    %dma_wait3A_136 = tpu.memref_slice %arg8[%dma_wait3A_134, %dma_wait3A_135] : memref<375x128xf32, #tpu.memory_space<vmem>> -> memref<125x128xf32, #tpu.memory_space<vmem>>
    %dma_wait3A_137 = arith.constant 0 : i32
    %dma_wait3A_138 = tpu.memref_slice %arg9[%dma_wait3A_132, %dma_wait3A_137] : memref<3x125xi32, #tpu.memory_space<vmem>> -> memref<1x125xi32, #tpu.memory_space<vmem>>
    %dma_wait3A_139 = tpu.memref_squeeze %dma_wait3A_138 : memref<1x125xi32, #tpu.memory_space<vmem>> -> memref<125xi32, #tpu.memory_space<vmem>>
    %dma_wait3A_140 = arith.constant 0 : i32
    %dma_wait3A_141 = arith.constant 0 : i32
    %dma_wait3A_142 = tpu.memref_slice %arg6[%dma_wait3A_140, %dma_wait3A_141] : memref<10000x128xf32, #tpu.memory_space<vmem_shared>> -> memref<10000x128xf32, #tpu.memory_space<vmem_shared>>
    %dma_wait3A_143 = tpu.memref_slice %arg12[%dma_wait3A_133] : memref<3x!tpu.dma_semaphore, #tpu.memory_space<semaphore_mem>> -> memref<1x!tpu.dma_semaphore, #tpu.memory_space<semaphore_mem>>
    %dma_wait3A_144 = tpu.memref_squeeze %dma_wait3A_143 : memref<1x!tpu.dma_semaphore, #tpu.memory_space<semaphore_mem>> -> memref<!tpu.dma_semaphore, #tpu.memory_space<semaphore_mem>>
    tpu.wait_indirect_dma semaphore(%dma_wait3A_144 : memref<!tpu.dma_semaphore, #tpu.memory_space<semaphore_mem>>) src(%dma_wait3A_136 : memref<125x128xf32, #tpu.memory_space<vmem>>) dst(%dma_wait3A_142 : memref<10000x128xf32, #tpu.memory_space<vmem_shared>>)
    %dma_wait3A_145 = arith.constant 2 : i32
    %dma_wait3A_146 = arith.constant 2 : i32
    %dma_wait3A_147 = arith.constant 250 : i32
    %dma_wait3A_148 = arith.constant 0 : i32
    %dma_wait3A_149 = tpu.memref_slice %arg8[%dma_wait3A_147, %dma_wait3A_148] : memref<375x128xf32, #tpu.memory_space<vmem>> -> memref<125x128xf32, #tpu.memory_space<vmem>>
    %dma_wait3A_150 = arith.constant 0 : i32
    %dma_wait3A_151 = tpu.memref_slice %arg9[%dma_wait3A_145, %dma_wait3A_150] : memref<3x125xi32, #tpu.memory_space<vmem>> -> memref<1x125xi32, #tpu.memory_space<vmem>>
    %dma_wait3A_152 = tpu.memref_squeeze %dma_wait3A_151 : memref<1x125xi32, #tpu.memory_space<vmem>> -> memref<125xi32, #tpu.memory_space<vmem>>
    %dma_wait3A_153 = arith.constant 0 : i32
    %dma_wait3A_154 = arith.constant 0 : i32
    %dma_wait3A_155 = tpu.memref_slice %arg6[%dma_wait3A_153, %dma_wait3A_154] : memref<10000x128xf32, #tpu.memory_space<vmem_shared>> -> memref<10000x128xf32, #tpu.memory_space<vmem_shared>>
    %dma_wait3A_156 = tpu.memref_slice %arg12[%dma_wait3A_146] : memref<3x!tpu.dma_semaphore, #tpu.memory_space<semaphore_mem>> -> memref<1x!tpu.dma_semaphore, #tpu.memory_space<semaphore_mem>>
    %dma_wait3A_157 = tpu.memref_squeeze %dma_wait3A_156 : memref<1x!tpu.dma_semaphore, #tpu.memory_space<semaphore_mem>> -> memref<!tpu.dma_semaphore, #tpu.memory_space<semaphore_mem>>
    tpu.wait_indirect_dma semaphore(%dma_wait3A_157 : memref<!tpu.dma_semaphore, #tpu.memory_space<semaphore_mem>>) src(%dma_wait3A_149 : memref<125x128xf32, #tpu.memory_space<vmem>>) dst(%dma_wait3A_155 : memref<10000x128xf32, #tpu.memory_space<vmem_shared>>)
    %barrier3A_158 = arith.constant 0 : index
    tpu.barrier barrier_id(%barrier3A_158)
    %mul3A_159 = arith.constant 624 : i32
    %mul3A_160 = arith.muli %arg1, %mul3A_159 : i32
    "tpu.region"() ({
      %run_scoped3A = tpu.sem_alloc : memref<!tpu.dma_semaphore, #tpu.memory_space<semaphore_mem>>
      %dma_start3A_166 = arith.constant 0 : i32
      %dma_start3A_167 = arith.constant 0 : i32
      %dma_start3A_168 = tpu.memref_slice %arg5[%arg0, %dma_start3A_166, %dma_start3A_167] : memref<2x10000x128xf32, #tpu.memory_space<hbm>> -> memref<1x10000x128xf32, #tpu.memory_space<hbm>>
      %dma_start3A_169 = tpu.memref_squeeze %dma_start3A_168 : memref<1x10000x128xf32, #tpu.memory_space<hbm>> -> memref<10000x128xf32, #tpu.memory_space<hbm>>
      %dma_start3A_170 = arith.constant 0 : i32
      %dma_start3A_171 = tpu.memref_slice %dma_start3A_169[%mul3A_160, %dma_start3A_170] : memref<10000x128xf32, #tpu.memory_space<hbm>> -> memref<624x128xf32, #tpu.memory_space<hbm>>
      %dma_start3A_172 = arith.constant 0 : i32
      %dma_start3A_173 = tpu.memref_slice %arg6[%mul3A_160, %dma_start3A_172] : memref<10000x128xf32, #tpu.memory_space<vmem_shared>> -> memref<624x128xf32, #tpu.memory_space<vmem_shared>>
      tpu.enqueue_dma source(%dma_start3A_173 : memref<624x128xf32, #tpu.memory_space<vmem_shared>>) target(%dma_start3A_171 : memref<624x128xf32, #tpu.memory_space<hbm>>) target_semaphore(%run_scoped3A : memref<!tpu.dma_semaphore, #tpu.memory_space<semaphore_mem>>)
      %dma_wait3A_174 = arith.constant 0 : i32
      %dma_wait3A_175 = arith.constant 0 : i32
      %dma_wait3A_176 = tpu.memref_slice %arg5[%arg0, %dma_wait3A_174, %dma_wait3A_175] : memref<2x10000x128xf32, #tpu.memory_space<hbm>> -> memref<1x10000x128xf32, #tpu.memory_space<hbm>>
      %dma_wait3A_177 = tpu.memref_squeeze %dma_wait3A_176 : memref<1x10000x128xf32, #tpu.memory_space<hbm>> -> memref<10000x128xf32, #tpu.memory_space<hbm>>
      %dma_wait3A_178 = arith.constant 0 : i32
      %dma_wait3A_179 = tpu.memref_slice %dma_wait3A_177[%mul3A_160, %dma_wait3A_178] : memref<10000x128xf32, #tpu.memory_space<hbm>> -> memref<624x128xf32, #tpu.memory_space<hbm>>
      %dma_wait3A_180 = arith.constant 0 : i32
      %dma_wait3A_181 = tpu.memref_slice %arg6[%mul3A_160, %dma_wait3A_180] : memref<10000x128xf32, #tpu.memory_space<vmem_shared>> -> memref<624x128xf32, #tpu.memory_space<vmem_shared>>
      tpu.wait_dma2 semaphore(%run_scoped3A : memref<!tpu.dma_semaphore, #tpu.memory_space<semaphore_mem>>) src(%dma_wait3A_181 : memref<624x128xf32, #tpu.memory_space<vmem_shared>>) dst(%dma_wait3A_179 : memref<624x128xf32, #tpu.memory_space<hbm>>)
      tpu.yield
    }) : () -> ()
    %eq3A_161 = arith.constant 15 : i32
    %eq3A_162 = arith.cmpi eq, %arg1, %eq3A_161 : i32
    %convert_element_type3A_163 = arith.extui %eq3A_162 : i1 to i32
    %cond3A_164 = arith.constant 0 : i32
    %cond3A_165 = arith.cmpi ne, %convert_element_type3A_163, %cond3A_164 : i32
    scf.if %cond3A_165 {
      "tpu.region"() ({
        %run_scoped3A = tpu.sem_alloc : memref<!tpu.dma_semaphore, #tpu.memory_space<semaphore_mem>>
        %dma_start3A_166 = arith.constant 0 : i32
        %dma_start3A_167 = arith.constant 0 : i32
        %dma_start3A_168 = tpu.memref_slice %arg5[%arg0, %dma_start3A_166, %dma_start3A_167] : memref<2x10000x128xf32, #tpu.memory_space<hbm>> -> memref<1x10000x128xf32, #tpu.memory_space<hbm>>
        %dma_start3A_169 = tpu.memref_squeeze %dma_start3A_168 : memref<1x10000x128xf32, #tpu.memory_space<hbm>> -> memref<10000x128xf32, #tpu.memory_space<hbm>>
        %dma_start3A_170 = arith.constant 9984 : i32
        %dma_start3A_171 = arith.constant 0 : i32
        %dma_start3A_172 = tpu.memref_slice %dma_start3A_169[%dma_start3A_170, %dma_start3A_171] : memref<10000x128xf32, #tpu.memory_space<hbm>> -> memref<16x128xf32, #tpu.memory_space<hbm>>
        %dma_start3A_173 = arith.constant 9984 : i32
        %dma_start3A_174 = arith.constant 0 : i32
        %dma_start3A_175 = tpu.memref_slice %arg6[%dma_start3A_173, %dma_start3A_174] : memref<10000x128xf32, #tpu.memory_space<vmem_shared>> -> memref<16x128xf32, #tpu.memory_space<vmem_shared>>
        tpu.enqueue_dma source(%dma_start3A_175 : memref<16x128xf32, #tpu.memory_space<vmem_shared>>) target(%dma_start3A_172 : memref<16x128xf32, #tpu.memory_space<hbm>>) target_semaphore(%run_scoped3A : memref<!tpu.dma_semaphore, #tpu.memory_space<semaphore_mem>>)
        %dma_wait3A_176 = arith.constant 0 : i32
        %dma_wait3A_177 = arith.constant 0 : i32
        %dma_wait3A_178 = tpu.memref_slice %arg5[%arg0, %dma_wait3A_176, %dma_wait3A_177] : memref<2x10000x128xf32, #tpu.memory_space<hbm>> -> memref<1x10000x128xf32, #tpu.memory_space<hbm>>
        %dma_wait3A_179 = tpu.memref_squeeze %dma_wait3A_178 : memref<1x10000x128xf32, #tpu.memory_space<hbm>> -> memref<10000x128xf32, #tpu.memory_space<hbm>>
        %dma_wait3A_180 = arith.constant 9984 : i32
        %dma_wait3A_181 = arith.constant 0 : i32
        %dma_wait3A_182 = tpu.memref_slice %dma_wait3A_179[%dma_wait3A_180, %dma_wait3A_181] : memref<10000x128xf32, #tpu.memory_space<hbm>> -> memref<16x128xf32, #tpu.memory_space<hbm>>
        %dma_wait3A_183 = arith.constant 9984 : i32
        %dma_wait3A_184 = arith.constant 0 : i32
        %dma_wait3A_185 = tpu.memref_slice %arg6[%dma_wait3A_183, %dma_wait3A_184] : memref<10000x128xf32, #tpu.memory_space<vmem_shared>> -> memref<16x128xf32, #tpu.memory_space<vmem_shared>>
        tpu.wait_dma2 semaphore(%run_scoped3A : memref<!tpu.dma_semaphore, #tpu.memory_space<semaphore_mem>>) src(%dma_wait3A_185 : memref<16x128xf32, #tpu.memory_space<vmem_shared>>) dst(%dma_wait3A_182 : memref<16x128xf32, #tpu.memory_space<hbm>>)
        tpu.yield
      }) : () -> ()
    } else {
    }
    return
  }
}

#map = affine_map<(d0, d1) -> (0, 0)>
#map1 = affine_map<(d0, d1) -> (0, 0, 0, 0)>
#map2 = affine_map<(d0, d1) -> (0, 0, 0)>
module attributes {stable_mosaic.version = 14 : i64} {
  func.func @_spmm_body(%arg0: i32, %arg1: i32, %arg2: memref<10000x128xf32, #tpu.memory_space<hbm>>, %arg3: memref<32x80x3x125xi32, #tpu.memory_space<hbm>>, %arg4: memref<10000x128xf32, #tpu.memory_space<hbm>>, %arg5: memref<2x10000x128xf32, #tpu.memory_space<hbm>>, %arg6: memref<10000x128xf32, #tpu.memory_space<vmem_shared>>, %arg7: memref<9x125xi32, #tpu.memory_space<vmem>>, %arg8: memref<375x128xf32, #tpu.memory_space<vmem>>, %arg9: memref<3x125xi32, #tpu.memory_space<vmem>>, %arg10: memref<3x!tpu.dma_semaphore, #tpu.memory_space<semaphore_mem>>, %arg11: memref<3x!tpu.dma_semaphore, #tpu.memory_space<semaphore_mem>>, %arg12: memref<3x!tpu.dma_semaphore, #tpu.memory_space<semaphore_mem>>, %arg13: memref<!tpu.dma_semaphore, #tpu.memory_space<semaphore_mem>>) attributes {dimension_semantics = [#tpu.dimension_semantics<core_parallel>, #tpu.dimension_semantics<subcore_parallel>], iteration_bounds = array<i64: 2, 16>, scalar_prefetch = 0 : i64, scratch_operands = 8 : i64, tpu.core_type = #tpu.core_type<sc_vector_subcore>, window_params = [{transform_indices = #map}, {transform_indices = #map1}, {transform_indices = #map}, {transform_indices = #map2}]} {
    %mul3A = arith.constant 2 : i32
    %mul3A_0 = arith.muli %arg1, %mul3A : i32
    %add3A = arith.addi %mul3A_0, %arg0 : i32
    %mul3A_1 = arith.constant 624 : i32
    %mul3A_2 = arith.muli %arg1, %mul3A_1 : i32
    %dma_start3A = arith.constant 0 : i32
    %dma_start3A_3 = tpu.memref_slice %arg6[%mul3A_2, %dma_start3A] : memref<10000x128xf32, #tpu.memory_space<vmem_shared>> -> memref<624x128xf32, #tpu.memory_space<vmem_shared>>
    %dma_start3A_4 = arith.constant 0 : i32
    %dma_start3A_5 = tpu.memref_slice %arg4[%mul3A_2, %dma_start3A_4] : memref<10000x128xf32, #tpu.memory_space<hbm>> -> memref<624x128xf32, #tpu.memory_space<hbm>>
    tpu.enqueue_dma source(%dma_start3A_5 : memref<624x128xf32, #tpu.memory_space<hbm>>) target(%dma_start3A_3 : memref<624x128xf32, #tpu.memory_space<vmem_shared>>) target_semaphore(%arg13 : memref<!tpu.dma_semaphore, #tpu.memory_space<semaphore_mem>>)
    %eq3A = arith.constant 15 : i32
    %eq3A_6 = arith.cmpi eq, %arg1, %eq3A : i32
    %convert_element_type3A = arith.extui %eq3A_6 : i1 to i32
    %cond3A = arith.constant 0 : i32
    %cond3A_7 = arith.cmpi ne, %convert_element_type3A, %cond3A : i32
    scf.if %cond3A_7 {
      %dma_start3A_166 = arith.constant 9984 : i32
      %dma_start3A_167 = arith.constant 0 : i32
      %dma_start3A_168 = tpu.memref_slice %arg6[%dma_start3A_166, %dma_start3A_167] : memref<10000x128xf32, #tpu.memory_space<vmem_shared>> -> memref<16x128xf32, #tpu.memory_space<vmem_shared>>
      %dma_start3A_169 = arith.constant 9984 : i32
      %dma_start3A_170 = arith.constant 0 : i32
      %dma_start3A_171 = tpu.memref_slice %arg4[%dma_start3A_169, %dma_start3A_170] : memref<10000x128xf32, #tpu.memory_space<hbm>> -> memref<16x128xf32, #tpu.memory_space<hbm>>
      tpu.enqueue_dma source(%dma_start3A_171 : memref<16x128xf32, #tpu.memory_space<hbm>>) target(%dma_start3A_168 : memref<16x128xf32, #tpu.memory_space<vmem_shared>>) target_semaphore(%arg13 : memref<!tpu.dma_semaphore, #tpu.memory_space<semaphore_mem>>)
    } else {
    }
    %dma_start3A_8 = arith.constant 0 : i32
    %dma_start3A_9 = arith.constant 0 : i32
    %dma_start3A_10 = arith.constant 0 : i32
    %dma_start3A_11 = arith.constant 0 : i32
    %dma_start3A_12 = tpu.memref_slice %arg7[%dma_start3A_10, %dma_start3A_11] : memref<9x125xi32, #tpu.memory_space<vmem>> -> memref<3x125xi32, #tpu.memory_space<vmem>>
    %dma_start3A_13 = arith.constant 0 : i32
    %dma_start3A_14 = arith.constant 0 : i32
    %dma_start3A_15 = arith.constant 0 : i32
    %dma_start3A_16 = tpu.memref_slice %arg3[%add3A, %dma_start3A_13, %dma_start3A_14, %dma_start3A_15] : memref<32x80x3x125xi32, #tpu.memory_space<hbm>> -> memref<1x80x3x125xi32, #tpu.memory_space<hbm>>
    %dma_start3A_17 = tpu.memref_squeeze %dma_start3A_16 : memref<1x80x3x125xi32, #tpu.memory_space<hbm>> -> memref<80x3x125xi32, #tpu.memory_space<hbm>>
    %dma_start3A_18 = arith.constant 0 : i32
    %dma_start3A_19 = arith.constant 0 : i32
    %dma_start3A_20 = tpu.memref_slice %dma_start3A_17[%dma_start3A_8, %dma_start3A_18, %dma_start3A_19] : memref<80x3x125xi32, #tpu.memory_space<hbm>> -> memref<1x3x125xi32, #tpu.memory_space<hbm>>
    %dma_start3A_21 = tpu.memref_squeeze %dma_start3A_20 : memref<1x3x125xi32, #tpu.memory_space<hbm>> -> memref<3x125xi32, #tpu.memory_space<hbm>>
    %dma_start3A_22 = tpu.memref_slice %arg10[%dma_start3A_9] : memref<3x!tpu.dma_semaphore, #tpu.memory_space<semaphore_mem>> -> memref<1x!tpu.dma_semaphore, #tpu.memory_space<semaphore_mem>>
    %dma_start3A_23 = tpu.memref_squeeze %dma_start3A_22 : memref<1x!tpu.dma_semaphore, #tpu.memory_space<semaphore_mem>> -> memref<!tpu.dma_semaphore, #tpu.memory_space<semaphore_mem>>
    %dma_start3A_24 = arith.constant 0 : i32
    %dma_start3A_25 = arith.constant 0 : i32
    %dma_start3A_26 = tpu.memref_slice %arg7[%dma_start3A_24, %dma_start3A_25] : memref<9x125xi32, #tpu.memory_space<vmem>> -> memref<3x125xi32, #tpu.memory_space<vmem>>
    %dma_start3A_27 = arith.constant 0 : i32
    %dma_start3A_28 = arith.constant 0 : i32
    %dma_start3A_29 = arith.constant 0 : i32
    %dma_start3A_30 = tpu.memref_slice %arg3[%add3A, %dma_start3A_27, %dma_start3A_28, %dma_start3A_29] : memref<32x80x3x125xi32, #tpu.memory_space<hbm>> -> memref<1x80x3x125xi32, #tpu.memory_space<hbm>>
    %dma_start3A_31 = tpu.memref_squeeze %dma_start3A_30 : memref<1x80x3x125xi32, #tpu.memory_space<hbm>> -> memref<80x3x125xi32, #tpu.memory_space<hbm>>
    %dma_start3A_32 = arith.constant 0 : i32
    %dma_start3A_33 = arith.constant 0 : i32
    %dma_start3A_34 = tpu.memref_slice %dma_start3A_31[%dma_start3A_8, %dma_start3A_32, %dma_start3A_33] : memref<80x3x125xi32, #tpu.memory_space<hbm>> -> memref<1x3x125xi32, #tpu.memory_space<hbm>>
    %dma_start3A_35 = tpu.memref_squeeze %dma_start3A_34 : memref<1x3x125xi32, #tpu.memory_space<hbm>> -> memref<3x125xi32, #tpu.memory_space<hbm>>
    tpu.enqueue_dma source(%dma_start3A_35 : memref<3x125xi32, #tpu.memory_space<hbm>>) target(%dma_start3A_26 : memref<3x125xi32, #tpu.memory_space<vmem>>) target_semaphore(%dma_start3A_23 : memref<!tpu.dma_semaphore, #tpu.memory_space<semaphore_mem>>)
    %dma_start3A_36 = arith.constant 1 : i32
    %dma_start3A_37 = arith.constant 1 : i32
    %dma_start3A_38 = arith.constant 3 : i32
    %dma_start3A_39 = arith.constant 0 : i32
    %dma_start3A_40 = tpu.memref_slice %arg7[%dma_start3A_38, %dma_start3A_39] : memref<9x125xi32, #tpu.memory_space<vmem>> -> memref<3x125xi32, #tpu.memory_space<vmem>>
    %dma_start3A_41 = arith.constant 0 : i32
    %dma_start3A_42 = arith.constant 0 : i32
    %dma_start3A_43 = arith.constant 0 : i32
    %dma_start3A_44 = tpu.memref_slice %arg3[%add3A, %dma_start3A_41, %dma_start3A_42, %dma_start3A_43] : memref<32x80x3x125xi32, #tpu.memory_space<hbm>> -> memref<1x80x3x125xi32, #tpu.memory_space<hbm>>
    %dma_start3A_45 = tpu.memref_squeeze %dma_start3A_44 : memref<1x80x3x125xi32, #tpu.memory_space<hbm>> -> memref<80x3x125xi32, #tpu.memory_space<hbm>>
    %dma_start3A_46 = arith.constant 0 : i32
    %dma_start3A_47 = arith.constant 0 : i32
    %dma_start3A_48 = tpu.memref_slice %dma_start3A_45[%dma_start3A_36, %dma_start3A_46, %dma_start3A_47] : memref<80x3x125xi32, #tpu.memory_space<hbm>> -> memref<1x3x125xi32, #tpu.memory_space<hbm>>
    %dma_start3A_49 = tpu.memref_squeeze %dma_start3A_48 : memref<1x3x125xi32, #tpu.memory_space<hbm>> -> memref<3x125xi32, #tpu.memory_space<hbm>>
    %dma_start3A_50 = tpu.memref_slice %arg10[%dma_start3A_37] : memref<3x!tpu.dma_semaphore, #tpu.memory_space<semaphore_mem>> -> memref<1x!tpu.dma_semaphore, #tpu.memory_space<semaphore_mem>>
    %dma_start3A_51 = tpu.memref_squeeze %dma_start3A_50 : memref<1x!tpu.dma_semaphore, #tpu.memory_space<semaphore_mem>> -> memref<!tpu.dma_semaphore, #tpu.memory_space<semaphore_mem>>
    %dma_start3A_52 = arith.constant 3 : i32
    %dma_start3A_53 = arith.constant 0 : i32
    %dma_start3A_54 = tpu.memref_slice %arg7[%dma_start3A_52, %dma_start3A_53] : memref<9x125xi32, #tpu.memory_space<vmem>> -> memref<3x125xi32, #tpu.memory_space<vmem>>
    %dma_start3A_55 = arith.constant 0 : i32
    %dma_start3A_56 = arith.constant 0 : i32
    %dma_start3A_57 = arith.constant 0 : i32
    %dma_start3A_58 = tpu.memref_slice %arg3[%add3A, %dma_start3A_55, %dma_start3A_56, %dma_start3A_57] : memref<32x80x3x125xi32, #tpu.memory_space<hbm>> -> memref<1x80x3x125xi32, #tpu.memory_space<hbm>>
    %dma_start3A_59 = tpu.memref_squeeze %dma_start3A_58 : memref<1x80x3x125xi32, #tpu.memory_space<hbm>> -> memref<80x3x125xi32, #tpu.memory_space<hbm>>
    %dma_start3A_60 = arith.constant 0 : i32
    %dma_start3A_61 = arith.constant 0 : i32
    %dma_start3A_62 = tpu.memref_slice %dma_start3A_59[%dma_start3A_36, %dma_start3A_60, %dma_start3A_61] : memref<80x3x125xi32, #tpu.memory_space<hbm>> -> memref<1x3x125xi32, #tpu.memory_space<hbm>>
    %dma_start3A_63 = tpu.memref_squeeze %dma_start3A_62 : memref<1x3x125xi32, #tpu.memory_space<hbm>> -> memref<3x125xi32, #tpu.memory_space<hbm>>
    tpu.enqueue_dma source(%dma_start3A_63 : memref<3x125xi32, #tpu.memory_space<hbm>>) target(%dma_start3A_54 : memref<3x125xi32, #tpu.memory_space<vmem>>) target_semaphore(%dma_start3A_51 : memref<!tpu.dma_semaphore, #tpu.memory_space<semaphore_mem>>)
    %dma_wait3A = arith.constant 0 : i32
    %dma_wait3A_64 = arith.constant 0 : i32
    %dma_wait3A_65 = arith.constant 0 : i32
    %dma_wait3A_66 = arith.constant 0 : i32
    %dma_wait3A_67 = tpu.memref_slice %arg7[%dma_wait3A_65, %dma_wait3A_66] : memref<9x125xi32, #tpu.memory_space<vmem>> -> memref<3x125xi32, #tpu.memory_space<vmem>>
    %dma_wait3A_68 = arith.constant 0 : i32
    %dma_wait3A_69 = arith.constant 0 : i32
    %dma_wait3A_70 = arith.constant 0 : i32
    %dma_wait3A_71 = tpu.memref_slice %arg3[%add3A, %dma_wait3A_68, %dma_wait3A_69, %dma_wait3A_70] : memref<32x80x3x125xi32, #tpu.memory_space<hbm>> -> memref<1x80x3x125xi32, #tpu.memory_space<hbm>>
    %dma_wait3A_72 = tpu.memref_squeeze %dma_wait3A_71 : memref<1x80x3x125xi32, #tpu.memory_space<hbm>> -> memref<80x3x125xi32, #tpu.memory_space<hbm>>
    %dma_wait3A_73 = arith.constant 0 : i32
    %dma_wait3A_74 = arith.constant 0 : i32
    %dma_wait3A_75 = tpu.memref_slice %dma_wait3A_72[%dma_wait3A, %dma_wait3A_73, %dma_wait3A_74] : memref<80x3x125xi32, #tpu.memory_space<hbm>> -> memref<1x3x125xi32, #tpu.memory_space<hbm>>
    %dma_wait3A_76 = tpu.memref_squeeze %dma_wait3A_75 : memref<1x3x125xi32, #tpu.memory_space<hbm>> -> memref<3x125xi32, #tpu.memory_space<hbm>>
    %dma_wait3A_77 = tpu.memref_slice %arg10[%dma_wait3A_64] : memref<3x!tpu.dma_semaphore, #tpu.memory_space<semaphore_mem>> -> memref<1x!tpu.dma_semaphore, #tpu.memory_space<semaphore_mem>>
    %dma_wait3A_78 = tpu.memref_squeeze %dma_wait3A_77 : memref<1x!tpu.dma_semaphore, #tpu.memory_space<semaphore_mem>> -> memref<!tpu.dma_semaphore, #tpu.memory_space<semaphore_mem>>
    %dma_wait3A_79 = arith.constant 0 : i32
    %dma_wait3A_80 = arith.constant 0 : i32
    %dma_wait3A_81 = tpu.memref_slice %arg7[%dma_wait3A_79, %dma_wait3A_80] : memref<9x125xi32, #tpu.memory_space<vmem>> -> memref<3x125xi32, #tpu.memory_space<vmem>>
    %dma_wait3A_82 = arith.constant 0 : i32
    %dma_wait3A_83 = arith.constant 0 : i32
    %dma_wait3A_84 = arith.constant 0 : i32
    %dma_wait3A_85 = tpu.memref_slice %arg3[%add3A, %dma_wait3A_82, %dma_wait3A_83, %dma_wait3A_84] : memref<32x80x3x125xi32, #tpu.memory_space<hbm>> -> memref<1x80x3x125xi32, #tpu.memory_space<hbm>>
    %dma_wait3A_86 = tpu.memref_squeeze %dma_wait3A_85 : memref<1x80x3x125xi32, #tpu.memory_space<hbm>> -> memref<80x3x125xi32, #tpu.memory_space<hbm>>
    %dma_wait3A_87 = arith.constant 0 : i32
    %dma_wait3A_88 = arith.constant 0 : i32
    %dma_wait3A_89 = tpu.memref_slice %dma_wait3A_86[%dma_wait3A, %dma_wait3A_87, %dma_wait3A_88] : memref<80x3x125xi32, #tpu.memory_space<hbm>> -> memref<1x3x125xi32, #tpu.memory_space<hbm>>
    %dma_wait3A_90 = tpu.memref_squeeze %dma_wait3A_89 : memref<1x3x125xi32, #tpu.memory_space<hbm>> -> memref<3x125xi32, #tpu.memory_space<hbm>>
    tpu.wait_dma2 semaphore(%dma_wait3A_78 : memref<!tpu.dma_semaphore, #tpu.memory_space<semaphore_mem>>) src(%dma_wait3A_90 : memref<3x125xi32, #tpu.memory_space<hbm>>) dst(%dma_wait3A_81 : memref<3x125xi32, #tpu.memory_space<vmem>>)
    %dma_start3A_91 = arith.constant 0 : i32
    %dma_start3A_92 = arith.constant 0 : i32
    %dma_start3A_93 = arith.constant 0 : i32
    %dma_start3A_94 = arith.constant 0 : i32
    %dma_start3A_95 = tpu.memref_slice %arg8[%dma_start3A_93, %dma_start3A_94] : memref<375x128xf32, #tpu.memory_space<vmem>> -> memref<125x128xf32, #tpu.memory_space<vmem>>
    %dma_start3A_96 = arith.constant 0 : i32
    %dma_start3A_97 = tpu.memref_slice %arg7[%dma_start3A_91, %dma_start3A_96] : memref<9x125xi32, #tpu.memory_space<vmem>> -> memref<1x125xi32, #tpu.memory_space<vmem>>
    %dma_start3A_98 = tpu.memref_squeeze %dma_start3A_97 : memref<1x125xi32, #tpu.memory_space<vmem>> -> memref<125xi32, #tpu.memory_space<vmem>>
    %dma_start3A_99 = arith.constant 0 : i32
    %dma_start3A_100 = arith.constant 0 : i32
    %dma_start3A_101 = tpu.memref_slice %arg2[%dma_start3A_99, %dma_start3A_100] : memref<10000x128xf32, #tpu.memory_space<hbm>> -> memref<10000x128xf32, #tpu.memory_space<hbm>>
    %dma_start3A_102 = tpu.memref_slice %arg11[%dma_start3A_92] : memref<3x!tpu.dma_semaphore, #tpu.memory_space<semaphore_mem>> -> memref<1x!tpu.dma_semaphore, #tpu.memory_space<semaphore_mem>>
    %dma_start3A_103 = tpu.memref_squeeze %dma_start3A_102 : memref<1x!tpu.dma_semaphore, #tpu.memory_space<semaphore_mem>> -> memref<!tpu.dma_semaphore, #tpu.memory_space<semaphore_mem>>
    tpu.enqueue_indirect_dma source(%dma_start3A_101 : memref<10000x128xf32, #tpu.memory_space<hbm>>) target(%dma_start3A_95 : memref<125x128xf32, #tpu.memory_space<vmem>>) offsets(%dma_start3A_98 : memref<125xi32, #tpu.memory_space<vmem>>) semaphore(%dma_start3A_103 : memref<!tpu.dma_semaphore, #tpu.memory_space<semaphore_mem>>)
    %dma_wait3A_104 = arith.constant 0 : i32
    %dma_wait3A_105 = tpu.memref_slice %arg6[%mul3A_2, %dma_wait3A_104] : memref<10000x128xf32, #tpu.memory_space<vmem_shared>> -> memref<624x128xf32, #tpu.memory_space<vmem_shared>>
    %dma_wait3A_106 = arith.constant 0 : i32
    %dma_wait3A_107 = tpu.memref_slice %arg4[%mul3A_2, %dma_wait3A_106] : memref<10000x128xf32, #tpu.memory_space<hbm>> -> memref<624x128xf32, #tpu.memory_space<hbm>>
    tpu.wait_dma2 semaphore(%arg13 : memref<!tpu.dma_semaphore, #tpu.memory_space<semaphore_mem>>) src(%dma_wait3A_107 : memref<624x128xf32, #tpu.memory_space<hbm>>) dst(%dma_wait3A_105 : memref<624x128xf32, #tpu.memory_space<vmem_shared>>)
    %eq3A_108 = arith.constant 15 : i32
    %eq3A_109 = arith.cmpi eq, %arg1, %eq3A_108 : i32
    %convert_element_type3A_110 = arith.extui %eq3A_109 : i1 to i32
    %cond3A_111 = arith.constant 0 : i32
    %cond3A_112 = arith.cmpi ne, %convert_element_type3A_110, %cond3A_111 : i32
    scf.if %cond3A_112 {
      %dma_wait3A_166 = arith.constant 9984 : i32
      %dma_wait3A_167 = arith.constant 0 : i32
      %dma_wait3A_168 = tpu.memref_slice %arg6[%dma_wait3A_166, %dma_wait3A_167] : memref<10000x128xf32, #tpu.memory_space<vmem_shared>> -> memref<16x128xf32, #tpu.memory_space<vmem_shared>>
      %dma_wait3A_169 = arith.constant 9984 : i32
      %dma_wait3A_170 = arith.constant 0 : i32
      %dma_wait3A_171 = tpu.memref_slice %arg4[%dma_wait3A_169, %dma_wait3A_170] : memref<10000x128xf32, #tpu.memory_space<hbm>> -> memref<16x128xf32, #tpu.memory_space<hbm>>
      tpu.wait_dma2 semaphore(%arg13 : memref<!tpu.dma_semaphore, #tpu.memory_space<semaphore_mem>>) src(%dma_wait3A_171 : memref<16x128xf32, #tpu.memory_space<hbm>>) dst(%dma_wait3A_168 : memref<16x128xf32, #tpu.memory_space<vmem_shared>>)
    } else {
    }
    %barrier3A = arith.constant 0 : index
    tpu.barrier barrier_id(%barrier3A)
    %scan3A = arith.constant 0 : i32
    %scan3A_113 = arith.constant 0 : i32
    %scan3A_114 = arith.constant 27 : i32
    %scan3A_115 = arith.addi %scan3A_113, %scan3A_114 : i32
    %scan3A_116 = arith.constant 1 : i32
    %scan3A_117 = scf.for %scan3A_166 = %scan3A_113 to %scan3A_115 step %scan3A_116 iter_args(%scan3A_167 = %scan3A) -> (i32)  : i32 {
      %mul3A_168 = arith.constant 3 : i32
      %mul3A_169 = arith.muli %scan3A_166, %mul3A_168 : i32
      %add3A_170 = arith.constant 0 : i32
      %add3A_171 = arith.addi %mul3A_169, %add3A_170 : i32
      %add3A_172 = arith.constant 2 : i32
      %add3A_173 = arith.addi %add3A_171, %add3A_172 : i32
      %lt3A = arith.constant 80 : i32
      %lt3A_174 = arith.cmpi slt, %add3A_173, %lt3A : i32
      %convert_element_type3A_175 = arith.extui %lt3A_174 : i1 to i32
      %cond3A_176 = arith.constant 0 : i32
      %cond3A_177 = arith.cmpi ne, %convert_element_type3A_175, %cond3A_176 : i32
      scf.if %cond3A_177 {
        %add3A_233 = arith.constant 2 : i32
        %add3A_234 = arith.addi %add3A_171, %add3A_233 : i32
        %dma_start3A_235 = arith.constant 2 : i32
        %dma_start3A_236 = arith.constant 6 : i32
        %dma_start3A_237 = arith.constant 0 : i32
        %dma_start3A_238 = tpu.memref_slice %arg7[%dma_start3A_236, %dma_start3A_237] : memref<9x125xi32, #tpu.memory_space<vmem>> -> memref<3x125xi32, #tpu.memory_space<vmem>>
        %dma_start3A_239 = arith.constant 0 : i32
        %dma_start3A_240 = arith.constant 0 : i32
        %dma_start3A_241 = arith.constant 0 : i32
        %dma_start3A_242 = tpu.memref_slice %arg3[%add3A, %dma_start3A_239, %dma_start3A_240, %dma_start3A_241] : memref<32x80x3x125xi32, #tpu.memory_space<hbm>> -> memref<1x80x3x125xi32, #tpu.memory_space<hbm>>
        %dma_start3A_243 = tpu.memref_squeeze %dma_start3A_242 : memref<1x80x3x125xi32, #tpu.memory_space<hbm>> -> memref<80x3x125xi32, #tpu.memory_space<hbm>>
        %dma_start3A_244 = arith.constant 0 : i32
        %dma_start3A_245 = arith.constant 0 : i32
        %dma_start3A_246 = tpu.memref_slice %dma_start3A_243[%add3A_234, %dma_start3A_244, %dma_start3A_245] : memref<80x3x125xi32, #tpu.memory_space<hbm>> -> memref<1x3x125xi32, #tpu.memory_space<hbm>>
        %dma_start3A_247 = tpu.memref_squeeze %dma_start3A_246 : memref<1x3x125xi32, #tpu.memory_space<hbm>> -> memref<3x125xi32, #tpu.memory_space<hbm>>
        %dma_start3A_248 = tpu.memref_slice %arg10[%dma_start3A_235] : memref<3x!tpu.dma_semaphore, #tpu.memory_space<semaphore_mem>> -> memref<1x!tpu.dma_semaphore, #tpu.memory_space<semaphore_mem>>
        %dma_start3A_249 = tpu.memref_squeeze %dma_start3A_248 : memref<1x!tpu.dma_semaphore, #tpu.memory_space<semaphore_mem>> -> memref<!tpu.dma_semaphore, #tpu.memory_space<semaphore_mem>>
        %dma_start3A_250 = arith.constant 6 : i32
        %dma_start3A_251 = arith.constant 0 : i32
        %dma_start3A_252 = tpu.memref_slice %arg7[%dma_start3A_250, %dma_start3A_251] : memref<9x125xi32, #tpu.memory_space<vmem>> -> memref<3x125xi32, #tpu.memory_space<vmem>>
        %dma_start3A_253 = arith.constant 0 : i32
        %dma_start3A_254 = arith.constant 0 : i32
        %dma_start3A_255 = arith.constant 0 : i32
        %dma_start3A_256 = tpu.memref_slice %arg3[%add3A, %dma_start3A_253, %dma_start3A_254, %dma_start3A_255] : memref<32x80x3x125xi32, #tpu.memory_space<hbm>> -> memref<1x80x3x125xi32, #tpu.memory_space<hbm>>
        %dma_start3A_257 = tpu.memref_squeeze %dma_start3A_256 : memref<1x80x3x125xi32, #tpu.memory_space<hbm>> -> memref<80x3x125xi32, #tpu.memory_space<hbm>>
        %dma_start3A_258 = arith.constant 0 : i32
        %dma_start3A_259 = arith.constant 0 : i32
        %dma_start3A_260 = tpu.memref_slice %dma_start3A_257[%add3A_234, %dma_start3A_258, %dma_start3A_259] : memref<80x3x125xi32, #tpu.memory_space<hbm>> -> memref<1x3x125xi32, #tpu.memory_space<hbm>>
        %dma_start3A_261 = tpu.memref_squeeze %dma_start3A_260 : memref<1x3x125xi32, #tpu.memory_space<hbm>> -> memref<3x125xi32, #tpu.memory_space<hbm>>
        tpu.enqueue_dma source(%dma_start3A_261 : memref<3x125xi32, #tpu.memory_space<hbm>>) target(%dma_start3A_252 : memref<3x125xi32, #tpu.memory_space<vmem>>) target_semaphore(%dma_start3A_249 : memref<!tpu.dma_semaphore, #tpu.memory_space<semaphore_mem>>)
      } else {
      }
      %add3A_178 = arith.constant 1 : i32
      %add3A_179 = arith.addi %add3A_171, %add3A_178 : i32
      %lt3A_180 = arith.constant 80 : i32
      %lt3A_181 = arith.cmpi slt, %add3A_179, %lt3A_180 : i32
      %convert_element_type3A_182 = arith.extui %lt3A_181 : i1 to i32
      %cond3A_183 = arith.constant 0 : i32
      %cond3A_184 = arith.cmpi ne, %convert_element_type3A_182, %cond3A_183 : i32
      scf.if %cond3A_184 {
        %add3A_233 = arith.constant 1 : i32
        %add3A_234 = arith.addi %add3A_171, %add3A_233 : i32
        %ge3A = arith.constant 3 : i32
        %ge3A_235 = arith.cmpi sge, %add3A_234, %ge3A : i32
        %convert_element_type3A_236 = arith.extui %ge3A_235 : i1 to i32
        %cond3A_237 = arith.constant 0 : i32
        %cond3A_238 = arith.cmpi ne, %convert_element_type3A_236, %cond3A_237 : i32
        scf.if %cond3A_238 {
          %dma_wait3A_280 = arith.constant 1 : i32
          %dma_wait3A_281 = arith.constant 1 : i32
          %dma_wait3A_282 = arith.constant 125 : i32
          %dma_wait3A_283 = arith.constant 0 : i32
          %dma_wait3A_284 = tpu.memref_slice %arg8[%dma_wait3A_282, %dma_wait3A_283] : memref<375x128xf32, #tpu.memory_space<vmem>> -> memref<125x128xf32, #tpu.memory_space<vmem>>
          %dma_wait3A_285 = arith.constant 0 : i32
          %dma_wait3A_286 = tpu.memref_slice %arg9[%dma_wait3A_280, %dma_wait3A_285] : memref<3x125xi32, #tpu.memory_space<vmem>> -> memref<1x125xi32, #tpu.memory_space<vmem>>
          %dma_wait3A_287 = tpu.memref_squeeze %dma_wait3A_286 : memref<1x125xi32, #tpu.memory_space<vmem>> -> memref<125xi32, #tpu.memory_space<vmem>>
          %dma_wait3A_288 = arith.constant 0 : i32
          %dma_wait3A_289 = arith.constant 0 : i32
          %dma_wait3A_290 = tpu.memref_slice %arg6[%dma_wait3A_288, %dma_wait3A_289] : memref<10000x128xf32, #tpu.memory_space<vmem_shared>> -> memref<10000x128xf32, #tpu.memory_space<vmem_shared>>
          %dma_wait3A_291 = tpu.memref_slice %arg12[%dma_wait3A_281] : memref<3x!tpu.dma_semaphore, #tpu.memory_space<semaphore_mem>> -> memref<1x!tpu.dma_semaphore, #tpu.memory_space<semaphore_mem>>
          %dma_wait3A_292 = tpu.memref_squeeze %dma_wait3A_291 : memref<1x!tpu.dma_semaphore, #tpu.memory_space<semaphore_mem>> -> memref<!tpu.dma_semaphore, #tpu.memory_space<semaphore_mem>>
          tpu.wait_indirect_dma semaphore(%dma_wait3A_292 : memref<!tpu.dma_semaphore, #tpu.memory_space<semaphore_mem>>) src(%dma_wait3A_284 : memref<125x128xf32, #tpu.memory_space<vmem>>) dst(%dma_wait3A_290 : memref<10000x128xf32, #tpu.memory_space<vmem_shared>>)
        } else {
        }
        %dma_wait3A_239 = arith.constant 0 : i32
        %dma_wait3A_240 = arith.constant 1 : i32
        %dma_wait3A_241 = arith.constant 3 : i32
        %dma_wait3A_242 = arith.constant 0 : i32
        %dma_wait3A_243 = tpu.memref_slice %arg7[%dma_wait3A_241, %dma_wait3A_242] : memref<9x125xi32, #tpu.memory_space<vmem>> -> memref<3x125xi32, #tpu.memory_space<vmem>>
        %dma_wait3A_244 = arith.constant 0 : i32
        %dma_wait3A_245 = arith.constant 0 : i32
        %dma_wait3A_246 = arith.constant 0 : i32
        %dma_wait3A_247 = tpu.memref_slice %arg3[%add3A, %dma_wait3A_244, %dma_wait3A_245, %dma_wait3A_246] : memref<32x80x3x125xi32, #tpu.memory_space<hbm>> -> memref<1x80x3x125xi32, #tpu.memory_space<hbm>>
        %dma_wait3A_248 = tpu.memref_squeeze %dma_wait3A_247 : memref<1x80x3x125xi32, #tpu.memory_space<hbm>> -> memref<80x3x125xi32, #tpu.memory_space<hbm>>
        %dma_wait3A_249 = arith.constant 0 : i32
        %dma_wait3A_250 = arith.constant 0 : i32
        %dma_wait3A_251 = tpu.memref_slice %dma_wait3A_248[%dma_wait3A_239, %dma_wait3A_249, %dma_wait3A_250] : memref<80x3x125xi32, #tpu.memory_space<hbm>> -> memref<1x3x125xi32, #tpu.memory_space<hbm>>
        %dma_wait3A_252 = tpu.memref_squeeze %dma_wait3A_251 : memref<1x3x125xi32, #tpu.memory_space<hbm>> -> memref<3x125xi32, #tpu.memory_space<hbm>>
        %dma_wait3A_253 = tpu.memref_slice %arg10[%dma_wait3A_240] : memref<3x!tpu.dma_semaphore, #tpu.memory_space<semaphore_mem>> -> memref<1x!tpu.dma_semaphore, #tpu.memory_space<semaphore_mem>>
        %dma_wait3A_254 = tpu.memref_squeeze %dma_wait3A_253 : memref<1x!tpu.dma_semaphore, #tpu.memory_space<semaphore_mem>> -> memref<!tpu.dma_semaphore, #tpu.memory_space<semaphore_mem>>
        %dma_wait3A_255 = arith.constant 3 : i32
        %dma_wait3A_256 = arith.constant 0 : i32
        %dma_wait3A_257 = tpu.memref_slice %arg7[%dma_wait3A_255, %dma_wait3A_256] : memref<9x125xi32, #tpu.memory_space<vmem>> -> memref<3x125xi32, #tpu.memory_space<vmem>>
        %dma_wait3A_258 = arith.constant 0 : i32
        %dma_wait3A_259 = arith.constant 0 : i32
        %dma_wait3A_260 = arith.constant 0 : i32
        %dma_wait3A_261 = tpu.memref_slice %arg3[%add3A, %dma_wait3A_258, %dma_wait3A_259, %dma_wait3A_260] : memref<32x80x3x125xi32, #tpu.memory_space<hbm>> -> memref<1x80x3x125xi32, #tpu.memory_space<hbm>>
        %dma_wait3A_262 = tpu.memref_squeeze %dma_wait3A_261 : memref<1x80x3x125xi32, #tpu.memory_space<hbm>> -> memref<80x3x125xi32, #tpu.memory_space<hbm>>
        %dma_wait3A_263 = arith.constant 0 : i32
        %dma_wait3A_264 = arith.constant 0 : i32
        %dma_wait3A_265 = tpu.memref_slice %dma_wait3A_262[%dma_wait3A_239, %dma_wait3A_263, %dma_wait3A_264] : memref<80x3x125xi32, #tpu.memory_space<hbm>> -> memref<1x3x125xi32, #tpu.memory_space<hbm>>
        %dma_wait3A_266 = tpu.memref_squeeze %dma_wait3A_265 : memref<1x3x125xi32, #tpu.memory_space<hbm>> -> memref<3x125xi32, #tpu.memory_space<hbm>>
        tpu.wait_dma2 semaphore(%dma_wait3A_254 : memref<!tpu.dma_semaphore, #tpu.memory_space<semaphore_mem>>) src(%dma_wait3A_266 : memref<3x125xi32, #tpu.memory_space<hbm>>) dst(%dma_wait3A_257 : memref<3x125xi32, #tpu.memory_space<vmem>>)
        %dma_start3A_267 = arith.constant 3 : i32
        %dma_start3A_268 = arith.constant 1 : i32
        %dma_start3A_269 = arith.constant 125 : i32
        %dma_start3A_270 = arith.constant 0 : i32
        %dma_start3A_271 = tpu.memref_slice %arg8[%dma_start3A_269, %dma_start3A_270] : memref<375x128xf32, #tpu.memory_space<vmem>> -> memref<125x128xf32, #tpu.memory_space<vmem>>
        %dma_start3A_272 = arith.constant 0 : i32
        %dma_start3A_273 = tpu.memref_slice %arg7[%dma_start3A_267, %dma_start3A_272] : memref<9x125xi32, #tpu.memory_space<vmem>> -> memref<1x125xi32, #tpu.memory_space<vmem>>
        %dma_start3A_274 = tpu.memref_squeeze %dma_start3A_273 : memref<1x125xi32, #tpu.memory_space<vmem>> -> memref<125xi32, #tpu.memory_space<vmem>>
        %dma_start3A_275 = arith.constant 0 : i32
        %dma_start3A_276 = arith.constant 0 : i32
        %dma_start3A_277 = tpu.memref_slice %arg2[%dma_start3A_275, %dma_start3A_276] : memref<10000x128xf32, #tpu.memory_space<hbm>> -> memref<10000x128xf32, #tpu.memory_space<hbm>>
        %dma_start3A_278 = tpu.memref_slice %arg11[%dma_start3A_268] : memref<3x!tpu.dma_semaphore, #tpu.memory_space<semaphore_mem>> -> memref<1x!tpu.dma_semaphore, #tpu.memory_space<semaphore_mem>>
        %dma_start3A_279 = tpu.memref_squeeze %dma_start3A_278 : memref<1x!tpu.dma_semaphore, #tpu.memory_space<semaphore_mem>> -> memref<!tpu.dma_semaphore, #tpu.memory_space<semaphore_mem>>
        tpu.enqueue_indirect_dma source(%dma_start3A_277 : memref<10000x128xf32, #tpu.memory_space<hbm>>) target(%dma_start3A_271 : memref<125x128xf32, #tpu.memory_space<vmem>>) offsets(%dma_start3A_274 : memref<125xi32, #tpu.memory_space<vmem>>) semaphore(%dma_start3A_279 : memref<!tpu.dma_semaphore, #tpu.memory_space<semaphore_mem>>)
      } else {
      }
      %lt3A_185 = arith.constant 80 : i32
      %lt3A_186 = arith.cmpi slt, %add3A_171, %lt3A_185 : i32
      %convert_element_type3A_187 = arith.extui %lt3A_186 : i1 to i32
      %cond3A_188 = arith.constant 0 : i32
      %cond3A_189 = arith.cmpi ne, %convert_element_type3A_187, %cond3A_188 : i32
      scf.if %cond3A_189 {
        %dma_wait3A_233 = arith.constant 0 : i32
        %dma_wait3A_234 = arith.constant 0 : i32
        %dma_wait3A_235 = arith.constant 0 : i32
        %dma_wait3A_236 = arith.constant 0 : i32
        %dma_wait3A_237 = tpu.memref_slice %arg8[%dma_wait3A_235, %dma_wait3A_236] : memref<375x128xf32, #tpu.memory_space<vmem>> -> memref<125x128xf32, #tpu.memory_space<vmem>>
        %dma_wait3A_238 = arith.constant 0 : i32
        %dma_wait3A_239 = tpu.memref_slice %arg7[%dma_wait3A_233, %dma_wait3A_238] : memref<9x125xi32, #tpu.memory_space<vmem>> -> memref<1x125xi32, #tpu.memory_space<vmem>>
        %dma_wait3A_240 = tpu.memref_squeeze %dma_wait3A_239 : memref<1x125xi32, #tpu.memory_space<vmem>> -> memref<125xi32, #tpu.memory_space<vmem>>
        %dma_wait3A_241 = arith.constant 0 : i32
        %dma_wait3A_242 = arith.constant 0 : i32
        %dma_wait3A_243 = tpu.memref_slice %arg2[%dma_wait3A_241, %dma_wait3A_242] : memref<10000x128xf32, #tpu.memory_space<hbm>> -> memref<10000x128xf32, #tpu.memory_space<hbm>>
        %dma_wait3A_244 = tpu.memref_slice %arg11[%dma_wait3A_234] : memref<3x!tpu.dma_semaphore, #tpu.memory_space<semaphore_mem>> -> memref<1x!tpu.dma_semaphore, #tpu.memory_space<semaphore_mem>>
        %dma_wait3A_245 = tpu.memref_squeeze %dma_wait3A_244 : memref<1x!tpu.dma_semaphore, #tpu.memory_space<semaphore_mem>> -> memref<!tpu.dma_semaphore, #tpu.memory_space<semaphore_mem>>
        tpu.wait_indirect_dma semaphore(%dma_wait3A_245 : memref<!tpu.dma_semaphore, #tpu.memory_space<semaphore_mem>>) src(%dma_wait3A_243 : memref<10000x128xf32, #tpu.memory_space<hbm>>) dst(%dma_wait3A_237 : memref<125x128xf32, #tpu.memory_space<vmem>>)
        %parallel_loop3A = arith.constant 0 : i32
        %parallel_loop3A_246 = arith.constant 125 : i32
        %parallel_loop3A_247 = arith.constant 1 : i32
        scf.for %parallel_loop3A_323 = %parallel_loop3A to %parallel_loop3A_246 step %parallel_loop3A_247  : i32 {
          %parallel_loop3A_324 = arith.constant 2 : i32
          %parallel_loop3A_325 = vector.broadcast %parallel_loop3A_324 : i32 to vector<16xi32>
          %parallel_loop3A_326 = vector.broadcast %parallel_loop3A_323 : i32 to vector<16xi32>
          %parallel_loop3A_327 = tpu.vector_load_idx %arg7[%parallel_loop3A_325, %parallel_loop3A_326] : memref<9x125xi32, #tpu.memory_space<vmem>>[vector<16xi32>, vector<16xi32>], vector<16xi32>,
          %parallel_loop3A_328 = vector.bitcast %parallel_loop3A_327 : vector<16xi32> to vector<16xf32>
          %parallel_loop3A_329 = arith.constant 0 : i32
          %parallel_loop3A_330 = arith.addi %parallel_loop3A_329, %parallel_loop3A_323 : i32
          %parallel_loop3A_331 = arith.index_cast %parallel_loop3A_330 : i32 to index
          %parallel_loop3A_332 = arith.constant 0 : index
          %parallel_loop3A_333 = tpu.vector_load %arg8[%parallel_loop3A_331, %parallel_loop3A_332] {strides = array<i32>} : memref<375x128xf32, #tpu.memory_space<vmem>>, vector<16xf32>,
          %parallel_loop3A_334 = arith.mulf %parallel_loop3A_333, %parallel_loop3A_328 : vector<16xf32>
          %parallel_loop3A_335 = arith.index_cast %parallel_loop3A_330 : i32 to index
          %parallel_loop3A_336 = arith.constant 0 : index
          %parallel_loop3A_337 = tpu.vector_load %arg8[%parallel_loop3A_335, %parallel_loop3A_336] {strides = array<i32>} : memref<375x128xf32, #tpu.memory_space<vmem>>, vector<16xf32>,
          tpu.vector_store %arg8[%parallel_loop3A_335, %parallel_loop3A_336], %parallel_loop3A_334 {strides = array<i32>} : memref<375x128xf32, #tpu.memory_space<vmem>>, vector<16xf32>,
          %parallel_loop3A_338 = arith.index_cast %parallel_loop3A_330 : i32 to index
          %parallel_loop3A_339 = arith.constant 16 : index
          %parallel_loop3A_340 = tpu.vector_load %arg8[%parallel_loop3A_338, %parallel_loop3A_339] {strides = array<i32>} : memref<375x128xf32, #tpu.memory_space<vmem>>, vector<16xf32>,
          %parallel_loop3A_341 = arith.mulf %parallel_loop3A_340, %parallel_loop3A_328 : vector<16xf32>
          %parallel_loop3A_342 = arith.index_cast %parallel_loop3A_330 : i32 to index
          %parallel_loop3A_343 = arith.constant 16 : index
          %parallel_loop3A_344 = tpu.vector_load %arg8[%parallel_loop3A_342, %parallel_loop3A_343] {strides = array<i32>} : memref<375x128xf32, #tpu.memory_space<vmem>>, vector<16xf32>,
          tpu.vector_store %arg8[%parallel_loop3A_342, %parallel_loop3A_343], %parallel_loop3A_341 {strides = array<i32>} : memref<375x128xf32, #tpu.memory_space<vmem>>, vector<16xf32>,
          %parallel_loop3A_345 = arith.index_cast %parallel_loop3A_330 : i32 to index
          %parallel_loop3A_346 = arith.constant 32 : index
          %parallel_loop3A_347 = tpu.vector_load %arg8[%parallel_loop3A_345, %parallel_loop3A_346] {strides = array<i32>} : memref<375x128xf32, #tpu.memory_space<vmem>>, vector<16xf32>,
          %parallel_loop3A_348 = arith.mulf %parallel_loop3A_347, %parallel_loop3A_328 : vector<16xf32>
          %parallel_loop3A_349 = arith.index_cast %parallel_loop3A_330 : i32 to index
          %parallel_loop3A_350 = arith.constant 32 : index
          %parallel_loop3A_351 = tpu.vector_load %arg8[%parallel_loop3A_349, %parallel_loop3A_350] {strides = array<i32>} : memref<375x128xf32, #tpu.memory_space<vmem>>, vector<16xf32>,
          tpu.vector_store %arg8[%parallel_loop3A_349, %parallel_loop3A_350], %parallel_loop3A_348 {strides = array<i32>} : memref<375x128xf32, #tpu.memory_space<vmem>>, vector<16xf32>,
          %parallel_loop3A_352 = arith.index_cast %parallel_loop3A_330 : i32 to index
          %parallel_loop3A_353 = arith.constant 48 : index
          %parallel_loop3A_354 = tpu.vector_load %arg8[%parallel_loop3A_352, %parallel_loop3A_353] {strides = array<i32>} : memref<375x128xf32, #tpu.memory_space<vmem>>, vector<16xf32>,
          %parallel_loop3A_355 = arith.mulf %parallel_loop3A_354, %parallel_loop3A_328 : vector<16xf32>
          %parallel_loop3A_356 = arith.index_cast %parallel_loop3A_330 : i32 to index
          %parallel_loop3A_357 = arith.constant 48 : index
          %parallel_loop3A_358 = tpu.vector_load %arg8[%parallel_loop3A_356, %parallel_loop3A_357] {strides = array<i32>} : memref<375x128xf32, #tpu.memory_space<vmem>>, vector<16xf32>,
          tpu.vector_store %arg8[%parallel_loop3A_356, %parallel_loop3A_357], %parallel_loop3A_355 {strides = array<i32>} : memref<375x128xf32, #tpu.memory_space<vmem>>, vector<16xf32>,
          %parallel_loop3A_359 = arith.index_cast %parallel_loop3A_330 : i32 to index
          %parallel_loop3A_360 = arith.constant 64 : index
          %parallel_loop3A_361 = tpu.vector_load %arg8[%parallel_loop3A_359, %parallel_loop3A_360] {strides = array<i32>} : memref<375x128xf32, #tpu.memory_space<vmem>>, vector<16xf32>,
          %parallel_loop3A_362 = arith.mulf %parallel_loop3A_361, %parallel_loop3A_328 : vector<16xf32>
          %parallel_loop3A_363 = arith.index_cast %parallel_loop3A_330 : i32 to index
          %parallel_loop3A_364 = arith.constant 64 : index
          %parallel_loop3A_365 = tpu.vector_load %arg8[%parallel_loop3A_363, %parallel_loop3A_364] {strides = array<i32>} : memref<375x128xf32, #tpu.memory_space<vmem>>, vector<16xf32>,
          tpu.vector_store %arg8[%parallel_loop3A_363, %parallel_loop3A_364], %parallel_loop3A_362 {strides = array<i32>} : memref<375x128xf32, #tpu.memory_space<vmem>>, vector<16xf32>,
          %parallel_loop3A_366 = arith.index_cast %parallel_loop3A_330 : i32 to index
          %parallel_loop3A_367 = arith.constant 80 : index
          %parallel_loop3A_368 = tpu.vector_load %arg8[%parallel_loop3A_366, %parallel_loop3A_367] {strides = array<i32>} : memref<375x128xf32, #tpu.memory_space<vmem>>, vector<16xf32>,
          %parallel_loop3A_369 = arith.mulf %parallel_loop3A_368, %parallel_loop3A_328 : vector<16xf32>
          %parallel_loop3A_370 = arith.index_cast %parallel_loop3A_330 : i32 to index
          %parallel_loop3A_371 = arith.constant 80 : index
          %parallel_loop3A_372 = tpu.vector_load %arg8[%parallel_loop3A_370, %parallel_loop3A_371] {strides = array<i32>} : memref<375x128xf32, #tpu.memory_space<vmem>>, vector<16xf32>,
          tpu.vector_store %arg8[%parallel_loop3A_370, %parallel_loop3A_371], %parallel_loop3A_369 {strides = array<i32>} : memref<375x128xf32, #tpu.memory_space<vmem>>, vector<16xf32>,
          %parallel_loop3A_373 = arith.index_cast %parallel_loop3A_330 : i32 to index
          %parallel_loop3A_374 = arith.constant 96 : index
          %parallel_loop3A_375 = tpu.vector_load %arg8[%parallel_loop3A_373, %parallel_loop3A_374] {strides = array<i32>} : memref<375x128xf32, #tpu.memory_space<vmem>>, vector<16xf32>,
          %parallel_loop3A_376 = arith.mulf %parallel_loop3A_375, %parallel_loop3A_328 : vector<16xf32>
          %parallel_loop3A_377 = arith.index_cast %parallel_loop3A_330 : i32 to index
          %parallel_loop3A_378 = arith.constant 96 : index
          %parallel_loop3A_379 = tpu.vector_load %arg8[%parallel_loop3A_377, %parallel_loop3A_378] {strides = array<i32>} : memref<375x128xf32, #tpu.memory_space<vmem>>, vector<16xf32>,
          tpu.vector_store %arg8[%parallel_loop3A_377, %parallel_loop3A_378], %parallel_loop3A_376 {strides = array<i32>} : memref<375x128xf32, #tpu.memory_space<vmem>>, vector<16xf32>,
          %parallel_loop3A_380 = arith.index_cast %parallel_loop3A_330 : i32 to index
          %parallel_loop3A_381 = arith.constant 112 : index
          %parallel_loop3A_382 = tpu.vector_load %arg8[%parallel_loop3A_380, %parallel_loop3A_381] {strides = array<i32>} : memref<375x128xf32, #tpu.memory_space<vmem>>, vector<16xf32>,
          %parallel_loop3A_383 = arith.mulf %parallel_loop3A_382, %parallel_loop3A_328 : vector<16xf32>
          %parallel_loop3A_384 = arith.index_cast %parallel_loop3A_330 : i32 to index
          %parallel_loop3A_385 = arith.constant 112 : index
          %parallel_loop3A_386 = tpu.vector_load %arg8[%parallel_loop3A_384, %parallel_loop3A_385] {strides = array<i32>} : memref<375x128xf32, #tpu.memory_space<vmem>>, vector<16xf32>,
          tpu.vector_store %arg8[%parallel_loop3A_384, %parallel_loop3A_385], %parallel_loop3A_383 {strides = array<i32>} : memref<375x128xf32, #tpu.memory_space<vmem>>, vector<16xf32>,
        } {sc.loop_unroll_factor = 5 : i64, sc.parallel_access}
        %get3A = arith.constant 1 : i32
        %get3A_248 = arith.index_cast %get3A : i32 to index
        %get3A_249 = arith.constant 0 : index
        %get3A_250 = tpu.vector_load %arg7[%get3A_248, %get3A_249] {strides = array<i32>} : memref<9x125xi32, #tpu.memory_space<vmem>>, vector<16xi32>,
        %swap3A = arith.constant 0 : i32
        %swap3A_251 = arith.index_cast %swap3A : i32 to index
        %swap3A_252 = arith.constant 0 : index
        %swap3A_253 = tpu.vector_load %arg9[%swap3A_251, %swap3A_252] {strides = array<i32>} : memref<3x125xi32, #tpu.memory_space<vmem>>, vector<16xi32>,
        tpu.vector_store %arg9[%swap3A_251, %swap3A_252], %get3A_250 {strides = array<i32>} : memref<3x125xi32, #tpu.memory_space<vmem>>, vector<16xi32>,
        %get3A_254 = arith.constant 1 : i32
        %get3A_255 = arith.index_cast %get3A_254 : i32 to index
        %get3A_256 = arith.constant 16 : index
        %get3A_257 = tpu.vector_load %arg7[%get3A_255, %get3A_256] {strides = array<i32>} : memref<9x125xi32, #tpu.memory_space<vmem>>, vector<16xi32>,
        %swap3A_258 = arith.constant 0 : i32
        %swap3A_259 = arith.index_cast %swap3A_258 : i32 to index
        %swap3A_260 = arith.constant 16 : index
        %swap3A_261 = tpu.vector_load %arg9[%swap3A_259, %swap3A_260] {strides = array<i32>} : memref<3x125xi32, #tpu.memory_space<vmem>>, vector<16xi32>,
        tpu.vector_store %arg9[%swap3A_259, %swap3A_260], %get3A_257 {strides = array<i32>} : memref<3x125xi32, #tpu.memory_space<vmem>>, vector<16xi32>,
        %get3A_262 = arith.constant 1 : i32
        %get3A_263 = arith.index_cast %get3A_262 : i32 to index
        %get3A_264 = arith.constant 32 : index
        %get3A_265 = tpu.vector_load %arg7[%get3A_263, %get3A_264] {strides = array<i32>} : memref<9x125xi32, #tpu.memory_space<vmem>>, vector<16xi32>,
        %swap3A_266 = arith.constant 0 : i32
        %swap3A_267 = arith.index_cast %swap3A_266 : i32 to index
        %swap3A_268 = arith.constant 32 : index
        %swap3A_269 = tpu.vector_load %arg9[%swap3A_267, %swap3A_268] {strides = array<i32>} : memref<3x125xi32, #tpu.memory_space<vmem>>, vector<16xi32>,
        tpu.vector_store %arg9[%swap3A_267, %swap3A_268], %get3A_265 {strides = array<i32>} : memref<3x125xi32, #tpu.memory_space<vmem>>, vector<16xi32>,
        %get3A_270 = arith.constant 1 : i32
        %get3A_271 = arith.index_cast %get3A_270 : i32 to index
        %get3A_272 = arith.constant 48 : index
        %get3A_273 = tpu.vector_load %arg7[%get3A_271, %get3A_272] {strides = array<i32>} : memref<9x125xi32, #tpu.memory_space<vmem>>, vector<16xi32>,
        %swap3A_274 = arith.constant 0 : i32
        %swap3A_275 = arith.index_cast %swap3A_274 : i32 to index
        %swap3A_276 = arith.constant 48 : index
        %swap3A_277 = tpu.vector_load %arg9[%swap3A_275, %swap3A_276] {strides = array<i32>} : memref<3x125xi32, #tpu.memory_space<vmem>>, vector<16xi32>,
        tpu.vector_store %arg9[%swap3A_275, %swap3A_276], %get3A_273 {strides = array<i32>} : memref<3x125xi32, #tpu.memory_space<vmem>>, vector<16xi32>,
        %get3A_278 = arith.constant 1 : i32
        %get3A_279 = arith.index_cast %get3A_278 : i32 to index
        %get3A_280 = arith.constant 64 : index
        %get3A_281 = tpu.vector_load %arg7[%get3A_279, %get3A_280] {strides = array<i32>} : memref<9x125xi32, #tpu.memory_space<vmem>>, vector<16xi32>,
        %swap3A_282 = arith.constant 0 : i32
        %swap3A_283 = arith.index_cast %swap3A_282 : i32 to index
        %swap3A_284 = arith.constant 64 : index
        %swap3A_285 = tpu.vector_load %arg9[%swap3A_283, %swap3A_284] {strides = array<i32>} : memref<3x125xi32, #tpu.memory_space<vmem>>, vector<16xi32>,
        tpu.vector_store %arg9[%swap3A_283, %swap3A_284], %get3A_281 {strides = array<i32>} : memref<3x125xi32, #tpu.memory_space<vmem>>, vector<16xi32>,
        %get3A_286 = arith.constant 1 : i32
        %get3A_287 = arith.index_cast %get3A_286 : i32 to index
        %get3A_288 = arith.constant 80 : index
        %get3A_289 = tpu.vector_load %arg7[%get3A_287, %get3A_288] {strides = array<i32>} : memref<9x125xi32, #tpu.memory_space<vmem>>, vector<16xi32>,
        %swap3A_290 = arith.constant 0 : i32
        %swap3A_291 = arith.index_cast %swap3A_290 : i32 to index
        %swap3A_292 = arith.constant 80 : index
        %swap3A_293 = tpu.vector_load %arg9[%swap3A_291, %swap3A_292] {strides = array<i32>} : memref<3x125xi32, #tpu.memory_space<vmem>>, vector<16xi32>,
        tpu.vector_store %arg9[%swap3A_291, %swap3A_292], %get3A_289 {strides = array<i32>} : memref<3x125xi32, #tpu.memory_space<vmem>>, vector<16xi32>,
        %get3A_294 = arith.constant 1 : i32
        %get3A_295 = arith.index_cast %get3A_294 : i32 to index
        %get3A_296 = arith.constant 96 : index
        %get3A_297 = tpu.vector_load %arg7[%get3A_295, %get3A_296] {strides = array<i32>} : memref<9x125xi32, #tpu.memory_space<vmem>>, vector<16xi32>,
        %swap3A_298 = arith.constant 0 : i32
        %swap3A_299 = arith.index_cast %swap3A_298 : i32 to index
        %swap3A_300 = arith.constant 96 : index
        %swap3A_301 = tpu.vector_load %arg9[%swap3A_299, %swap3A_300] {strides = array<i32>} : memref<3x125xi32, #tpu.memory_space<vmem>>, vector<16xi32>,
        tpu.vector_store %arg9[%swap3A_299, %swap3A_300], %get3A_297 {strides = array<i32>} : memref<3x125xi32, #tpu.memory_space<vmem>>, vector<16xi32>,
        %get3A_302 = arith.constant 1 : i32
        %get3A_303 = arith.index_cast %get3A_302 : i32 to index
        %get3A_304 = arith.constant 109 : index
        %get3A_305 = tpu.vector_load %arg7[%get3A_303, %get3A_304] {strides = array<i32>} : memref<9x125xi32, #tpu.memory_space<vmem>>, vector<16xi32>,
        %swap3A_306 = arith.constant 0 : i32
        %swap3A_307 = arith.index_cast %swap3A_306 : i32 to index
        %swap3A_308 = arith.constant 109 : index
        %swap3A_309 = tpu.vector_load %arg9[%swap3A_307, %swap3A_308] {strides = array<i32>} : memref<3x125xi32, #tpu.memory_space<vmem>>, vector<16xi32>,
        tpu.vector_store %arg9[%swap3A_307, %swap3A_308], %get3A_305 {strides = array<i32>} : memref<3x125xi32, #tpu.memory_space<vmem>>, vector<16xi32>,
        %dma_start3A_310 = arith.constant 0 : i32
        %dma_start3A_311 = arith.constant 0 : i32
        %dma_start3A_312 = arith.constant 0 : i32
        %dma_start3A_313 = arith.constant 0 : i32
        %dma_start3A_314 = tpu.memref_slice %arg8[%dma_start3A_312, %dma_start3A_313] : memref<375x128xf32, #tpu.memory_space<vmem>> -> memref<125x128xf32, #tpu.memory_space<vmem>>
        %dma_start3A_315 = arith.constant 0 : i32
        %dma_start3A_316 = tpu.memref_slice %arg9[%dma_start3A_310, %dma_start3A_315] : memref<3x125xi32, #tpu.memory_space<vmem>> -> memref<1x125xi32, #tpu.memory_space<vmem>>
        %dma_start3A_317 = tpu.memref_squeeze %dma_start3A_316 : memref<1x125xi32, #tpu.memory_space<vmem>> -> memref<125xi32, #tpu.memory_space<vmem>>
        %dma_start3A_318 = arith.constant 0 : i32
        %dma_start3A_319 = arith.constant 0 : i32
        %dma_start3A_320 = tpu.memref_slice %arg6[%dma_start3A_318, %dma_start3A_319] : memref<10000x128xf32, #tpu.memory_space<vmem_shared>> -> memref<10000x128xf32, #tpu.memory_space<vmem_shared>>
        %dma_start3A_321 = tpu.memref_slice %arg12[%dma_start3A_311] : memref<3x!tpu.dma_semaphore, #tpu.memory_space<semaphore_mem>> -> memref<1x!tpu.dma_semaphore, #tpu.memory_space<semaphore_mem>>
        %dma_start3A_322 = tpu.memref_squeeze %dma_start3A_321 : memref<1x!tpu.dma_semaphore, #tpu.memory_space<semaphore_mem>> -> memref<!tpu.dma_semaphore, #tpu.memory_space<semaphore_mem>>
        tpu.enqueue_indirect_dma source(%dma_start3A_314 : memref<125x128xf32, #tpu.memory_space<vmem>>) target(%dma_start3A_320 : memref<10000x128xf32, #tpu.memory_space<vmem_shared>>) offsets(%dma_start3A_317 : memref<125xi32, #tpu.memory_space<vmem>>) semaphore(%dma_start3A_322 : memref<!tpu.dma_semaphore, #tpu.memory_space<semaphore_mem>>) {add = true}
      } else {
      }
      %add3A_190 = arith.constant 1 : i32
      %add3A_191 = arith.addi %mul3A_169, %add3A_190 : i32
      %add3A_192 = arith.constant 2 : i32
      %add3A_193 = arith.addi %add3A_191, %add3A_192 : i32
      %lt3A_194 = arith.constant 80 : i32
      %lt3A_195 = arith.cmpi slt, %add3A_193, %lt3A_194 : i32
      %convert_element_type3A_196 = arith.extui %lt3A_195 : i1 to i32
      %cond3A_197 = arith.constant 0 : i32
      %cond3A_198 = arith.cmpi ne, %convert_element_type3A_196, %cond3A_197 : i32
      scf.if %cond3A_198 {
        %add3A_233 = arith.constant 2 : i32
        %add3A_234 = arith.addi %add3A_191, %add3A_233 : i32
        %dma_start3A_235 = arith.constant 0 : i32
        %dma_start3A_236 = arith.constant 0 : i32
        %dma_start3A_237 = arith.constant 0 : i32
        %dma_start3A_238 = tpu.memref_slice %arg7[%dma_start3A_236, %dma_start3A_237] : memref<9x125xi32, #tpu.memory_space<vmem>> -> memref<3x125xi32, #tpu.memory_space<vmem>>
        %dma_start3A_239 = arith.constant 0 : i32
        %dma_start3A_240 = arith.constant 0 : i32
        %dma_start3A_241 = arith.constant 0 : i32
        %dma_start3A_242 = tpu.memref_slice %arg3[%add3A, %dma_start3A_239, %dma_start3A_240, %dma_start3A_241] : memref<32x80x3x125xi32, #tpu.memory_space<hbm>> -> memref<1x80x3x125xi32, #tpu.memory_space<hbm>>
        %dma_start3A_243 = tpu.memref_squeeze %dma_start3A_242 : memref<1x80x3x125xi32, #tpu.memory_space<hbm>> -> memref<80x3x125xi32, #tpu.memory_space<hbm>>
        %dma_start3A_244 = arith.constant 0 : i32
        %dma_start3A_245 = arith.constant 0 : i32
        %dma_start3A_246 = tpu.memref_slice %dma_start3A_243[%add3A_234, %dma_start3A_244, %dma_start3A_245] : memref<80x3x125xi32, #tpu.memory_space<hbm>> -> memref<1x3x125xi32, #tpu.memory_space<hbm>>
        %dma_start3A_247 = tpu.memref_squeeze %dma_start3A_246 : memref<1x3x125xi32, #tpu.memory_space<hbm>> -> memref<3x125xi32, #tpu.memory_space<hbm>>
        %dma_start3A_248 = tpu.memref_slice %arg10[%dma_start3A_235] : memref<3x!tpu.dma_semaphore, #tpu.memory_space<semaphore_mem>> -> memref<1x!tpu.dma_semaphore, #tpu.memory_space<semaphore_mem>>
        %dma_start3A_249 = tpu.memref_squeeze %dma_start3A_248 : memref<1x!tpu.dma_semaphore, #tpu.memory_space<semaphore_mem>> -> memref<!tpu.dma_semaphore, #tpu.memory_space<semaphore_mem>>
        %dma_start3A_250 = arith.constant 0 : i32
        %dma_start3A_251 = arith.constant 0 : i32
        %dma_start3A_252 = tpu.memref_slice %arg7[%dma_start3A_250, %dma_start3A_251] : memref<9x125xi32, #tpu.memory_space<vmem>> -> memref<3x125xi32, #tpu.memory_space<vmem>>
        %dma_start3A_253 = arith.constant 0 : i32
        %dma_start3A_254 = arith.constant 0 : i32
        %dma_start3A_255 = arith.constant 0 : i32
        %dma_start3A_256 = tpu.memref_slice %arg3[%add3A, %dma_start3A_253, %dma_start3A_254, %dma_start3A_255] : memref<32x80x3x125xi32, #tpu.memory_space<hbm>> -> memref<1x80x3x125xi32, #tpu.memory_space<hbm>>
        %dma_start3A_257 = tpu.memref_squeeze %dma_start3A_256 : memref<1x80x3x125xi32, #tpu.memory_space<hbm>> -> memref<80x3x125xi32, #tpu.memory_space<hbm>>
        %dma_start3A_258 = arith.constant 0 : i32
        %dma_start3A_259 = arith.constant 0 : i32
        %dma_start3A_260 = tpu.memref_slice %dma_start3A_257[%add3A_234, %dma_start3A_258, %dma_start3A_259] : memref<80x3x125xi32, #tpu.memory_space<hbm>> -> memref<1x3x125xi32, #tpu.memory_space<hbm>>
        %dma_start3A_261 = tpu.memref_squeeze %dma_start3A_260 : memref<1x3x125xi32, #tpu.memory_space<hbm>> -> memref<3x125xi32, #tpu.memory_space<hbm>>
        tpu.enqueue_dma source(%dma_start3A_261 : memref<3x125xi32, #tpu.memory_space<hbm>>) target(%dma_start3A_252 : memref<3x125xi32, #tpu.memory_space<vmem>>) target_semaphore(%dma_start3A_249 : memref<!tpu.dma_semaphore, #tpu.memory_space<semaphore_mem>>)
      } else {
      }
      %add3A_199 = arith.constant 1 : i32
      %add3A_200 = arith.addi %add3A_191, %add3A_199 : i32
      %lt3A_201 = arith.constant 80 : i32
      %lt3A_202 = arith.cmpi slt, %add3A_200, %lt3A_201 : i32
      %convert_element_type3A_203 = arith.extui %lt3A_202 : i1 to i32
      %cond3A_204 = arith.constant 0 : i32
      %cond3A_205 = arith.cmpi ne, %convert_element_type3A_203, %cond3A_204 : i32
      scf.if %cond3A_205 {
        %add3A_233 = arith.constant 1 : i32
        %add3A_234 = arith.addi %add3A_191, %add3A_233 : i32
        %ge3A = arith.constant 3 : i32
        %ge3A_235 = arith.cmpi sge, %add3A_234, %ge3A : i32
        %convert_element_type3A_236 = arith.extui %ge3A_235 : i1 to i32
        %cond3A_237 = arith.constant 0 : i32
        %cond3A_238 = arith.cmpi ne, %convert_element_type3A_236, %cond3A_237 : i32
        scf.if %cond3A_238 {
          %dma_wait3A_280 = arith.constant 2 : i32
          %dma_wait3A_281 = arith.constant 2 : i32
          %dma_wait3A_282 = arith.constant 250 : i32
          %dma_wait3A_283 = arith.constant 0 : i32
          %dma_wait3A_284 = tpu.memref_slice %arg8[%dma_wait3A_282, %dma_wait3A_283] : memref<375x128xf32, #tpu.memory_space<vmem>> -> memref<125x128xf32, #tpu.memory_space<vmem>>
          %dma_wait3A_285 = arith.constant 0 : i32
          %dma_wait3A_286 = tpu.memref_slice %arg9[%dma_wait3A_280, %dma_wait3A_285] : memref<3x125xi32, #tpu.memory_space<vmem>> -> memref<1x125xi32, #tpu.memory_space<vmem>>
          %dma_wait3A_287 = tpu.memref_squeeze %dma_wait3A_286 : memref<1x125xi32, #tpu.memory_space<vmem>> -> memref<125xi32, #tpu.memory_space<vmem>>
          %dma_wait3A_288 = arith.constant 0 : i32
          %dma_wait3A_289 = arith.constant 0 : i32
          %dma_wait3A_290 = tpu.memref_slice %arg6[%dma_wait3A_288, %dma_wait3A_289] : memref<10000x128xf32, #tpu.memory_space<vmem_shared>> -> memref<10000x128xf32, #tpu.memory_space<vmem_shared>>
          %dma_wait3A_291 = tpu.memref_slice %arg12[%dma_wait3A_281] : memref<3x!tpu.dma_semaphore, #tpu.memory_space<semaphore_mem>> -> memref<1x!tpu.dma_semaphore, #tpu.memory_space<semaphore_mem>>
          %dma_wait3A_292 = tpu.memref_squeeze %dma_wait3A_291 : memref<1x!tpu.dma_semaphore, #tpu.memory_space<semaphore_mem>> -> memref<!tpu.dma_semaphore, #tpu.memory_space<semaphore_mem>>
          tpu.wait_indirect_dma semaphore(%dma_wait3A_292 : memref<!tpu.dma_semaphore, #tpu.memory_space<semaphore_mem>>) src(%dma_wait3A_284 : memref<125x128xf32, #tpu.memory_space<vmem>>) dst(%dma_wait3A_290 : memref<10000x128xf32, #tpu.memory_space<vmem_shared>>)
        } else {
        }
        %dma_wait3A_239 = arith.constant 0 : i32
        %dma_wait3A_240 = arith.constant 2 : i32
        %dma_wait3A_241 = arith.constant 6 : i32
        %dma_wait3A_242 = arith.constant 0 : i32
        %dma_wait3A_243 = tpu.memref_slice %arg7[%dma_wait3A_241, %dma_wait3A_242] : memref<9x125xi32, #tpu.memory_space<vmem>> -> memref<3x125xi32, #tpu.memory_space<vmem>>
        %dma_wait3A_244 = arith.constant 0 : i32
        %dma_wait3A_245 = arith.constant 0 : i32
        %dma_wait3A_246 = arith.constant 0 : i32
        %dma_wait3A_247 = tpu.memref_slice %arg3[%add3A, %dma_wait3A_244, %dma_wait3A_245, %dma_wait3A_246] : memref<32x80x3x125xi32, #tpu.memory_space<hbm>> -> memref<1x80x3x125xi32, #tpu.memory_space<hbm>>
        %dma_wait3A_248 = tpu.memref_squeeze %dma_wait3A_247 : memref<1x80x3x125xi32, #tpu.memory_space<hbm>> -> memref<80x3x125xi32, #tpu.memory_space<hbm>>
        %dma_wait3A_249 = arith.constant 0 : i32
        %dma_wait3A_250 = arith.constant 0 : i32
        %dma_wait3A_251 = tpu.memref_slice %dma_wait3A_248[%dma_wait3A_239, %dma_wait3A_249, %dma_wait3A_250] : memref<80x3x125xi32, #tpu.memory_space<hbm>> -> memref<1x3x125xi32, #tpu.memory_space<hbm>>
        %dma_wait3A_252 = tpu.memref_squeeze %dma_wait3A_251 : memref<1x3x125xi32, #tpu.memory_space<hbm>> -> memref<3x125xi32, #tpu.memory_space<hbm>>
        %dma_wait3A_253 = tpu.memref_slice %arg10[%dma_wait3A_240] : memref<3x!tpu.dma_semaphore, #tpu.memory_space<semaphore_mem>> -> memref<1x!tpu.dma_semaphore, #tpu.memory_space<semaphore_mem>>
        %dma_wait3A_254 = tpu.memref_squeeze %dma_wait3A_253 : memref<1x!tpu.dma_semaphore, #tpu.memory_space<semaphore_mem>> -> memref<!tpu.dma_semaphore, #tpu.memory_space<semaphore_mem>>
        %dma_wait3A_255 = arith.constant 6 : i32
        %dma_wait3A_256 = arith.constant 0 : i32
        %dma_wait3A_257 = tpu.memref_slice %arg7[%dma_wait3A_255, %dma_wait3A_256] : memref<9x125xi32, #tpu.memory_space<vmem>> -> memref<3x125xi32, #tpu.memory_space<vmem>>
        %dma_wait3A_258 = arith.constant 0 : i32
        %dma_wait3A_259 = arith.constant 0 : i32
        %dma_wait3A_260 = arith.constant 0 : i32
        %dma_wait3A_261 = tpu.memref_slice %arg3[%add3A, %dma_wait3A_258, %dma_wait3A_259, %dma_wait3A_260] : memref<32x80x3x125xi32, #tpu.memory_space<hbm>> -> memref<1x80x3x125xi32, #tpu.memory_space<hbm>>
        %dma_wait3A_262 = tpu.memref_squeeze %dma_wait3A_261 : memref<1x80x3x125xi32, #tpu.memory_space<hbm>> -> memref<80x3x125xi32, #tpu.memory_space<hbm>>
        %dma_wait3A_263 = arith.constant 0 : i32
        %dma_wait3A_264 = arith.constant 0 : i32
        %dma_wait3A_265 = tpu.memref_slice %dma_wait3A_262[%dma_wait3A_239, %dma_wait3A_263, %dma_wait3A_264] : memref<80x3x125xi32, #tpu.memory_space<hbm>> -> memref<1x3x125xi32, #tpu.memory_space<hbm>>
        %dma_wait3A_266 = tpu.memref_squeeze %dma_wait3A_265 : memref<1x3x125xi32, #tpu.memory_space<hbm>> -> memref<3x125xi32, #tpu.memory_space<hbm>>
        tpu.wait_dma2 semaphore(%dma_wait3A_254 : memref<!tpu.dma_semaphore, #tpu.memory_space<semaphore_mem>>) src(%dma_wait3A_266 : memref<3x125xi32, #tpu.memory_space<hbm>>) dst(%dma_wait3A_257 : memref<3x125xi32, #tpu.memory_space<vmem>>)
        %dma_start3A_267 = arith.constant 6 : i32
        %dma_start3A_268 = arith.constant 2 : i32
        %dma_start3A_269 = arith.constant 250 : i32
        %dma_start3A_270 = arith.constant 0 : i32
        %dma_start3A_271 = tpu.memref_slice %arg8[%dma_start3A_269, %dma_start3A_270] : memref<375x128xf32, #tpu.memory_space<vmem>> -> memref<125x128xf32, #tpu.memory_space<vmem>>
        %dma_start3A_272 = arith.constant 0 : i32
        %dma_start3A_273 = tpu.memref_slice %arg7[%dma_start3A_267, %dma_start3A_272] : memref<9x125xi32, #tpu.memory_space<vmem>> -> memref<1x125xi32, #tpu.memory_space<vmem>>
        %dma_start3A_274 = tpu.memref_squeeze %dma_start3A_273 : memref<1x125xi32, #tpu.memory_space<vmem>> -> memref<125xi32, #tpu.memory_space<vmem>>
        %dma_start3A_275 = arith.constant 0 : i32
        %dma_start3A_276 = arith.constant 0 : i32
        %dma_start3A_277 = tpu.memref_slice %arg2[%dma_start3A_275, %dma_start3A_276] : memref<10000x128xf32, #tpu.memory_space<hbm>> -> memref<10000x128xf32, #tpu.memory_space<hbm>>
        %dma_start3A_278 = tpu.memref_slice %arg11[%dma_start3A_268] : memref<3x!tpu.dma_semaphore, #tpu.memory_space<semaphore_mem>> -> memref<1x!tpu.dma_semaphore, #tpu.memory_space<semaphore_mem>>
        %dma_start3A_279 = tpu.memref_squeeze %dma_start3A_278 : memref<1x!tpu.dma_semaphore, #tpu.memory_space<semaphore_mem>> -> memref<!tpu.dma_semaphore, #tpu.memory_space<semaphore_mem>>
        tpu.enqueue_indirect_dma source(%dma_start3A_277 : memref<10000x128xf32, #tpu.memory_space<hbm>>) target(%dma_start3A_271 : memref<125x128xf32, #tpu.memory_space<vmem>>) offsets(%dma_start3A_274 : memref<125xi32, #tpu.memory_space<vmem>>) semaphore(%dma_start3A_279 : memref<!tpu.dma_semaphore, #tpu.memory_space<semaphore_mem>>)
      } else {
      }
      %lt3A_206 = arith.constant 80 : i32
      %lt3A_207 = arith.cmpi slt, %add3A_191, %lt3A_206 : i32
      %convert_element_type3A_208 = arith.extui %lt3A_207 : i1 to i32
      %cond3A_209 = arith.constant 0 : i32
      %cond3A_210 = arith.cmpi ne, %convert_element_type3A_208, %cond3A_209 : i32
      scf.if %cond3A_210 {
        %dma_wait3A_233 = arith.constant 3 : i32
        %dma_wait3A_234 = arith.constant 1 : i32
        %dma_wait3A_235 = arith.constant 125 : i32
        %dma_wait3A_236 = arith.constant 0 : i32
        %dma_wait3A_237 = tpu.memref_slice %arg8[%dma_wait3A_235, %dma_wait3A_236] : memref<375x128xf32, #tpu.memory_space<vmem>> -> memref<125x128xf32, #tpu.memory_space<vmem>>
        %dma_wait3A_238 = arith.constant 0 : i32
        %dma_wait3A_239 = tpu.memref_slice %arg7[%dma_wait3A_233, %dma_wait3A_238] : memref<9x125xi32, #tpu.memory_space<vmem>> -> memref<1x125xi32, #tpu.memory_space<vmem>>
        %dma_wait3A_240 = tpu.memref_squeeze %dma_wait3A_239 : memref<1x125xi32, #tpu.memory_space<vmem>> -> memref<125xi32, #tpu.memory_space<vmem>>
        %dma_wait3A_241 = arith.constant 0 : i32
        %dma_wait3A_242 = arith.constant 0 : i32
        %dma_wait3A_243 = tpu.memref_slice %arg2[%dma_wait3A_241, %dma_wait3A_242] : memref<10000x128xf32, #tpu.memory_space<hbm>> -> memref<10000x128xf32, #tpu.memory_space<hbm>>
        %dma_wait3A_244 = tpu.memref_slice %arg11[%dma_wait3A_234] : memref<3x!tpu.dma_semaphore, #tpu.memory_space<semaphore_mem>> -> memref<1x!tpu.dma_semaphore, #tpu.memory_space<semaphore_mem>>
        %dma_wait3A_245 = tpu.memref_squeeze %dma_wait3A_244 : memref<1x!tpu.dma_semaphore, #tpu.memory_space<semaphore_mem>> -> memref<!tpu.dma_semaphore, #tpu.memory_space<semaphore_mem>>
        tpu.wait_indirect_dma semaphore(%dma_wait3A_245 : memref<!tpu.dma_semaphore, #tpu.memory_space<semaphore_mem>>) src(%dma_wait3A_243 : memref<10000x128xf32, #tpu.memory_space<hbm>>) dst(%dma_wait3A_237 : memref<125x128xf32, #tpu.memory_space<vmem>>)
        %parallel_loop3A = arith.constant 0 : i32
        %parallel_loop3A_246 = arith.constant 125 : i32
        %parallel_loop3A_247 = arith.constant 1 : i32
        scf.for %parallel_loop3A_323 = %parallel_loop3A to %parallel_loop3A_246 step %parallel_loop3A_247  : i32 {
          %parallel_loop3A_324 = arith.constant 5 : i32
          %parallel_loop3A_325 = vector.broadcast %parallel_loop3A_324 : i32 to vector<16xi32>
          %parallel_loop3A_326 = vector.broadcast %parallel_loop3A_323 : i32 to vector<16xi32>
          %parallel_loop3A_327 = tpu.vector_load_idx %arg7[%parallel_loop3A_325, %parallel_loop3A_326] : memref<9x125xi32, #tpu.memory_space<vmem>>[vector<16xi32>, vector<16xi32>], vector<16xi32>,
          %parallel_loop3A_328 = vector.bitcast %parallel_loop3A_327 : vector<16xi32> to vector<16xf32>
          %parallel_loop3A_329 = arith.constant 125 : i32
          %parallel_loop3A_330 = arith.addi %parallel_loop3A_329, %parallel_loop3A_323 : i32
          %parallel_loop3A_331 = arith.index_cast %parallel_loop3A_330 : i32 to index
          %parallel_loop3A_332 = arith.constant 0 : index
          %parallel_loop3A_333 = tpu.vector_load %arg8[%parallel_loop3A_331, %parallel_loop3A_332] {strides = array<i32>} : memref<375x128xf32, #tpu.memory_space<vmem>>, vector<16xf32>,
          %parallel_loop3A_334 = arith.mulf %parallel_loop3A_333, %parallel_loop3A_328 : vector<16xf32>
          %parallel_loop3A_335 = arith.index_cast %parallel_loop3A_330 : i32 to index
          %parallel_loop3A_336 = arith.constant 0 : index
          %parallel_loop3A_337 = tpu.vector_load %arg8[%parallel_loop3A_335, %parallel_loop3A_336] {strides = array<i32>} : memref<375x128xf32, #tpu.memory_space<vmem>>, vector<16xf32>,
          tpu.vector_store %arg8[%parallel_loop3A_335, %parallel_loop3A_336], %parallel_loop3A_334 {strides = array<i32>} : memref<375x128xf32, #tpu.memory_space<vmem>>, vector<16xf32>,
          %parallel_loop3A_338 = arith.index_cast %parallel_loop3A_330 : i32 to index
          %parallel_loop3A_339 = arith.constant 16 : index
          %parallel_loop3A_340 = tpu.vector_load %arg8[%parallel_loop3A_338, %parallel_loop3A_339] {strides = array<i32>} : memref<375x128xf32, #tpu.memory_space<vmem>>, vector<16xf32>,
          %parallel_loop3A_341 = arith.mulf %parallel_loop3A_340, %parallel_loop3A_328 : vector<16xf32>
          %parallel_loop3A_342 = arith.index_cast %parallel_loop3A_330 : i32 to index
          %parallel_loop3A_343 = arith.constant 16 : index
          %parallel_loop3A_344 = tpu.vector_load %arg8[%parallel_loop3A_342, %parallel_loop3A_343] {strides = array<i32>} : memref<375x128xf32, #tpu.memory_space<vmem>>, vector<16xf32>,
          tpu.vector_store %arg8[%parallel_loop3A_342, %parallel_loop3A_343], %parallel_loop3A_341 {strides = array<i32>} : memref<375x128xf32, #tpu.memory_space<vmem>>, vector<16xf32>,
          %parallel_loop3A_345 = arith.index_cast %parallel_loop3A_330 : i32 to index
          %parallel_loop3A_346 = arith.constant 32 : index
          %parallel_loop3A_347 = tpu.vector_load %arg8[%parallel_loop3A_345, %parallel_loop3A_346] {strides = array<i32>} : memref<375x128xf32, #tpu.memory_space<vmem>>, vector<16xf32>,
          %parallel_loop3A_348 = arith.mulf %parallel_loop3A_347, %parallel_loop3A_328 : vector<16xf32>
          %parallel_loop3A_349 = arith.index_cast %parallel_loop3A_330 : i32 to index
          %parallel_loop3A_350 = arith.constant 32 : index
          %parallel_loop3A_351 = tpu.vector_load %arg8[%parallel_loop3A_349, %parallel_loop3A_350] {strides = array<i32>} : memref<375x128xf32, #tpu.memory_space<vmem>>, vector<16xf32>,
          tpu.vector_store %arg8[%parallel_loop3A_349, %parallel_loop3A_350], %parallel_loop3A_348 {strides = array<i32>} : memref<375x128xf32, #tpu.memory_space<vmem>>, vector<16xf32>,
          %parallel_loop3A_352 = arith.index_cast %parallel_loop3A_330 : i32 to index
          %parallel_loop3A_353 = arith.constant 48 : index
          %parallel_loop3A_354 = tpu.vector_load %arg8[%parallel_loop3A_352, %parallel_loop3A_353] {strides = array<i32>} : memref<375x128xf32, #tpu.memory_space<vmem>>, vector<16xf32>,
          %parallel_loop3A_355 = arith.mulf %parallel_loop3A_354, %parallel_loop3A_328 : vector<16xf32>
          %parallel_loop3A_356 = arith.index_cast %parallel_loop3A_330 : i32 to index
          %parallel_loop3A_357 = arith.constant 48 : index
          %parallel_loop3A_358 = tpu.vector_load %arg8[%parallel_loop3A_356, %parallel_loop3A_357] {strides = array<i32>} : memref<375x128xf32, #tpu.memory_space<vmem>>, vector<16xf32>,
          tpu.vector_store %arg8[%parallel_loop3A_356, %parallel_loop3A_357], %parallel_loop3A_355 {strides = array<i32>} : memref<375x128xf32, #tpu.memory_space<vmem>>, vector<16xf32>,
          %parallel_loop3A_359 = arith.index_cast %parallel_loop3A_330 : i32 to index
          %parallel_loop3A_360 = arith.constant 64 : index
          %parallel_loop3A_361 = tpu.vector_load %arg8[%parallel_loop3A_359, %parallel_loop3A_360] {strides = array<i32>} : memref<375x128xf32, #tpu.memory_space<vmem>>, vector<16xf32>,
          %parallel_loop3A_362 = arith.mulf %parallel_loop3A_361, %parallel_loop3A_328 : vector<16xf32>
          %parallel_loop3A_363 = arith.index_cast %parallel_loop3A_330 : i32 to index
          %parallel_loop3A_364 = arith.constant 64 : index
          %parallel_loop3A_365 = tpu.vector_load %arg8[%parallel_loop3A_363, %parallel_loop3A_364] {strides = array<i32>} : memref<375x128xf32, #tpu.memory_space<vmem>>, vector<16xf32>,
          tpu.vector_store %arg8[%parallel_loop3A_363, %parallel_loop3A_364], %parallel_loop3A_362 {strides = array<i32>} : memref<375x128xf32, #tpu.memory_space<vmem>>, vector<16xf32>,
          %parallel_loop3A_366 = arith.index_cast %parallel_loop3A_330 : i32 to index
          %parallel_loop3A_367 = arith.constant 80 : index
          %parallel_loop3A_368 = tpu.vector_load %arg8[%parallel_loop3A_366, %parallel_loop3A_367] {strides = array<i32>} : memref<375x128xf32, #tpu.memory_space<vmem>>, vector<16xf32>,
          %parallel_loop3A_369 = arith.mulf %parallel_loop3A_368, %parallel_loop3A_328 : vector<16xf32>
          %parallel_loop3A_370 = arith.index_cast %parallel_loop3A_330 : i32 to index
          %parallel_loop3A_371 = arith.constant 80 : index
          %parallel_loop3A_372 = tpu.vector_load %arg8[%parallel_loop3A_370, %parallel_loop3A_371] {strides = array<i32>} : memref<375x128xf32, #tpu.memory_space<vmem>>, vector<16xf32>,
          tpu.vector_store %arg8[%parallel_loop3A_370, %parallel_loop3A_371], %parallel_loop3A_369 {strides = array<i32>} : memref<375x128xf32, #tpu.memory_space<vmem>>, vector<16xf32>,
          %parallel_loop3A_373 = arith.index_cast %parallel_loop3A_330 : i32 to index
          %parallel_loop3A_374 = arith.constant 96 : index
          %parallel_loop3A_375 = tpu.vector_load %arg8[%parallel_loop3A_373, %parallel_loop3A_374] {strides = array<i32>} : memref<375x128xf32, #tpu.memory_space<vmem>>, vector<16xf32>,
          %parallel_loop3A_376 = arith.mulf %parallel_loop3A_375, %parallel_loop3A_328 : vector<16xf32>
          %parallel_loop3A_377 = arith.index_cast %parallel_loop3A_330 : i32 to index
          %parallel_loop3A_378 = arith.constant 96 : index
          %parallel_loop3A_379 = tpu.vector_load %arg8[%parallel_loop3A_377, %parallel_loop3A_378] {strides = array<i32>} : memref<375x128xf32, #tpu.memory_space<vmem>>, vector<16xf32>,
          tpu.vector_store %arg8[%parallel_loop3A_377, %parallel_loop3A_378], %parallel_loop3A_376 {strides = array<i32>} : memref<375x128xf32, #tpu.memory_space<vmem>>, vector<16xf32>,
          %parallel_loop3A_380 = arith.index_cast %parallel_loop3A_330 : i32 to index
          %parallel_loop3A_381 = arith.constant 112 : index
          %parallel_loop3A_382 = tpu.vector_load %arg8[%parallel_loop3A_380, %parallel_loop3A_381] {strides = array<i32>} : memref<375x128xf32, #tpu.memory_space<vmem>>, vector<16xf32>,
          %parallel_loop3A_383 = arith.mulf %parallel_loop3A_382, %parallel_loop3A_328 : vector<16xf32>
          %parallel_loop3A_384 = arith.index_cast %parallel_loop3A_330 : i32 to index
          %parallel_loop3A_385 = arith.constant 112 : index
          %parallel_loop3A_386 = tpu.vector_load %arg8[%parallel_loop3A_384, %parallel_loop3A_385] {strides = array<i32>} : memref<375x128xf32, #tpu.memory_space<vmem>>, vector<16xf32>,
          tpu.vector_store %arg8[%parallel_loop3A_384, %parallel_loop3A_385], %parallel_loop3A_383 {strides = array<i32>} : memref<375x128xf32, #tpu.memory_space<vmem>>, vector<16xf32>,
        } {sc.loop_unroll_factor = 5 : i64, sc.parallel_access}
        %get3A = arith.constant 4 : i32
        %get3A_248 = arith.index_cast %get3A : i32 to index
        %get3A_249 = arith.constant 0 : index
        %get3A_250 = tpu.vector_load %arg7[%get3A_248, %get3A_249] {strides = array<i32>} : memref<9x125xi32, #tpu.memory_space<vmem>>, vector<16xi32>,
        %swap3A = arith.constant 1 : i32
        %swap3A_251 = arith.index_cast %swap3A : i32 to index
        %swap3A_252 = arith.constant 0 : index
        %swap3A_253 = tpu.vector_load %arg9[%swap3A_251, %swap3A_252] {strides = array<i32>} : memref<3x125xi32, #tpu.memory_space<vmem>>, vector<16xi32>,
        tpu.vector_store %arg9[%swap3A_251, %swap3A_252], %get3A_250 {strides = array<i32>} : memref<3x125xi32, #tpu.memory_space<vmem>>, vector<16xi32>,
        %get3A_254 = arith.constant 4 : i32
        %get3A_255 = arith.index_cast %get3A_254 : i32 to index
        %get3A_256 = arith.constant 16 : index
        %get3A_257 = tpu.vector_load %arg7[%get3A_255, %get3A_256] {strides = array<i32>} : memref<9x125xi32, #tpu.memory_space<vmem>>, vector<16xi32>,
        %swap3A_258 = arith.constant 1 : i32
        %swap3A_259 = arith.index_cast %swap3A_258 : i32 to index
        %swap3A_260 = arith.constant 16 : index
        %swap3A_261 = tpu.vector_load %arg9[%swap3A_259, %swap3A_260] {strides = array<i32>} : memref<3x125xi32, #tpu.memory_space<vmem>>, vector<16xi32>,
        tpu.vector_store %arg9[%swap3A_259, %swap3A_260], %get3A_257 {strides = array<i32>} : memref<3x125xi32, #tpu.memory_space<vmem>>, vector<16xi32>,
        %get3A_262 = arith.constant 4 : i32
        %get3A_263 = arith.index_cast %get3A_262 : i32 to index
        %get3A_264 = arith.constant 32 : index
        %get3A_265 = tpu.vector_load %arg7[%get3A_263, %get3A_264] {strides = array<i32>} : memref<9x125xi32, #tpu.memory_space<vmem>>, vector<16xi32>,
        %swap3A_266 = arith.constant 1 : i32
        %swap3A_267 = arith.index_cast %swap3A_266 : i32 to index
        %swap3A_268 = arith.constant 32 : index
        %swap3A_269 = tpu.vector_load %arg9[%swap3A_267, %swap3A_268] {strides = array<i32>} : memref<3x125xi32, #tpu.memory_space<vmem>>, vector<16xi32>,
        tpu.vector_store %arg9[%swap3A_267, %swap3A_268], %get3A_265 {strides = array<i32>} : memref<3x125xi32, #tpu.memory_space<vmem>>, vector<16xi32>,
        %get3A_270 = arith.constant 4 : i32
        %get3A_271 = arith.index_cast %get3A_270 : i32 to index
        %get3A_272 = arith.constant 48 : index
        %get3A_273 = tpu.vector_load %arg7[%get3A_271, %get3A_272] {strides = array<i32>} : memref<9x125xi32, #tpu.memory_space<vmem>>, vector<16xi32>,
        %swap3A_274 = arith.constant 1 : i32
        %swap3A_275 = arith.index_cast %swap3A_274 : i32 to index
        %swap3A_276 = arith.constant 48 : index
        %swap3A_277 = tpu.vector_load %arg9[%swap3A_275, %swap3A_276] {strides = array<i32>} : memref<3x125xi32, #tpu.memory_space<vmem>>, vector<16xi32>,
        tpu.vector_store %arg9[%swap3A_275, %swap3A_276], %get3A_273 {strides = array<i32>} : memref<3x125xi32, #tpu.memory_space<vmem>>, vector<16xi32>,
        %get3A_278 = arith.constant 4 : i32
        %get3A_279 = arith.index_cast %get3A_278 : i32 to index
        %get3A_280 = arith.constant 64 : index
        %get3A_281 = tpu.vector_load %arg7[%get3A_279, %get3A_280] {strides = array<i32>} : memref<9x125xi32, #tpu.memory_space<vmem>>, vector<16xi32>,
        %swap3A_282 = arith.constant 1 : i32
        %swap3A_283 = arith.index_cast %swap3A_282 : i32 to index
        %swap3A_284 = arith.constant 64 : index
        %swap3A_285 = tpu.vector_load %arg9[%swap3A_283, %swap3A_284] {strides = array<i32>} : memref<3x125xi32, #tpu.memory_space<vmem>>, vector<16xi32>,
        tpu.vector_store %arg9[%swap3A_283, %swap3A_284], %get3A_281 {strides = array<i32>} : memref<3x125xi32, #tpu.memory_space<vmem>>, vector<16xi32>,
        %get3A_286 = arith.constant 4 : i32
        %get3A_287 = arith.index_cast %get3A_286 : i32 to index
        %get3A_288 = arith.constant 80 : index
        %get3A_289 = tpu.vector_load %arg7[%get3A_287, %get3A_288] {strides = array<i32>} : memref<9x125xi32, #tpu.memory_space<vmem>>, vector<16xi32>,
        %swap3A_290 = arith.constant 1 : i32
        %swap3A_291 = arith.index_cast %swap3A_290 : i32 to index
        %swap3A_292 = arith.constant 80 : index
        %swap3A_293 = tpu.vector_load %arg9[%swap3A_291, %swap3A_292] {strides = array<i32>} : memref<3x125xi32, #tpu.memory_space<vmem>>, vector<16xi32>,
        tpu.vector_store %arg9[%swap3A_291, %swap3A_292], %get3A_289 {strides = array<i32>} : memref<3x125xi32, #tpu.memory_space<vmem>>, vector<16xi32>,
        %get3A_294 = arith.constant 4 : i32
        %get3A_295 = arith.index_cast %get3A_294 : i32 to index
        %get3A_296 = arith.constant 96 : index
        %get3A_297 = tpu.vector_load %arg7[%get3A_295, %get3A_296] {strides = array<i32>} : memref<9x125xi32, #tpu.memory_space<vmem>>, vector<16xi32>,
        %swap3A_298 = arith.constant 1 : i32
        %swap3A_299 = arith.index_cast %swap3A_298 : i32 to index
        %swap3A_300 = arith.constant 96 : index
        %swap3A_301 = tpu.vector_load %arg9[%swap3A_299, %swap3A_300] {strides = array<i32>} : memref<3x125xi32, #tpu.memory_space<vmem>>, vector<16xi32>,
        tpu.vector_store %arg9[%swap3A_299, %swap3A_300], %get3A_297 {strides = array<i32>} : memref<3x125xi32, #tpu.memory_space<vmem>>, vector<16xi32>,
        %get3A_302 = arith.constant 4 : i32
        %get3A_303 = arith.index_cast %get3A_302 : i32 to index
        %get3A_304 = arith.constant 109 : index
        %get3A_305 = tpu.vector_load %arg7[%get3A_303, %get3A_304] {strides = array<i32>} : memref<9x125xi32, #tpu.memory_space<vmem>>, vector<16xi32>,
        %swap3A_306 = arith.constant 1 : i32
        %swap3A_307 = arith.index_cast %swap3A_306 : i32 to index
        %swap3A_308 = arith.constant 109 : index
        %swap3A_309 = tpu.vector_load %arg9[%swap3A_307, %swap3A_308] {strides = array<i32>} : memref<3x125xi32, #tpu.memory_space<vmem>>, vector<16xi32>,
        tpu.vector_store %arg9[%swap3A_307, %swap3A_308], %get3A_305 {strides = array<i32>} : memref<3x125xi32, #tpu.memory_space<vmem>>, vector<16xi32>,
        %dma_start3A_310 = arith.constant 1 : i32
        %dma_start3A_311 = arith.constant 1 : i32
        %dma_start3A_312 = arith.constant 125 : i32
        %dma_start3A_313 = arith.constant 0 : i32
        %dma_start3A_314 = tpu.memref_slice %arg8[%dma_start3A_312, %dma_start3A_313] : memref<375x128xf32, #tpu.memory_space<vmem>> -> memref<125x128xf32, #tpu.memory_space<vmem>>
        %dma_start3A_315 = arith.constant 0 : i32
        %dma_start3A_316 = tpu.memref_slice %arg9[%dma_start3A_310, %dma_start3A_315] : memref<3x125xi32, #tpu.memory_space<vmem>> -> memref<1x125xi32, #tpu.memory_space<vmem>>
        %dma_start3A_317 = tpu.memref_squeeze %dma_start3A_316 : memref<1x125xi32, #tpu.memory_space<vmem>> -> memref<125xi32, #tpu.memory_space<vmem>>
        %dma_start3A_318 = arith.constant 0 : i32
        %dma_start3A_319 = arith.constant 0 : i32
        %dma_start3A_320 = tpu.memref_slice %arg6[%dma_start3A_318, %dma_start3A_319] : memref<10000x128xf32, #tpu.memory_space<vmem_shared>> -> memref<10000x128xf32, #tpu.memory_space<vmem_shared>>
        %dma_start3A_321 = tpu.memref_slice %arg12[%dma_start3A_311] : memref<3x!tpu.dma_semaphore, #tpu.memory_space<semaphore_mem>> -> memref<1x!tpu.dma_semaphore, #tpu.memory_space<semaphore_mem>>
        %dma_start3A_322 = tpu.memref_squeeze %dma_start3A_321 : memref<1x!tpu.dma_semaphore, #tpu.memory_space<semaphore_mem>> -> memref<!tpu.dma_semaphore, #tpu.memory_space<semaphore_mem>>
        tpu.enqueue_indirect_dma source(%dma_start3A_314 : memref<125x128xf32, #tpu.memory_space<vmem>>) target(%dma_start3A_320 : memref<10000x128xf32, #tpu.memory_space<vmem_shared>>) offsets(%dma_start3A_317 : memref<125xi32, #tpu.memory_space<vmem>>) semaphore(%dma_start3A_322 : memref<!tpu.dma_semaphore, #tpu.memory_space<semaphore_mem>>) {add = true}
      } else {
      }
      %add3A_211 = arith.constant 2 : i32
      %add3A_212 = arith.addi %mul3A_169, %add3A_211 : i32
      %add3A_213 = arith.constant 2 : i32
      %add3A_214 = arith.addi %add3A_212, %add3A_213 : i32
      %lt3A_215 = arith.constant 80 : i32
      %lt3A_216 = arith.cmpi slt, %add3A_214, %lt3A_215 : i32
      %convert_element_type3A_217 = arith.extui %lt3A_216 : i1 to i32
      %cond3A_218 = arith.constant 0 : i32
      %cond3A_219 = arith.cmpi ne, %convert_element_type3A_217, %cond3A_218 : i32
      scf.if %cond3A_219 {
        %add3A_233 = arith.constant 2 : i32
        %add3A_234 = arith.addi %add3A_212, %add3A_233 : i32
        %dma_start3A_235 = arith.constant 1 : i32
        %dma_start3A_236 = arith.constant 3 : i32
        %dma_start3A_237 = arith.constant 0 : i32
        %dma_start3A_238 = tpu.memref_slice %arg7[%dma_start3A_236, %dma_start3A_237] : memref<9x125xi32, #tpu.memory_space<vmem>> -> memref<3x125xi32, #tpu.memory_space<vmem>>
        %dma_start3A_239 = arith.constant 0 : i32
        %dma_start3A_240 = arith.constant 0 : i32
        %dma_start3A_241 = arith.constant 0 : i32
        %dma_start3A_242 = tpu.memref_slice %arg3[%add3A, %dma_start3A_239, %dma_start3A_240, %dma_start3A_241] : memref<32x80x3x125xi32, #tpu.memory_space<hbm>> -> memref<1x80x3x125xi32, #tpu.memory_space<hbm>>
        %dma_start3A_243 = tpu.memref_squeeze %dma_start3A_242 : memref<1x80x3x125xi32, #tpu.memory_space<hbm>> -> memref<80x3x125xi32, #tpu.memory_space<hbm>>
        %dma_start3A_244 = arith.constant 0 : i32
        %dma_start3A_245 = arith.constant 0 : i32
        %dma_start3A_246 = tpu.memref_slice %dma_start3A_243[%add3A_234, %dma_start3A_244, %dma_start3A_245] : memref<80x3x125xi32, #tpu.memory_space<hbm>> -> memref<1x3x125xi32, #tpu.memory_space<hbm>>
        %dma_start3A_247 = tpu.memref_squeeze %dma_start3A_246 : memref<1x3x125xi32, #tpu.memory_space<hbm>> -> memref<3x125xi32, #tpu.memory_space<hbm>>
        %dma_start3A_248 = tpu.memref_slice %arg10[%dma_start3A_235] : memref<3x!tpu.dma_semaphore, #tpu.memory_space<semaphore_mem>> -> memref<1x!tpu.dma_semaphore, #tpu.memory_space<semaphore_mem>>
        %dma_start3A_249 = tpu.memref_squeeze %dma_start3A_248 : memref<1x!tpu.dma_semaphore, #tpu.memory_space<semaphore_mem>> -> memref<!tpu.dma_semaphore, #tpu.memory_space<semaphore_mem>>
        %dma_start3A_250 = arith.constant 3 : i32
        %dma_start3A_251 = arith.constant 0 : i32
        %dma_start3A_252 = tpu.memref_slice %arg7[%dma_start3A_250, %dma_start3A_251] : memref<9x125xi32, #tpu.memory_space<vmem>> -> memref<3x125xi32, #tpu.memory_space<vmem>>
        %dma_start3A_253 = arith.constant 0 : i32
        %dma_start3A_254 = arith.constant 0 : i32
        %dma_start3A_255 = arith.constant 0 : i32
        %dma_start3A_256 = tpu.memref_slice %arg3[%add3A, %dma_start3A_253, %dma_start3A_254, %dma_start3A_255] : memref<32x80x3x125xi32, #tpu.memory_space<hbm>> -> memref<1x80x3x125xi32, #tpu.memory_space<hbm>>
        %dma_start3A_257 = tpu.memref_squeeze %dma_start3A_256 : memref<1x80x3x125xi32, #tpu.memory_space<hbm>> -> memref<80x3x125xi32, #tpu.memory_space<hbm>>
        %dma_start3A_258 = arith.constant 0 : i32
        %dma_start3A_259 = arith.constant 0 : i32
        %dma_start3A_260 = tpu.memref_slice %dma_start3A_257[%add3A_234, %dma_start3A_258, %dma_start3A_259] : memref<80x3x125xi32, #tpu.memory_space<hbm>> -> memref<1x3x125xi32, #tpu.memory_space<hbm>>
        %dma_start3A_261 = tpu.memref_squeeze %dma_start3A_260 : memref<1x3x125xi32, #tpu.memory_space<hbm>> -> memref<3x125xi32, #tpu.memory_space<hbm>>
        tpu.enqueue_dma source(%dma_start3A_261 : memref<3x125xi32, #tpu.memory_space<hbm>>) target(%dma_start3A_252 : memref<3x125xi32, #tpu.memory_space<vmem>>) target_semaphore(%dma_start3A_249 : memref<!tpu.dma_semaphore, #tpu.memory_space<semaphore_mem>>)
      } else {
      }
      %add3A_220 = arith.constant 1 : i32
      %add3A_221 = arith.addi %add3A_212, %add3A_220 : i32
      %lt3A_222 = arith.constant 80 : i32
      %lt3A_223 = arith.cmpi slt, %add3A_221, %lt3A_222 : i32
      %convert_element_type3A_224 = arith.extui %lt3A_223 : i1 to i32
      %cond3A_225 = arith.constant 0 : i32
      %cond3A_226 = arith.cmpi ne, %convert_element_type3A_224, %cond3A_225 : i32
      scf.if %cond3A_226 {
        %add3A_233 = arith.constant 1 : i32
        %add3A_234 = arith.addi %add3A_212, %add3A_233 : i32
        %ge3A = arith.constant 3 : i32
        %ge3A_235 = arith.cmpi sge, %add3A_234, %ge3A : i32
        %convert_element_type3A_236 = arith.extui %ge3A_235 : i1 to i32
        %cond3A_237 = arith.constant 0 : i32
        %cond3A_238 = arith.cmpi ne, %convert_element_type3A_236, %cond3A_237 : i32
        scf.if %cond3A_238 {
          %dma_wait3A_280 = arith.constant 0 : i32
          %dma_wait3A_281 = arith.constant 0 : i32
          %dma_wait3A_282 = arith.constant 0 : i32
          %dma_wait3A_283 = arith.constant 0 : i32
          %dma_wait3A_284 = tpu.memref_slice %arg8[%dma_wait3A_282, %dma_wait3A_283] : memref<375x128xf32, #tpu.memory_space<vmem>> -> memref<125x128xf32, #tpu.memory_space<vmem>>
          %dma_wait3A_285 = arith.constant 0 : i32
          %dma_wait3A_286 = tpu.memref_slice %arg9[%dma_wait3A_280, %dma_wait3A_285] : memref<3x125xi32, #tpu.memory_space<vmem>> -> memref<1x125xi32, #tpu.memory_space<vmem>>
          %dma_wait3A_287 = tpu.memref_squeeze %dma_wait3A_286 : memref<1x125xi32, #tpu.memory_space<vmem>> -> memref<125xi32, #tpu.memory_space<vmem>>
          %dma_wait3A_288 = arith.constant 0 : i32
          %dma_wait3A_289 = arith.constant 0 : i32
          %dma_wait3A_290 = tpu.memref_slice %arg6[%dma_wait3A_288, %dma_wait3A_289] : memref<10000x128xf32, #tpu.memory_space<vmem_shared>> -> memref<10000x128xf32, #tpu.memory_space<vmem_shared>>
          %dma_wait3A_291 = tpu.memref_slice %arg12[%dma_wait3A_281] : memref<3x!tpu.dma_semaphore, #tpu.memory_space<semaphore_mem>> -> memref<1x!tpu.dma_semaphore, #tpu.memory_space<semaphore_mem>>
          %dma_wait3A_292 = tpu.memref_squeeze %dma_wait3A_291 : memref<1x!tpu.dma_semaphore, #tpu.memory_space<semaphore_mem>> -> memref<!tpu.dma_semaphore, #tpu.memory_space<semaphore_mem>>
          tpu.wait_indirect_dma semaphore(%dma_wait3A_292 : memref<!tpu.dma_semaphore, #tpu.memory_space<semaphore_mem>>) src(%dma_wait3A_284 : memref<125x128xf32, #tpu.memory_space<vmem>>) dst(%dma_wait3A_290 : memref<10000x128xf32, #tpu.memory_space<vmem_shared>>)
        } else {
        }
        %dma_wait3A_239 = arith.constant 0 : i32
        %dma_wait3A_240 = arith.constant 0 : i32
        %dma_wait3A_241 = arith.constant 0 : i32
        %dma_wait3A_242 = arith.constant 0 : i32
        %dma_wait3A_243 = tpu.memref_slice %arg7[%dma_wait3A_241, %dma_wait3A_242] : memref<9x125xi32, #tpu.memory_space<vmem>> -> memref<3x125xi32, #tpu.memory_space<vmem>>
        %dma_wait3A_244 = arith.constant 0 : i32
        %dma_wait3A_245 = arith.constant 0 : i32
        %dma_wait3A_246 = arith.constant 0 : i32
        %dma_wait3A_247 = tpu.memref_slice %arg3[%add3A, %dma_wait3A_244, %dma_wait3A_245, %dma_wait3A_246] : memref<32x80x3x125xi32, #tpu.memory_space<hbm>> -> memref<1x80x3x125xi32, #tpu.memory_space<hbm>>
        %dma_wait3A_248 = tpu.memref_squeeze %dma_wait3A_247 : memref<1x80x3x125xi32, #tpu.memory_space<hbm>> -> memref<80x3x125xi32, #tpu.memory_space<hbm>>
        %dma_wait3A_249 = arith.constant 0 : i32
        %dma_wait3A_250 = arith.constant 0 : i32
        %dma_wait3A_251 = tpu.memref_slice %dma_wait3A_248[%dma_wait3A_239, %dma_wait3A_249, %dma_wait3A_250] : memref<80x3x125xi32, #tpu.memory_space<hbm>> -> memref<1x3x125xi32, #tpu.memory_space<hbm>>
        %dma_wait3A_252 = tpu.memref_squeeze %dma_wait3A_251 : memref<1x3x125xi32, #tpu.memory_space<hbm>> -> memref<3x125xi32, #tpu.memory_space<hbm>>
        %dma_wait3A_253 = tpu.memref_slice %arg10[%dma_wait3A_240] : memref<3x!tpu.dma_semaphore, #tpu.memory_space<semaphore_mem>> -> memref<1x!tpu.dma_semaphore, #tpu.memory_space<semaphore_mem>>
        %dma_wait3A_254 = tpu.memref_squeeze %dma_wait3A_253 : memref<1x!tpu.dma_semaphore, #tpu.memory_space<semaphore_mem>> -> memref<!tpu.dma_semaphore, #tpu.memory_space<semaphore_mem>>
        %dma_wait3A_255 = arith.constant 0 : i32
        %dma_wait3A_256 = arith.constant 0 : i32
        %dma_wait3A_257 = tpu.memref_slice %arg7[%dma_wait3A_255, %dma_wait3A_256] : memref<9x125xi32, #tpu.memory_space<vmem>> -> memref<3x125xi32, #tpu.memory_space<vmem>>
        %dma_wait3A_258 = arith.constant 0 : i32
        %dma_wait3A_259 = arith.constant 0 : i32
        %dma_wait3A_260 = arith.constant 0 : i32
        %dma_wait3A_261 = tpu.memref_slice %arg3[%add3A, %dma_wait3A_258, %dma_wait3A_259, %dma_wait3A_260] : memref<32x80x3x125xi32, #tpu.memory_space<hbm>> -> memref<1x80x3x125xi32, #tpu.memory_space<hbm>>
        %dma_wait3A_262 = tpu.memref_squeeze %dma_wait3A_261 : memref<1x80x3x125xi32, #tpu.memory_space<hbm>> -> memref<80x3x125xi32, #tpu.memory_space<hbm>>
        %dma_wait3A_263 = arith.constant 0 : i32
        %dma_wait3A_264 = arith.constant 0 : i32
        %dma_wait3A_265 = tpu.memref_slice %dma_wait3A_262[%dma_wait3A_239, %dma_wait3A_263, %dma_wait3A_264] : memref<80x3x125xi32, #tpu.memory_space<hbm>> -> memref<1x3x125xi32, #tpu.memory_space<hbm>>
        %dma_wait3A_266 = tpu.memref_squeeze %dma_wait3A_265 : memref<1x3x125xi32, #tpu.memory_space<hbm>> -> memref<3x125xi32, #tpu.memory_space<hbm>>
        tpu.wait_dma2 semaphore(%dma_wait3A_254 : memref<!tpu.dma_semaphore, #tpu.memory_space<semaphore_mem>>) src(%dma_wait3A_266 : memref<3x125xi32, #tpu.memory_space<hbm>>) dst(%dma_wait3A_257 : memref<3x125xi32, #tpu.memory_space<vmem>>)
        %dma_start3A_267 = arith.constant 0 : i32
        %dma_start3A_268 = arith.constant 0 : i32
        %dma_start3A_269 = arith.constant 0 : i32
        %dma_start3A_270 = arith.constant 0 : i32
        %dma_start3A_271 = tpu.memref_slice %arg8[%dma_start3A_269, %dma_start3A_270] : memref<375x128xf32, #tpu.memory_space<vmem>> -> memref<125x128xf32, #tpu.memory_space<vmem>>
        %dma_start3A_272 = arith.constant 0 : i32
        %dma_start3A_273 = tpu.memref_slice %arg7[%dma_start3A_267, %dma_start3A_272] : memref<9x125xi32, #tpu.memory_space<vmem>> -> memref<1x125xi32, #tpu.memory_space<vmem>>
        %dma_start3A_274 = tpu.memref_squeeze %dma_start3A_273 : memref<1x125xi32, #tpu.memory_space<vmem>> -> memref<125xi32, #tpu.memory_space<vmem>>
        %dma_start3A_275 = arith.constant 0 : i32
        %dma_start3A_276 = arith.constant 0 : i32
        %dma_start3A_277 = tpu.memref_slice %arg2[%dma_start3A_275, %dma_start3A_276] : memref<10000x128xf32, #tpu.memory_space<hbm>> -> memref<10000x128xf32, #tpu.memory_space<hbm>>
        %dma_start3A_278 = tpu.memref_slice %arg11[%dma_start3A_268] : memref<3x!tpu.dma_semaphore, #tpu.memory_space<semaphore_mem>> -> memref<1x!tpu.dma_semaphore, #tpu.memory_space<semaphore_mem>>
        %dma_start3A_279 = tpu.memref_squeeze %dma_start3A_278 : memref<1x!tpu.dma_semaphore, #tpu.memory_space<semaphore_mem>> -> memref<!tpu.dma_semaphore, #tpu.memory_space<semaphore_mem>>
        tpu.enqueue_indirect_dma source(%dma_start3A_277 : memref<10000x128xf32, #tpu.memory_space<hbm>>) target(%dma_start3A_271 : memref<125x128xf32, #tpu.memory_space<vmem>>) offsets(%dma_start3A_274 : memref<125xi32, #tpu.memory_space<vmem>>) semaphore(%dma_start3A_279 : memref<!tpu.dma_semaphore, #tpu.memory_space<semaphore_mem>>)
      } else {
      }
      %lt3A_227 = arith.constant 80 : i32
      %lt3A_228 = arith.cmpi slt, %add3A_212, %lt3A_227 : i32
      %convert_element_type3A_229 = arith.extui %lt3A_228 : i1 to i32
      %cond3A_230 = arith.constant 0 : i32
      %cond3A_231 = arith.cmpi ne, %convert_element_type3A_229, %cond3A_230 : i32
      scf.if %cond3A_231 {
        %dma_wait3A_233 = arith.constant 6 : i32
        %dma_wait3A_234 = arith.constant 2 : i32
        %dma_wait3A_235 = arith.constant 250 : i32
        %dma_wait3A_236 = arith.constant 0 : i32
        %dma_wait3A_237 = tpu.memref_slice %arg8[%dma_wait3A_235, %dma_wait3A_236] : memref<375x128xf32, #tpu.memory_space<vmem>> -> memref<125x128xf32, #tpu.memory_space<vmem>>
        %dma_wait3A_238 = arith.constant 0 : i32
        %dma_wait3A_239 = tpu.memref_slice %arg7[%dma_wait3A_233, %dma_wait3A_238] : memref<9x125xi32, #tpu.memory_space<vmem>> -> memref<1x125xi32, #tpu.memory_space<vmem>>
        %dma_wait3A_240 = tpu.memref_squeeze %dma_wait3A_239 : memref<1x125xi32, #tpu.memory_space<vmem>> -> memref<125xi32, #tpu.memory_space<vmem>>
        %dma_wait3A_241 = arith.constant 0 : i32
        %dma_wait3A_242 = arith.constant 0 : i32
        %dma_wait3A_243 = tpu.memref_slice %arg2[%dma_wait3A_241, %dma_wait3A_242] : memref<10000x128xf32, #tpu.memory_space<hbm>> -> memref<10000x128xf32, #tpu.memory_space<hbm>>
        %dma_wait3A_244 = tpu.memref_slice %arg11[%dma_wait3A_234] : memref<3x!tpu.dma_semaphore, #tpu.memory_space<semaphore_mem>> -> memref<1x!tpu.dma_semaphore, #tpu.memory_space<semaphore_mem>>
        %dma_wait3A_245 = tpu.memref_squeeze %dma_wait3A_244 : memref<1x!tpu.dma_semaphore, #tpu.memory_space<semaphore_mem>> -> memref<!tpu.dma_semaphore, #tpu.memory_space<semaphore_mem>>
        tpu.wait_indirect_dma semaphore(%dma_wait3A_245 : memref<!tpu.dma_semaphore, #tpu.memory_space<semaphore_mem>>) src(%dma_wait3A_243 : memref<10000x128xf32, #tpu.memory_space<hbm>>) dst(%dma_wait3A_237 : memref<125x128xf32, #tpu.memory_space<vmem>>)
        %parallel_loop3A = arith.constant 0 : i32
        %parallel_loop3A_246 = arith.constant 125 : i32
        %parallel_loop3A_247 = arith.constant 1 : i32
        scf.for %parallel_loop3A_323 = %parallel_loop3A to %parallel_loop3A_246 step %parallel_loop3A_247  : i32 {
          %parallel_loop3A_324 = arith.constant 8 : i32
          %parallel_loop3A_325 = vector.broadcast %parallel_loop3A_324 : i32 to vector<16xi32>
          %parallel_loop3A_326 = vector.broadcast %parallel_loop3A_323 : i32 to vector<16xi32>
          %parallel_loop3A_327 = tpu.vector_load_idx %arg7[%parallel_loop3A_325, %parallel_loop3A_326] : memref<9x125xi32, #tpu.memory_space<vmem>>[vector<16xi32>, vector<16xi32>], vector<16xi32>,
          %parallel_loop3A_328 = vector.bitcast %parallel_loop3A_327 : vector<16xi32> to vector<16xf32>
          %parallel_loop3A_329 = arith.constant 250 : i32
          %parallel_loop3A_330 = arith.addi %parallel_loop3A_329, %parallel_loop3A_323 : i32
          %parallel_loop3A_331 = arith.index_cast %parallel_loop3A_330 : i32 to index
          %parallel_loop3A_332 = arith.constant 0 : index
          %parallel_loop3A_333 = tpu.vector_load %arg8[%parallel_loop3A_331, %parallel_loop3A_332] {strides = array<i32>} : memref<375x128xf32, #tpu.memory_space<vmem>>, vector<16xf32>,
          %parallel_loop3A_334 = arith.mulf %parallel_loop3A_333, %parallel_loop3A_328 : vector<16xf32>
          %parallel_loop3A_335 = arith.index_cast %parallel_loop3A_330 : i32 to index
          %parallel_loop3A_336 = arith.constant 0 : index
          %parallel_loop3A_337 = tpu.vector_load %arg8[%parallel_loop3A_335, %parallel_loop3A_336] {strides = array<i32>} : memref<375x128xf32, #tpu.memory_space<vmem>>, vector<16xf32>,
          tpu.vector_store %arg8[%parallel_loop3A_335, %parallel_loop3A_336], %parallel_loop3A_334 {strides = array<i32>} : memref<375x128xf32, #tpu.memory_space<vmem>>, vector<16xf32>,
          %parallel_loop3A_338 = arith.index_cast %parallel_loop3A_330 : i32 to index
          %parallel_loop3A_339 = arith.constant 16 : index
          %parallel_loop3A_340 = tpu.vector_load %arg8[%parallel_loop3A_338, %parallel_loop3A_339] {strides = array<i32>} : memref<375x128xf32, #tpu.memory_space<vmem>>, vector<16xf32>,
          %parallel_loop3A_341 = arith.mulf %parallel_loop3A_340, %parallel_loop3A_328 : vector<16xf32>
          %parallel_loop3A_342 = arith.index_cast %parallel_loop3A_330 : i32 to index
          %parallel_loop3A_343 = arith.constant 16 : index
          %parallel_loop3A_344 = tpu.vector_load %arg8[%parallel_loop3A_342, %parallel_loop3A_343] {strides = array<i32>} : memref<375x128xf32, #tpu.memory_space<vmem>>, vector<16xf32>,
          tpu.vector_store %arg8[%parallel_loop3A_342, %parallel_loop3A_343], %parallel_loop3A_341 {strides = array<i32>} : memref<375x128xf32, #tpu.memory_space<vmem>>, vector<16xf32>,
          %parallel_loop3A_345 = arith.index_cast %parallel_loop3A_330 : i32 to index
          %parallel_loop3A_346 = arith.constant 32 : index
          %parallel_loop3A_347 = tpu.vector_load %arg8[%parallel_loop3A_345, %parallel_loop3A_346] {strides = array<i32>} : memref<375x128xf32, #tpu.memory_space<vmem>>, vector<16xf32>,
          %parallel_loop3A_348 = arith.mulf %parallel_loop3A_347, %parallel_loop3A_328 : vector<16xf32>
          %parallel_loop3A_349 = arith.index_cast %parallel_loop3A_330 : i32 to index
          %parallel_loop3A_350 = arith.constant 32 : index
          %parallel_loop3A_351 = tpu.vector_load %arg8[%parallel_loop3A_349, %parallel_loop3A_350] {strides = array<i32>} : memref<375x128xf32, #tpu.memory_space<vmem>>, vector<16xf32>,
          tpu.vector_store %arg8[%parallel_loop3A_349, %parallel_loop3A_350], %parallel_loop3A_348 {strides = array<i32>} : memref<375x128xf32, #tpu.memory_space<vmem>>, vector<16xf32>,
          %parallel_loop3A_352 = arith.index_cast %parallel_loop3A_330 : i32 to index
          %parallel_loop3A_353 = arith.constant 48 : index
          %parallel_loop3A_354 = tpu.vector_load %arg8[%parallel_loop3A_352, %parallel_loop3A_353] {strides = array<i32>} : memref<375x128xf32, #tpu.memory_space<vmem>>, vector<16xf32>,
          %parallel_loop3A_355 = arith.mulf %parallel_loop3A_354, %parallel_loop3A_328 : vector<16xf32>
          %parallel_loop3A_356 = arith.index_cast %parallel_loop3A_330 : i32 to index
          %parallel_loop3A_357 = arith.constant 48 : index
          %parallel_loop3A_358 = tpu.vector_load %arg8[%parallel_loop3A_356, %parallel_loop3A_357] {strides = array<i32>} : memref<375x128xf32, #tpu.memory_space<vmem>>, vector<16xf32>,
          tpu.vector_store %arg8[%parallel_loop3A_356, %parallel_loop3A_357], %parallel_loop3A_355 {strides = array<i32>} : memref<375x128xf32, #tpu.memory_space<vmem>>, vector<16xf32>,
          %parallel_loop3A_359 = arith.index_cast %parallel_loop3A_330 : i32 to index
          %parallel_loop3A_360 = arith.constant 64 : index
          %parallel_loop3A_361 = tpu.vector_load %arg8[%parallel_loop3A_359, %parallel_loop3A_360] {strides = array<i32>} : memref<375x128xf32, #tpu.memory_space<vmem>>, vector<16xf32>,
          %parallel_loop3A_362 = arith.mulf %parallel_loop3A_361, %parallel_loop3A_328 : vector<16xf32>
          %parallel_loop3A_363 = arith.index_cast %parallel_loop3A_330 : i32 to index
          %parallel_loop3A_364 = arith.constant 64 : index
          %parallel_loop3A_365 = tpu.vector_load %arg8[%parallel_loop3A_363, %parallel_loop3A_364] {strides = array<i32>} : memref<375x128xf32, #tpu.memory_space<vmem>>, vector<16xf32>,
          tpu.vector_store %arg8[%parallel_loop3A_363, %parallel_loop3A_364], %parallel_loop3A_362 {strides = array<i32>} : memref<375x128xf32, #tpu.memory_space<vmem>>, vector<16xf32>,
          %parallel_loop3A_366 = arith.index_cast %parallel_loop3A_330 : i32 to index
          %parallel_loop3A_367 = arith.constant 80 : index
          %parallel_loop3A_368 = tpu.vector_load %arg8[%parallel_loop3A_366, %parallel_loop3A_367] {strides = array<i32>} : memref<375x128xf32, #tpu.memory_space<vmem>>, vector<16xf32>,
          %parallel_loop3A_369 = arith.mulf %parallel_loop3A_368, %parallel_loop3A_328 : vector<16xf32>
          %parallel_loop3A_370 = arith.index_cast %parallel_loop3A_330 : i32 to index
          %parallel_loop3A_371 = arith.constant 80 : index
          %parallel_loop3A_372 = tpu.vector_load %arg8[%parallel_loop3A_370, %parallel_loop3A_371] {strides = array<i32>} : memref<375x128xf32, #tpu.memory_space<vmem>>, vector<16xf32>,
          tpu.vector_store %arg8[%parallel_loop3A_370, %parallel_loop3A_371], %parallel_loop3A_369 {strides = array<i32>} : memref<375x128xf32, #tpu.memory_space<vmem>>, vector<16xf32>,
          %parallel_loop3A_373 = arith.index_cast %parallel_loop3A_330 : i32 to index
          %parallel_loop3A_374 = arith.constant 96 : index
          %parallel_loop3A_375 = tpu.vector_load %arg8[%parallel_loop3A_373, %parallel_loop3A_374] {strides = array<i32>} : memref<375x128xf32, #tpu.memory_space<vmem>>, vector<16xf32>,
          %parallel_loop3A_376 = arith.mulf %parallel_loop3A_375, %parallel_loop3A_328 : vector<16xf32>
          %parallel_loop3A_377 = arith.index_cast %parallel_loop3A_330 : i32 to index
          %parallel_loop3A_378 = arith.constant 96 : index
          %parallel_loop3A_379 = tpu.vector_load %arg8[%parallel_loop3A_377, %parallel_loop3A_378] {strides = array<i32>} : memref<375x128xf32, #tpu.memory_space<vmem>>, vector<16xf32>,
          tpu.vector_store %arg8[%parallel_loop3A_377, %parallel_loop3A_378], %parallel_loop3A_376 {strides = array<i32>} : memref<375x128xf32, #tpu.memory_space<vmem>>, vector<16xf32>,
          %parallel_loop3A_380 = arith.index_cast %parallel_loop3A_330 : i32 to index
          %parallel_loop3A_381 = arith.constant 112 : index
          %parallel_loop3A_382 = tpu.vector_load %arg8[%parallel_loop3A_380, %parallel_loop3A_381] {strides = array<i32>} : memref<375x128xf32, #tpu.memory_space<vmem>>, vector<16xf32>,
          %parallel_loop3A_383 = arith.mulf %parallel_loop3A_382, %parallel_loop3A_328 : vector<16xf32>
          %parallel_loop3A_384 = arith.index_cast %parallel_loop3A_330 : i32 to index
          %parallel_loop3A_385 = arith.constant 112 : index
          %parallel_loop3A_386 = tpu.vector_load %arg8[%parallel_loop3A_384, %parallel_loop3A_385] {strides = array<i32>} : memref<375x128xf32, #tpu.memory_space<vmem>>, vector<16xf32>,
          tpu.vector_store %arg8[%parallel_loop3A_384, %parallel_loop3A_385], %parallel_loop3A_383 {strides = array<i32>} : memref<375x128xf32, #tpu.memory_space<vmem>>, vector<16xf32>,
        } {sc.loop_unroll_factor = 5 : i64, sc.parallel_access}
        %get3A = arith.constant 7 : i32
        %get3A_248 = arith.index_cast %get3A : i32 to index
        %get3A_249 = arith.constant 0 : index
        %get3A_250 = tpu.vector_load %arg7[%get3A_248, %get3A_249] {strides = array<i32>} : memref<9x125xi32, #tpu.memory_space<vmem>>, vector<16xi32>,
        %swap3A = arith.constant 2 : i32
        %swap3A_251 = arith.index_cast %swap3A : i32 to index
        %swap3A_252 = arith.constant 0 : index
        %swap3A_253 = tpu.vector_load %arg9[%swap3A_251, %swap3A_252] {strides = array<i32>} : memref<3x125xi32, #tpu.memory_space<vmem>>, vector<16xi32>,
        tpu.vector_store %arg9[%swap3A_251, %swap3A_252], %get3A_250 {strides = array<i32>} : memref<3x125xi32, #tpu.memory_space<vmem>>, vector<16xi32>,
        %get3A_254 = arith.constant 7 : i32
        %get3A_255 = arith.index_cast %get3A_254 : i32 to index
        %get3A_256 = arith.constant 16 : index
        %get3A_257 = tpu.vector_load %arg7[%get3A_255, %get3A_256] {strides = array<i32>} : memref<9x125xi32, #tpu.memory_space<vmem>>, vector<16xi32>,
        %swap3A_258 = arith.constant 2 : i32
        %swap3A_259 = arith.index_cast %swap3A_258 : i32 to index
        %swap3A_260 = arith.constant 16 : index
        %swap3A_261 = tpu.vector_load %arg9[%swap3A_259, %swap3A_260] {strides = array<i32>} : memref<3x125xi32, #tpu.memory_space<vmem>>, vector<16xi32>,
        tpu.vector_store %arg9[%swap3A_259, %swap3A_260], %get3A_257 {strides = array<i32>} : memref<3x125xi32, #tpu.memory_space<vmem>>, vector<16xi32>,
        %get3A_262 = arith.constant 7 : i32
        %get3A_263 = arith.index_cast %get3A_262 : i32 to index
        %get3A_264 = arith.constant 32 : index
        %get3A_265 = tpu.vector_load %arg7[%get3A_263, %get3A_264] {strides = array<i32>} : memref<9x125xi32, #tpu.memory_space<vmem>>, vector<16xi32>,
        %swap3A_266 = arith.constant 2 : i32
        %swap3A_267 = arith.index_cast %swap3A_266 : i32 to index
        %swap3A_268 = arith.constant 32 : index
        %swap3A_269 = tpu.vector_load %arg9[%swap3A_267, %swap3A_268] {strides = array<i32>} : memref<3x125xi32, #tpu.memory_space<vmem>>, vector<16xi32>,
        tpu.vector_store %arg9[%swap3A_267, %swap3A_268], %get3A_265 {strides = array<i32>} : memref<3x125xi32, #tpu.memory_space<vmem>>, vector<16xi32>,
        %get3A_270 = arith.constant 7 : i32
        %get3A_271 = arith.index_cast %get3A_270 : i32 to index
        %get3A_272 = arith.constant 48 : index
        %get3A_273 = tpu.vector_load %arg7[%get3A_271, %get3A_272] {strides = array<i32>} : memref<9x125xi32, #tpu.memory_space<vmem>>, vector<16xi32>,
        %swap3A_274 = arith.constant 2 : i32
        %swap3A_275 = arith.index_cast %swap3A_274 : i32 to index
        %swap3A_276 = arith.constant 48 : index
        %swap3A_277 = tpu.vector_load %arg9[%swap3A_275, %swap3A_276] {strides = array<i32>} : memref<3x125xi32, #tpu.memory_space<vmem>>, vector<16xi32>,
        tpu.vector_store %arg9[%swap3A_275, %swap3A_276], %get3A_273 {strides = array<i32>} : memref<3x125xi32, #tpu.memory_space<vmem>>, vector<16xi32>,
        %get3A_278 = arith.constant 7 : i32
        %get3A_279 = arith.index_cast %get3A_278 : i32 to index
        %get3A_280 = arith.constant 64 : index
        %get3A_281 = tpu.vector_load %arg7[%get3A_279, %get3A_280] {strides = array<i32>} : memref<9x125xi32, #tpu.memory_space<vmem>>, vector<16xi32>,
        %swap3A_282 = arith.constant 2 : i32
        %swap3A_283 = arith.index_cast %swap3A_282 : i32 to index
        %swap3A_284 = arith.constant 64 : index
        %swap3A_285 = tpu.vector_load %arg9[%swap3A_283, %swap3A_284] {strides = array<i32>} : memref<3x125xi32, #tpu.memory_space<vmem>>, vector<16xi32>,
        tpu.vector_store %arg9[%swap3A_283, %swap3A_284], %get3A_281 {strides = array<i32>} : memref<3x125xi32, #tpu.memory_space<vmem>>, vector<16xi32>,
        %get3A_286 = arith.constant 7 : i32
        %get3A_287 = arith.index_cast %get3A_286 : i32 to index
        %get3A_288 = arith.constant 80 : index
        %get3A_289 = tpu.vector_load %arg7[%get3A_287, %get3A_288] {strides = array<i32>} : memref<9x125xi32, #tpu.memory_space<vmem>>, vector<16xi32>,
        %swap3A_290 = arith.constant 2 : i32
        %swap3A_291 = arith.index_cast %swap3A_290 : i32 to index
        %swap3A_292 = arith.constant 80 : index
        %swap3A_293 = tpu.vector_load %arg9[%swap3A_291, %swap3A_292] {strides = array<i32>} : memref<3x125xi32, #tpu.memory_space<vmem>>, vector<16xi32>,
        tpu.vector_store %arg9[%swap3A_291, %swap3A_292], %get3A_289 {strides = array<i32>} : memref<3x125xi32, #tpu.memory_space<vmem>>, vector<16xi32>,
        %get3A_294 = arith.constant 7 : i32
        %get3A_295 = arith.index_cast %get3A_294 : i32 to index
        %get3A_296 = arith.constant 96 : index
        %get3A_297 = tpu.vector_load %arg7[%get3A_295, %get3A_296] {strides = array<i32>} : memref<9x125xi32, #tpu.memory_space<vmem>>, vector<16xi32>,
        %swap3A_298 = arith.constant 2 : i32
        %swap3A_299 = arith.index_cast %swap3A_298 : i32 to index
        %swap3A_300 = arith.constant 96 : index
        %swap3A_301 = tpu.vector_load %arg9[%swap3A_299, %swap3A_300] {strides = array<i32>} : memref<3x125xi32, #tpu.memory_space<vmem>>, vector<16xi32>,
        tpu.vector_store %arg9[%swap3A_299, %swap3A_300], %get3A_297 {strides = array<i32>} : memref<3x125xi32, #tpu.memory_space<vmem>>, vector<16xi32>,
        %get3A_302 = arith.constant 7 : i32
        %get3A_303 = arith.index_cast %get3A_302 : i32 to index
        %get3A_304 = arith.constant 109 : index
        %get3A_305 = tpu.vector_load %arg7[%get3A_303, %get3A_304] {strides = array<i32>} : memref<9x125xi32, #tpu.memory_space<vmem>>, vector<16xi32>,
        %swap3A_306 = arith.constant 2 : i32
        %swap3A_307 = arith.index_cast %swap3A_306 : i32 to index
        %swap3A_308 = arith.constant 109 : index
        %swap3A_309 = tpu.vector_load %arg9[%swap3A_307, %swap3A_308] {strides = array<i32>} : memref<3x125xi32, #tpu.memory_space<vmem>>, vector<16xi32>,
        tpu.vector_store %arg9[%swap3A_307, %swap3A_308], %get3A_305 {strides = array<i32>} : memref<3x125xi32, #tpu.memory_space<vmem>>, vector<16xi32>,
        %dma_start3A_310 = arith.constant 2 : i32
        %dma_start3A_311 = arith.constant 2 : i32
        %dma_start3A_312 = arith.constant 250 : i32
        %dma_start3A_313 = arith.constant 0 : i32
        %dma_start3A_314 = tpu.memref_slice %arg8[%dma_start3A_312, %dma_start3A_313] : memref<375x128xf32, #tpu.memory_space<vmem>> -> memref<125x128xf32, #tpu.memory_space<vmem>>
        %dma_start3A_315 = arith.constant 0 : i32
        %dma_start3A_316 = tpu.memref_slice %arg9[%dma_start3A_310, %dma_start3A_315] : memref<3x125xi32, #tpu.memory_space<vmem>> -> memref<1x125xi32, #tpu.memory_space<vmem>>
        %dma_start3A_317 = tpu.memref_squeeze %dma_start3A_316 : memref<1x125xi32, #tpu.memory_space<vmem>> -> memref<125xi32, #tpu.memory_space<vmem>>
        %dma_start3A_318 = arith.constant 0 : i32
        %dma_start3A_319 = arith.constant 0 : i32
        %dma_start3A_320 = tpu.memref_slice %arg6[%dma_start3A_318, %dma_start3A_319] : memref<10000x128xf32, #tpu.memory_space<vmem_shared>> -> memref<10000x128xf32, #tpu.memory_space<vmem_shared>>
        %dma_start3A_321 = tpu.memref_slice %arg12[%dma_start3A_311] : memref<3x!tpu.dma_semaphore, #tpu.memory_space<semaphore_mem>> -> memref<1x!tpu.dma_semaphore, #tpu.memory_space<semaphore_mem>>
        %dma_start3A_322 = tpu.memref_squeeze %dma_start3A_321 : memref<1x!tpu.dma_semaphore, #tpu.memory_space<semaphore_mem>> -> memref<!tpu.dma_semaphore, #tpu.memory_space<semaphore_mem>>
        tpu.enqueue_indirect_dma source(%dma_start3A_314 : memref<125x128xf32, #tpu.memory_space<vmem>>) target(%dma_start3A_320 : memref<10000x128xf32, #tpu.memory_space<vmem_shared>>) offsets(%dma_start3A_317 : memref<125xi32, #tpu.memory_space<vmem>>) semaphore(%dma_start3A_322 : memref<!tpu.dma_semaphore, #tpu.memory_space<semaphore_mem>>) {add = true}
      } else {
      }
      %scan3A_232 = arith.constant 0 : i32
      scf.yield %scan3A_232 : i32
    }
    %scan3A_118 = arith.constant 27 : i32
    %dma_wait3A_119 = arith.constant 0 : i32
    %dma_wait3A_120 = arith.constant 0 : i32
    %dma_wait3A_121 = arith.constant 0 : i32
    %dma_wait3A_122 = arith.constant 0 : i32
    %dma_wait3A_123 = tpu.memref_slice %arg8[%dma_wait3A_121, %dma_wait3A_122] : memref<375x128xf32, #tpu.memory_space<vmem>> -> memref<125x128xf32, #tpu.memory_space<vmem>>
    %dma_wait3A_124 = arith.constant 0 : i32
    %dma_wait3A_125 = tpu.memref_slice %arg9[%dma_wait3A_119, %dma_wait3A_124] : memref<3x125xi32, #tpu.memory_space<vmem>> -> memref<1x125xi32, #tpu.memory_space<vmem>>
    %dma_wait3A_126 = tpu.memref_squeeze %dma_wait3A_125 : memref<1x125xi32, #tpu.memory_space<vmem>> -> memref<125xi32, #tpu.memory_space<vmem>>
    %dma_wait3A_127 = arith.constant 0 : i32
    %dma_wait3A_128 = arith.constant 0 : i32
    %dma_wait3A_129 = tpu.memref_slice %arg6[%dma_wait3A_127, %dma_wait3A_128] : memref<10000x128xf32, #tpu.memory_space<vmem_shared>> -> memref<10000x128xf32, #tpu.memory_space<vmem_shared>>
    %dma_wait3A_130 = tpu.memref_slice %arg12[%dma_wait3A_120] : memref<3x!tpu.dma_semaphore, #tpu.memory_space<semaphore_mem>> -> memref<1x!tpu.dma_semaphore, #tpu.memory_space<semaphore_mem>>
    %dma_wait3A_131 = tpu.memref_squeeze %dma_wait3A_130 : memref<1x!tpu.dma_semaphore, #tpu.memory_space<semaphore_mem>> -> memref<!tpu.dma_semaphore, #tpu.memory_space<semaphore_mem>>
    tpu.wait_indirect_dma semaphore(%dma_wait3A_131 : memref<!tpu.dma_semaphore, #tpu.memory_space<semaphore_mem>>) src(%dma_wait3A_123 : memref<125x128xf32, #tpu.memory_space<vmem>>) dst(%dma_wait3A_129 : memref<10000x128xf32, #tpu.memory_space<vmem_shared>>)
    %dma_wait3A_132 = arith.constant 1 : i32
    %dma_wait3A_133 = arith.constant 1 : i32
    %dma_wait3A_134 = arith.constant 125 : i32
    %dma_wait3A_135 = arith.constant 0 : i32
    %dma_wait3A_136 = tpu.memref_slice %arg8[%dma_wait3A_134, %dma_wait3A_135] : memref<375x128xf32, #tpu.memory_space<vmem>> -> memref<125x128xf32, #tpu.memory_space<vmem>>
    %dma_wait3A_137 = arith.constant 0 : i32
    %dma_wait3A_138 = tpu.memref_slice %arg9[%dma_wait3A_132, %dma_wait3A_137] : memref<3x125xi32, #tpu.memory_space<vmem>> -> memref<1x125xi32, #tpu.memory_space<vmem>>
    %dma_wait3A_139 = tpu.memref_squeeze %dma_wait3A_138 : memref<1x125xi32, #tpu.memory_space<vmem>> -> memref<125xi32, #tpu.memory_space<vmem>>
    %dma_wait3A_140 = arith.constant 0 : i32
    %dma_wait3A_141 = arith.constant 0 : i32
    %dma_wait3A_142 = tpu.memref_slice %arg6[%dma_wait3A_140, %dma_wait3A_141] : memref<10000x128xf32, #tpu.memory_space<vmem_shared>> -> memref<10000x128xf32, #tpu.memory_space<vmem_shared>>
    %dma_wait3A_143 = tpu.memref_slice %arg12[%dma_wait3A_133] : memref<3x!tpu.dma_semaphore, #tpu.memory_space<semaphore_mem>> -> memref<1x!tpu.dma_semaphore, #tpu.memory_space<semaphore_mem>>
    %dma_wait3A_144 = tpu.memref_squeeze %dma_wait3A_143 : memref<1x!tpu.dma_semaphore, #tpu.memory_space<semaphore_mem>> -> memref<!tpu.dma_semaphore, #tpu.memory_space<semaphore_mem>>
    tpu.wait_indirect_dma semaphore(%dma_wait3A_144 : memref<!tpu.dma_semaphore, #tpu.memory_space<semaphore_mem>>) src(%dma_wait3A_136 : memref<125x128xf32, #tpu.memory_space<vmem>>) dst(%dma_wait3A_142 : memref<10000x128xf32, #tpu.memory_space<vmem_shared>>)
    %dma_wait3A_145 = arith.constant 2 : i32
    %dma_wait3A_146 = arith.constant 2 : i32
    %dma_wait3A_147 = arith.constant 250 : i32
    %dma_wait3A_148 = arith.constant 0 : i32
    %dma_wait3A_149 = tpu.memref_slice %arg8[%dma_wait3A_147, %dma_wait3A_148] : memref<375x128xf32, #tpu.memory_space<vmem>> -> memref<125x128xf32, #tpu.memory_space<vmem>>
    %dma_wait3A_150 = arith.constant 0 : i32
    %dma_wait3A_151 = tpu.memref_slice %arg9[%dma_wait3A_145, %dma_wait3A_150] : memref<3x125xi32, #tpu.memory_space<vmem>> -> memref<1x125xi32, #tpu.memory_space<vmem>>
    %dma_wait3A_152 = tpu.memref_squeeze %dma_wait3A_151 : memref<1x125xi32, #tpu.memory_space<vmem>> -> memref<125xi32, #tpu.memory_space<vmem>>
    %dma_wait3A_153 = arith.constant 0 : i32
    %dma_wait3A_154 = arith.constant 0 : i32
    %dma_wait3A_155 = tpu.memref_slice %arg6[%dma_wait3A_153, %dma_wait3A_154] : memref<10000x128xf32, #tpu.memory_space<vmem_shared>> -> memref<10000x128xf32, #tpu.memory_space<vmem_shared>>
    %dma_wait3A_156 = tpu.memref_slice %arg12[%dma_wait3A_146] : memref<3x!tpu.dma_semaphore, #tpu.memory_space<semaphore_mem>> -> memref<1x!tpu.dma_semaphore, #tpu.memory_space<semaphore_mem>>
    %dma_wait3A_157 = tpu.memref_squeeze %dma_wait3A_156 : memref<1x!tpu.dma_semaphore, #tpu.memory_space<semaphore_mem>> -> memref<!tpu.dma_semaphore, #tpu.memory_space<semaphore_mem>>
    tpu.wait_indirect_dma semaphore(%dma_wait3A_157 : memref<!tpu.dma_semaphore, #tpu.memory_space<semaphore_mem>>) src(%dma_wait3A_149 : memref<125x128xf32, #tpu.memory_space<vmem>>) dst(%dma_wait3A_155 : memref<10000x128xf32, #tpu.memory_space<vmem_shared>>)
    %barrier3A_158 = arith.constant 0 : index
    tpu.barrier barrier_id(%barrier3A_158)
    %mul3A_159 = arith.constant 624 : i32
    %mul3A_160 = arith.muli %arg1, %mul3A_159 : i32
    "tpu.region"() ({
      %run_scoped3A = tpu.sem_alloc : memref<!tpu.dma_semaphore, #tpu.memory_space<semaphore_mem>>
      %dma_start3A_166 = arith.constant 0 : i32
      %dma_start3A_167 = arith.constant 0 : i32
      %dma_start3A_168 = tpu.memref_slice %arg5[%arg0, %dma_start3A_166, %dma_start3A_167] : memref<2x10000x128xf32, #tpu.memory_space<hbm>> -> memref<1x10000x128xf32, #tpu.memory_space<hbm>>
      %dma_start3A_169 = tpu.memref_squeeze %dma_start3A_168 : memref<1x10000x128xf32, #tpu.memory_space<hbm>> -> memref<10000x128xf32, #tpu.memory_space<hbm>>
      %dma_start3A_170 = arith.constant 0 : i32
      %dma_start3A_171 = tpu.memref_slice %dma_start3A_169[%mul3A_160, %dma_start3A_170] : memref<10000x128xf32, #tpu.memory_space<hbm>> -> memref<624x128xf32, #tpu.memory_space<hbm>>
      %dma_start3A_172 = arith.constant 0 : i32
      %dma_start3A_173 = tpu.memref_slice %arg6[%mul3A_160, %dma_start3A_172] : memref<10000x128xf32, #tpu.memory_space<vmem_shared>> -> memref<624x128xf32, #tpu.memory_space<vmem_shared>>
      tpu.enqueue_dma source(%dma_start3A_173 : memref<624x128xf32, #tpu.memory_space<vmem_shared>>) target(%dma_start3A_171 : memref<624x128xf32, #tpu.memory_space<hbm>>) target_semaphore(%run_scoped3A : memref<!tpu.dma_semaphore, #tpu.memory_space<semaphore_mem>>)
      %dma_wait3A_174 = arith.constant 0 : i32
      %dma_wait3A_175 = arith.constant 0 : i32
      %dma_wait3A_176 = tpu.memref_slice %arg5[%arg0, %dma_wait3A_174, %dma_wait3A_175] : memref<2x10000x128xf32, #tpu.memory_space<hbm>> -> memref<1x10000x128xf32, #tpu.memory_space<hbm>>
      %dma_wait3A_177 = tpu.memref_squeeze %dma_wait3A_176 : memref<1x10000x128xf32, #tpu.memory_space<hbm>> -> memref<10000x128xf32, #tpu.memory_space<hbm>>
      %dma_wait3A_178 = arith.constant 0 : i32
      %dma_wait3A_179 = tpu.memref_slice %dma_wait3A_177[%mul3A_160, %dma_wait3A_178] : memref<10000x128xf32, #tpu.memory_space<hbm>> -> memref<624x128xf32, #tpu.memory_space<hbm>>
      %dma_wait3A_180 = arith.constant 0 : i32
      %dma_wait3A_181 = tpu.memref_slice %arg6[%mul3A_160, %dma_wait3A_180] : memref<10000x128xf32, #tpu.memory_space<vmem_shared>> -> memref<624x128xf32, #tpu.memory_space<vmem_shared>>
      tpu.wait_dma2 semaphore(%run_scoped3A : memref<!tpu.dma_semaphore, #tpu.memory_space<semaphore_mem>>) src(%dma_wait3A_181 : memref<624x128xf32, #tpu.memory_space<vmem_shared>>) dst(%dma_wait3A_179 : memref<624x128xf32, #tpu.memory_space<hbm>>)
      tpu.yield
    }) : () -> ()
    %eq3A_161 = arith.constant 15 : i32
    %eq3A_162 = arith.cmpi eq, %arg1, %eq3A_161 : i32
    %convert_element_type3A_163 = arith.extui %eq3A_162 : i1 to i32
    %cond3A_164 = arith.constant 0 : i32
    %cond3A_165 = arith.cmpi ne, %convert_element_type3A_163, %cond3A_164 : i32
    scf.if %cond3A_165 {
      "tpu.region"() ({
        %run_scoped3A = tpu.sem_alloc : memref<!tpu.dma_semaphore, #tpu.memory_space<semaphore_mem>>
        %dma_start3A_166 = arith.constant 0 : i32
        %dma_start3A_167 = arith.constant 0 : i32
        %dma_start3A_168 = tpu.memref_slice %arg5[%arg0, %dma_start3A_166, %dma_start3A_167] : memref<2x10000x128xf32, #tpu.memory_space<hbm>> -> memref<1x10000x128xf32, #tpu.memory_space<hbm>>
        %dma_start3A_169 = tpu.memref_squeeze %dma_start3A_168 : memref<1x10000x128xf32, #tpu.memory_space<hbm>> -> memref<10000x128xf32, #tpu.memory_space<hbm>>
        %dma_start3A_170 = arith.constant 9984 : i32
        %dma_start3A_171 = arith.constant 0 : i32
        %dma_start3A_172 = tpu.memref_slice %dma_start3A_169[%dma_start3A_170, %dma_start3A_171] : memref<10000x128xf32, #tpu.memory_space<hbm>> -> memref<16x128xf32, #tpu.memory_space<hbm>>
        %dma_start3A_173 = arith.constant 9984 : i32
        %dma_start3A_174 = arith.constant 0 : i32
        %dma_start3A_175 = tpu.memref_slice %arg6[%dma_start3A_173, %dma_start3A_174] : memref<10000x128xf32, #tpu.memory_space<vmem_shared>> -> memref<16x128xf32, #tpu.memory_space<vmem_shared>>
        tpu.enqueue_dma source(%dma_start3A_175 : memref<16x128xf32, #tpu.memory_space<vmem_shared>>) target(%dma_start3A_172 : memref<16x128xf32, #tpu.memory_space<hbm>>) target_semaphore(%run_scoped3A : memref<!tpu.dma_semaphore, #tpu.memory_space<semaphore_mem>>)
        %dma_wait3A_176 = arith.constant 0 : i32
        %dma_wait3A_177 = arith.constant 0 : i32
        %dma_wait3A_178 = tpu.memref_slice %arg5[%arg0, %dma_wait3A_176, %dma_wait3A_177] : memref<2x10000x128xf32, #tpu.memory_space<hbm>> -> memref<1x10000x128xf32, #tpu.memory_space<hbm>>
        %dma_wait3A_179 = tpu.memref_squeeze %dma_wait3A_178 : memref<1x10000x128xf32, #tpu.memory_space<hbm>> -> memref<10000x128xf32, #tpu.memory_space<hbm>>
        %dma_wait3A_180 = arith.constant 9984 : i32
        %dma_wait3A_181 = arith.constant 0 : i32
        %dma_wait3A_182 = tpu.memref_slice %dma_wait3A_179[%dma_wait3A_180, %dma_wait3A_181] : memref<10000x128xf32, #tpu.memory_space<hbm>> -> memref<16x128xf32, #tpu.memory_space<hbm>>
        %dma_wait3A_183 = arith.constant 9984 : i32
        %dma_wait3A_184 = arith.constant 0 : i32
        %dma_wait3A_185 = tpu.memref_slice %arg6[%dma_wait3A_183, %dma_wait3A_184] : memref<10000x128xf32, #tpu.memory_space<vmem_shared>> -> memref<16x128xf32, #tpu.memory_space<vmem_shared>>
        tpu.wait_dma2 semaphore(%run_scoped3A : memref<!tpu.dma_semaphore, #tpu.memory_space<semaphore_mem>>) src(%dma_wait3A_185 : memref<16x128xf32, #tpu.memory_space<vmem_shared>>) dst(%dma_wait3A_182 : memref<16x128xf32, #tpu.memory_space<hbm>>)
        tpu.yield
      }) : () -> ()
    } else {
    }
    return
  }
}

module attributes {stable_mosaic.version = 14 : i64} {
  func.func @_mm_kernel(%arg0: i32, %arg1: memref<1000x128xf32, #tpu.memory_space<vmem>>, %arg2: memref<128x128xf32, #tpu.memory_space<vmem>>, %arg3: memref<1000x128xf32, #tpu.memory_space<vmem>>) attributes {dimension_semantics = [#tpu.dimension_semantics<arbitrary>], iteration_bounds = array<i64: 10>, scalar_prefetch = 0 : i64, scratch_operands = 0 : i64, tpu.core_type = #tpu.core_type<tc>, window_params = [{transform_indices = @transform_0, window_bounds = array<i64: 1000, 128>}, {pipeline_mode = #tpu.pipeline_mode<synchronous>, transform_indices = @transform_1, window_bounds = array<i64: 128, 128>}, {transform_indices = @transform_2, window_bounds = array<i64: 1000, 128>}]} {
    %get3A = arith.constant 0 : index
    %get3A_0 = arith.constant 0 : index
    %get3A_1 = vector.load %arg1[%get3A, %get3A_0] : memref<1000x128xf32, #tpu.memory_space<vmem>>, vector<1000x128xf32>
    %get3A_2 = arith.constant 0 : index
    %get3A_3 = arith.constant 0 : index
    %get3A_4 = vector.load %arg2[%get3A_2, %get3A_3] : memref<128x128xf32, #tpu.memory_space<vmem>>, vector<128x128xf32>
    %dot_general3A = arith.constant dense<0.000000e+00> : vector<1000x128xf32>
    %dot_general3A_5 = tpu.matmul %get3A_1, %get3A_4, %dot_general3A {dimension_numbers = #tpu.dot_dimension_numbers<[1], [0], [0], [1], [0, 0, 1, 1], [], []>, transpose_lhs_hint = false} : vector<1000x128xf32>, vector<128x128xf32>, vector<1000x128xf32> -> vector<1000x128xf32>
    %swap3A = arith.constant 0 : index
    %swap3A_6 = arith.constant 0 : index
    %swap3A_7 = vector.load %arg3[%swap3A, %swap3A_6] : memref<1000x128xf32, #tpu.memory_space<vmem>>, vector<1000x128xf32>
    tpu.vector_store %arg3[%swap3A, %swap3A_6], %dot_general3A_5 {strides = array<i32>} : memref<1000x128xf32, #tpu.memory_space<vmem>>, vector<1000x128xf32>,
    return
  }
  func.func @transform_0(%arg0: i32) -> (i32, i32) {
    %c0_i32 = arith.constant 0 : i32
    %c0_i32_0 = arith.constant 0 : i32
    return %arg0, %c0_i32 : i32, i32
  }
  func.func @transform_1(%arg0: i32) -> (i32, i32) {
    %c0_i32 = arith.constant 0 : i32
    %c0_i32_0 = arith.constant 0 : i32
    %c0_i32_1 = arith.constant 0 : i32
    return %c0_i32, %c0_i32_0 : i32, i32
  }
  func.func @transform_2(%arg0: i32) -> (i32, i32) {
    %c0_i32 = arith.constant 0 : i32
    %c0_i32_0 = arith.constant 0 : i32
    return %arg0, %c0_i32 : i32, i32
  }
}

module attributes {stable_mosaic.version = 14 : i64} {
  func.func @_add_mm_kernel(%arg0: i32, %arg1: memref<2x1000x128xf32, #tpu.memory_space<vmem>>, %arg2: memref<1x128xf32, #tpu.memory_space<vmem>>, %arg3: memref<128x128xf32, #tpu.memory_space<vmem>>, %arg4: memref<1000x128xf32, #tpu.memory_space<vmem>>) attributes {dimension_semantics = [#tpu.dimension_semantics<arbitrary>], iteration_bounds = array<i64: 10>, scalar_prefetch = 0 : i64, scratch_operands = 0 : i64, tpu.core_type = #tpu.core_type<tc>, window_params = [{transform_indices = @transform_0, window_bounds = array<i64: 2, 1000, 128>}, {pipeline_mode = #tpu.pipeline_mode<synchronous>, transform_indices = @transform_1, window_bounds = array<i64: 1, 128>}, {pipeline_mode = #tpu.pipeline_mode<synchronous>, transform_indices = @transform_2, window_bounds = array<i64: 128, 128>}, {transform_indices = @transform_3, window_bounds = array<i64: 1000, 128>}]} {
    %get3A = arith.constant 0 : index
    %get3A_0 = arith.constant 0 : index
    %get3A_1 = arith.constant 0 : index
    %get3A_2 = vector.load %arg1[%get3A, %get3A_0, %get3A_1] : memref<2x1000x128xf32, #tpu.memory_space<vmem>>, vector<1x1000x128xf32>
    %get3A_3 = vector.shape_cast %get3A_2 : vector<1x1000x128xf32> to vector<1000x128xf32>
    %get3A_4 = arith.constant 1 : index
    %get3A_5 = arith.constant 0 : index
    %get3A_6 = arith.constant 0 : index
    %get3A_7 = vector.load %arg1[%get3A_4, %get3A_5, %get3A_6] : memref<2x1000x128xf32, #tpu.memory_space<vmem>>, vector<1x1000x128xf32>
    %get3A_8 = vector.shape_cast %get3A_7 : vector<1x1000x128xf32> to vector<1000x128xf32>
    %add3A = arith.addf %get3A_3, %get3A_8 : vector<1000x128xf32>
    %get3A_9 = arith.constant 0 : index
    %get3A_10 = arith.constant 0 : index
    %get3A_11 = vector.load %arg2[%get3A_9, %get3A_10] : memref<1x128xf32, #tpu.memory_space<vmem>>, vector<1x128xf32>
    %add3A_12 = vector.broadcast %get3A_11 : vector<1x128xf32> to vector<1000x128xf32>
    %add3A_13 = arith.addf %add3A, %add3A_12 : vector<1000x128xf32>
    %get3A_14 = arith.constant 0 : index
    %get3A_15 = arith.constant 0 : index
    %get3A_16 = vector.load %arg3[%get3A_14, %get3A_15] : memref<128x128xf32, #tpu.memory_space<vmem>>, vector<128x128xf32>
    %dot_general3A = arith.constant dense<0.000000e+00> : vector<1000x128xf32>
    %dot_general3A_17 = tpu.matmul %add3A_13, %get3A_16, %dot_general3A {dimension_numbers = #tpu.dot_dimension_numbers<[1], [0], [0], [1], [0, 0, 1, 1], [], []>, transpose_lhs_hint = false} : vector<1000x128xf32>, vector<128x128xf32>, vector<1000x128xf32> -> vector<1000x128xf32>
    %swap3A = arith.constant 0 : index
    %swap3A_18 = arith.constant 0 : index
    %swap3A_19 = vector.load %arg4[%swap3A, %swap3A_18] : memref<1000x128xf32, #tpu.memory_space<vmem>>, vector<1000x128xf32>
    tpu.vector_store %arg4[%swap3A, %swap3A_18], %dot_general3A_17 {strides = array<i32>} : memref<1000x128xf32, #tpu.memory_space<vmem>>, vector<1000x128xf32>,
    return
  }
  func.func @transform_0(%arg0: i32) -> (i32, i32, i32) {
    %c0_i32 = arith.constant 0 : i32
    %c0_i32_0 = arith.constant 0 : i32
    %c0_i32_1 = arith.constant 0 : i32
    return %c0_i32, %arg0, %c0_i32_0 : i32, i32, i32
  }
  func.func @transform_1(%arg0: i32) -> (i32, i32) {
    %c0_i32 = arith.constant 0 : i32
    %c0_i32_0 = arith.constant 0 : i32
    %c0_i32_1 = arith.constant 0 : i32
    return %c0_i32, %c0_i32_0 : i32, i32
  }
  func.func @transform_2(%arg0: i32) -> (i32, i32) {
    %c0_i32 = arith.constant 0 : i32
    %c0_i32_0 = arith.constant 0 : i32
    %c0_i32_1 = arith.constant 0 : i32
    return %c0_i32, %c0_i32_0 : i32, i32
  }
  func.func @transform_3(%arg0: i32) -> (i32, i32) {
    %c0_i32 = arith.constant 0 : i32
    %c0_i32_0 = arith.constant 0 : i32
    return %arg0, %c0_i32 : i32, i32
  }
}

module attributes {stable_mosaic.version = 14 : i64} {
  func.func @_add_bias_kernel(%arg0: i32, %arg1: memref<2x1000x128xf32, #tpu.memory_space<vmem>>, %arg2: memref<1x128xf32, #tpu.memory_space<vmem>>, %arg3: memref<1000x128xf32, #tpu.memory_space<vmem>>) attributes {dimension_semantics = [#tpu.dimension_semantics<arbitrary>], iteration_bounds = array<i64: 10>, scalar_prefetch = 0 : i64, scratch_operands = 0 : i64, tpu.core_type = #tpu.core_type<tc>, window_params = [{transform_indices = @transform_0, window_bounds = array<i64: 2, 1000, 128>}, {pipeline_mode = #tpu.pipeline_mode<synchronous>, transform_indices = @transform_1, window_bounds = array<i64: 1, 128>}, {transform_indices = @transform_2, window_bounds = array<i64: 1000, 128>}]} {
    %get3A = arith.constant 0 : index
    %get3A_0 = arith.constant 0 : index
    %get3A_1 = arith.constant 0 : index
    %get3A_2 = vector.load %arg1[%get3A, %get3A_0, %get3A_1] : memref<2x1000x128xf32, #tpu.memory_space<vmem>>, vector<1x1000x128xf32>
    %get3A_3 = vector.shape_cast %get3A_2 : vector<1x1000x128xf32> to vector<1000x128xf32>
    %get3A_4 = arith.constant 1 : index
    %get3A_5 = arith.constant 0 : index
    %get3A_6 = arith.constant 0 : index
    %get3A_7 = vector.load %arg1[%get3A_4, %get3A_5, %get3A_6] : memref<2x1000x128xf32, #tpu.memory_space<vmem>>, vector<1x1000x128xf32>
    %get3A_8 = vector.shape_cast %get3A_7 : vector<1x1000x128xf32> to vector<1000x128xf32>
    %add3A = arith.addf %get3A_3, %get3A_8 : vector<1000x128xf32>
    %get3A_9 = arith.constant 0 : index
    %get3A_10 = arith.constant 0 : index
    %get3A_11 = vector.load %arg2[%get3A_9, %get3A_10] : memref<1x128xf32, #tpu.memory_space<vmem>>, vector<1x128xf32>
    %add3A_12 = vector.broadcast %get3A_11 : vector<1x128xf32> to vector<1000x128xf32>
    %add3A_13 = arith.addf %add3A, %add3A_12 : vector<1000x128xf32>
    %swap3A = arith.constant 0 : index
    %swap3A_14 = arith.constant 0 : index
    %swap3A_15 = vector.load %arg3[%swap3A, %swap3A_14] : memref<1000x128xf32, #tpu.memory_space<vmem>>, vector<1000x128xf32>
    tpu.vector_store %arg3[%swap3A, %swap3A_14], %add3A_13 {strides = array<i32>} : memref<1000x128xf32, #tpu.memory_space<vmem>>, vector<1000x128xf32>,
    return
  }
  func.func @transform_0(%arg0: i32) -> (i32, i32, i32) {
    %c0_i32 = arith.constant 0 : i32
    %c0_i32_0 = arith.constant 0 : i32
    %c0_i32_1 = arith.constant 0 : i32
    return %c0_i32, %arg0, %c0_i32_0 : i32, i32, i32
  }
  func.func @transform_1(%arg0: i32) -> (i32, i32) {
    %c0_i32 = arith.constant 0 : i32
    %c0_i32_0 = arith.constant 0 : i32
    %c0_i32_1 = arith.constant 0 : i32
    return %c0_i32, %c0_i32_0 : i32, i32
  }
  func.func @transform_2(%arg0: i32) -> (i32, i32) {
    %c0_i32 = arith.constant 0 : i32
    %c0_i32_0 = arith.constant 0 : i32
    return %arg0, %c0_i32 : i32, i32
  }
}

</mosaic_0001>

<sc_bundles>
// kernel: kernel.10.cloned.1.call-start
scs
__scs_entry_jumppad:
0x0: {  	(pc) =	sbr.rel $0x88, $3  }
0x1: {  	(tag) =	ssettag $0x0;
	lr =	simm.s32 $0x1  }
0x2: {  	[smem:$0x3F9A] =	sst lr;
	_ =	strace $0xD0000000  }
0x3: {  	_ = 	snop  }
0x4: {  	_ = 	snop  }
0x5: {  	_ = 	snop  }
0x6: {  	_ = 	snop  }
0x7: {  	_ = 	snop  }
__scs_overlays_trampoline_lowered:
0x8: {  	[smem:$0x3FA9] =	sst s0  }
0x9: {  	[smem:$0x3FAA] =	sst s1  }
0xa: {  	[smem:$0x3FAB] =	sst s2  }
0xb: {  	[smem:$0x3FAC] =	sst s3  }
0xc: {  	[smem:$0x3FAD] =	sst s4  }
0xd: {  	[smem:$0x3FAE] =	sst s5  }
0xe: {  	[smem:$0x3FAF] =	sst s6  }
0xf: {  	[smem:$0x3FB0] =	sst s7  }
0x10: {  	[smem:$0x3FB1] =	sst s8  }
0x11: {  	[smem:$0x3FB2] =	sst s9;
	s0 =	simm.s32 @!p0 $0x0  }
0x12: {  	s1 =	sld [smem:$0x3F98];
	s0 =	simm.s32 @p0 $0x1  }
0x13: {  	[smem:$0x3FB3] =	sst s0;
	s0 =	simm.s32 @!p1 $0x0  }
0x14: {  	s2 =	sld [smem:$0x3F97];
	s0 =	simm.s32 @p1 $0x1  }
0x15: {  	[smem:$0x3FB4] =	sst s0;
	s0 =	simm.s32 @!p2 $0x0  }
0x16: {  	s3 =	sld [smem:$0x3FDB];
	s0 =	simm.s32 @p2 $0x1  }
0x17: {  	s4 =	simm.s32 $0x1BF5;
	[smem:$0x3FB6] =	sst s0  }
0x18: {  	s0 =	sld [smem:$0x3F99];
	_ =	swait.ge [sflag:s4], $0x0  }
0x19: {  	s7 =	sld [smem:$0x3F9A]  }
0x1a: {  	s8 =	sadd.s32 $0xFFFFE003, lr  }
0x1b: {  	s9 =	sadd.s32 $0xFFFFFEF7, lr;
	s5 =	simm.s32 $0xFFFFFFFF;
	p2 =	slt.u32 s8, $0xFFFFF086  }
0x1c: {  	p1 =	slt.u32 s9, $0xF7A;
	s5 =	simm.s32 @!p2 $0x0  }
0x1d: {  	s5 =	simm.s32 @p1 $0x1;
	p0 =	seq.s32 s7, s2  }
0x1e: {  	s7 =	smul.u32 @!p0 $0xF7A, s2;
	p2 =	seq.s32 @!p0 s5, $0x0  }
0x1f: {  	s9 =	smul.u32 $0xF7A, s1;
	s8 =	simm.s32 @!p0 $0x1BF5;
	p2 =	por !p2, p0  }
0x20: {  	[sflag:s8] =	ssyncset.s32 @!p0 $0xFFFFF086;
	s6 =	sadd.s32 @!p0 s3, s7;
	s7 =	simm.s32 @!p0 $0x108  }
0x21: {  	s3 =	sadd.s32 s3, s9;
	s6 =	sadd.s32 @!p0 $0x88, s6;
	s7 =	simm.s32 @p2 $0x1082  }
0x22: {  	[simem:s7], [sflag:s8] =	dma.local @!p0 [hbm:s6], $0xF7A  }
0x23: {  	s9 =	sor.u32 $0xD0000000, s2;
	s6 =	simm.s32 $0x108;
	_ =	swait.ge @!p0 [sflag:s8], $0x0  }
0x24: {  	s3 =	sadd.s32 $0x88, s3;
	s6 =	simm.s32 @!p1 $0x1082;
	[sflag:s4] =	ssyncset.s32 $0xFFFFF086  }
0x25: {  	[simem:s6], [sflag:s4] =	dma.local [hbm:s3], $0xF7A  }
0x26: {  	[smem:$0x3F9A] =	sst s1;
	(tag) =	ssettag s2;
	_ =	strace s9  }
0x27: {  	s1 =	sld [smem:$0x3FAA]  }
0x28: {  	s2 =	sld [smem:$0x3FAB]  }
0x29: {  	s4 =	sld [smem:$0x3FAD]  }
0x2a: {  	p0 =	seq.s32 s5, $0x0;
	s5 =	sld [smem:$0x3FAE]  }
0x2b: {  	s6 =	sld [smem:$0x3FAF]  }
0x2c: {  	s7 =	sld [smem:$0x3FB0]  }
0x2d: {  	s3 =	simm.s32 $0x108;
	s8 =	sld [smem:$0x3FB1]  }
0x2e: {  	s3 =	simm.s32 @!p0 $0x1082;
	s9 =	sld [smem:$0x3FB2]  }
0x2f: {  	lr =	sadd.s32 s0, s3;
	s0 =	sld [smem:$0x3FA9]  }
0x30: {  	s3 =	sld [smem:$0x3FAC]  }
0x31: {  	[smem:$0x3FB5] =	sst s10  }
0x32: {  	s10 =	sld [smem:$0x3FB3];
	_ =	sdelay $0x3  }
0x33: {  	p0 =	seq.s32 s10, $0x1;
	s10 =	sld [smem:$0x3FB5];
	_ =	sdelay $0x3  }
0x34: {  	[smem:$0x3FB5] =	sst s10  }
0x35: {  	s10 =	sld [smem:$0x3FB4];
	_ =	sdelay $0x3  }
0x36: {  	p1 =	seq.s32 s10, $0x1;
	s10 =	sld [smem:$0x3FB5];
	_ =	sdelay $0x3  }
0x37: {  	[smem:$0x3FB5] =	sst s10  }
0x38: {  	s10 =	sld [smem:$0x3FB6]  }
0x39: {  	_ = 	snop;
	(pc) =	sbr.ind lr, $3  }
0x3a: {  	_ = 	snop  }
0x3b: {  	_ = 	snop  }
0x3c: {  	p2 =	seq.s32 s10, $0x1;
	s10 =	sld [smem:$0x3FB5]  }
0x3d: {  	_ =	shalt  }
0x3e: {  	_ =	shalt  }
0x3f: {  	_ =	shalt  }
0x40: {  	_ =	shalt  }
0x41: {  	_ =	shalt  }
0x42: {  	_ =	shalt  }
0x43: {  	_ =	shalt  }
0x44: {  	_ =	shalt  }
0x45: {  	_ =	shalt  }
0x46: {  	_ =	shalt  }
0x47: {  	_ =	shalt  }
0x48: {  	_ =	shalt  }
0x49: {  	_ =	shalt  }
0x4a: {  	_ =	shalt  }
0x4b: {  	_ =	shalt  }
0x4c: {  	_ =	shalt  }
0x4d: {  	_ =	shalt  }
0x4e: {  	_ =	shalt  }
0x4f: {  	_ =	shalt  }
0x50: {  	_ =	shalt  }
0x51: {  	_ =	shalt  }
0x52: {  	_ =	shalt  }
0x53: {  	_ =	shalt  }
0x54: {  	_ =	shalt  }
0x55: {  	_ =	shalt  }
0x56: {  	_ =	shalt  }
0x57: {  	_ =	shalt  }
0x58: {  	_ =	shalt  }
0x59: {  	_ =	shalt  }
0x5a: {  	_ =	shalt  }
0x5b: {  	_ =	shalt  }
0x5c: {  	_ =	shalt  }
0x5d: {  	_ =	shalt  }
0x5e: {  	_ =	shalt  }
0x5f: {  	_ =	shalt  }
0x60: {  	_ =	shalt  }
0x61: {  	_ =	shalt  }
0x62: {  	_ =	shalt  }
0x63: {  	_ =	shalt  }
0x64: {  	_ =	shalt  }
0x65: {  	_ =	shalt  }
0x66: {  	_ =	shalt  }
0x67: {  	_ =	shalt  }
0x68: {  	_ =	shalt  }
0x69: {  	_ =	shalt  }
0x6a: {  	_ =	shalt  }
0x6b: {  	_ =	shalt  }
0x6c: {  	_ =	shalt  }
0x6d: {  	_ =	shalt  }
0x6e: {  	_ =	shalt  }
0x6f: {  	_ =	shalt  }
0x70: {  	_ =	shalt  }
0x71: {  	_ =	shalt  }
0x72: {  	_ =	shalt  }
0x73: {  	_ =	shalt  }
0x74: {  	_ =	shalt  }
0x75: {  	_ =	shalt  }
0x76: {  	_ =	shalt  }
0x77: {  	_ =	shalt  }
0x78: {  	_ =	shalt  }
0x79: {  	_ =	shalt  }
0x7a: {  	_ =	shalt  }
0x7b: {  	_ =	shalt  }
0x7c: {  	_ =	shalt  }
0x7d: {  	_ =	shalt  }
0x7e: {  	_ =	shalt  }
0x7f: {  	_ =	shalt  }
0x80: {  	_ =	shalt  }
0x81: {  	_ =	shalt  }
0x82: {  	_ =	shalt  }
0x83: {  	_ =	shalt  }
0x84: {  	_ =	shalt  }
0x85: {  	_ =	shalt  }
0x86: {  	_ =	shalt  }
0x87: {  	_ =	shalt  }
.Lfunc_end0:
.L_simem_size_0:
called_computation.1_lowered:
.L_overlay_start_0:
0x88: {  	s2 =	sld [smem:$0x3FD9]  }
0x89: {  	s3 =	sld [smem:$0x3FFE];
	_ =	sdelay $0x1  }
0x8a: {  	s1 =	srdreg.scid  }
0x8b: {  	s0 =	sand.u32 $0x1, s1  }
0x8c: {  	s17 =	sshll.u32 s0, $0xA;
	s2 =	sadd.s32 s3, s2  }
0x8d: {  	s2 =	sadd.s32 s2, s17  }
0x8e: {  	[smem:$0x3FC1] =	sst s2  }
0x8f: {  	_ = 	snop  }
0x90: {  	s2 =	sld [smem:$0x3FD0];
	(tm) =	ssettm $0x1  }
0x91: {  	s18 =	sld [smem:$0x3FFB];
	_ =	sdelay $0x3  }
0x92: {  	_ =	strace s18  }
0x93: {  	s3 =	sld [smem:$0x3FFC];
	_ =	sdelay $0x3  }
0x94: {  	_ =	strace s3  }
0x95: {  	s3 =	sld [smem:$0x3FFD];
	_ =	sdelay $0x3  }
0x96: {  	_ =	strace s3  }
0x97: {  	_ =	strace $0x8FFFFFFF  }
0x98: {  	s19 =	sld [smem:$0x3FDB];
	_ =	sdelay $0x1  }
0x99: {  	s4 =	simm.s32 $_scs_section_size  }
0x9a: {  	s5 =	simm.s32 $_size__tile_overlayer_lowered;
	s6 =	simm.s32 $_tile_overlayer_lowered  }
0x9b: {  	s22 =	simm.s32 $0x1BFF;
	s21 =	sshll.u32 s6, $0x1;
	s3 =	sadd.s32 s4, s19  }
0x9c: {  	s7 =	simm.s32 $0x0;
	s20 =	sshll.u32 s5, $0x1;
	s5 =	sadd.s32 s21, s3  }
0x9d: {  	[timem:s7], [sflag:s22] =	dma.local [hbm:s5], s20  }
0x9e: {  	_ =	swait.ge [sflag:s22], s20  }
0x9f: {  	s4 =	ssub.s32 $0x0, s20;
	[sflag:s22] =	ssyncset.done $0x0  }
0xa0: {  	[sflag:s22] =	ssyncadd.s32 s4;
	_ =	sdelay $0x1  }
0xa1: {  	s23 =	simm.s32 $0x1B8B  }
0xa2: {  	_ =	swait.ge [sflag:s23], $0x1  }
0xa3: {  	[sflag:s23] =	ssyncset.done $0x0  }
0xa4: {  	s25 =	simm.s32 $0x1B8E;
	s24 =	sld [smem:$0x3FFE];
	[sflag:s23] =	ssyncadd.s32 $0xFFFFFFFF  }
0xa5: {  	s26 =	simm.s32 $execute0_lowered;
	[smem:$0x3FD2] =	sst s25  }
0xa6: {  	s5 =	sshll.u32 s26, $0x1;
	_ =	strace $0x80000049;
	[dreg:$0x1] =	wrdreg $0xFFFFFFFF  }
0xa7: {  	s28 =	simm.s32 $_size_execute0_lowered;
	s3 =	sadd.s32 s3, s5;
	[dreg:$0x0] =	wrdreg $0x0  }
0xa8: {  	s5 =	sshll.u32 s28, $0x1;
	[dreg:$0x2] =	wrdreg s3  }
0xa9: {  	[dreg:$0x3] =	wrdreg s5  }
0xaa: {  	[dreg:$0x4] =	wrdreg $0xC0  }
0xab: {  	_ =	task [dreg:s7], $0x5FFFF  }
0xac: {  	[dreg:$0x1] =	wrdreg $0xFFFFFFFF  }
0xad: {  	[dreg:$0x0] =	wrdreg $0x60  }
0xae: {  	[dreg:$0x2] =	wrdreg s2  }
0xaf: {  	[dreg:$0x3] =	wrdreg s24  }
0xb0: {  	[dreg:$0x4] =	wrdreg $0x0  }
0xb1: {  	[dreg:$0x5] =	wrdreg $0x9  }
0xb2: {  	_ =	task.clear_ibuf [dreg:s7], $0x6FFFF;
	_ =	strace $0x90000049  }
0xb3: {  	s29 =	simm.s32 $0x9;
	_ =	strace $0x8000004B  }
0xb4: {  	_ =	swait.ge [sflag:s29], $0x1  }
0xb5: {  	[sflag:s29] =	ssyncadd.s32 $0xFFFFFFFF  }
0xb6: {  	_ =	strace $0x9000004B  }
0xb7: {  	_ =	sfence  }
0xb8: {  	s30 =	sld [smem:$0x0];
	_ =	sdelay $0x2  }
0xb9: {  	s31 =	sshll.u32 s1, $0xD;
	s1 =	sshrl.u32 s1, $0x2  }
0xba: {  	s3 =	sand.u32 $0x4000, s31;
	s1 =	sadd.s32 s1, s30  }
0xbb: {  	s0 =	sor.u32 s3, s0;
	s1 =	sshll.u32 s1, $0x11  }
0xbc: {  	s0 =	sor.u32 s1, s0  }
0xbd: {  	s0 =	sadd.s32 $0x8F2B, s0  }
0xbe: {  	[sflag:s0] =	ssyncadd.remote.s32 $0x1  }
0xbf: {  	_ =	sfence.sel $0xFFFF  }
0xc0: {  	[dreg:$0x0] =	wrdreg $0xFFFFFFFF;
	(pc) =	sbr.abs _section_cstart, $3  }
0xc1: {  	[dreg:$0x1] =	wrdreg $0xFFFFFFFF  }
0xc2: {  	_ =	task.clear_ibuf [dreg:s7], $0x2FFFF;
	_ =	strace $0x9FFFFFFF  }
0xc3: {  	(tm) =	ssettm $0x7FFFFFFF  }
tec
execute0_lowered:
.L_overlay_start_1:
0x0: {  	(tag) =	ssettag $0x1  }
0x1: {  	s1 =	rddreg [dreg:$0x0]  }
0x2: {  	s0 =	srdreg.scid;
	s4 =	rddreg [dreg:$0x1]  }
0x3: {  	s9 =	stileid.u32;
	s3 =	rddreg [dreg:$0x2]  }
0x4: {  	s5 =	simm.s32 $0x0;
	s15 =	simm.s32 $0x13880;
	s17 =	simm.s32 $0x13A00  }
0x5: {  	s18 =	simm.s32 $0x1;
	s19 =	simm.s32 $0x7D;
	s20 =	simm.s32 $0x14080  }
0x6: {  	s28 =	simm.s32 $0x4;
	s29 =	simm.s32 $0x1FC80;
	s30 =	simm.s32 $0x5  }
0x7: {  	s31 =	simm.s32 $0x1FD00;
	s12 =	simm.s32 $0x1FD80;
	s16 =	simm.s32 $0x1BD80  }
0x8: {  	s0 =	sand.u32 $0x1, s0;
	s2 =	sshll.u32 s9, $0x1;
	s7 =	smul.u32 $0x2700, s9  }
0x9: {  	[smem:$0x7FF] =	sst s5;
	s6 =	smul.u32 $0x4E000, s9;
	s24 =	sshll.u32 s9, $0x6  }
0xa: {  	p0 =	sne.s32 s9, $0xF;
	s9 =	simm.s32 $0x6;
	s2 =	sor.u32 s0, s2  }
0xb: {  	s23 =	smul.u32 $0x27100, s0;
	_ =	strace $0x8000004A;
	[dreg:$0x6] =	wrdreg s24  }
0xc: {  	s0 =	ssub.s32 $0x2, s0;
	s2 =	smul.u32 $0x1400, s2;
	[dreg:$0x4] =	wrdreg s7  }
0xd: {  	s7 =	sadd.s32 s7, s4;
	s8 =	sshrl.u32 s0, $0x1;
	s6 =	sshrl.u32 s6, $0x2  }
0xe: {  	s5 =	sadd.s32 s23, s4;
	s0 =	ssub.s32 s0, s8;
	s7 =	sadd.s32 $0x29A00, s7  }
0xf: {  	s6 =	sadd.s32 s6, s3;
	s2 =	sadd.s32 s2, s4;
	[dreg:$0x5] =	wrdreg s7  }
0x10: {  	s7 =	sor.u32 $0x1C0A, s24;
	s4 =	sadd.s32 $0x50A00, s4;
	s25 =	sadd.s32 $0x50C00, s5  }
0x11: {  	s0 =	smax.u32 s0, $0x1;
	s13 =	sshrl.u32 s6, $0x3;
	[dreg:$0x7] =	wrdreg s7  }
0x12: {  	s5 =	simm.s32 $0x0;
	s7 =	sadd.s32 $0x138000, s3;
	[dreg:$0x8] =	wrdreg s4  }
.Ltmp0:
0x13: {  	s2 =	sadd.s32 $0x1A00, s2;
	[dreg:$0xa] =	wrdreg s25;
	(pc) =	sbr.rel .LBB2_1-.Ltmp0, $4  }
0x14: {  	[dreg:$0xb] =	wrdreg s0;
	s25 =	simm.s32 $0x2;
	s0 =	simm.s32 $0x8  }
0x15: {  	s14 =	sshrl.u32 @!p0 s7, $0x3;
	s26 =	sadd.s32 $0x40, s2;
	s22 =	sadd.s32 $0x80, s2  }
0x16: {  	s23 =	sadd.s32 $0xC0, s2;
	[dreg:$0x9] =	wrdreg s2;
	s24 =	sadd.s32 $0x100, s2  }
0x17: {  	s2 =	simm.s32 $0x7;
	[dreg:$0xc] =	wrdreg s26;
	s26 =	simm.s32 $0x17F00  }
.LBB2_13:
0x18: {  	_ =	swait.ge [sflag:s2], $0x3E80  }
0x19: {  	[sflag:s2] =	ssyncset.done $0x0  }
0x1a: {  	[sflag:s2] =	ssyncadd.s32 $0xFFFFC180  }
0x1b: {  	_ =	swait.ge [sflag:s0], $0x3E80  }
0x1c: {  	[sflag:s0] =	ssyncset.done $0x0  }
0x1d: {  	s4 =	simm.s32 $0x9;
	[sflag:s0] =	ssyncadd.s32 $0xFFFFC180  }
0x1e: {  	_ =	swait.ge [sflag:s4], $0x3E80  }
0x1f: {  	[sflag:s4] =	ssyncset.done $0x0  }
0x20: {  	[sflag:s4] =	ssyncadd.s32 $0xFFFFC180  }
0x21: {  	[bflag:$0x0] =	sbarrier.arrive $0xFFFF  }
0x22: {  	s10 =	rddreg [dreg:$0x4]  }
0x23: {  	s7 =	rddreg [dreg:$0xa]  }
0x24: {  	s6 =	rddreg [dreg:$0x6]  }
0x25: {  	s11 =	simm.s32 $0xB;
	s4 =	sadd.s32 s10, s7;
	s6 =	sor.u32 $0x1C0B, s6  }
0x26: {  	[hbm:s4], [sflag:s6] =	dma.local [spmem:s13], $0x2700  }
0x27: {  	_ =	swait.ge [sflag:s11], $0x2700  }
0x28: {  	[sflag:s11] =	ssyncset.done $0x0  }
0x29: {  	s4 =	sadd.s32 @!p0 $0x27000, s7;
	[sflag:s11] =	ssyncadd.s32 $0xFFFFD900  }
0x2a: {  	[hbm:s4], [sflag:s6] =	dma.local @!p0 [spmem:s14], $0x100  }
0x2b: {  	s4 =	simm.s32 @!p0 $0xB  }
0x2c: {  	_ =	swait.ge @!p0 [sflag:s4], $0x100  }
0x2d: {  	s5 =	sadd.s32 $0x1, s5;
	s21 =	rddreg [dreg:$0xb]  }
0x2e: {  	p1 =	sne.s32 s5, s21  }
.Ltmp1:
0x2f: {  	_ = 	snop;
	(pc) =	sbr.rel @!p1 .LBB2_14-.Ltmp1, $3  }
0x30: {  	_ =	sdelay $0x1  }
0x31: {  	[sflag:s4] =	ssyncset.done @!p0 $0x0  }
0x32: {  	[sflag:s4] =	ssyncadd.s32 @!p0 $0xFFFFFF00  }
.LBB2_1:
0x33: {  	s4 =	rddreg [dreg:$0x5]  }
0x34: {  	s6 =	rddreg [dreg:$0x7]  }
0x35: {  	[spmem:s13], [sflag:s6] =	dma.local [hbm:s4], $0x2700  }
0x36: {  	s4 =	rddreg [dreg:$0x8]  }
0x37: {  	[spmem:s14], [sflag:s6] =	dma.local @!p0 [hbm:s4], $0x100  }
0x38: {  	s10 =	simm.s32 $0x0;
	s6 =	rddreg [dreg:$0x9]  }
0x39: {  	[tilespmem:s15], [sflag:$0x1] =	stream.linear.gather [hbm4b:s6+s10], $0x180, $0x38;
	[tilespmem:$0x1FE80] =	vst v63  }
0x3a: {  	s11 =	rddreg [dreg:$0xc]  }
0x3b: {  	[tilespmem:s17], [sflag:$0x2] =	stream.linear.gather [hbm4b:s11+s10], $0x180, $0x38;
	[tilespmem:$0x1FE80] =	vst v63  }
0x3c: {  	_ =	swait.ge [sflag:s18], $0x180  }
0x3d: {  	[sflag:s18] =	ssyncset.done $0x0  }
0x3e: {  	s21 =	simm.s32 $0xA;
	[sflag:s18] =	ssyncadd.s32 $0xFFFFFE80  }
0x3f: {  	[tilespmem:s20], [sflag:$0x4] =	stream.indirect.gather [hbm4b:s1+s19], $0x80, s15, s19, $0xb8;
	[tilespmem:$0x1FE80] =	vst v63  }
0x40: {  	_ =	swait.ge [sflag:s21], $0x2700  }
0x41: {  	[sflag:s21] =	ssyncset.done $0x0  }
0x42: {  	s4 =	simm.s32 @!p0 $0xA;
	[sflag:s21] =	ssyncadd.s32 $0xFFFFD900  }
0x43: {  	_ =	swait.ge @!p0 [sflag:s4], $0x100  }
0x44: {  	[sflag:s4] =	ssyncset.done @!p0 $0x0  }
0x45: {  	[sflag:s4] =	ssyncadd.s32 @!p0 $0xFFFFFF00  }
0x46: {  	s7 =	simm.s32 $0x0;
	[bflag:$0x0] =	sbarrier.arrive $0xFFFF  }
.LBB2_2:
0x47: {  	p1 =	seq.s32 s7, $0x1A  }
0x48: {  	p2 =	seq.s32 @!p1 s7, $0x0  }
0x49: {  	p2 =	por p1, !p2  }
.Ltmp2:
0x4a: {  	_ = 	snop;
	(pc) =	sbr.rel @!p2 .LBB2_3-.Ltmp2, $3  }
0x4b: {  	s10 =	smul.u32 @!p1 $0xC0, s7;
	_ =	sdelay $0x1  }
0x4c: {  	s6 =	simm.s32 @!p1 $0x0;
	s8 =	simm.s32 @!p1 $0x13B80;
	s4 =	sadd.s32 @!p1 s10, s22  }
0x4d: {  	[tilespmem:s8], [sflag:$0x3] =	stream.linear.gather @!p1 [hbm4b:s4+s6], $0x180, $0x38;
	[tilespmem:$0x1FE80] =	vst v63  }
.Ltmp3:
0x4e: {  	(pc) =	sbr.rel .LBB2_5-.Ltmp3, $4  }
0x4f: {  	_ = 	snop  }
0x50: {  	_ =	swait.ge [sflag:s0], $0x3E80  }
0x51: {  	[sflag:s0] =	ssyncset.done $0x0  }
0x52: {  	p2 =	por $0x0, $0x0;
	[sflag:s0] =	ssyncadd.s32 $0xFFFFC180  }
.LBB2_3:
0x53: {  	p2 =	por @!p1 $0x1, $0x1  }
.LBB2_5:
0x54: {  	s4 =	simm.s32 $0x0  }
0x55: {  	s21 =	simm.s32 $0x4;
	v0 =	vmov s4  }
0x56: {  	_ =	swait.ge [sflag:s25], $0x180;
	v1 =	vmov s21;
	v0 =	vand.u32 $0x7F, v0  }
0x57: {  	[sflag:s25] =	ssyncset.done $0x0;
	v1 =	vand.u32 $0xFF, v1;
	v0 =	vor.u32 $0x100, v0  }
0x58: {  	[sflag:s25] =	ssyncadd.s32 $0xFFFFFE80;
	v1 =	vor.u32 $0x100, v1;
	v0 =	vbroadcast v0, $0x0  }
0x59: {  	[tilespmem:s26], [sflag:$0x5] =	stream.indirect.gather [hbm4b:s1+s19], $0x80, s17, s19, $0xb8;
	v1 =	vbroadcast v1, $0x0;
	[tilespmem:$0x1FE80] =	vst v63  }
0x5a: {  	_ =	swait.ge [sflag:s28], $0x3E80  }
0x5b: {  	[sflag:s28] =	ssyncset.done $0x0  }
0x5c: {  	s21 =	simm.s32 $0x141C0;
	[sflag:s28] =	ssyncadd.s32 $0xFFFFC180  }
0x5d: {  	s6 =	simm.s32 $0x1;
	v4 =	vld [tilespmem:s21+$0xFFFFFEC0]  }
0x5e: {  	v3 =	vmov s6;
	v2 =	vld.idx.msk [tilespmem:v0+s15+$0x0], $0xffff  }
0x5f: {  	v0 =	vld.idx.msk [tilespmem:v1+s15+$0x0], $0xffff;
	v1 =	vand.u32 $0xFF, v3  }
0x60: {  	v5 =	vld [tilespmem:s21+$0xFFFFFED0];
	v1 =	vor.u32 $0x100, v1  }
0x61: {  	v3 =	vld [tilespmem:s21+$0x130];
	v1 =	vbroadcast v1, $0x0  }
0x62: {  	v6 =	vld [tilespmem:s21+$0xFFFFFEE0]  }
0x63: {  	v7 =	vld [tilespmem:s21+$0xFFFFFEF0]  }
0x64: {  	v8 =	vld [tilespmem:s21+$0xFFFFFF00]  }
0x65: {  	s8 =	simm.s32 $0x2;
	v9 =	vld [tilespmem:s21+$0xFFFFFF10]  }
0x66: {  	v11 =	vmov s8;
	v10 =	vld [tilespmem:s21+$0xFFFFFF20];
	v3 =	vmul.f32 v0, v3  }
0x67: {  	v4 =	vmul.f32 v2, v4;
	v12 =	vld.idx.msk [tilespmem:v1+s15+$0x0], $0xffff;
	v1 =	vand.u32 $0xFF, v11  }
0x68: {  	v13 =	vld [tilespmem:s21+$0xFFFFFF50];
	[tilespmem:s21+$0x130] =	vst v3;
	v3 =	vmul.f32 v2, v6;
	v1 =	vor.u32 $0x100, v1  }
0x69: {  	v5 =	vmul.f32 v2, v5;
	[tilespmem:s21+$0xFFFFFEC0] =	vst v4;
	v11 =	vld [tilespmem:s21+$0xFFFFFF40];
	v1 =	vbroadcast v1, $0x0  }
0x6a: {  	v4 =	vld [tilespmem:s21+$0xFFFFFF30];
	[tilespmem:s21+$0xFFFFFEE0] =	vst v3;
	v3 =	vmul.f32 v2, v8  }
0x6b: {  	v9 =	vmul.f32 v2, v9;
	v6 =	vld [tilespmem:s21+$0xFFFFFF60];
	[tilespmem:s21+$0xFFFFFED0] =	vst v5  }
0x6c: {  	v5 =	vmul.f32 v2, v7;
	[tilespmem:s21+$0xFFFFFF00] =	vst v3;
	v3 =	vld [tilespmem:s21+$0xFFFFFFA0]  }
0x6d: {  	v7 =	vld [tilespmem:s21+$0xFFFFFF70];
	[tilespmem:s21+$0xFFFFFF10] =	vst v9  }
0x6e: {  	v9 =	vld [tilespmem:s21+$0xFFFFFFC0];
	[tilespmem:s21+$0xFFFFFEF0] =	vst v5;
	v5 =	vmul.f32 v12, v11  }
0x6f: {  	v14 =	vld.idx.msk [tilespmem:v1+s15+$0x0], $0xffff;
	v1 =	vmul.f32 v2, v10  }
0x70: {  	s11 =	simm.s32 $0x3;
	v8 =	vld [tilespmem:s21+$0xFFFFFF80];
	[tilespmem:s21+$0xFFFFFF40] =	vst v5;
	v2 =	vmul.f32 v2, v4  }
0x71: {  	v5 =	vmov s11;
	v4 =	vld [tilespmem:s21+$0xFFFFFFB0];
	v3 =	vmul.f32 v12, v3;
	[tilespmem:s21+$0xFFFFFF20] =	vst v1  }
0x72: {  	v11 =	vld [tilespmem:s21+$0xFFFFFF90];
	v5 =	vand.u32 $0xFF, v5;
	v1 =	vmul.f32 v12, v13;
	[tilespmem:s21+$0xFFFFFF30] =	vst v2  }
0x73: {  	v10 =	vld [tilespmem:s21+$0x0];
	v5 =	vor.u32 $0x100, v5;
	v2 =	vmul.f32 v12, v6;
	[tilespmem:s21+$0xFFFFFFA0] =	vst v3  }
0x74: {  	v5 =	vbroadcast v5, $0x0;
	v3 =	vld [tilespmem:s21+$0x30];
	[tilespmem:s21+$0xFFFFFF50] =	vst v1;
	v1 =	vmul.f32 v12, v7  }
0x75: {  	v6 =	vld [tilespmem:s21+$0xFFFFFFD0];
	[tilespmem:s21+$0xFFFFFF60] =	vst v2;
	v2 =	vmul.f32 v12, v8  }
0x76: {  	v7 =	vld [tilespmem:s21+$0xFFFFFFE0];
	v4 =	vmul.f32 v12, v4;
	[tilespmem:s21+$0xFFFFFF70] =	vst v1  }
0x77: {  	v8 =	vld [tilespmem:s21+$0xFFFFFFF0];
	v1 =	vmul.f32 v12, v11;
	[tilespmem:s21+$0xFFFFFF80] =	vst v2  }
0x78: {  	v2 =	vmul.f32 v14, v9;
	v9 =	vld [tilespmem:s21+$0x10];
	[tilespmem:s21+$0xFFFFFFB0] =	vst v4  }
0x79: {  	v11 =	vld [tilespmem:s21+$0x20];
	v12 =	vmul.f32 v14, v3;
	[tilespmem:s21+$0xFFFFFF90] =	vst v1  }
0x7a: {  	v1 =	vld.idx.msk [tilespmem:v5+s15+$0x0], $0xffff;
	[tilespmem:s21+$0xFFFFFFC0] =	vst v2;
	v2 =	vmul.f32 v14, v6  }
0x7b: {  	v5 =	vld [tilespmem:s21+$0x40];
	v4 =	vmul.f32 v14, v7;
	[tilespmem:s21+$0x30] =	vst v12  }
0x7c: {  	v6 =	vld [tilespmem:s21+$0x50];
	[tilespmem:s21+$0xFFFFFFD0] =	vst v2;
	v2 =	vmul.f32 v14, v8  }
0x7d: {  	s11 =	simm.s32 $0x7;
	v7 =	vld [tilespmem:s21+$0x60];
	[tilespmem:s21+$0xFFFFFFE0] =	vst v4;
	v4 =	vmul.f32 v14, v10  }
0x7e: {  	s6 =	simm.s32 $0x5;
	v13 =	vmov s11;
	v8 =	vld [tilespmem:s21+$0x70];
	[tilespmem:s21+$0xFFFFFFF0] =	vst v2;
	v2 =	vmul.f32 v14, v9  }
0x7f: {  	v12 =	vand.u32 $0xFF, v13;
	v10 =	vld [tilespmem:s21+$0x80];
	v9 =	vmov s6;
	[tilespmem:s21+$0x0] =	vst v4;
	v4 =	vmul.f32 v14, v11  }
0x80: {  	s8 =	simm.s32 $0x6;
	v12 =	vor.u32 $0x100, v12;
	s6 =	simm.s32 $0x8;
	v9 =	vand.u32 $0x7F, v9;
	v5 =	vmul.f32 v1, v5;
	[tilespmem:s21+$0x10] =	vst v2;
	v2 =	vld [tilespmem:s21+$0x90]  }
0x81: {  	v3 =	vld [tilespmem:s21+$0xA0];
	v11 =	vmov s8;
	v14 =	vmov s6;
	v6 =	vmul.f32 v1, v6;
	[tilespmem:s21+$0x20] =	vst v4  }
0x82: {  	v13 =	vand.u32 $0xFF, v14;
	v7 =	vmul.f32 v1, v7;
	[tilespmem:s21+$0x40] =	vst v5;
	v4 =	vor.u32 $0x100, v9;
	v5 =	vld [tilespmem:s21+$0xB0]  }
0x83: {  	v9 =	vand.u32 $0xFF, v11;
	[tilespmem:s21+$0x50] =	vst v6;
	v8 =	vmul.f32 v1, v8;
	v6 =	vld [tilespmem:s21+$0xC0];
	v4 =	vbroadcast v4, $0x0  }
0x84: {  	s4 =	simm.s32 $0x141C0;
	s8 =	simm.s32 $0x9;
	s6 =	simm.s32 $0xA;
	v11 =	vor.u32 $0x100, v9;
	v9 =	vor.u32 $0x100, v13;
	[tilespmem:s21+$0x60] =	vst v7;
	v10 =	vmul.f32 v1, v10;
	v7 =	vld [tilespmem:s21+$0xD0]  }
.LBB2_6:
0x85: {  	p3 =	slt.u32 s6, $0x78;
	v11 =	vbroadcast v11, $0x0;
	v13 =	vmov s8;
	[tilespmem:s21+$0x70] =	vst v8;
	v2 =	vmul.f32 v1, v2;
	v8 =	vld [tilespmem:s21+$0xE0]  }
0x86: {  	v12 =	vbroadcast v12, $0x0;
	v13 =	vand.u32 $0xFF, v13;
	[tilespmem:s21+$0x80] =	vst v10;
	v3 =	vmul.f32 v1, v3;
	v10 =	vld [tilespmem:s21+$0xF0]  }
0x87: {  	v9 =	vbroadcast v9, $0x0;
	v13 =	vor.u32 $0x100, v13;
	[tilespmem:s21+$0x90] =	vst v2;
	v1 =	vmul.f32 v1, v5;
	v2 =	vld [tilespmem:s21+$0x100]  }
0x88: {  	v5 =	vbroadcast v13, $0x0;
	[tilespmem:s21+$0xA0] =	vst v3;
	v3 =	vmul.f32 v0, v6;
	v6 =	vld [tilespmem:s21+$0x110]  }
0x89: {  	[tilespmem:s21+$0xB0] =	vst v1;
	v1 =	vmul.f32 v0, v7;
	v7 =	vld [tilespmem:s21+$0x120]  }
0x8a: {  	v4 =	vld.idx.msk [tilespmem:v4+s15+$0x0], $0xffff;
	[tilespmem:s21+$0xC0] =	vst v3;
	v3 =	vmul.f32 v0, v8  }
0x8b: {  	v8 =	vld.idx.msk [tilespmem:v11+s15+$0x0], $0xffff;
	[tilespmem:s21+$0xD0] =	vst v1;
	v10 =	vmul.f32 v0, v10  }
0x8c: {  	v11 =	vld.idx.msk [tilespmem:v12+s15+$0x0], $0xffff;
	[tilespmem:s21+$0xE0] =	vst v3;
	v2 =	vmul.f32 v0, v2  }
0x8d: {  	v1 =	vld.idx.msk [tilespmem:v9+s15+$0x0], $0xffff;
	[tilespmem:s21+$0xF0] =	vst v10;
	v3 =	vmul.f32 v0, v6  }
0x8e: {  	s21 =	sadd.s32 $0x280, s21;
	[tilespmem:s4+$0x100] =	vst v2;
	v2 =	vmul.f32 v0, v7;
	v0 =	vld.idx.msk [tilespmem:v5+s15+$0x0], $0xffff  }
0x8f: {  	v5 =	vld [tilespmem:s21+$0x130];
	[tilespmem:s4+$0x110] =	vst v3  }
0x90: {  	v3 =	vld [tilespmem:s21+$0xFFFFFEC0];
	[tilespmem:s4+$0x120] =	vst v2;
	s4 =	smov.u32 s21  }
0x91: {  	v2 =	vld [tilespmem:s21+$0xFFFFFED0]  }
0x92: {  	v6 =	vld [tilespmem:s21+$0xFFFFFEE0]  }
0x93: {  	v7 =	vld [tilespmem:s21+$0xFFFFFEF0]  }
0x94: {  	v9 =	vld [tilespmem:s21+$0xFFFFFF00];
	v5 =	vmul.f32 v0, v5  }
0x95: {  	v3 =	vmul.f32 v4, v3;
	v10 =	vld [tilespmem:s21+$0xFFFFFF10]  }
0x96: {  	v2 =	vmul.f32 v4, v2;
	v12 =	vld [tilespmem:s21+$0xFFFFFF20];
	[tilespmem:s21+$0x130] =	vst v5  }
0x97: {  	[tilespmem:s21+$0xFFFFFEC0] =	vst v3;
	v3 =	vmul.f32 v4, v6;
	v5 =	vld [tilespmem:s21+$0xFFFFFF30]  }
0x98: {  	[tilespmem:s21+$0xFFFFFED0] =	vst v2;
	v2 =	vmul.f32 v4, v7;
	v6 =	vld [tilespmem:s21+$0xFFFFFF40]  }
0x99: {  	[tilespmem:s21+$0xFFFFFEE0] =	vst v3;
	v3 =	vmul.f32 v4, v9;
	v7 =	vld [tilespmem:s21+$0xFFFFFF50]  }
0x9a: {  	[tilespmem:s21+$0xFFFFFEF0] =	vst v2;
	v2 =	vmul.f32 v4, v10;
	v9 =	vld [tilespmem:s21+$0xFFFFFF60]  }
0x9b: {  	[tilespmem:s21+$0xFFFFFF00] =	vst v3;
	v3 =	vmul.f32 v4, v12;
	v10 =	vld [tilespmem:s21+$0xFFFFFF70]  }
0x9c: {  	[tilespmem:s21+$0xFFFFFF10] =	vst v2;
	v2 =	vmul.f32 v4, v5;
	v4 =	vld [tilespmem:s21+$0xFFFFFF80]  }
0x9d: {  	[tilespmem:s21+$0xFFFFFF20] =	vst v3;
	v3 =	vmul.f32 v8, v6;
	v5 =	vld [tilespmem:s21+$0xFFFFFF90]  }
0x9e: {  	[tilespmem:s21+$0xFFFFFF30] =	vst v2;
	v2 =	vmul.f32 v8, v7;
	v6 =	vld [tilespmem:s21+$0xFFFFFFA0]  }
0x9f: {  	[tilespmem:s21+$0xFFFFFF40] =	vst v3;
	v3 =	vmul.f32 v8, v9;
	v7 =	vld [tilespmem:s21+$0xFFFFFFB0]  }
0xa0: {  	[tilespmem:s21+$0xFFFFFF50] =	vst v2;
	v2 =	vmul.f32 v8, v10;
	v9 =	vld [tilespmem:s21+$0xFFFFFFC0]  }
0xa1: {  	[tilespmem:s21+$0xFFFFFF60] =	vst v3;
	v3 =	vmul.f32 v8, v4;
	v4 =	vld [tilespmem:s21+$0xFFFFFFD0]  }
0xa2: {  	[tilespmem:s21+$0xFFFFFF70] =	vst v2;
	v2 =	vmul.f32 v8, v5;
	v5 =	vld [tilespmem:s21+$0xFFFFFFE0]  }
0xa3: {  	[tilespmem:s21+$0xFFFFFF80] =	vst v3;
	v3 =	vmul.f32 v8, v6;
	v6 =	vld [tilespmem:s21+$0xFFFFFFF0]  }
0xa4: {  	[tilespmem:s21+$0xFFFFFF90] =	vst v2;
	v2 =	vmul.f32 v8, v7;
	v7 =	vld [tilespmem:s21+$0x0]  }
0xa5: {  	[tilespmem:s21+$0xFFFFFFA0] =	vst v3;
	v3 =	vmul.f32 v11, v9;
	v8 =	vld [tilespmem:s21+$0x10]  }
0xa6: {  	[tilespmem:s21+$0xFFFFFFB0] =	vst v2;
	v2 =	vmul.f32 v11, v4;
	v4 =	vld [tilespmem:s21+$0x20]  }
0xa7: {  	[tilespmem:s21+$0xFFFFFFC0] =	vst v3;
	v3 =	vmul.f32 v11, v5;
	v5 =	vld [tilespmem:s21+$0x30]  }
0xa8: {  	[tilespmem:s21+$0xFFFFFFD0] =	vst v2;
	v2 =	vmul.f32 v11, v6;
	v6 =	vld [tilespmem:s21+$0x40]  }
0xa9: {  	[tilespmem:s21+$0xFFFFFFE0] =	vst v3;
	v3 =	vmul.f32 v11, v7;
	v7 =	vld [tilespmem:s21+$0x50]  }
0xaa: {  	[tilespmem:s21+$0xFFFFFFF0] =	vst v2;
	v2 =	vmul.f32 v11, v8;
	v8 =	vld [tilespmem:s21+$0x60]  }
0xab: {  	s8 =	sadd.s32 $0x1, s6;
	v9 =	vmov s6;
	[tilespmem:s21+$0x0] =	vst v3;
	v3 =	vmul.f32 v11, v4;
	v10 =	vld [tilespmem:s21+$0x70]  }
0xac: {  	s11 =	sadd.s32 $0x3, s6;
	v4 =	vand.u32 $0x7F, v9;
	v9 =	vmov s8;
	s8 =	sadd.s32 $0x2, s6;
	[tilespmem:s21+$0x10] =	vst v2;
	v5 =	vmul.f32 v11, v5;
	v13 =	vld [tilespmem:s21+$0x80]  }
.Ltmp4:
0xad: {  	v12 =	vmov s11;
	v11 =	vmov s8;
	[tilespmem:s21+$0x20] =	vst v3;
	v6 =	vmul.f32 v1, v6;
	v2 =	vld [tilespmem:s21+$0x90];
	(pc) =	sbr.rel @p3 .LBB2_6-.Ltmp4, $4  }
0xae: {  	v4 =	vor.u32 $0x100, v4;
	v9 =	vand.u32 $0xFF, v9;
	[tilespmem:s21+$0x30] =	vst v5;
	v7 =	vmul.f32 v1, v7;
	v3 =	vld [tilespmem:s21+$0xA0]  }
0xaf: {  	v15 =	vand.u32 $0xFF, v12;
	v14 =	vand.u32 $0xFF, v11;
	[tilespmem:s21+$0x40] =	vst v6;
	v16 =	vmul.f32 v1, v8;
	v5 =	vld [tilespmem:s21+$0xB0]  }
0xb0: {  	v4 =	vbroadcast v4, $0x0;
	v11 =	vor.u32 $0x100, v9;
	[tilespmem:s21+$0x50] =	vst v7;
	v8 =	vmul.f32 v1, v10;
	v6 =	vld [tilespmem:s21+$0xC0]  }
0xb1: {  	s8 =	sadd.s32 $0x4, s6;
	s6 =	sadd.s32 $0x5, s6;
	v9 =	vor.u32 $0x100, v15;
	v12 =	vor.u32 $0x100, v14;
	[tilespmem:s21+$0x60] =	vst v16;
	v10 =	vmul.f32 v1, v13;
	v7 =	vld [tilespmem:s21+$0xD0]  }
0xb2: {  	v14 =	vld [tilespmem:s21+$0xE0]  }
0xb3: {  	v15 =	vld [tilespmem:s21+$0xF0]  }
0xb4: {  	v11 =	vbroadcast v11, $0x0;
	v13 =	vmov s8;
	v16 =	vld [tilespmem:s21+$0x100]  }
0xb5: {  	v9 =	vbroadcast v9, $0x0;
	v17 =	vld [tilespmem:s21+$0x110];
	v13 =	vand.u32 $0xFF, v13  }
0xb6: {  	v18 =	vld [tilespmem:s21+$0x120];
	[tilespmem:s21+$0x70] =	vst v8;
	v2 =	vmul.f32 v1, v2;
	v13 =	vor.u32 $0x100, v13  }
0xb7: {  	v4 =	vld.idx.msk [tilespmem:v4+s15+$0x0], $0xffff;
	s6 =	sadd.s32 $0x280, s21;
	[tilespmem:s21+$0x80] =	vst v10;
	v3 =	vmul.f32 v1, v3;
	v13 =	vbroadcast v13, $0x0  }
0xb8: {  	v12 =	vbroadcast v12, $0x0;
	v10 =	vld [tilespmem:s6+$0xFFFFFED0];
	[tilespmem:s21+$0x90] =	vst v2;
	v1 =	vmul.f32 v1, v5  }
0xb9: {  	[tilespmem:s21+$0xA0] =	vst v3;
	v3 =	vmul.f32 v0, v6;
	v6 =	vmul.f32 v0, v7;
	v7 =	vld [tilespmem:s6+$0x130]  }
0xba: {  	[tilespmem:s21+$0xB0] =	vst v1;
	v8 =	vld.idx.msk [tilespmem:v11+s15+$0x0], $0xffff  }
0xbb: {  	[tilespmem:s21+$0xC0] =	vst v3;
	v3 =	vmul.f32 v0, v14;
	v5 =	vld.idx.msk [tilespmem:v9+s15+$0x0], $0xffff  }
0xbc: {  	[tilespmem:s21+$0xD0] =	vst v6;
	v6 =	vmul.f32 v0, v15;
	v9 =	vld [tilespmem:s6+$0xFFFFFEC0]  }
0xbd: {  	[tilespmem:s21+$0xE0] =	vst v3;
	v3 =	vmul.f32 v0, v16;
	v1 =	vld.idx.msk [tilespmem:v13+s15+$0x0], $0xffff  }
0xbe: {  	v2 =	vld.idx.msk [tilespmem:v12+s15+$0x0], $0xffff;
	[tilespmem:s21+$0xF0] =	vst v6;
	v6 =	vmul.f32 v0, v17  }
0xbf: {  	v11 =	vld [tilespmem:s6+$0xFFFFFEE0];
	v0 =	vmul.f32 v0, v18;
	[tilespmem:s4+$0x100] =	vst v3  }
0xc0: {  	v3 =	vld [tilespmem:s6+$0xFFFFFEF0];
	[tilespmem:s4+$0x110] =	vst v6  }
0xc1: {  	v6 =	vld [tilespmem:s6+$0xFFFFFF00];
	[tilespmem:s4+$0x120] =	vst v0;
	v0 =	vmul.f32 v4, v9  }
0xc2: {  	v9 =	vld [tilespmem:s6+$0xFFFFFF10];
	v7 =	vmul.f32 v1, v7  }
0xc3: {  	v10 =	vmul.f32 v4, v10;
	v12 =	vld [tilespmem:s6+$0xFFFFFF20];
	[tilespmem:s6+$0xFFFFFEC0] =	vst v0  }
0xc4: {  	v0 =	vmul.f32 v4, v11;
	[tilespmem:s6+$0x130] =	vst v7;
	v7 =	vld [tilespmem:s6+$0xFFFFFF30]  }
0xc5: {  	[tilespmem:s6+$0xFFFFFED0] =	vst v10;
	v10 =	vld [tilespmem:s6+$0xFFFFFF40];
	v3 =	vmul.f32 v4, v3  }
0xc6: {  	[tilespmem:s6+$0xFFFFFEE0] =	vst v0;
	v0 =	vmul.f32 v4, v6;
	v6 =	vld [tilespmem:s6+$0xFFFFFF50]  }
0xc7: {  	[tilespmem:s6+$0xFFFFFEF0] =	vst v3;
	v3 =	vmul.f32 v4, v9;
	v9 =	vld [tilespmem:s6+$0xFFFFFF60]  }
0xc8: {  	v11 =	vld [tilespmem:s6+$0xFFFFFF70];
	[tilespmem:s6+$0xFFFFFF00] =	vst v0;
	v0 =	vmul.f32 v4, v12  }
0xc9: {  	[tilespmem:s6+$0xFFFFFF10] =	vst v3;
	v3 =	vmul.f32 v4, v7;
	v4 =	vld [tilespmem:s6+$0xFFFFFF80]  }
0xca: {  	[tilespmem:s6+$0xFFFFFF20] =	vst v0;
	v0 =	vmul.f32 v8, v10;
	v7 =	vld [tilespmem:s6+$0xFFFFFF90]  }
0xcb: {  	[tilespmem:s6+$0xFFFFFF30] =	vst v3;
	v3 =	vmul.f32 v8, v6;
	v6 =	vld [tilespmem:s6+$0xFFFFFFA0]  }
0xcc: {  	[tilespmem:s6+$0xFFFFFF40] =	vst v0;
	v0 =	vmul.f32 v8, v9;
	v9 =	vld [tilespmem:s6+$0xFFFFFFB0]  }
0xcd: {  	v10 =	vld [tilespmem:s6+$0xFFFFFFC0];
	[tilespmem:s6+$0xFFFFFF50] =	vst v3;
	v3 =	vmul.f32 v8, v11  }
0xce: {  	[tilespmem:s6+$0xFFFFFF60] =	vst v0;
	v0 =	vmul.f32 v8, v4;
	v4 =	vld [tilespmem:s6+$0xFFFFFFD0]  }
0xcf: {  	[tilespmem:s6+$0xFFFFFF70] =	vst v3;
	v3 =	vmul.f32 v8, v7;
	v7 =	vld [tilespmem:s6+$0xFFFFFFE0]  }
0xd0: {  	[tilespmem:s6+$0xFFFFFF80] =	vst v0;
	v0 =	vmul.f32 v8, v6;
	v6 =	vld [tilespmem:s6+$0xFFFFFFF0]  }
0xd1: {  	[tilespmem:s6+$0xFFFFFF90] =	vst v3;
	v3 =	vmul.f32 v8, v9;
	v8 =	vld [tilespmem:s6+$0x0]  }
0xd2: {  	v9 =	vld [tilespmem:s6+$0x10];
	[tilespmem:s6+$0xFFFFFFA0] =	vst v0;
	v0 =	vmul.f32 v2, v10  }
0xd3: {  	[tilespmem:s6+$0xFFFFFFB0] =	vst v3;
	v3 =	vmul.f32 v2, v4;
	v4 =	vld [tilespmem:s6+$0x20]  }
0xd4: {  	[tilespmem:s6+$0xFFFFFFC0] =	vst v0;
	v0 =	vmul.f32 v2, v7;
	v7 =	vld [tilespmem:s6+$0x30]  }
0xd5: {  	[tilespmem:s6+$0xFFFFFFD0] =	vst v3;
	v3 =	vmul.f32 v2, v6;
	v6 =	vld [tilespmem:s6+$0x40]  }
0xd6: {  	[tilespmem:s6+$0xFFFFFFE0] =	vst v0;
	v0 =	vmul.f32 v2, v8;
	v8 =	vld [tilespmem:s6+$0x50]  }
0xd7: {  	[tilespmem:s6+$0xFFFFFFF0] =	vst v3;
	v3 =	vmul.f32 v2, v9;
	v9 =	vld [tilespmem:s6+$0x60]  }
0xd8: {  	[tilespmem:s6+$0x0] =	vst v0;
	v0 =	vmul.f32 v2, v4;
	v4 =	vld [tilespmem:s6+$0x70]  }
0xd9: {  	[tilespmem:s6+$0x10] =	vst v3;
	v2 =	vmul.f32 v2, v7;
	v3 =	vld [tilespmem:s6+$0x80]  }
0xda: {  	[tilespmem:s6+$0x20] =	vst v0;
	v0 =	vmul.f32 v5, v6;
	v6 =	vld [tilespmem:s6+$0x90]  }
0xdb: {  	v7 =	vld [tilespmem:s6+$0xA0];
	[tilespmem:s6+$0x30] =	vst v2;
	v2 =	vmul.f32 v5, v8  }
0xdc: {  	v8 =	vld [tilespmem:s6+$0xB0];
	[tilespmem:s6+$0x40] =	vst v0;
	v0 =	vmul.f32 v5, v9  }
0xdd: {  	[tilespmem:s6+$0x50] =	vst v2;
	v2 =	vmul.f32 v5, v4;
	v4 =	vld [tilespmem:s6+$0xC0]  }
0xde: {  	[tilespmem:s6+$0x60] =	vst v0;
	v0 =	vmul.f32 v5, v3;
	v3 =	vld [tilespmem:s6+$0xD0]  }
0xdf: {  	[tilespmem:s6+$0x70] =	vst v2;
	v2 =	vmul.f32 v5, v6;
	v6 =	vld [tilespmem:s6+$0xE0]  }
0xe0: {  	[tilespmem:s6+$0x80] =	vst v0;
	v0 =	vmul.f32 v5, v7;
	v7 =	vld [tilespmem:s6+$0xF0]  }
0xe1: {  	[tilespmem:s6+$0x90] =	vst v2;
	v2 =	vmul.f32 v5, v8;
	v5 =	vld [tilespmem:s6+$0x100]  }
0xe2: {  	[tilespmem:s6+$0xA0] =	vst v0;
	v0 =	vmul.f32 v1, v4;
	v4 =	vld [tilespmem:s6+$0x110]  }
0xe3: {  	[tilespmem:s6+$0xB0] =	vst v2;
	v2 =	vmul.f32 v1, v3;
	v3 =	vld [tilespmem:s6+$0x120]  }
0xe4: {  	[tilespmem:s6+$0xC0] =	vst v0;
	v0 =	vmul.f32 v1, v6  }
0xe5: {  	[tilespmem:s6+$0xD0] =	vst v2;
	v2 =	vmul.f32 v1, v7  }
0xe6: {  	[tilespmem:s6+$0xE0] =	vst v0;
	v0 =	vmul.f32 v1, v5  }
0xe7: {  	[tilespmem:s6+$0xF0] =	vst v2;
	v2 =	vmul.f32 v1, v4  }
0xe8: {  	[tilespmem:s6+$0x100] =	vst v0;
	v0 =	vmul.f32 v1, v3  }
0xe9: {  	[tilespmem:s6+$0x110] =	vst v2  }
0xea: {  	[tilespmem:s6+$0x120] =	vst v0  }
0xeb: {  	v0 =	vld [tilespmem:$0x13900]  }
0xec: {  	v1 =	vld [tilespmem:$0x13910]  }
0xed: {  	v2 =	vld [tilespmem:$0x13920]  }
0xee: {  	v3 =	vld [tilespmem:$0x13930]  }
0xef: {  	v4 =	vld [tilespmem:$0x13940]  }
0xf0: {  	[tilespmem:$0x1FC80] =	vst v0;
	v0 =	vld [tilespmem:$0x13950]  }
0xf1: {  	[tilespmem:$0x1FC90] =	vst v1;
	v1 =	vld [tilespmem:$0x13960]  }
0xf2: {  	[tilespmem:$0x1FCA0] =	vst v2;
	v2 =	vld [tilespmem:$0x1396D]  }
0xf3: {  	[tilespmem:$0x1FCB0] =	vst v3  }
0xf4: {  	[tilespmem:$0x1FCC0] =	vst v4  }
0xf5: {  	[tilespmem:$0x1FCD0] =	vst v0  }
0xf6: {  	[tilespmem:$0x1FCE0] =	vst v1  }
0xf7: {  	s8 =	simm.s32 @!p1 $0x13880;
	[tilespmem:$0x1FCED] =	vst v2  }
0xf8: {  	[spmem:s3] =	stream.indirect.scatter.add.f32 [tilespmem:s20], [sflag:$0x7], $0x80, s29, s19, $0xb8;
	[tilespmem:$0x1FE80] =	vst v63  }
0xf9: {  	p2 =	por p2, p1;
	s4 =	sadd.s32 @!p1 s10, s23;
	s6 =	simm.s32 @!p1 $0x0  }
0xfa: {  	[tilespmem:s8], [sflag:$0x1] =	stream.linear.gather @!p1 [hbm4b:s4+s6], $0x180, $0x38;
	[tilespmem:$0x1FE80] =	vst v63  }
0xfb: {  	s4 =	simm.s32 @!p2 $0x9  }
0xfc: {  	_ =	swait.ge @!p2 [sflag:s4], $0x3E80  }
0xfd: {  	s10 =	simm.s32 $0x0;
	[sflag:s4] =	ssyncset.done @!p2 $0x0  }
0xfe: {  	s11 =	simm.s32 $0x1;
	v0 =	vmov s10;
	[sflag:s4] =	ssyncadd.s32 @!p2 $0xFFFFC180;
	s4 =	simm.s32 @!p1 $0x3  }
0xff: {  	v1 =	vmov s11;
	v0 =	vand.u32 $0x7F, v0;
	_ =	swait.ge @!p1 [sflag:s4], $0x180  }
0x100: {  	v1 =	vand.u32 $0xFF, v1;
	v0 =	vor.u32 $0x280, v0;
	s6 =	simm.s32 @!p1 $0x13B80;
	[sflag:s4] =	ssyncset.done @!p1 $0x0  }
0x101: {  	v1 =	vadd.s32 $0x280, v1;
	v0 =	vbroadcast v0, $0x0;
	s8 =	simm.s32 @!p1 $0x1BD80;
	[sflag:s4] =	ssyncadd.s32 @!p1 $0xFFFFFE80;
	s4 =	simm.s32 @!p1 $0x7D  }
0x102: {  	[tilespmem:s8], [sflag:$0x6] =	stream.indirect.gather @!p1 [hbm4b:s1+s4], $0x80, s6, s4, $0xb8;
	[tilespmem:$0x1FE80] =	vst v63  }
0x103: {  	_ =	swait.ge [sflag:s30], $0x3E80  }
0x104: {  	[sflag:s30] =	ssyncset.done $0x0  }
0x105: {  	[sflag:s30] =	ssyncadd.s32 $0xFFFFC180  }
0x106: {  	v2 =	vld.idx.msk [tilespmem:v1+s15+$0x0], $0xffff  }
0x107: {  	s10 =	simm.s32 $0x18170;
	v0 =	vld.idx.msk [tilespmem:v0+s15+$0x0], $0xffff  }
0x108: {  	v1 =	vld [tilespmem:s10+$0xFFFFFE00]  }
0x109: {  	v3 =	vld [tilespmem:s10+$0xFFFFFD90]  }
0x10a: {  	s21 =	simm.s32 $0x2;
	v4 =	vld [tilespmem:s10+$0xFFFFFDA0]  }
0x10b: {  	v10 =	vmov s21;
	v5 =	vld [tilespmem:s10+$0xFFFFFDB0]  }
0x10c: {  	v10 =	vand.u32 $0xFF, v10;
	v6 =	vld [tilespmem:s10+$0xFFFFFDC0]  }
0x10d: {  	v10 =	vadd.s32 $0x280, v10;
	v7 =	vld [tilespmem:s10+$0xFFFFFDD0]  }
0x10e: {  	v8 =	vld [tilespmem:s10+$0xFFFFFDE0]  }
0x10f: {  	v9 =	vld [tilespmem:s10+$0xFFFFFDF0]  }
0x110: {  	v11 =	vld [tilespmem:s10+$0xFFFFFE10];
	v1 =	vmul.f32 v0, v1  }
0x111: {  	v12 =	vld [tilespmem:s10+$0xFFFFFE20];
	v3 =	vmul.f32 v0, v3  }
0x112: {  	v10 =	vld.idx.msk [tilespmem:v10+s15+$0x0], $0xffff;
	v4 =	vmul.f32 v0, v4;
	[tilespmem:s10+$0xFFFFFE00] =	vst v1  }
0x113: {  	v7 =	vmul.f32 v0, v7;
	v1 =	vld [tilespmem:s10+$0xFFFFFE30];
	[tilespmem:s10+$0xFFFFFD90] =	vst v3  }
0x114: {  	v8 =	vmul.f32 v0, v8;
	v3 =	vmul.f32 v0, v5;
	v5 =	vld [tilespmem:s10+$0xFFFFFE40];
	[tilespmem:s10+$0xFFFFFDA0] =	vst v4  }
0x115: {  	v4 =	vmul.f32 v0, v6;
	v6 =	vld [tilespmem:s10+$0xFFFFFE50];
	[tilespmem:s10+$0xFFFFFDD0] =	vst v7  }
0x116: {  	v0 =	vmul.f32 v0, v9;
	[tilespmem:s10+$0xFFFFFDE0] =	vst v8;
	v9 =	vld [tilespmem:s10+$0xFFFFFE90]  }
0x117: {  	v8 =	vmul.f32 v2, v12;
	v12 =	vld [tilespmem:s10+$0xFFFFFEA0];
	[tilespmem:s10+$0xFFFFFDB0] =	vst v3  }
0x118: {  	v3 =	vmul.f32 v2, v11;
	v11 =	vld [tilespmem:s10+$0xFFFFFE60];
	[tilespmem:s10+$0xFFFFFDC0] =	vst v4  }
0x119: {  	s6 =	simm.s32 $0x3;
	v4 =	vld [tilespmem:s10+$0xFFFFFE70];
	[tilespmem:s10+$0xFFFFFDF0] =	vst v0  }
0x11a: {  	v7 =	vmov s6;
	[tilespmem:s10+$0xFFFFFE20] =	vst v8;
	v8 =	vld [tilespmem:s10+$0xFFFFFED0];
	v0 =	vmul.f32 v2, v1  }
0x11b: {  	v7 =	vand.u32 $0xFF, v7;
	[tilespmem:s10+$0xFFFFFE10] =	vst v3;
	v3 =	vld [tilespmem:s10+$0xFFFFFE80];
	v5 =	vmul.f32 v2, v5  }
0x11c: {  	v1 =	vadd.s32 $0x280, v7;
	v7 =	vld [tilespmem:s10+$0xFFFFFEB0];
	[tilespmem:s10+$0xFFFFFE30] =	vst v0;
	v0 =	vmul.f32 v2, v6  }
0x11d: {  	v6 =	vld [tilespmem:s10+$0xFFFFFEC0];
	[tilespmem:s10+$0xFFFFFE40] =	vst v5;
	v5 =	vmul.f32 v2, v11  }
0x11e: {  	v4 =	vmul.f32 v2, v4;
	v11 =	vld [tilespmem:s10+$0xFFFFFF60];
	[tilespmem:s10+$0xFFFFFE50] =	vst v0  }
0x11f: {  	v0 =	vmul.f32 v10, v9;
	v9 =	vld [tilespmem:s10+$0xFFFFFEE0];
	[tilespmem:s10+$0xFFFFFE60] =	vst v5  }
0x120: {  	v2 =	vmul.f32 v2, v3;
	[tilespmem:s10+$0xFFFFFE70] =	vst v4;
	v3 =	vld [tilespmem:s10+$0xFFFFFF00]  }
0x121: {  	s8 =	simm.s32 $0x4;
	v5 =	vld [tilespmem:s10+$0xFFFFFEF0];
	[tilespmem:s10+$0xFFFFFE90] =	vst v0;
	v0 =	vmul.f32 v10, v12  }
0x122: {  	v4 =	vmov s8;
	v1 =	vld.idx.msk [tilespmem:v1+s15+$0x0], $0xffff;
	[tilespmem:s10+$0xFFFFFE80] =	vst v2;
	v2 =	vmul.f32 v10, v7  }
0x123: {  	v4 =	vand.u32 $0xFF, v4;
	v7 =	vld [tilespmem:s10+$0xFFFFFF10];
	[tilespmem:s10+$0xFFFFFEA0] =	vst v0;
	v0 =	vmul.f32 v10, v6  }
0x124: {  	v4 =	vadd.s32 $0x280, v4;
	v6 =	vld [tilespmem:s10+$0xFFFFFF20];
	[tilespmem:s10+$0xFFFFFEB0] =	vst v2;
	v2 =	vmul.f32 v10, v8  }
0x125: {  	v8 =	vld [tilespmem:s10+$0xFFFFFF30];
	v3 =	vmul.f32 v10, v3;
	[tilespmem:s10+$0xFFFFFEC0] =	vst v0  }
0x126: {  	v0 =	vmul.f32 v10, v9;
	v9 =	vld [tilespmem:s10+$0xFFFFFF40];
	[tilespmem:s10+$0xFFFFFED0] =	vst v2  }
0x127: {  	v2 =	vmul.f32 v10, v5;
	v5 =	vld [tilespmem:s10+$0xFFFFFF50];
	[tilespmem:s10+$0xFFFFFF00] =	vst v3  }
0x128: {  	v12 =	vld [tilespmem:s10+$0xFFFFFF70];
	v7 =	vmul.f32 v1, v7;
	[tilespmem:s10+$0xFFFFFEE0] =	vst v0  }
0x129: {  	s8 =	simm.s32 $0x8;
	[tilespmem:s10+$0xFFFFFEF0] =	vst v2;
	v0 =	vld.idx.msk [tilespmem:v4+s15+$0x0], $0xffff;
	v4 =	vmul.f32 v1, v6  }
0x12a: {  	s11 =	simm.s32 $0x6;
	v10 =	vmov s8;
	v11 =	vmul.f32 v1, v11;
	v2 =	vld [tilespmem:s10+$0xFFFFFF80];
	[tilespmem:s10+$0xFFFFFF10] =	vst v7;
	v8 =	vmul.f32 v1, v8  }
0x12b: {  	s21 =	simm.s32 $0x7;
	v3 =	vmov s11;
	v10 =	vand.u32 $0xFF, v10;
	v6 =	vld [tilespmem:s10+$0xFFFFFF90];
	[tilespmem:s10+$0xFFFFFF20] =	vst v4;
	v4 =	vmul.f32 v1, v9  }
0x12c: {  	s11 =	simm.s32 $0x9;
	v14 =	vand.u32 $0xFF, v3;
	v3 =	vld [tilespmem:s10+$0xFFFFFFA0];
	v7 =	vmov s21;
	[tilespmem:s10+$0xFFFFFF30] =	vst v8;
	v5 =	vmul.f32 v1, v5  }
0x12d: {  	v12 =	vmul.f32 v1, v12;
	v13 =	vmov s11;
	s21 =	simm.s32 $0x5;
	v9 =	vand.u32 $0xFF, v7;
	[tilespmem:s10+$0xFFFFFF40] =	vst v4;
	v4 =	vld [tilespmem:s10+$0xFFFFFFB0]  }
0x12e: {  	s4 =	simm.s32 $0x18170;
	s6 =	simm.s32 $0xA;
	v8 =	vand.u32 $0xFF, v13;
	v13 =	vmov s21;
	v7 =	vadd.s32 $0x280, v14;
	[tilespmem:s10+$0xFFFFFF50] =	vst v5;
	v5 =	vld [tilespmem:s10+$0xFFFFFFC0]  }
.LBB2_8:
0x12f: {  	p2 =	slt.u32 s6, $0x78;
	v13 =	vand.u32 $0x7F, v13;
	v9 =	vadd.s32 $0x280, v9;
	[tilespmem:s10+$0xFFFFFF60] =	vst v11;
	v1 =	vmul.f32 v1, v2;
	v2 =	vld [tilespmem:s10+$0xFFFFFFD0]  }
0x130: {  	v10 =	vadd.s32 $0x280, v10;
	v11 =	vor.u32 $0x280, v13;
	[tilespmem:s10+$0xFFFFFF70] =	vst v12;
	v6 =	vmul.f32 v0, v6;
	v12 =	vld [tilespmem:s10+$0xFFFFFFE0]  }
0x131: {  	v8 =	vadd.s32 $0x280, v8;
	v11 =	vbroadcast v11, $0x0;
	[tilespmem:s10+$0xFFFFFF80] =	vst v1;
	v1 =	vmul.f32 v0, v3;
	v3 =	vld [tilespmem:s10+$0xFFFFFFF0]  }
0x132: {  	[tilespmem:s10+$0xFFFFFF90] =	vst v6;
	v4 =	vmul.f32 v0, v4;
	v6 =	vld [tilespmem:s10+$0x0]  }
0x133: {  	v7 =	vld.idx.msk [tilespmem:v7+s15+$0x0], $0xffff;
	[tilespmem:s10+$0xFFFFFFA0] =	vst v1;
	v5 =	vmul.f32 v0, v5  }
0x134: {  	v9 =	vld.idx.msk [tilespmem:v9+s15+$0x0], $0xffff;
	[tilespmem:s10+$0xFFFFFFB0] =	vst v4;
	v2 =	vmul.f32 v0, v2  }
0x135: {  	v1 =	vld.idx.msk [tilespmem:v10+s15+$0x0], $0xffff;
	[tilespmem:s10+$0xFFFFFFC0] =	vst v5;
	v4 =	vmul.f32 v0, v12  }
0x136: {  	v5 =	vld.idx.msk [tilespmem:v8+s15+$0x0], $0xffff;
	[tilespmem:s10+$0xFFFFFFD0] =	vst v2;
	v2 =	vmul.f32 v0, v3  }
0x137: {  	s10 =	sadd.s32 $0x280, s10;
	v3 =	vld.idx.msk [tilespmem:v11+s15+$0x0], $0xffff;
	[tilespmem:s4+$0xFFFFFFE0] =	vst v4;
	v0 =	vmul.f32 v0, v6  }
0x138: {  	v4 =	vld [tilespmem:s10+$0xFFFFFE00];
	[tilespmem:s4+$0xFFFFFFF0] =	vst v2  }
0x139: {  	v2 =	vld [tilespmem:s10+$0xFFFFFD90];
	[tilespmem:s4+$0x0] =	vst v0;
	s4 =	smov.u32 s10  }
0x13a: {  	v6 =	vld [tilespmem:s10+$0xFFFFFDA0]  }
0x13b: {  	v8 =	vld [tilespmem:s10+$0xFFFFFDB0]  }
0x13c: {  	v0 =	vmov v5;
	v10 =	vld [tilespmem:s10+$0xFFFFFDC0]  }
0x13d: {  	v5 =	vld [tilespmem:s10+$0xFFFFFDD0];
	v4 =	vmul.f32 v3, v4  }
0x13e: {  	v2 =	vmul.f32 v3, v2;
	v11 =	vld [tilespmem:s10+$0xFFFFFDE0]  }
0x13f: {  	v6 =	vmul.f32 v3, v6;
	v12 =	vld [tilespmem:s10+$0xFFFFFDF0];
	[tilespmem:s10+$0xFFFFFE00] =	vst v4  }
0x140: {  	[tilespmem:s10+$0xFFFFFD90] =	vst v2;
	v2 =	vmul.f32 v3, v8;
	v4 =	vld [tilespmem:s10+$0xFFFFFE10]  }
0x141: {  	[tilespmem:s10+$0xFFFFFDA0] =	vst v6;
	v6 =	vmul.f32 v3, v10;
	v8 =	vld [tilespmem:s10+$0xFFFFFE20]  }
0x142: {  	[tilespmem:s10+$0xFFFFFDB0] =	vst v2;
	v2 =	vmul.f32 v3, v5;
	v5 =	vld [tilespmem:s10+$0xFFFFFE30]  }
0x143: {  	[tilespmem:s10+$0xFFFFFDC0] =	vst v6;
	v6 =	vmul.f32 v3, v11;
	v10 =	vld [tilespmem:s10+$0xFFFFFE40]  }
0x144: {  	[tilespmem:s10+$0xFFFFFDD0] =	vst v2;
	v2 =	vmul.f32 v3, v12;
	v3 =	vld [tilespmem:s10+$0xFFFFFE50]  }
0x145: {  	[tilespmem:s10+$0xFFFFFDE0] =	vst v6;
	v4 =	vmul.f32 v7, v4;
	v6 =	vld [tilespmem:s10+$0xFFFFFE60]  }
0x146: {  	[tilespmem:s10+$0xFFFFFDF0] =	vst v2;
	v2 =	vmul.f32 v7, v8;
	v8 =	vld [tilespmem:s10+$0xFFFFFE70]  }
0x147: {  	[tilespmem:s10+$0xFFFFFE10] =	vst v4;
	v4 =	vmul.f32 v7, v5;
	v5 =	vld [tilespmem:s10+$0xFFFFFE80]  }
0x148: {  	[tilespmem:s10+$0xFFFFFE20] =	vst v2;
	v2 =	vmul.f32 v7, v10;
	v10 =	vld [tilespmem:s10+$0xFFFFFE90]  }
0x149: {  	[tilespmem:s10+$0xFFFFFE30] =	vst v4;
	v3 =	vmul.f32 v7, v3;
	v4 =	vld [tilespmem:s10+$0xFFFFFEA0]  }
0x14a: {  	[tilespmem:s10+$0xFFFFFE40] =	vst v2;
	v2 =	vmul.f32 v7, v6;
	v6 =	vld [tilespmem:s10+$0xFFFFFEB0]  }
0x14b: {  	[tilespmem:s10+$0xFFFFFE50] =	vst v3;
	v3 =	vmul.f32 v7, v8;
	v8 =	vld [tilespmem:s10+$0xFFFFFEC0]  }
0x14c: {  	[tilespmem:s10+$0xFFFFFE60] =	vst v2;
	v2 =	vmul.f32 v7, v5;
	v5 =	vld [tilespmem:s10+$0xFFFFFED0]  }
0x14d: {  	[tilespmem:s10+$0xFFFFFE70] =	vst v3;
	v3 =	vmul.f32 v9, v10;
	v7 =	vld [tilespmem:s10+$0xFFFFFEE0]  }
0x14e: {  	[tilespmem:s10+$0xFFFFFE80] =	vst v2;
	v2 =	vmul.f32 v9, v4;
	v4 =	vld [tilespmem:s10+$0xFFFFFEF0]  }
0x14f: {  	[tilespmem:s10+$0xFFFFFE90] =	vst v3;
	v3 =	vmul.f32 v9, v6;
	v6 =	vld [tilespmem:s10+$0xFFFFFF00]  }
0x150: {  	[tilespmem:s10+$0xFFFFFEA0] =	vst v2;
	v2 =	vmul.f32 v9, v8;
	v8 =	vld [tilespmem:s10+$0xFFFFFF10]  }
0x151: {  	[tilespmem:s10+$0xFFFFFEB0] =	vst v3;
	v3 =	vmul.f32 v9, v5;
	v5 =	vld [tilespmem:s10+$0xFFFFFF20]  }
0x152: {  	[tilespmem:s10+$0xFFFFFEC0] =	vst v2;
	v2 =	vmul.f32 v9, v7;
	v7 =	vld [tilespmem:s10+$0xFFFFFF30]  }
0x153: {  	[tilespmem:s10+$0xFFFFFED0] =	vst v3;
	v3 =	vmul.f32 v9, v4;
	v4 =	vld [tilespmem:s10+$0xFFFFFF40]  }
0x154: {  	[tilespmem:s10+$0xFFFFFEE0] =	vst v2;
	v2 =	vmul.f32 v9, v6;
	v10 =	vld [tilespmem:s10+$0xFFFFFF50]  }
0x155: {  	[tilespmem:s10+$0xFFFFFEF0] =	vst v3;
	v3 =	vmul.f32 v1, v8;
	v11 =	vld [tilespmem:s10+$0xFFFFFF60]  }
0x156: {  	s8 =	sadd.s32 $0x1, s6;
	s11 =	sadd.s32 $0x2, s6;
	[tilespmem:s10+$0xFFFFFF00] =	vst v2;
	v5 =	vmul.f32 v1, v5;
	v12 =	vld [tilespmem:s10+$0xFFFFFF70]  }
.Ltmp5:
0x157: {  	v9 =	vmov s11;
	s11 =	sadd.s32 $0x4, s6;
	v8 =	vmov s8;
	s8 =	sadd.s32 $0x3, s6;
	[tilespmem:s10+$0xFFFFFF10] =	vst v3;
	v3 =	vmul.f32 v1, v7;
	v2 =	vld [tilespmem:s10+$0xFFFFFF80];
	(pc) =	sbr.rel @p2 .LBB2_8-.Ltmp5, $4  }
0x158: {  	v13 =	vmov s11;
	v7 =	vmov s8;
	[tilespmem:s10+$0xFFFFFF20] =	vst v5;
	v4 =	vmul.f32 v1, v4;
	v6 =	vld [tilespmem:s10+$0xFFFFFF90]  }
0x159: {  	v9 =	vand.u32 $0xFF, v9;
	v5 =	vand.u32 $0xFF, v8;
	[tilespmem:s10+$0xFFFFFF30] =	vst v3;
	v14 =	vmul.f32 v1, v10;
	v3 =	vld [tilespmem:s10+$0xFFFFFFA0]  }
0x15a: {  	v8 =	vand.u32 $0xFF, v13;
	v10 =	vand.u32 $0xFF, v7;
	[tilespmem:s10+$0xFFFFFF40] =	vst v4;
	v11 =	vmul.f32 v1, v11;
	v4 =	vld [tilespmem:s10+$0xFFFFFFB0]  }
0x15b: {  	v13 =	vmov s6;
	s6 =	sadd.s32 $0x5, s6;
	v7 =	vadd.s32 $0x280, v5;
	[tilespmem:s10+$0xFFFFFF50] =	vst v14;
	v12 =	vmul.f32 v1, v12;
	v5 =	vld [tilespmem:s10+$0xFFFFFFC0]  }
0x15c: {  	v14 =	vld [tilespmem:s10+$0xFFFFFFD0]  }
0x15d: {  	v15 =	vld [tilespmem:s10+$0xFFFFFFE0]  }
0x15e: {  	v16 =	vld [tilespmem:s10+$0xFFFFFFF0]  }
0x15f: {  	v25 =	vld [tilespmem:s10+$0x0]  }
0x160: {  	v7 =	vld.idx.msk [tilespmem:v7+s15+$0x0], $0xffff;
	s6 =	sadd.s32 $0x280, s10  }
0x161: {  	[tilespmem:s10+$0xFFFFFF60] =	vst v11;
	v2 =	vmul.f32 v1, v2;
	v29 =	vld [tilespmem:s6+$0xFFFFFE00]  }
0x162: {  	v6 =	vmul.f32 v0, v6;
	[tilespmem:s10+$0xFFFFFF70] =	vst v12;
	v44 =	vld [tilespmem:s6+$0xFFFFFE10]  }
0x163: {  	v45 =	vld [tilespmem:s6+$0xFFFFFE20];
	v3 =	vmul.f32 v0, v3;
	[tilespmem:s10+$0xFFFFFF80] =	vst v2  }
0x164: {  	v47 =	vld [tilespmem:s6+$0xFFFFFE30];
	[tilespmem:s10+$0xFFFFFF90] =	vst v6;
	v26 =	vmul.f32 v0, v4  }
0x165: {  	v49 =	vld [tilespmem:s6+$0xFFFFFE40];
	[tilespmem:s10+$0xFFFFFFA0] =	vst v3;
	v28 =	vmul.f32 v0, v5  }
0x166: {  	v51 =	vld [tilespmem:s6+$0xFFFFFE50];
	[tilespmem:s10+$0xFFFFFFB0] =	vst v26;
	v30 =	vmul.f32 v0, v14  }
0x167: {  	v53 =	vld [tilespmem:s6+$0xFFFFFE60];
	v32 =	vmul.f32 v0, v15;
	[tilespmem:s10+$0xFFFFFFC0] =	vst v28  }
0x168: {  	v9 =	vadd.s32 $0x280, v9;
	v55 =	vld [tilespmem:s6+$0xFFFFFE70];
	v34 =	vmul.f32 v0, v16;
	[tilespmem:s10+$0xFFFFFFD0] =	vst v30  }
0x169: {  	v13 =	vand.u32 $0x7F, v13;
	v56 =	vld [tilespmem:s6+$0xFFFFFE80];
	v36 =	vmul.f32 v0, v25;
	[tilespmem:s4+$0xFFFFFFE0] =	vst v32  }
0x16a: {  	v8 =	vadd.s32 $0x280, v8;
	v13 =	vor.u32 $0x280, v13;
	v58 =	vld [tilespmem:s6+$0xFFFFFE90];
	v52 =	vmul.f32 v7, v44;
	[tilespmem:s4+$0xFFFFFFF0] =	vst v34  }
0x16b: {  	v60 =	vld [tilespmem:s6+$0xFFFFFEA0];
	v13 =	vbroadcast v13, $0x0;
	v54 =	vmul.f32 v7, v45;
	[tilespmem:s4+$0x0] =	vst v36  }
0x16c: {  	v62 =	vld [tilespmem:s6+$0xFFFFFEB0];
	v2 =	vmul.f32 v7, v47;
	[tilespmem:s6+$0xFFFFFE10] =	vst v52  }
0x16d: {  	v9 =	vld.idx.msk [tilespmem:v9+s15+$0x0], $0xffff;
	v57 =	vmul.f32 v7, v49;
	[tilespmem:s6+$0xFFFFFE20] =	vst v54  }
0x16e: {  	v12 =	vld [tilespmem:s6+$0xFFFFFEC0];
	v59 =	vmul.f32 v7, v51;
	[tilespmem:s6+$0xFFFFFE30] =	vst v2  }
0x16f: {  	v1 =	vld.idx.msk [tilespmem:v8+s15+$0x0], $0xffff;
	v61 =	vmul.f32 v7, v53;
	[tilespmem:s6+$0xFFFFFE40] =	vst v57  }
0x170: {  	v14 =	vld [tilespmem:s6+$0xFFFFFED0];
	v63 =	vmul.f32 v7, v55;
	[tilespmem:s6+$0xFFFFFE50] =	vst v59  }
0x171: {  	v27 =	vld.idx.msk [tilespmem:v13+s15+$0x0], $0xffff;
	[tilespmem:s6+$0xFFFFFE60] =	vst v61;
	v13 =	vmul.f32 v7, v56  }
0x172: {  	v16 =	vld [tilespmem:s6+$0xFFFFFEE0];
	[tilespmem:s6+$0xFFFFFE70] =	vst v63;
	v15 =	vmul.f32 v9, v58  }
0x173: {  	v44 =	vld [tilespmem:s6+$0xFFFFFFC0];
	[tilespmem:s6+$0xFFFFFE80] =	vst v13;
	v17 =	vmul.f32 v9, v60  }
0x174: {  	v31 =	vld [tilespmem:s6+$0xFFFFFD90];
	v19 =	vmul.f32 v9, v62;
	[tilespmem:s6+$0xFFFFFE90] =	vst v15  }
0x175: {  	v33 =	vld [tilespmem:s6+$0xFFFFFDA0];
	v21 =	vmul.f32 v9, v12;
	[tilespmem:s6+$0xFFFFFEA0] =	vst v17  }
0x176: {  	v35 =	vld [tilespmem:s6+$0xFFFFFDB0];
	v23 =	vmul.f32 v9, v14;
	[tilespmem:s6+$0xFFFFFEB0] =	vst v19  }
0x177: {  	v37 =	vld [tilespmem:s6+$0xFFFFFDC0];
	v25 =	vmul.f32 v9, v16;
	[tilespmem:s6+$0xFFFFFEC0] =	vst v21  }
0x178: {  	v38 =	vld [tilespmem:s6+$0xFFFFFDD0];
	v53 =	vmul.f32 v1, v44;
	[tilespmem:s6+$0xFFFFFED0] =	vst v23  }
0x179: {  	v10 =	vadd.s32 $0x280, v10;
	v40 =	vld [tilespmem:s6+$0xFFFFFDE0];
	[tilespmem:s6+$0xFFFFFEE0] =	vst v25;
	v5 =	vmul.f32 v27, v29  }
0x17a: {  	v42 =	vld [tilespmem:s6+$0xFFFFFDF0];
	v39 =	vmul.f32 v27, v31;
	[tilespmem:s6+$0xFFFFFFC0] =	vst v53  }
0x17b: {  	v18 =	vld [tilespmem:s6+$0xFFFFFEF0];
	v41 =	vmul.f32 v27, v33;
	[tilespmem:s6+$0xFFFFFE00] =	vst v5  }
0x17c: {  	v20 =	vld [tilespmem:s6+$0xFFFFFF00];
	v43 =	vmul.f32 v27, v35;
	[tilespmem:s6+$0xFFFFFD90] =	vst v39  }
0x17d: {  	v22 =	vld [tilespmem:s6+$0xFFFFFF10];
	v3 =	vmul.f32 v27, v37;
	[tilespmem:s6+$0xFFFFFDA0] =	vst v41  }
0x17e: {  	v10 =	vld.idx.msk [tilespmem:v10+s15+$0x0], $0xffff;
	v46 =	vmul.f32 v27, v38;
	[tilespmem:s6+$0xFFFFFDB0] =	vst v43  }
0x17f: {  	v24 =	vld [tilespmem:s6+$0xFFFFFF20];
	v48 =	vmul.f32 v27, v40;
	[tilespmem:s6+$0xFFFFFDC0] =	vst v3  }
0x180: {  	v26 =	vld [tilespmem:s6+$0xFFFFFF30];
	v50 =	vmul.f32 v27, v42;
	[tilespmem:s6+$0xFFFFFDD0] =	vst v46  }
0x181: {  	v28 =	vld [tilespmem:s6+$0xFFFFFF40];
	v27 =	vmul.f32 v9, v18;
	[tilespmem:s6+$0xFFFFFDE0] =	vst v48  }
0x182: {  	v36 =	vld [tilespmem:s6+$0xFFFFFF80];
	v29 =	vmul.f32 v9, v20;
	[tilespmem:s6+$0xFFFFFDF0] =	vst v50  }
0x183: {  	v52 =	vld [tilespmem:s6+$0x0];
	v31 =	vmul.f32 v10, v22;
	[tilespmem:s6+$0xFFFFFEF0] =	vst v27  }
0x184: {  	v30 =	vld [tilespmem:s6+$0xFFFFFF50];
	v33 =	vmul.f32 v10, v24;
	[tilespmem:s6+$0xFFFFFF00] =	vst v29  }
0x185: {  	v32 =	vld [tilespmem:s6+$0xFFFFFF60];
	v35 =	vmul.f32 v10, v26;
	[tilespmem:s6+$0xFFFFFF10] =	vst v31  }
0x186: {  	v34 =	vld [tilespmem:s6+$0xFFFFFF70];
	v37 =	vmul.f32 v10, v28;
	[tilespmem:s6+$0xFFFFFF20] =	vst v33  }
0x187: {  	v38 =	vld [tilespmem:s6+$0xFFFFFF90];
	v45 =	vmul.f32 v10, v36;
	[tilespmem:s6+$0xFFFFFF30] =	vst v35  }
0x188: {  	v40 =	vld [tilespmem:s6+$0xFFFFFFA0];
	v57 =	vmul.f32 v1, v52;
	[tilespmem:s6+$0xFFFFFF40] =	vst v37  }
0x189: {  	v42 =	vld [tilespmem:s6+$0xFFFFFFB0];
	v39 =	vmul.f32 v10, v30;
	[tilespmem:s6+$0xFFFFFF80] =	vst v45  }
0x18a: {  	v41 =	vmul.f32 v10, v32;
	v46 =	vld [tilespmem:s6+$0xFFFFFFD0];
	[tilespmem:s6+$0x0] =	vst v57  }
0x18b: {  	v43 =	vmul.f32 v10, v34;
	v48 =	vld [tilespmem:s6+$0xFFFFFFE0];
	[tilespmem:s6+$0xFFFFFF50] =	vst v39  }
0x18c: {  	v50 =	vld [tilespmem:s6+$0xFFFFFFF0];
	[tilespmem:s6+$0xFFFFFF60] =	vst v41;
	v47 =	vmul.f32 v1, v38  }
0x18d: {  	[tilespmem:s6+$0xFFFFFF70] =	vst v43;
	v49 =	vmul.f32 v1, v40  }
0x18e: {  	v51 =	vmul.f32 v1, v42;
	[tilespmem:s6+$0xFFFFFF90] =	vst v47  }
0x18f: {  	[tilespmem:s6+$0xFFFFFFA0] =	vst v49;
	v54 =	vmul.f32 v1, v46  }
0x190: {  	[tilespmem:s6+$0xFFFFFFB0] =	vst v51;
	v55 =	vmul.f32 v1, v48  }
0x191: {  	v56 =	vmul.f32 v1, v50;
	[tilespmem:s6+$0xFFFFFFD0] =	vst v54  }
0x192: {  	[tilespmem:s6+$0xFFFFFFE0] =	vst v55  }
0x193: {  	[tilespmem:s6+$0xFFFFFFF0] =	vst v56  }
0x194: {  	v0 =	vld [tilespmem:$0x13A80]  }
0x195: {  	v58 =	vld [tilespmem:$0x13A90]  }
0x196: {  	v2 =	vld [tilespmem:$0x13AA0]  }
0x197: {  	v59 =	vld [tilespmem:$0x13AB0]  }
0x198: {  	v60 =	vld [tilespmem:$0x13AC0]  }
0x199: {  	v61 =	vld [tilespmem:$0x13AD0];
	[tilespmem:$0x1FD00] =	vst v0  }
0x19a: {  	v62 =	vld [tilespmem:$0x13AE0];
	[tilespmem:$0x1FD10] =	vst v58  }
0x19b: {  	v63 =	vld [tilespmem:$0x13AED];
	[tilespmem:$0x1FD20] =	vst v2  }
0x19c: {  	[tilespmem:$0x1FD30] =	vst v59  }
.Ltmp6:
0x19d: {  	[tilespmem:$0x1FD40] =	vst v60;
	(pc) =	sbr.rel @p1 .LBB2_13-.Ltmp6, $4  }
0x19e: {  	[tilespmem:$0x1FD50] =	vst v61  }
0x19f: {  	[tilespmem:$0x1FD60] =	vst v62  }
0x1a0: {  	[tilespmem:$0x1FD6D] =	vst v63  }
0x1a1: {  	[spmem:s3] =	stream.indirect.scatter.add.f32 [tilespmem:s26], [sflag:$0x8], $0x80, s31, s19, $0xb8;
	[tilespmem:$0x1FE80] =	vst v63  }
0x1a2: {  	s4 =	smul.u32 $0xC0, s7;
	_ =	sdelay $0x1  }
0x1a3: {  	s6 =	simm.s32 $0x0;
	s4 =	sadd.s32 s4, s24  }
0x1a4: {  	[tilespmem:s17], [sflag:$0x2] =	stream.linear.gather [hbm4b:s4+s6], $0x180, $0x38;
	[tilespmem:$0x1FE80] =	vst v63  }
0x1a5: {  	_ =	swait.ge [sflag:s2], $0x3E80  }
0x1a6: {  	v0 =	vmov s6;
	s6 =	simm.s32 $0x4;
	[sflag:s2] =	ssyncset.done $0x0  }
0x1a7: {  	v0 =	vand.u32 $0x7F, v0;
	v1 =	vmov s6;
	[sflag:s2] =	ssyncadd.s32 $0xFFFFC180  }
0x1a8: {  	v0 =	vor.u32 $0x400, v0;
	v1 =	vand.u32 $0xFF, v1;
	_ =	swait.ge [sflag:s18], $0x180  }
0x1a9: {  	v0 =	vbroadcast v0, $0x0;
	v1 =	vor.u32 $0x400, v1;
	[sflag:s18] =	ssyncset.done $0x0  }
0x1aa: {  	v1 =	vbroadcast v1, $0x0;
	[sflag:s18] =	ssyncadd.s32 $0xFFFFFE80  }
0x1ab: {  	[tilespmem:s20], [sflag:$0x4] =	stream.indirect.gather [hbm4b:s1+s19], $0x80, s15, s19, $0xb8;
	[tilespmem:$0x1FE80] =	vst v63  }
0x1ac: {  	_ =	swait.ge [sflag:s9], $0x3E80  }
0x1ad: {  	[sflag:s9] =	ssyncset.done $0x0  }
0x1ae: {  	[sflag:s9] =	ssyncadd.s32 $0xFFFFC180  }
0x1af: {  	s8 =	simm.s32 $0x1;
	v2 =	vld.idx.msk [tilespmem:v0+s15+$0x0], $0xffff  }
0x1b0: {  	s10 =	simm.s32 $0x1BD80;
	v3 =	vmov s8;
	v0 =	vld.idx.msk [tilespmem:v1+s15+$0x0], $0xffff  }
0x1b1: {  	v1 =	vand.u32 $0xFF, v3;
	v3 =	vld [tilespmem:s10+$0x270]  }
0x1b2: {  	v4 =	vld [tilespmem:s10+$0x0];
	v1 =	vor.u32 $0x400, v1  }
0x1b3: {  	v5 =	vld [tilespmem:s10+$0x10];
	v1 =	vbroadcast v1, $0x0  }
0x1b4: {  	v6 =	vld [tilespmem:s10+$0x20]  }
0x1b5: {  	v7 =	vld [tilespmem:s10+$0x30]  }
0x1b6: {  	v8 =	vld [tilespmem:s10+$0x40]  }
0x1b7: {  	s11 =	simm.s32 $0x2;
	v9 =	vld [tilespmem:s10+$0x50]  }
0x1b8: {  	v11 =	vmov s11;
	v10 =	vld [tilespmem:s10+$0x60];
	v3 =	vmul.f32 v0, v3  }
0x1b9: {  	v4 =	vmul.f32 v2, v4;
	v12 =	vld.idx.msk [tilespmem:v1+s15+$0x0], $0xffff;
	v1 =	vand.u32 $0xFF, v11  }
0x1ba: {  	v13 =	vld [tilespmem:s10+$0x90];
	[tilespmem:s10+$0x270] =	vst v3;
	v3 =	vmul.f32 v2, v6;
	v1 =	vor.u32 $0x400, v1  }
0x1bb: {  	v5 =	vmul.f32 v2, v5;
	[tilespmem:s10+$0x0] =	vst v4;
	v11 =	vld [tilespmem:s10+$0x80];
	v1 =	vbroadcast v1, $0x0  }
0x1bc: {  	v4 =	vld [tilespmem:s10+$0x70];
	[tilespmem:s10+$0x20] =	vst v3;
	v3 =	vmul.f32 v2, v8  }
0x1bd: {  	v9 =	vmul.f32 v2, v9;
	v6 =	vld [tilespmem:s10+$0xA0];
	[tilespmem:s10+$0x10] =	vst v5  }
0x1be: {  	v5 =	vmul.f32 v2, v7;
	[tilespmem:s10+$0x40] =	vst v3;
	v3 =	vld [tilespmem:s10+$0xE0]  }
0x1bf: {  	v7 =	vld [tilespmem:s10+$0xB0];
	[tilespmem:s10+$0x50] =	vst v9  }
0x1c0: {  	v9 =	vld [tilespmem:s10+$0x100];
	[tilespmem:s10+$0x30] =	vst v5;
	v5 =	vmul.f32 v12, v11  }
0x1c1: {  	v14 =	vld.idx.msk [tilespmem:v1+s15+$0x0], $0xffff;
	v1 =	vmul.f32 v2, v10  }
0x1c2: {  	s21 =	simm.s32 $0x3;
	v8 =	vld [tilespmem:s10+$0xC0];
	[tilespmem:s10+$0x80] =	vst v5;
	v2 =	vmul.f32 v2, v4  }
0x1c3: {  	v5 =	vmov s21;
	v4 =	vld [tilespmem:s10+$0xF0];
	v3 =	vmul.f32 v12, v3;
	[tilespmem:s10+$0x60] =	vst v1  }
0x1c4: {  	v11 =	vld [tilespmem:s10+$0xD0];
	v5 =	vand.u32 $0xFF, v5;
	v1 =	vmul.f32 v12, v13;
	[tilespmem:s10+$0x70] =	vst v2  }
0x1c5: {  	v10 =	vld [tilespmem:s10+$0x140];
	v5 =	vor.u32 $0x400, v5;
	v2 =	vmul.f32 v12, v6;
	[tilespmem:s10+$0xE0] =	vst v3  }
0x1c6: {  	v5 =	vbroadcast v5, $0x0;
	v3 =	vld [tilespmem:s10+$0x170];
	[tilespmem:s10+$0x90] =	vst v1;
	v1 =	vmul.f32 v12, v7  }
0x1c7: {  	v6 =	vld [tilespmem:s10+$0x110];
	[tilespmem:s10+$0xA0] =	vst v2;
	v2 =	vmul.f32 v12, v8  }
0x1c8: {  	v7 =	vld [tilespmem:s10+$0x120];
	v4 =	vmul.f32 v12, v4;
	[tilespmem:s10+$0xB0] =	vst v1  }
0x1c9: {  	v8 =	vld [tilespmem:s10+$0x130];
	v1 =	vmul.f32 v12, v11;
	[tilespmem:s10+$0xC0] =	vst v2  }
0x1ca: {  	v2 =	vmul.f32 v14, v9;
	v9 =	vld [tilespmem:s10+$0x150];
	[tilespmem:s10+$0xF0] =	vst v4  }
0x1cb: {  	v11 =	vld [tilespmem:s10+$0x160];
	v12 =	vmul.f32 v14, v3;
	[tilespmem:s10+$0xD0] =	vst v1  }
0x1cc: {  	v1 =	vld.idx.msk [tilespmem:v5+s15+$0x0], $0xffff;
	[tilespmem:s10+$0x100] =	vst v2;
	v2 =	vmul.f32 v14, v6  }
0x1cd: {  	v5 =	vld [tilespmem:s10+$0x180];
	v4 =	vmul.f32 v14, v7;
	[tilespmem:s10+$0x170] =	vst v12  }
0x1ce: {  	v6 =	vld [tilespmem:s10+$0x190];
	[tilespmem:s10+$0x110] =	vst v2;
	v2 =	vmul.f32 v14, v8  }
0x1cf: {  	s11 =	simm.s32 $0x7;
	v7 =	vld [tilespmem:s10+$0x1A0];
	[tilespmem:s10+$0x120] =	vst v4;
	v4 =	vmul.f32 v14, v10  }
0x1d0: {  	s6 =	simm.s32 $0x5;
	v13 =	vmov s11;
	v8 =	vld [tilespmem:s10+$0x1B0];
	[tilespmem:s10+$0x130] =	vst v2;
	v2 =	vmul.f32 v14, v9  }
0x1d1: {  	v12 =	vand.u32 $0xFF, v13;
	v10 =	vld [tilespmem:s10+$0x1C0];
	v9 =	vmov s6;
	[tilespmem:s10+$0x140] =	vst v4;
	v4 =	vmul.f32 v14, v11  }
0x1d2: {  	s8 =	simm.s32 $0x6;
	s21 =	simm.s32 $0x8;
	v12 =	vor.u32 $0x400, v12;
	v9 =	vand.u32 $0x7F, v9;
	v5 =	vmul.f32 v1, v5;
	[tilespmem:s10+$0x150] =	vst v2;
	v2 =	vld [tilespmem:s10+$0x1D0]  }
0x1d3: {  	v3 =	vld [tilespmem:s10+$0x1E0];
	v11 =	vmov s8;
	v14 =	vmov s21;
	v6 =	vmul.f32 v1, v6;
	[tilespmem:s10+$0x160] =	vst v4  }
0x1d4: {  	v13 =	vand.u32 $0xFF, v14;
	v7 =	vmul.f32 v1, v7;
	[tilespmem:s10+$0x180] =	vst v5;
	v4 =	vor.u32 $0x400, v9;
	v5 =	vld [tilespmem:s10+$0x1F0]  }
0x1d5: {  	v9 =	vand.u32 $0xFF, v11;
	[tilespmem:s10+$0x190] =	vst v6;
	v8 =	vmul.f32 v1, v8;
	v6 =	vld [tilespmem:s10+$0x200];
	v4 =	vbroadcast v4, $0x0  }
0x1d6: {  	s4 =	simm.s32 $0x1BD80;
	s6 =	simm.s32 $0xA;
	s8 =	simm.s32 $0x9;
	v11 =	vor.u32 $0x400, v9;
	v9 =	vor.u32 $0x400, v13;
	[tilespmem:s10+$0x1A0] =	vst v7;
	v10 =	vmul.f32 v1, v10;
	v7 =	vld [tilespmem:s10+$0x210]  }
.LBB2_11:
0x1d7: {  	p1 =	slt.u32 s6, $0x78;
	v11 =	vbroadcast v11, $0x0;
	v13 =	vmov s8;
	[tilespmem:s10+$0x1B0] =	vst v8;
	v2 =	vmul.f32 v1, v2;
	v8 =	vld [tilespmem:s10+$0x220]  }
0x1d8: {  	v12 =	vbroadcast v12, $0x0;
	v13 =	vand.u32 $0xFF, v13;
	[tilespmem:s10+$0x1C0] =	vst v10;
	v3 =	vmul.f32 v1, v3;
	v10 =	vld [tilespmem:s10+$0x230]  }
0x1d9: {  	v9 =	vbroadcast v9, $0x0;
	v13 =	vor.u32 $0x400, v13;
	[tilespmem:s10+$0x1D0] =	vst v2;
	v1 =	vmul.f32 v1, v5;
	v2 =	vld [tilespmem:s10+$0x240]  }
0x1da: {  	v5 =	vbroadcast v13, $0x0;
	[tilespmem:s10+$0x1E0] =	vst v3;
	v3 =	vmul.f32 v0, v6;
	v6 =	vld [tilespmem:s10+$0x250]  }
0x1db: {  	[tilespmem:s10+$0x1F0] =	vst v1;
	v1 =	vmul.f32 v0, v7;
	v7 =	vld [tilespmem:s10+$0x260]  }
0x1dc: {  	v4 =	vld.idx.msk [tilespmem:v4+s15+$0x0], $0xffff;
	[tilespmem:s10+$0x200] =	vst v3;
	v3 =	vmul.f32 v0, v8  }
0x1dd: {  	v8 =	vld.idx.msk [tilespmem:v11+s15+$0x0], $0xffff;
	[tilespmem:s10+$0x210] =	vst v1;
	v10 =	vmul.f32 v0, v10  }
0x1de: {  	v11 =	vld.idx.msk [tilespmem:v12+s15+$0x0], $0xffff;
	[tilespmem:s10+$0x220] =	vst v3;
	v2 =	vmul.f32 v0, v2  }
0x1df: {  	v1 =	vld.idx.msk [tilespmem:v9+s15+$0x0], $0xffff;
	[tilespmem:s10+$0x230] =	vst v10;
	v3 =	vmul.f32 v0, v6  }
0x1e0: {  	s10 =	sadd.s32 $0x280, s10;
	[tilespmem:s4+$0x240] =	vst v2;
	v2 =	vmul.f32 v0, v7;
	v0 =	vld.idx.msk [tilespmem:v5+s15+$0x0], $0xffff  }
0x1e1: {  	v5 =	vld [tilespmem:s10+$0x270];
	[tilespmem:s4+$0x250] =	vst v3  }
0x1e2: {  	v3 =	vld [tilespmem:s10+$0x0];
	[tilespmem:s4+$0x260] =	vst v2;
	s4 =	smov.u32 s10  }
0x1e3: {  	v2 =	vld [tilespmem:s10+$0x10]  }
0x1e4: {  	v6 =	vld [tilespmem:s10+$0x20]  }
0x1e5: {  	v7 =	vld [tilespmem:s10+$0x30]  }
0x1e6: {  	v9 =	vld [tilespmem:s10+$0x40];
	v5 =	vmul.f32 v0, v5  }
0x1e7: {  	v3 =	vmul.f32 v4, v3;
	v10 =	vld [tilespmem:s10+$0x50]  }
0x1e8: {  	v2 =	vmul.f32 v4, v2;
	v12 =	vld [tilespmem:s10+$0x60];
	[tilespmem:s10+$0x270] =	vst v5  }
0x1e9: {  	[tilespmem:s10+$0x0] =	vst v3;
	v3 =	vmul.f32 v4, v6;
	v5 =	vld [tilespmem:s10+$0x70]  }
0x1ea: {  	[tilespmem:s10+$0x10] =	vst v2;
	v2 =	vmul.f32 v4, v7;
	v6 =	vld [tilespmem:s10+$0x80]  }
0x1eb: {  	[tilespmem:s10+$0x20] =	vst v3;
	v3 =	vmul.f32 v4, v9;
	v7 =	vld [tilespmem:s10+$0x90]  }
0x1ec: {  	[tilespmem:s10+$0x30] =	vst v2;
	v2 =	vmul.f32 v4, v10;
	v9 =	vld [tilespmem:s10+$0xA0]  }
0x1ed: {  	[tilespmem:s10+$0x40] =	vst v3;
	v3 =	vmul.f32 v4, v12;
	v10 =	vld [tilespmem:s10+$0xB0]  }
0x1ee: {  	[tilespmem:s10+$0x50] =	vst v2;
	v2 =	vmul.f32 v4, v5;
	v4 =	vld [tilespmem:s10+$0xC0]  }
0x1ef: {  	[tilespmem:s10+$0x60] =	vst v3;
	v3 =	vmul.f32 v8, v6;
	v5 =	vld [tilespmem:s10+$0xD0]  }
0x1f0: {  	[tilespmem:s10+$0x70] =	vst v2;
	v2 =	vmul.f32 v8, v7;
	v6 =	vld [tilespmem:s10+$0xE0]  }
0x1f1: {  	[tilespmem:s10+$0x80] =	vst v3;
	v3 =	vmul.f32 v8, v9;
	v7 =	vld [tilespmem:s10+$0xF0]  }
0x1f2: {  	[tilespmem:s10+$0x90] =	vst v2;
	v2 =	vmul.f32 v8, v10;
	v9 =	vld [tilespmem:s10+$0x100]  }
0x1f3: {  	[tilespmem:s10+$0xA0] =	vst v3;
	v3 =	vmul.f32 v8, v4;
	v4 =	vld [tilespmem:s10+$0x110]  }
0x1f4: {  	[tilespmem:s10+$0xB0] =	vst v2;
	v2 =	vmul.f32 v8, v5;
	v5 =	vld [tilespmem:s10+$0x120]  }
0x1f5: {  	[tilespmem:s10+$0xC0] =	vst v3;
	v3 =	vmul.f32 v8, v6;
	v6 =	vld [tilespmem:s10+$0x130]  }
0x1f6: {  	[tilespmem:s10+$0xD0] =	vst v2;
	v2 =	vmul.f32 v8, v7;
	v7 =	vld [tilespmem:s10+$0x140]  }
0x1f7: {  	[tilespmem:s10+$0xE0] =	vst v3;
	v3 =	vmul.f32 v11, v9;
	v8 =	vld [tilespmem:s10+$0x150]  }
0x1f8: {  	[tilespmem:s10+$0xF0] =	vst v2;
	v2 =	vmul.f32 v11, v4;
	v4 =	vld [tilespmem:s10+$0x160]  }
0x1f9: {  	[tilespmem:s10+$0x100] =	vst v3;
	v3 =	vmul.f32 v11, v5;
	v5 =	vld [tilespmem:s10+$0x170]  }
0x1fa: {  	[tilespmem:s10+$0x110] =	vst v2;
	v2 =	vmul.f32 v11, v6;
	v6 =	vld [tilespmem:s10+$0x180]  }
0x1fb: {  	[tilespmem:s10+$0x120] =	vst v3;
	v3 =	vmul.f32 v11, v7;
	v7 =	vld [tilespmem:s10+$0x190]  }
0x1fc: {  	[tilespmem:s10+$0x130] =	vst v2;
	v2 =	vmul.f32 v11, v8;
	v8 =	vld [tilespmem:s10+$0x1A0]  }
0x1fd: {  	s8 =	sadd.s32 $0x1, s6;
	v9 =	vmov s6;
	[tilespmem:s10+$0x140] =	vst v3;
	v3 =	vmul.f32 v11, v4;
	v10 =	vld [tilespmem:s10+$0x1B0]  }
0x1fe: {  	s11 =	sadd.s32 $0x3, s6;
	v4 =	vand.u32 $0x7F, v9;
	v9 =	vmov s8;
	s8 =	sadd.s32 $0x2, s6;
	[tilespmem:s10+$0x150] =	vst v2;
	v5 =	vmul.f32 v11, v5;
	v13 =	vld [tilespmem:s10+$0x1C0]  }
.Ltmp7:
0x1ff: {  	v12 =	vmov s11;
	v11 =	vmov s8;
	[tilespmem:s10+$0x160] =	vst v3;
	v6 =	vmul.f32 v1, v6;
	v2 =	vld [tilespmem:s10+$0x1D0];
	(pc) =	sbr.rel @p1 .LBB2_11-.Ltmp7, $4  }
0x200: {  	v4 =	vor.u32 $0x400, v4;
	v9 =	vand.u32 $0xFF, v9;
	[tilespmem:s10+$0x170] =	vst v5;
	v7 =	vmul.f32 v1, v7;
	v3 =	vld [tilespmem:s10+$0x1E0]  }
0x201: {  	v15 =	vand.u32 $0xFF, v12;
	v14 =	vand.u32 $0xFF, v11;
	[tilespmem:s10+$0x180] =	vst v6;
	v16 =	vmul.f32 v1, v8;
	v5 =	vld [tilespmem:s10+$0x1F0]  }
0x202: {  	v4 =	vbroadcast v4, $0x0;
	v11 =	vor.u32 $0x400, v9;
	[tilespmem:s10+$0x190] =	vst v7;
	v8 =	vmul.f32 v1, v10;
	v6 =	vld [tilespmem:s10+$0x200]  }
0x203: {  	s8 =	sadd.s32 $0x4, s6;
	s6 =	sadd.s32 $0x5, s6;
	v9 =	vor.u32 $0x400, v15;
	v12 =	vor.u32 $0x400, v14;
	[tilespmem:s10+$0x1A0] =	vst v16;
	v10 =	vmul.f32 v1, v13;
	v7 =	vld [tilespmem:s10+$0x210]  }
0x204: {  	v14 =	vld [tilespmem:s10+$0x220]  }
0x205: {  	v15 =	vld [tilespmem:s10+$0x230]  }
0x206: {  	v16 =	vld [tilespmem:s10+$0x240]  }
0x207: {  	v17 =	vld [tilespmem:s10+$0x250]  }
0x208: {  	v18 =	vld [tilespmem:s10+$0x260]  }
0x209: {  	[tilespmem:s10+$0x1B0] =	vst v8;
	v2 =	vmul.f32 v1, v2;
	v4 =	vld.idx.msk [tilespmem:v4+s15+$0x0], $0xffff;
	s6 =	sadd.s32 $0x280, s10  }
0x20a: {  	[tilespmem:s10+$0x1C0] =	vst v10;
	v3 =	vmul.f32 v1, v3;
	v30 =	vld [tilespmem:s6+$0x270]  }
0x20b: {  	v32 =	vld [tilespmem:s6+$0x0];
	[tilespmem:s10+$0x1D0] =	vst v2;
	v26 =	vmul.f32 v1, v5  }
0x20c: {  	v34 =	vld [tilespmem:s6+$0x10];
	[tilespmem:s10+$0x1E0] =	vst v3;
	v27 =	vmul.f32 v0, v6  }
0x20d: {  	v36 =	vld [tilespmem:s6+$0x20];
	[tilespmem:s10+$0x1F0] =	vst v26;
	v28 =	vmul.f32 v0, v7  }
0x20e: {  	v38 =	vld [tilespmem:s6+$0x30];
	[tilespmem:s10+$0x200] =	vst v27;
	v29 =	vmul.f32 v0, v14  }
0x20f: {  	v39 =	vld [tilespmem:s6+$0x40];
	v31 =	vmul.f32 v0, v15;
	[tilespmem:s10+$0x210] =	vst v28  }
0x210: {  	v11 =	vbroadcast v11, $0x0;
	v41 =	vld [tilespmem:s6+$0x50];
	v33 =	vmul.f32 v0, v16;
	[tilespmem:s10+$0x220] =	vst v29  }
0x211: {  	v42 =	vld [tilespmem:s6+$0x60];
	v35 =	vmul.f32 v0, v17;
	[tilespmem:s10+$0x230] =	vst v31  }
0x212: {  	v44 =	vld [tilespmem:s6+$0x70];
	v37 =	vmul.f32 v0, v18;
	[tilespmem:s4+$0x240] =	vst v33  }
0x213: {  	v45 =	vld [tilespmem:s6+$0x80];
	v40 =	vmul.f32 v4, v32;
	[tilespmem:s4+$0x250] =	vst v35  }
0x214: {  	v47 =	vld [tilespmem:s6+$0x90];
	v10 =	vmul.f32 v4, v34;
	[tilespmem:s4+$0x260] =	vst v37  }
0x215: {  	v49 =	vld [tilespmem:s6+$0xA0];
	v43 =	vmul.f32 v4, v36;
	[tilespmem:s6+$0x0] =	vst v40  }
0x216: {  	v25 =	vld.idx.msk [tilespmem:v11+s15+$0x0], $0xffff;
	v3 =	vmul.f32 v4, v38;
	[tilespmem:s6+$0x10] =	vst v10  }
0x217: {  	v51 =	vld [tilespmem:s6+$0xB0];
	v46 =	vmul.f32 v4, v39;
	[tilespmem:s6+$0x20] =	vst v43  }
0x218: {  	v12 =	vbroadcast v12, $0x0;
	v53 =	vld [tilespmem:s6+$0xC0];
	v48 =	vmul.f32 v4, v41;
	[tilespmem:s6+$0x30] =	vst v3  }
0x219: {  	v55 =	vld [tilespmem:s6+$0xD0];
	v50 =	vmul.f32 v4, v42;
	[tilespmem:s6+$0x40] =	vst v46  }
0x21a: {  	v57 =	vld [tilespmem:s6+$0xE0];
	v52 =	vmul.f32 v4, v44;
	[tilespmem:s6+$0x50] =	vst v48  }
0x21b: {  	v59 =	vld [tilespmem:s6+$0xF0];
	[tilespmem:s6+$0x60] =	vst v50;
	v54 =	vmul.f32 v25, v45  }
0x21c: {  	v61 =	vld [tilespmem:s6+$0x100];
	[tilespmem:s6+$0x70] =	vst v52;
	v56 =	vmul.f32 v25, v47  }
0x21d: {  	v9 =	vbroadcast v9, $0x0;
	v63 =	vld [tilespmem:s6+$0x110];
	v58 =	vmul.f32 v25, v49;
	[tilespmem:s6+$0x80] =	vst v54  }
0x21e: {  	v2 =	vld.idx.msk [tilespmem:v12+s15+$0x0], $0xffff;
	v60 =	vmul.f32 v25, v51;
	[tilespmem:s6+$0x90] =	vst v56  }
0x21f: {  	v19 =	vld [tilespmem:s6+$0x150];
	v62 =	vmul.f32 v25, v53;
	[tilespmem:s6+$0xA0] =	vst v58  }
0x220: {  	v15 =	vld [tilespmem:s6+$0x130];
	v12 =	vmul.f32 v25, v55;
	[tilespmem:s6+$0xB0] =	vst v60  }
0x221: {  	v13 =	vmov s8;
	v17 =	vld [tilespmem:s6+$0x140];
	v14 =	vmul.f32 v25, v57;
	[tilespmem:s6+$0xC0] =	vst v62  }
0x222: {  	v13 =	vand.u32 $0xFF, v13;
	v27 =	vld [tilespmem:s6+$0x190];
	v16 =	vmul.f32 v25, v59;
	[tilespmem:s6+$0xD0] =	vst v12  }
0x223: {  	v13 =	vor.u32 $0x400, v13;
	v5 =	vld.idx.msk [tilespmem:v9+s15+$0x0], $0xffff;
	v18 =	vmul.f32 v2, v61;
	[tilespmem:s6+$0xE0] =	vst v14  }
0x224: {  	v13 =	vbroadcast v13, $0x0;
	v32 =	vld [tilespmem:s6+$0x1C0];
	v20 =	vmul.f32 v2, v63;
	[tilespmem:s6+$0xF0] =	vst v16  }
0x225: {  	v34 =	vld [tilespmem:s6+$0x1D0];
	v24 =	vmul.f32 v2, v15;
	[tilespmem:s6+$0x100] =	vst v18  }
0x226: {  	v36 =	vld [tilespmem:s6+$0x1E0];
	v26 =	vmul.f32 v2, v17;
	[tilespmem:s6+$0x110] =	vst v20  }
0x227: {  	v38 =	vld [tilespmem:s6+$0x1F0];
	v28 =	vmul.f32 v2, v19;
	[tilespmem:s6+$0x130] =	vst v24  }
0x228: {  	v29 =	vld [tilespmem:s6+$0x1A0];
	v35 =	vmul.f32 v5, v27;
	[tilespmem:s6+$0x140] =	vst v26  }
0x229: {  	v31 =	vld [tilespmem:s6+$0x1B0];
	v41 =	vmul.f32 v5, v32;
	[tilespmem:s6+$0x150] =	vst v28  }
0x22a: {  	v1 =	vld.idx.msk [tilespmem:v13+s15+$0x0], $0xffff;
	v43 =	vmul.f32 v5, v34;
	[tilespmem:s6+$0x190] =	vst v35  }
0x22b: {  	v13 =	vld [tilespmem:s6+$0x120];
	v45 =	vmul.f32 v5, v36;
	[tilespmem:s6+$0x1C0] =	vst v41  }
0x22c: {  	v21 =	vld [tilespmem:s6+$0x160];
	v47 =	vmul.f32 v5, v38;
	[tilespmem:s6+$0x1D0] =	vst v43  }
0x22d: {  	v23 =	vld [tilespmem:s6+$0x170];
	v37 =	vmul.f32 v5, v29;
	[tilespmem:s6+$0x1E0] =	vst v45  }
0x22e: {  	v40 =	vld [tilespmem:s6+$0x200];
	v39 =	vmul.f32 v5, v31;
	[tilespmem:s6+$0x1F0] =	vst v47  }
0x22f: {  	v42 =	vld [tilespmem:s6+$0x210];
	v7 =	vmul.f32 v1, v30;
	[tilespmem:s6+$0x1A0] =	vst v37  }
0x230: {  	v44 =	vld [tilespmem:s6+$0x220];
	v22 =	vmul.f32 v2, v13;
	[tilespmem:s6+$0x1B0] =	vst v39  }
0x231: {  	v46 =	vld [tilespmem:s6+$0x230];
	v30 =	vmul.f32 v2, v21;
	[tilespmem:s6+$0x270] =	vst v7  }
0x232: {  	v48 =	vld [tilespmem:s6+$0x240];
	v2 =	vmul.f32 v2, v23;
	[tilespmem:s6+$0x120] =	vst v22  }
0x233: {  	v50 =	vld [tilespmem:s6+$0x250];
	v49 =	vmul.f32 v1, v40;
	[tilespmem:s6+$0x160] =	vst v30  }
0x234: {  	v52 =	vld [tilespmem:s6+$0x260];
	v51 =	vmul.f32 v1, v42;
	[tilespmem:s6+$0x170] =	vst v2  }
0x235: {  	v25 =	vld [tilespmem:s6+$0x180];
	v53 =	vmul.f32 v1, v44;
	[tilespmem:s6+$0x200] =	vst v49  }
0x236: {  	v54 =	vmul.f32 v1, v46;
	[tilespmem:s6+$0x210] =	vst v51  }
0x237: {  	v55 =	vmul.f32 v1, v48;
	[tilespmem:s6+$0x220] =	vst v53  }
0x238: {  	v56 =	vmul.f32 v1, v50;
	[tilespmem:s6+$0x230] =	vst v54  }
0x239: {  	v57 =	vmul.f32 v1, v52;
	[tilespmem:s6+$0x240] =	vst v55  }
0x23a: {  	v33 =	vmul.f32 v5, v25;
	[tilespmem:s6+$0x250] =	vst v56  }
0x23b: {  	[tilespmem:s6+$0x260] =	vst v57  }
0x23c: {  	[tilespmem:s6+$0x180] =	vst v33  }
0x23d: {  	v0 =	vld [tilespmem:$0x13C00]  }
0x23e: {  	v58 =	vld [tilespmem:$0x13C10]  }
0x23f: {  	v2 =	vld [tilespmem:$0x13C20]  }
0x240: {  	v59 =	vld [tilespmem:$0x13C30]  }
0x241: {  	v60 =	vld [tilespmem:$0x13C40]  }
0x242: {  	v61 =	vld [tilespmem:$0x13C50];
	[tilespmem:$0x1FD80] =	vst v0  }
0x243: {  	v62 =	vld [tilespmem:$0x13C60];
	[tilespmem:$0x1FD90] =	vst v58  }
0x244: {  	v63 =	vld [tilespmem:$0x13C6D];
	[tilespmem:$0x1FDA0] =	vst v2  }
0x245: {  	[tilespmem:$0x1FDB0] =	vst v59  }
.Ltmp8:
0x246: {  	[tilespmem:$0x1FDC0] =	vst v60;
	(pc) =	sbr.rel .LBB2_2-.Ltmp8, $4  }
0x247: {  	[tilespmem:$0x1FDD0] =	vst v61  }
0x248: {  	[tilespmem:$0x1FDE0] =	vst v62  }
0x249: {  	s7 =	sadd.s32 $0x1, s7;
	[tilespmem:$0x1FDED] =	vst v63  }
0x24a: {  	[spmem:s3] =	stream.indirect.scatter.add.f32 [tilespmem:s16], [sflag:$0x9], $0x80, s12, s19, $0xb8;
	[tilespmem:$0x1FE80] =	vst v63  }
.LBB2_14:
0x24b: {  	_ =	sfence.sel $0x180000  }
0x24c: {  	[bflag:$0x0] =	sbarrier.arrive $0xFFFF  }
0x24d: {  	_ =	strace $0x9000004A  }
0x24e: {  	s0 =	stileid.u32;
	[bflag:$0x2] =	sbarrier.arrive $0xFFFF  }
0x24f: {  	p0 =	sne.s32 s0, $0x0;
	s0 =	rddreg [dreg:$0x3]  }
0x250: {  	s0 =	sadd.s32 @!p0 $0x100000, s0  }
0x251: {  	[sflag:s0] =	ssyncadd.tile.s32 @!p0 $0x1;
	_ =	shalt  }
.Lfunc_end2:
_tile_overlayer_lowered:
.L_overlay_start_2:
0x252: {  	(tag) =	ssettag $0x2  }
0x253: {  	s0 =	rddreg [dreg:$0x0];
	s2 =	stileid.u32  }
0x254: {  	s1 =	rddreg [dreg:$0x1];
	p0 =	sne.s32 s2, $0x0  }
0x255: {  	s3 =	rddreg [dreg:$0x2];
	[bflag:$0x3] =	sbarrier.arrive $0xFFFF;
	s2 =	simm.s32 @!p0 $0x1C0B  }
0x256: {  	[timem:s3], [sflag:s2] =	dma.local @!p0 [hbm:s0], s1  }
0x257: {  	s0 =	simm.s32 @!p0 $0xB  }
0x258: {  	_ =	swait.ge @!p0 [sflag:s0], s1  }
0x259: {  	s1 =	ssub.s32 @!p0 $0x0, s1;
	[sflag:s0] =	ssyncset.done @!p0 $0x0  }
0x25a: {  	[sflag:s0] =	ssyncadd.s32 @!p0 s1  }
0x25b: {  	[bflag:$0x3] =	sbarrier.arrive $0xFFFF  }
0x25c: {  	_ =	shalt  }

// kernel: kernel.7.cloned.1.call-start
scs
__scs_entry_jumppad:
0x0: {  	(pc) =	sbr.rel $0x88, $3  }
0x1: {  	(tag) =	ssettag $0x0;
	lr =	simm.s32 $0x1  }
0x2: {  	[smem:$0x3F9A] =	sst lr;
	_ =	strace $0xD0000000  }
0x3: {  	_ = 	snop  }
0x4: {  	_ = 	snop  }
0x5: {  	_ = 	snop  }
0x6: {  	_ = 	snop  }
0x7: {  	_ = 	snop  }
__scs_overlays_trampoline_lowered:
0x8: {  	[smem:$0x3FA9] =	sst s0  }
0x9: {  	[smem:$0x3FAA] =	sst s1  }
0xa: {  	[smem:$0x3FAB] =	sst s2  }
0xb: {  	[smem:$0x3FAC] =	sst s3  }
0xc: {  	[smem:$0x3FAD] =	sst s4  }
0xd: {  	[smem:$0x3FAE] =	sst s5  }
0xe: {  	[smem:$0x3FAF] =	sst s6  }
0xf: {  	[smem:$0x3FB0] =	sst s7  }
0x10: {  	[smem:$0x3FB1] =	sst s8  }
0x11: {  	[smem:$0x3FB2] =	sst s9;
	s0 =	simm.s32 @!p0 $0x0  }
0x12: {  	s1 =	sld [smem:$0x3F98];
	s0 =	simm.s32 @p0 $0x1  }
0x13: {  	[smem:$0x3FB3] =	sst s0;
	s0 =	simm.s32 @!p1 $0x0  }
0x14: {  	s2 =	sld [smem:$0x3F97];
	s0 =	simm.s32 @p1 $0x1  }
0x15: {  	[smem:$0x3FB4] =	sst s0;
	s0 =	simm.s32 @!p2 $0x0  }
0x16: {  	s3 =	sld [smem:$0x3FDB];
	s0 =	simm.s32 @p2 $0x1  }
0x17: {  	s4 =	simm.s32 $0x1BF5;
	[smem:$0x3FB6] =	sst s0  }
0x18: {  	s0 =	sld [smem:$0x3F99];
	_ =	swait.ge [sflag:s4], $0x0  }
0x19: {  	s7 =	sld [smem:$0x3F9A]  }
0x1a: {  	s8 =	sadd.s32 $0xFFFFE003, lr  }
0x1b: {  	s9 =	sadd.s32 $0xFFFFFEF7, lr;
	s5 =	simm.s32 $0xFFFFFFFF;
	p2 =	slt.u32 s8, $0xFFFFF086  }
0x1c: {  	p1 =	slt.u32 s9, $0xF7A;
	s5 =	simm.s32 @!p2 $0x0  }
0x1d: {  	s5 =	simm.s32 @p1 $0x1;
	p0 =	seq.s32 s7, s2  }
0x1e: {  	s7 =	smul.u32 @!p0 $0xF7A, s2;
	p2 =	seq.s32 @!p0 s5, $0x0  }
0x1f: {  	s9 =	smul.u32 $0xF7A, s1;
	s8 =	simm.s32 @!p0 $0x1BF5;
	p2 =	por !p2, p0  }
0x20: {  	[sflag:s8] =	ssyncset.s32 @!p0 $0xFFFFF086;
	s6 =	sadd.s32 @!p0 s3, s7;
	s7 =	simm.s32 @!p0 $0x108  }
0x21: {  	s3 =	sadd.s32 s3, s9;
	s6 =	sadd.s32 @!p0 $0x88, s6;
	s7 =	simm.s32 @p2 $0x1082  }
0x22: {  	[simem:s7], [sflag:s8] =	dma.local @!p0 [hbm:s6], $0xF7A  }
0x23: {  	s9 =	sor.u32 $0xD0000000, s2;
	s6 =	simm.s32 $0x108;
	_ =	swait.ge @!p0 [sflag:s8], $0x0  }
0x24: {  	s3 =	sadd.s32 $0x88, s3;
	s6 =	simm.s32 @!p1 $0x1082;
	[sflag:s4] =	ssyncset.s32 $0xFFFFF086  }
0x25: {  	[simem:s6], [sflag:s4] =	dma.local [hbm:s3], $0xF7A  }
0x26: {  	[smem:$0x3F9A] =	sst s1;
	(tag) =	ssettag s2;
	_ =	strace s9  }
0x27: {  	s1 =	sld [smem:$0x3FAA]  }
0x28: {  	s2 =	sld [smem:$0x3FAB]  }
0x29: {  	s4 =	sld [smem:$0x3FAD]  }
0x2a: {  	p0 =	seq.s32 s5, $0x0;
	s5 =	sld [smem:$0x3FAE]  }
0x2b: {  	s6 =	sld [smem:$0x3FAF]  }
0x2c: {  	s7 =	sld [smem:$0x3FB0]  }
0x2d: {  	s3 =	simm.s32 $0x108;
	s8 =	sld [smem:$0x3FB1]  }
0x2e: {  	s3 =	simm.s32 @!p0 $0x1082;
	s9 =	sld [smem:$0x3FB2]  }
0x2f: {  	lr =	sadd.s32 s0, s3;
	s0 =	sld [smem:$0x3FA9]  }
0x30: {  	s3 =	sld [smem:$0x3FAC]  }
0x31: {  	[smem:$0x3FB5] =	sst s10  }
0x32: {  	s10 =	sld [smem:$0x3FB3];
	_ =	sdelay $0x3  }
0x33: {  	p0 =	seq.s32 s10, $0x1;
	s10 =	sld [smem:$0x3FB5];
	_ =	sdelay $0x3  }
0x34: {  	[smem:$0x3FB5] =	sst s10  }
0x35: {  	s10 =	sld [smem:$0x3FB4];
	_ =	sdelay $0x3  }
0x36: {  	p1 =	seq.s32 s10, $0x1;
	s10 =	sld [smem:$0x3FB5];
	_ =	sdelay $0x3  }
0x37: {  	[smem:$0x3FB5] =	sst s10  }
0x38: {  	s10 =	sld [smem:$0x3FB6]  }
0x39: {  	_ = 	snop;
	(pc) =	sbr.ind lr, $3  }
0x3a: {  	_ = 	snop  }
0x3b: {  	_ = 	snop  }
0x3c: {  	p2 =	seq.s32 s10, $0x1;
	s10 =	sld [smem:$0x3FB5]  }
0x3d: {  	_ =	shalt  }
0x3e: {  	_ =	shalt  }
0x3f: {  	_ =	shalt  }
0x40: {  	_ =	shalt  }
0x41: {  	_ =	shalt  }
0x42: {  	_ =	shalt  }
0x43: {  	_ =	shalt  }
0x44: {  	_ =	shalt  }
0x45: {  	_ =	shalt  }
0x46: {  	_ =	shalt  }
0x47: {  	_ =	shalt  }
0x48: {  	_ =	shalt  }
0x49: {  	_ =	shalt  }
0x4a: {  	_ =	shalt  }
0x4b: {  	_ =	shalt  }
0x4c: {  	_ =	shalt  }
0x4d: {  	_ =	shalt  }
0x4e: {  	_ =	shalt  }
0x4f: {  	_ =	shalt  }
0x50: {  	_ =	shalt  }
0x51: {  	_ =	shalt  }
0x52: {  	_ =	shalt  }
0x53: {  	_ =	shalt  }
0x54: {  	_ =	shalt  }
0x55: {  	_ =	shalt  }
0x56: {  	_ =	shalt  }
0x57: {  	_ =	shalt  }
0x58: {  	_ =	shalt  }
0x59: {  	_ =	shalt  }
0x5a: {  	_ =	shalt  }
0x5b: {  	_ =	shalt  }
0x5c: {  	_ =	shalt  }
0x5d: {  	_ =	shalt  }
0x5e: {  	_ =	shalt  }
0x5f: {  	_ =	shalt  }
0x60: {  	_ =	shalt  }
0x61: {  	_ =	shalt  }
0x62: {  	_ =	shalt  }
0x63: {  	_ =	shalt  }
0x64: {  	_ =	shalt  }
0x65: {  	_ =	shalt  }
0x66: {  	_ =	shalt  }
0x67: {  	_ =	shalt  }
0x68: {  	_ =	shalt  }
0x69: {  	_ =	shalt  }
0x6a: {  	_ =	shalt  }
0x6b: {  	_ =	shalt  }
0x6c: {  	_ =	shalt  }
0x6d: {  	_ =	shalt  }
0x6e: {  	_ =	shalt  }
0x6f: {  	_ =	shalt  }
0x70: {  	_ =	shalt  }
0x71: {  	_ =	shalt  }
0x72: {  	_ =	shalt  }
0x73: {  	_ =	shalt  }
0x74: {  	_ =	shalt  }
0x75: {  	_ =	shalt  }
0x76: {  	_ =	shalt  }
0x77: {  	_ =	shalt  }
0x78: {  	_ =	shalt  }
0x79: {  	_ =	shalt  }
0x7a: {  	_ =	shalt  }
0x7b: {  	_ =	shalt  }
0x7c: {  	_ =	shalt  }
0x7d: {  	_ =	shalt  }
0x7e: {  	_ =	shalt  }
0x7f: {  	_ =	shalt  }
0x80: {  	_ =	shalt  }
0x81: {  	_ =	shalt  }
0x82: {  	_ =	shalt  }
0x83: {  	_ =	shalt  }
0x84: {  	_ =	shalt  }
0x85: {  	_ =	shalt  }
0x86: {  	_ =	shalt  }
0x87: {  	_ =	shalt  }
.Lfunc_end0:
.L_simem_size_0:
called_computation_lowered:
.L_overlay_start_0:
0x88: {  	s2 =	sld [smem:$0x3FD9]  }
0x89: {  	s3 =	sld [smem:$0x3FFE];
	_ =	sdelay $0x1  }
0x8a: {  	s1 =	srdreg.scid  }
0x8b: {  	s0 =	sand.u32 $0x1, s1  }
0x8c: {  	s17 =	sshll.u32 s0, $0xA;
	s2 =	sadd.s32 s3, s2  }
0x8d: {  	s2 =	sadd.s32 s2, s17  }
0x8e: {  	[smem:$0x3FC1] =	sst s2  }
0x8f: {  	_ = 	snop  }
0x90: {  	s2 =	sld [smem:$0x3FD0];
	(tm) =	ssettm $0x1  }
0x91: {  	s18 =	sld [smem:$0x3FFB];
	_ =	sdelay $0x3  }
0x92: {  	_ =	strace s18  }
0x93: {  	s3 =	sld [smem:$0x3FFC];
	_ =	sdelay $0x3  }
0x94: {  	_ =	strace s3  }
0x95: {  	s3 =	sld [smem:$0x3FFD];
	_ =	sdelay $0x3  }
0x96: {  	_ =	strace s3  }
0x97: {  	_ =	strace $0x8FFFFFFF  }
0x98: {  	s19 =	sld [smem:$0x3FDB];
	_ =	sdelay $0x1  }
0x99: {  	s4 =	simm.s32 $_scs_section_size  }
0x9a: {  	s5 =	simm.s32 $_size__tile_overlayer_lowered;
	s6 =	simm.s32 $_tile_overlayer_lowered  }
0x9b: {  	s22 =	simm.s32 $0x1BFF;
	s21 =	sshll.u32 s6, $0x1;
	s3 =	sadd.s32 s4, s19  }
0x9c: {  	s7 =	simm.s32 $0x0;
	s20 =	sshll.u32 s5, $0x1;
	s5 =	sadd.s32 s21, s3  }
0x9d: {  	[timem:s7], [sflag:s22] =	dma.local [hbm:s5], s20  }
0x9e: {  	_ =	swait.ge [sflag:s22], s20  }
0x9f: {  	s4 =	ssub.s32 $0x0, s20;
	[sflag:s22] =	ssyncset.done $0x0  }
0xa0: {  	[sflag:s22] =	ssyncadd.s32 s4;
	_ =	sdelay $0x1  }
0xa1: {  	s23 =	simm.s32 $0x1B8B  }
0xa2: {  	_ =	swait.ge [sflag:s23], $0x1  }
0xa3: {  	[sflag:s23] =	ssyncset.done $0x0  }
0xa4: {  	s25 =	simm.s32 $0x1B8E;
	s24 =	sld [smem:$0x3FFE];
	[sflag:s23] =	ssyncadd.s32 $0xFFFFFFFF  }
0xa5: {  	s26 =	simm.s32 $execute0_lowered;
	[smem:$0x3FD2] =	sst s25  }
0xa6: {  	s5 =	sshll.u32 s26, $0x1;
	_ =	strace $0x80000046;
	[dreg:$0x1] =	wrdreg $0xFFFFFFFF  }
0xa7: {  	s28 =	simm.s32 $_size_execute0_lowered;
	s3 =	sadd.s32 s3, s5;
	[dreg:$0x0] =	wrdreg $0x0  }
0xa8: {  	s5 =	sshll.u32 s28, $0x1;
	[dreg:$0x2] =	wrdreg s3  }
0xa9: {  	[dreg:$0x3] =	wrdreg s5  }
0xaa: {  	[dreg:$0x4] =	wrdreg $0xC0  }
0xab: {  	_ =	task [dreg:s7], $0x5FFFF  }
0xac: {  	[dreg:$0x1] =	wrdreg $0xFFFFFFFF  }
0xad: {  	[dreg:$0x0] =	wrdreg $0x60  }
0xae: {  	[dreg:$0x2] =	wrdreg s2  }
0xaf: {  	[dreg:$0x3] =	wrdreg s24  }
0xb0: {  	[dreg:$0x4] =	wrdreg $0x0  }
0xb1: {  	[dreg:$0x5] =	wrdreg $0x9  }
0xb2: {  	_ =	task.clear_ibuf [dreg:s7], $0x6FFFF;
	_ =	strace $0x90000046  }
0xb3: {  	s29 =	simm.s32 $0x9;
	_ =	strace $0x80000048  }
0xb4: {  	_ =	swait.ge [sflag:s29], $0x1  }
0xb5: {  	[sflag:s29] =	ssyncadd.s32 $0xFFFFFFFF  }
0xb6: {  	_ =	strace $0x90000048  }
0xb7: {  	_ =	sfence  }
0xb8: {  	s30 =	sld [smem:$0x0];
	_ =	sdelay $0x2  }
0xb9: {  	s31 =	sshll.u32 s1, $0xD;
	s1 =	sshrl.u32 s1, $0x2  }
0xba: {  	s3 =	sand.u32 $0x4000, s31;
	s1 =	sadd.s32 s1, s30  }
0xbb: {  	s0 =	sor.u32 s3, s0;
	s1 =	sshll.u32 s1, $0x11  }
0xbc: {  	s0 =	sor.u32 s1, s0  }
0xbd: {  	s0 =	sadd.s32 $0x8F2B, s0  }
0xbe: {  	[sflag:s0] =	ssyncadd.remote.s32 $0x1  }
0xbf: {  	_ =	sfence.sel $0xFFFF  }
0xc0: {  	[dreg:$0x0] =	wrdreg $0xFFFFFFFF;
	(pc) =	sbr.abs _section_cstart, $3  }
0xc1: {  	[dreg:$0x1] =	wrdreg $0xFFFFFFFF  }
0xc2: {  	_ =	task.clear_ibuf [dreg:s7], $0x2FFFF;
	_ =	strace $0x9FFFFFFF  }
0xc3: {  	(tm) =	ssettm $0x7FFFFFFF  }
tec
execute0_lowered:
.L_overlay_start_1:
0x0: {  	(tag) =	ssettag $0x1  }
0x1: {  	s1 =	rddreg [dreg:$0x0]  }
0x2: {  	s0 =	srdreg.scid;
	s4 =	rddreg [dreg:$0x1]  }
0x3: {  	s9 =	stileid.u32;
	s3 =	rddreg [dreg:$0x2]  }
0x4: {  	s5 =	simm.s32 $0x0;
	s15 =	simm.s32 $0x13880;
	s17 =	simm.s32 $0x13A00  }
0x5: {  	s18 =	simm.s32 $0x1;
	s19 =	simm.s32 $0x7D;
	s20 =	simm.s32 $0x14080  }
0x6: {  	s28 =	simm.s32 $0x4;
	s29 =	simm.s32 $0x1FC80;
	s30 =	simm.s32 $0x5  }
0x7: {  	s31 =	simm.s32 $0x1FD00;
	s12 =	simm.s32 $0x1FD80;
	s16 =	simm.s32 $0x1BD80  }
0x8: {  	s0 =	sand.u32 $0x1, s0;
	s2 =	sshll.u32 s9, $0x1;
	s7 =	smul.u32 $0x2700, s9  }
0x9: {  	[smem:$0x7FF] =	sst s5;
	s6 =	smul.u32 $0x4E000, s9;
	s24 =	sshll.u32 s9, $0x6  }
0xa: {  	p0 =	sne.s32 s9, $0xF;
	s9 =	simm.s32 $0x6;
	s2 =	sor.u32 s0, s2  }
0xb: {  	s23 =	smul.u32 $0x27100, s0;
	_ =	strace $0x80000047;
	[dreg:$0x6] =	wrdreg s24  }
0xc: {  	s0 =	ssub.s32 $0x2, s0;
	s2 =	smul.u32 $0x1400, s2;
	[dreg:$0x4] =	wrdreg s7  }
0xd: {  	s7 =	sadd.s32 s7, s4;
	s8 =	sshrl.u32 s0, $0x1;
	s6 =	sshrl.u32 s6, $0x2  }
0xe: {  	s5 =	sadd.s32 s23, s4;
	s0 =	ssub.s32 s0, s8;
	s7 =	sadd.s32 $0x29A00, s7  }
0xf: {  	s6 =	sadd.s32 s6, s3;
	s2 =	sadd.s32 s2, s4;
	[dreg:$0x5] =	wrdreg s7  }
0x10: {  	s7 =	sor.u32 $0x1C0A, s24;
	s4 =	sadd.s32 $0x50A00, s4;
	s25 =	sadd.s32 $0x50C00, s5  }
0x11: {  	s0 =	smax.u32 s0, $0x1;
	s13 =	sshrl.u32 s6, $0x3;
	[dreg:$0x7] =	wrdreg s7  }
0x12: {  	s5 =	simm.s32 $0x0;
	s7 =	sadd.s32 $0x138000, s3;
	[dreg:$0x8] =	wrdreg s4  }
.Ltmp0:
0x13: {  	s2 =	sadd.s32 $0x1A00, s2;
	[dreg:$0xa] =	wrdreg s25;
	(pc) =	sbr.rel .LBB2_1-.Ltmp0, $4  }
0x14: {  	[dreg:$0xb] =	wrdreg s0;
	s25 =	simm.s32 $0x2;
	s0 =	simm.s32 $0x8  }
0x15: {  	s14 =	sshrl.u32 @!p0 s7, $0x3;
	s26 =	sadd.s32 $0x40, s2;
	s22 =	sadd.s32 $0x80, s2  }
0x16: {  	s23 =	sadd.s32 $0xC0, s2;
	[dreg:$0x9] =	wrdreg s2;
	s24 =	sadd.s32 $0x100, s2  }
0x17: {  	s2 =	simm.s32 $0x7;
	[dreg:$0xc] =	wrdreg s26;
	s26 =	simm.s32 $0x17F00  }
.LBB2_13:
0x18: {  	_ =	swait.ge [sflag:s2], $0x3E80  }
0x19: {  	[sflag:s2] =	ssyncset.done $0x0  }
0x1a: {  	[sflag:s2] =	ssyncadd.s32 $0xFFFFC180  }
0x1b: {  	_ =	swait.ge [sflag:s0], $0x3E80  }
0x1c: {  	[sflag:s0] =	ssyncset.done $0x0  }
0x1d: {  	s4 =	simm.s32 $0x9;
	[sflag:s0] =	ssyncadd.s32 $0xFFFFC180  }
0x1e: {  	_ =	swait.ge [sflag:s4], $0x3E80  }
0x1f: {  	[sflag:s4] =	ssyncset.done $0x0  }
0x20: {  	[sflag:s4] =	ssyncadd.s32 $0xFFFFC180  }
0x21: {  	[bflag:$0x0] =	sbarrier.arrive $0xFFFF  }
0x22: {  	s10 =	rddreg [dreg:$0x4]  }
0x23: {  	s7 =	rddreg [dreg:$0xa]  }
0x24: {  	s6 =	rddreg [dreg:$0x6]  }
0x25: {  	s11 =	simm.s32 $0xB;
	s4 =	sadd.s32 s10, s7;
	s6 =	sor.u32 $0x1C0B, s6  }
0x26: {  	[hbm:s4], [sflag:s6] =	dma.local [spmem:s13], $0x2700  }
0x27: {  	_ =	swait.ge [sflag:s11], $0x2700  }
0x28: {  	[sflag:s11] =	ssyncset.done $0x0  }
0x29: {  	s4 =	sadd.s32 @!p0 $0x27000, s7;
	[sflag:s11] =	ssyncadd.s32 $0xFFFFD900  }
0x2a: {  	[hbm:s4], [sflag:s6] =	dma.local @!p0 [spmem:s14], $0x100  }
0x2b: {  	s4 =	simm.s32 @!p0 $0xB  }
0x2c: {  	_ =	swait.ge @!p0 [sflag:s4], $0x100  }
0x2d: {  	s5 =	sadd.s32 $0x1, s5;
	s21 =	rddreg [dreg:$0xb]  }
0x2e: {  	p1 =	sne.s32 s5, s21  }
.Ltmp1:
0x2f: {  	_ = 	snop;
	(pc) =	sbr.rel @!p1 .LBB2_14-.Ltmp1, $3  }
0x30: {  	_ =	sdelay $0x1  }
0x31: {  	[sflag:s4] =	ssyncset.done @!p0 $0x0  }
0x32: {  	[sflag:s4] =	ssyncadd.s32 @!p0 $0xFFFFFF00  }
.LBB2_1:
0x33: {  	s4 =	rddreg [dreg:$0x5]  }
0x34: {  	s6 =	rddreg [dreg:$0x7]  }
0x35: {  	[spmem:s13], [sflag:s6] =	dma.local [hbm:s4], $0x2700  }
0x36: {  	s4 =	rddreg [dreg:$0x8]  }
0x37: {  	[spmem:s14], [sflag:s6] =	dma.local @!p0 [hbm:s4], $0x100  }
0x38: {  	s10 =	simm.s32 $0x0;
	s6 =	rddreg [dreg:$0x9]  }
0x39: {  	[tilespmem:s15], [sflag:$0x1] =	stream.linear.gather [hbm4b:s6+s10], $0x180, $0x38;
	[tilespmem:$0x1FE80] =	vst v63  }
0x3a: {  	s11 =	rddreg [dreg:$0xc]  }
0x3b: {  	[tilespmem:s17], [sflag:$0x2] =	stream.linear.gather [hbm4b:s11+s10], $0x180, $0x38;
	[tilespmem:$0x1FE80] =	vst v63  }
0x3c: {  	_ =	swait.ge [sflag:s18], $0x180  }
0x3d: {  	[sflag:s18] =	ssyncset.done $0x0  }
0x3e: {  	s21 =	simm.s32 $0xA;
	[sflag:s18] =	ssyncadd.s32 $0xFFFFFE80  }
0x3f: {  	[tilespmem:s20], [sflag:$0x4] =	stream.indirect.gather [hbm4b:s1+s19], $0x80, s15, s19, $0xb8;
	[tilespmem:$0x1FE80] =	vst v63  }
0x40: {  	_ =	swait.ge [sflag:s21], $0x2700  }
0x41: {  	[sflag:s21] =	ssyncset.done $0x0  }
0x42: {  	s4 =	simm.s32 @!p0 $0xA;
	[sflag:s21] =	ssyncadd.s32 $0xFFFFD900  }
0x43: {  	_ =	swait.ge @!p0 [sflag:s4], $0x100  }
0x44: {  	[sflag:s4] =	ssyncset.done @!p0 $0x0  }
0x45: {  	[sflag:s4] =	ssyncadd.s32 @!p0 $0xFFFFFF00  }
0x46: {  	s7 =	simm.s32 $0x0;
	[bflag:$0x0] =	sbarrier.arrive $0xFFFF  }
.LBB2_2:
0x47: {  	p1 =	seq.s32 s7, $0x1A  }
0x48: {  	p2 =	seq.s32 @!p1 s7, $0x0  }
0x49: {  	p2 =	por p1, !p2  }
.Ltmp2:
0x4a: {  	_ = 	snop;
	(pc) =	sbr.rel @!p2 .LBB2_3-.Ltmp2, $3  }
0x4b: {  	s10 =	smul.u32 @!p1 $0xC0, s7;
	_ =	sdelay $0x1  }
0x4c: {  	s6 =	simm.s32 @!p1 $0x0;
	s8 =	simm.s32 @!p1 $0x13B80;
	s4 =	sadd.s32 @!p1 s10, s22  }
0x4d: {  	[tilespmem:s8], [sflag:$0x3] =	stream.linear.gather @!p1 [hbm4b:s4+s6], $0x180, $0x38;
	[tilespmem:$0x1FE80] =	vst v63  }
.Ltmp3:
0x4e: {  	(pc) =	sbr.rel .LBB2_5-.Ltmp3, $4  }
0x4f: {  	_ = 	snop  }
0x50: {  	_ =	swait.ge [sflag:s0], $0x3E80  }
0x51: {  	[sflag:s0] =	ssyncset.done $0x0  }
0x52: {  	p2 =	por $0x0, $0x0;
	[sflag:s0] =	ssyncadd.s32 $0xFFFFC180  }
.LBB2_3:
0x53: {  	p2 =	por @!p1 $0x1, $0x1  }
.LBB2_5:
0x54: {  	s4 =	simm.s32 $0x0  }
0x55: {  	s21 =	simm.s32 $0x4;
	v0 =	vmov s4  }
0x56: {  	_ =	swait.ge [sflag:s25], $0x180;
	v1 =	vmov s21;
	v0 =	vand.u32 $0x7F, v0  }
0x57: {  	[sflag:s25] =	ssyncset.done $0x0;
	v1 =	vand.u32 $0xFF, v1;
	v0 =	vor.u32 $0x100, v0  }
0x58: {  	[sflag:s25] =	ssyncadd.s32 $0xFFFFFE80;
	v1 =	vor.u32 $0x100, v1;
	v0 =	vbroadcast v0, $0x0  }
0x59: {  	[tilespmem:s26], [sflag:$0x5] =	stream.indirect.gather [hbm4b:s1+s19], $0x80, s17, s19, $0xb8;
	v1 =	vbroadcast v1, $0x0;
	[tilespmem:$0x1FE80] =	vst v63  }
0x5a: {  	_ =	swait.ge [sflag:s28], $0x3E80  }
0x5b: {  	[sflag:s28] =	ssyncset.done $0x0  }
0x5c: {  	s21 =	simm.s32 $0x141C0;
	[sflag:s28] =	ssyncadd.s32 $0xFFFFC180  }
0x5d: {  	s6 =	simm.s32 $0x1;
	v4 =	vld [tilespmem:s21+$0xFFFFFEC0]  }
0x5e: {  	v3 =	vmov s6;
	v2 =	vld.idx.msk [tilespmem:v0+s15+$0x0], $0xffff  }
0x5f: {  	v0 =	vld.idx.msk [tilespmem:v1+s15+$0x0], $0xffff;
	v1 =	vand.u32 $0xFF, v3  }
0x60: {  	v5 =	vld [tilespmem:s21+$0xFFFFFED0];
	v1 =	vor.u32 $0x100, v1  }
0x61: {  	v3 =	vld [tilespmem:s21+$0x130];
	v1 =	vbroadcast v1, $0x0  }
0x62: {  	v6 =	vld [tilespmem:s21+$0xFFFFFEE0]  }
0x63: {  	v7 =	vld [tilespmem:s21+$0xFFFFFEF0]  }
0x64: {  	v8 =	vld [tilespmem:s21+$0xFFFFFF00]  }
0x65: {  	s8 =	simm.s32 $0x2;
	v9 =	vld [tilespmem:s21+$0xFFFFFF10]  }
0x66: {  	v11 =	vmov s8;
	v10 =	vld [tilespmem:s21+$0xFFFFFF20];
	v3 =	vmul.f32 v0, v3  }
0x67: {  	v4 =	vmul.f32 v2, v4;
	v12 =	vld.idx.msk [tilespmem:v1+s15+$0x0], $0xffff;
	v1 =	vand.u32 $0xFF, v11  }
0x68: {  	v13 =	vld [tilespmem:s21+$0xFFFFFF50];
	[tilespmem:s21+$0x130] =	vst v3;
	v3 =	vmul.f32 v2, v6;
	v1 =	vor.u32 $0x100, v1  }
0x69: {  	v5 =	vmul.f32 v2, v5;
	[tilespmem:s21+$0xFFFFFEC0] =	vst v4;
	v11 =	vld [tilespmem:s21+$0xFFFFFF40];
	v1 =	vbroadcast v1, $0x0  }
0x6a: {  	v4 =	vld [tilespmem:s21+$0xFFFFFF30];
	[tilespmem:s21+$0xFFFFFEE0] =	vst v3;
	v3 =	vmul.f32 v2, v8  }
0x6b: {  	v9 =	vmul.f32 v2, v9;
	v6 =	vld [tilespmem:s21+$0xFFFFFF60];
	[tilespmem:s21+$0xFFFFFED0] =	vst v5  }
0x6c: {  	v5 =	vmul.f32 v2, v7;
	[tilespmem:s21+$0xFFFFFF00] =	vst v3;
	v3 =	vld [tilespmem:s21+$0xFFFFFFA0]  }
0x6d: {  	v7 =	vld [tilespmem:s21+$0xFFFFFF70];
	[tilespmem:s21+$0xFFFFFF10] =	vst v9  }
0x6e: {  	v9 =	vld [tilespmem:s21+$0xFFFFFFC0];
	[tilespmem:s21+$0xFFFFFEF0] =	vst v5;
	v5 =	vmul.f32 v12, v11  }
0x6f: {  	v14 =	vld.idx.msk [tilespmem:v1+s15+$0x0], $0xffff;
	v1 =	vmul.f32 v2, v10  }
0x70: {  	s11 =	simm.s32 $0x3;
	v8 =	vld [tilespmem:s21+$0xFFFFFF80];
	[tilespmem:s21+$0xFFFFFF40] =	vst v5;
	v2 =	vmul.f32 v2, v4  }
0x71: {  	v5 =	vmov s11;
	v4 =	vld [tilespmem:s21+$0xFFFFFFB0];
	v3 =	vmul.f32 v12, v3;
	[tilespmem:s21+$0xFFFFFF20] =	vst v1  }
0x72: {  	v11 =	vld [tilespmem:s21+$0xFFFFFF90];
	v5 =	vand.u32 $0xFF, v5;
	v1 =	vmul.f32 v12, v13;
	[tilespmem:s21+$0xFFFFFF30] =	vst v2  }
0x73: {  	v10 =	vld [tilespmem:s21+$0x0];
	v5 =	vor.u32 $0x100, v5;
	v2 =	vmul.f32 v12, v6;
	[tilespmem:s21+$0xFFFFFFA0] =	vst v3  }
0x74: {  	v5 =	vbroadcast v5, $0x0;
	v3 =	vld [tilespmem:s21+$0x30];
	[tilespmem:s21+$0xFFFFFF50] =	vst v1;
	v1 =	vmul.f32 v12, v7  }
0x75: {  	v6 =	vld [tilespmem:s21+$0xFFFFFFD0];
	[tilespmem:s21+$0xFFFFFF60] =	vst v2;
	v2 =	vmul.f32 v12, v8  }
0x76: {  	v7 =	vld [tilespmem:s21+$0xFFFFFFE0];
	v4 =	vmul.f32 v12, v4;
	[tilespmem:s21+$0xFFFFFF70] =	vst v1  }
0x77: {  	v8 =	vld [tilespmem:s21+$0xFFFFFFF0];
	v1 =	vmul.f32 v12, v11;
	[tilespmem:s21+$0xFFFFFF80] =	vst v2  }
0x78: {  	v2 =	vmul.f32 v14, v9;
	v9 =	vld [tilespmem:s21+$0x10];
	[tilespmem:s21+$0xFFFFFFB0] =	vst v4  }
0x79: {  	v11 =	vld [tilespmem:s21+$0x20];
	v12 =	vmul.f32 v14, v3;
	[tilespmem:s21+$0xFFFFFF90] =	vst v1  }
0x7a: {  	v1 =	vld.idx.msk [tilespmem:v5+s15+$0x0], $0xffff;
	[tilespmem:s21+$0xFFFFFFC0] =	vst v2;
	v2 =	vmul.f32 v14, v6  }
0x7b: {  	v5 =	vld [tilespmem:s21+$0x40];
	v4 =	vmul.f32 v14, v7;
	[tilespmem:s21+$0x30] =	vst v12  }
0x7c: {  	v6 =	vld [tilespmem:s21+$0x50];
	[tilespmem:s21+$0xFFFFFFD0] =	vst v2;
	v2 =	vmul.f32 v14, v8  }
0x7d: {  	s11 =	simm.s32 $0x7;
	v7 =	vld [tilespmem:s21+$0x60];
	[tilespmem:s21+$0xFFFFFFE0] =	vst v4;
	v4 =	vmul.f32 v14, v10  }
0x7e: {  	s6 =	simm.s32 $0x5;
	v13 =	vmov s11;
	v8 =	vld [tilespmem:s21+$0x70];
	[tilespmem:s21+$0xFFFFFFF0] =	vst v2;
	v2 =	vmul.f32 v14, v9  }
0x7f: {  	v12 =	vand.u32 $0xFF, v13;
	v10 =	vld [tilespmem:s21+$0x80];
	v9 =	vmov s6;
	[tilespmem:s21+$0x0] =	vst v4;
	v4 =	vmul.f32 v14, v11  }
0x80: {  	s8 =	simm.s32 $0x6;
	v12 =	vor.u32 $0x100, v12;
	s6 =	simm.s32 $0x8;
	v9 =	vand.u32 $0x7F, v9;
	v5 =	vmul.f32 v1, v5;
	[tilespmem:s21+$0x10] =	vst v2;
	v2 =	vld [tilespmem:s21+$0x90]  }
0x81: {  	v3 =	vld [tilespmem:s21+$0xA0];
	v11 =	vmov s8;
	v14 =	vmov s6;
	v6 =	vmul.f32 v1, v6;
	[tilespmem:s21+$0x20] =	vst v4  }
0x82: {  	v13 =	vand.u32 $0xFF, v14;
	v7 =	vmul.f32 v1, v7;
	[tilespmem:s21+$0x40] =	vst v5;
	v4 =	vor.u32 $0x100, v9;
	v5 =	vld [tilespmem:s21+$0xB0]  }
0x83: {  	v9 =	vand.u32 $0xFF, v11;
	[tilespmem:s21+$0x50] =	vst v6;
	v8 =	vmul.f32 v1, v8;
	v6 =	vld [tilespmem:s21+$0xC0];
	v4 =	vbroadcast v4, $0x0  }
0x84: {  	s4 =	simm.s32 $0x141C0;
	s8 =	simm.s32 $0x9;
	s6 =	simm.s32 $0xA;
	v11 =	vor.u32 $0x100, v9;
	v9 =	vor.u32 $0x100, v13;
	[tilespmem:s21+$0x60] =	vst v7;
	v10 =	vmul.f32 v1, v10;
	v7 =	vld [tilespmem:s21+$0xD0]  }
.LBB2_6:
0x85: {  	p3 =	slt.u32 s6, $0x78;
	v11 =	vbroadcast v11, $0x0;
	v13 =	vmov s8;
	[tilespmem:s21+$0x70] =	vst v8;
	v2 =	vmul.f32 v1, v2;
	v8 =	vld [tilespmem:s21+$0xE0]  }
0x86: {  	v12 =	vbroadcast v12, $0x0;
	v13 =	vand.u32 $0xFF, v13;
	[tilespmem:s21+$0x80] =	vst v10;
	v3 =	vmul.f32 v1, v3;
	v10 =	vld [tilespmem:s21+$0xF0]  }
0x87: {  	v9 =	vbroadcast v9, $0x0;
	v13 =	vor.u32 $0x100, v13;
	[tilespmem:s21+$0x90] =	vst v2;
	v1 =	vmul.f32 v1, v5;
	v2 =	vld [tilespmem:s21+$0x100]  }
0x88: {  	v5 =	vbroadcast v13, $0x0;
	[tilespmem:s21+$0xA0] =	vst v3;
	v3 =	vmul.f32 v0, v6;
	v6 =	vld [tilespmem:s21+$0x110]  }
0x89: {  	[tilespmem:s21+$0xB0] =	vst v1;
	v1 =	vmul.f32 v0, v7;
	v7 =	vld [tilespmem:s21+$0x120]  }
0x8a: {  	v4 =	vld.idx.msk [tilespmem:v4+s15+$0x0], $0xffff;
	[tilespmem:s21+$0xC0] =	vst v3;
	v3 =	vmul.f32 v0, v8  }
0x8b: {  	v8 =	vld.idx.msk [tilespmem:v11+s15+$0x0], $0xffff;
	[tilespmem:s21+$0xD0] =	vst v1;
	v10 =	vmul.f32 v0, v10  }
0x8c: {  	v11 =	vld.idx.msk [tilespmem:v12+s15+$0x0], $0xffff;
	[tilespmem:s21+$0xE0] =	vst v3;
	v2 =	vmul.f32 v0, v2  }
0x8d: {  	v1 =	vld.idx.msk [tilespmem:v9+s15+$0x0], $0xffff;
	[tilespmem:s21+$0xF0] =	vst v10;
	v3 =	vmul.f32 v0, v6  }
0x8e: {  	s21 =	sadd.s32 $0x280, s21;
	[tilespmem:s4+$0x100] =	vst v2;
	v2 =	vmul.f32 v0, v7;
	v0 =	vld.idx.msk [tilespmem:v5+s15+$0x0], $0xffff  }
0x8f: {  	v5 =	vld [tilespmem:s21+$0x130];
	[tilespmem:s4+$0x110] =	vst v3  }
0x90: {  	v3 =	vld [tilespmem:s21+$0xFFFFFEC0];
	[tilespmem:s4+$0x120] =	vst v2;
	s4 =	smov.u32 s21  }
0x91: {  	v2 =	vld [tilespmem:s21+$0xFFFFFED0]  }
0x92: {  	v6 =	vld [tilespmem:s21+$0xFFFFFEE0]  }
0x93: {  	v7 =	vld [tilespmem:s21+$0xFFFFFEF0]  }
0x94: {  	v9 =	vld [tilespmem:s21+$0xFFFFFF00];
	v5 =	vmul.f32 v0, v5  }
0x95: {  	v3 =	vmul.f32 v4, v3;
	v10 =	vld [tilespmem:s21+$0xFFFFFF10]  }
0x96: {  	v2 =	vmul.f32 v4, v2;
	v12 =	vld [tilespmem:s21+$0xFFFFFF20];
	[tilespmem:s21+$0x130] =	vst v5  }
0x97: {  	[tilespmem:s21+$0xFFFFFEC0] =	vst v3;
	v3 =	vmul.f32 v4, v6;
	v5 =	vld [tilespmem:s21+$0xFFFFFF30]  }
0x98: {  	[tilespmem:s21+$0xFFFFFED0] =	vst v2;
	v2 =	vmul.f32 v4, v7;
	v6 =	vld [tilespmem:s21+$0xFFFFFF40]  }
0x99: {  	[tilespmem:s21+$0xFFFFFEE0] =	vst v3;
	v3 =	vmul.f32 v4, v9;
	v7 =	vld [tilespmem:s21+$0xFFFFFF50]  }
0x9a: {  	[tilespmem:s21+$0xFFFFFEF0] =	vst v2;
	v2 =	vmul.f32 v4, v10;
	v9 =	vld [tilespmem:s21+$0xFFFFFF60]  }
0x9b: {  	[tilespmem:s21+$0xFFFFFF00] =	vst v3;
	v3 =	vmul.f32 v4, v12;
	v10 =	vld [tilespmem:s21+$0xFFFFFF70]  }
0x9c: {  	[tilespmem:s21+$0xFFFFFF10] =	vst v2;
	v2 =	vmul.f32 v4, v5;
	v4 =	vld [tilespmem:s21+$0xFFFFFF80]  }
0x9d: {  	[tilespmem:s21+$0xFFFFFF20] =	vst v3;
	v3 =	vmul.f32 v8, v6;
	v5 =	vld [tilespmem:s21+$0xFFFFFF90]  }
0x9e: {  	[tilespmem:s21+$0xFFFFFF30] =	vst v2;
	v2 =	vmul.f32 v8, v7;
	v6 =	vld [tilespmem:s21+$0xFFFFFFA0]  }
0x9f: {  	[tilespmem:s21+$0xFFFFFF40] =	vst v3;
	v3 =	vmul.f32 v8, v9;
	v7 =	vld [tilespmem:s21+$0xFFFFFFB0]  }
0xa0: {  	[tilespmem:s21+$0xFFFFFF50] =	vst v2;
	v2 =	vmul.f32 v8, v10;
	v9 =	vld [tilespmem:s21+$0xFFFFFFC0]  }
0xa1: {  	[tilespmem:s21+$0xFFFFFF60] =	vst v3;
	v3 =	vmul.f32 v8, v4;
	v4 =	vld [tilespmem:s21+$0xFFFFFFD0]  }
0xa2: {  	[tilespmem:s21+$0xFFFFFF70] =	vst v2;
	v2 =	vmul.f32 v8, v5;
	v5 =	vld [tilespmem:s21+$0xFFFFFFE0]  }
0xa3: {  	[tilespmem:s21+$0xFFFFFF80] =	vst v3;
	v3 =	vmul.f32 v8, v6;
	v6 =	vld [tilespmem:s21+$0xFFFFFFF0]  }
0xa4: {  	[tilespmem:s21+$0xFFFFFF90] =	vst v2;
	v2 =	vmul.f32 v8, v7;
	v7 =	vld [tilespmem:s21+$0x0]  }
0xa5: {  	[tilespmem:s21+$0xFFFFFFA0] =	vst v3;
	v3 =	vmul.f32 v11, v9;
	v8 =	vld [tilespmem:s21+$0x10]  }
0xa6: {  	[tilespmem:s21+$0xFFFFFFB0] =	vst v2;
	v2 =	vmul.f32 v11, v4;
	v4 =	vld [tilespmem:s21+$0x20]  }
0xa7: {  	[tilespmem:s21+$0xFFFFFFC0] =	vst v3;
	v3 =	vmul.f32 v11, v5;
	v5 =	vld [tilespmem:s21+$0x30]  }
0xa8: {  	[tilespmem:s21+$0xFFFFFFD0] =	vst v2;
	v2 =	vmul.f32 v11, v6;
	v6 =	vld [tilespmem:s21+$0x40]  }
0xa9: {  	[tilespmem:s21+$0xFFFFFFE0] =	vst v3;
	v3 =	vmul.f32 v11, v7;
	v7 =	vld [tilespmem:s21+$0x50]  }
0xaa: {  	[tilespmem:s21+$0xFFFFFFF0] =	vst v2;
	v2 =	vmul.f32 v11, v8;
	v8 =	vld [tilespmem:s21+$0x60]  }
0xab: {  	s8 =	sadd.s32 $0x1, s6;
	v9 =	vmov s6;
	[tilespmem:s21+$0x0] =	vst v3;
	v3 =	vmul.f32 v11, v4;
	v10 =	vld [tilespmem:s21+$0x70]  }
0xac: {  	s11 =	sadd.s32 $0x3, s6;
	v4 =	vand.u32 $0x7F, v9;
	v9 =	vmov s8;
	s8 =	sadd.s32 $0x2, s6;
	[tilespmem:s21+$0x10] =	vst v2;
	v5 =	vmul.f32 v11, v5;
	v13 =	vld [tilespmem:s21+$0x80]  }
.Ltmp4:
0xad: {  	v12 =	vmov s11;
	v11 =	vmov s8;
	[tilespmem:s21+$0x20] =	vst v3;
	v6 =	vmul.f32 v1, v6;
	v2 =	vld [tilespmem:s21+$0x90];
	(pc) =	sbr.rel @p3 .LBB2_6-.Ltmp4, $4  }
0xae: {  	v4 =	vor.u32 $0x100, v4;
	v9 =	vand.u32 $0xFF, v9;
	[tilespmem:s21+$0x30] =	vst v5;
	v7 =	vmul.f32 v1, v7;
	v3 =	vld [tilespmem:s21+$0xA0]  }
0xaf: {  	v15 =	vand.u32 $0xFF, v12;
	v14 =	vand.u32 $0xFF, v11;
	[tilespmem:s21+$0x40] =	vst v6;
	v16 =	vmul.f32 v1, v8;
	v5 =	vld [tilespmem:s21+$0xB0]  }
0xb0: {  	v4 =	vbroadcast v4, $0x0;
	v11 =	vor.u32 $0x100, v9;
	[tilespmem:s21+$0x50] =	vst v7;
	v8 =	vmul.f32 v1, v10;
	v6 =	vld [tilespmem:s21+$0xC0]  }
0xb1: {  	s8 =	sadd.s32 $0x4, s6;
	s6 =	sadd.s32 $0x5, s6;
	v9 =	vor.u32 $0x100, v15;
	v12 =	vor.u32 $0x100, v14;
	[tilespmem:s21+$0x60] =	vst v16;
	v10 =	vmul.f32 v1, v13;
	v7 =	vld [tilespmem:s21+$0xD0]  }
0xb2: {  	v14 =	vld [tilespmem:s21+$0xE0]  }
0xb3: {  	v15 =	vld [tilespmem:s21+$0xF0]  }
0xb4: {  	v11 =	vbroadcast v11, $0x0;
	v13 =	vmov s8;
	v16 =	vld [tilespmem:s21+$0x100]  }
0xb5: {  	v9 =	vbroadcast v9, $0x0;
	v17 =	vld [tilespmem:s21+$0x110];
	v13 =	vand.u32 $0xFF, v13  }
0xb6: {  	v18 =	vld [tilespmem:s21+$0x120];
	[tilespmem:s21+$0x70] =	vst v8;
	v2 =	vmul.f32 v1, v2;
	v13 =	vor.u32 $0x100, v13  }
0xb7: {  	v4 =	vld.idx.msk [tilespmem:v4+s15+$0x0], $0xffff;
	s6 =	sadd.s32 $0x280, s21;
	[tilespmem:s21+$0x80] =	vst v10;
	v3 =	vmul.f32 v1, v3;
	v13 =	vbroadcast v13, $0x0  }
0xb8: {  	v12 =	vbroadcast v12, $0x0;
	v10 =	vld [tilespmem:s6+$0xFFFFFED0];
	[tilespmem:s21+$0x90] =	vst v2;
	v1 =	vmul.f32 v1, v5  }
0xb9: {  	[tilespmem:s21+$0xA0] =	vst v3;
	v3 =	vmul.f32 v0, v6;
	v6 =	vmul.f32 v0, v7;
	v7 =	vld [tilespmem:s6+$0x130]  }
0xba: {  	[tilespmem:s21+$0xB0] =	vst v1;
	v8 =	vld.idx.msk [tilespmem:v11+s15+$0x0], $0xffff  }
0xbb: {  	[tilespmem:s21+$0xC0] =	vst v3;
	v3 =	vmul.f32 v0, v14;
	v5 =	vld.idx.msk [tilespmem:v9+s15+$0x0], $0xffff  }
0xbc: {  	[tilespmem:s21+$0xD0] =	vst v6;
	v6 =	vmul.f32 v0, v15;
	v9 =	vld [tilespmem:s6+$0xFFFFFEC0]  }
0xbd: {  	[tilespmem:s21+$0xE0] =	vst v3;
	v3 =	vmul.f32 v0, v16;
	v1 =	vld.idx.msk [tilespmem:v13+s15+$0x0], $0xffff  }
0xbe: {  	v2 =	vld.idx.msk [tilespmem:v12+s15+$0x0], $0xffff;
	[tilespmem:s21+$0xF0] =	vst v6;
	v6 =	vmul.f32 v0, v17  }
0xbf: {  	v11 =	vld [tilespmem:s6+$0xFFFFFEE0];
	v0 =	vmul.f32 v0, v18;
	[tilespmem:s4+$0x100] =	vst v3  }
0xc0: {  	v3 =	vld [tilespmem:s6+$0xFFFFFEF0];
	[tilespmem:s4+$0x110] =	vst v6  }
0xc1: {  	v6 =	vld [tilespmem:s6+$0xFFFFFF00];
	[tilespmem:s4+$0x120] =	vst v0;
	v0 =	vmul.f32 v4, v9  }
0xc2: {  	v9 =	vld [tilespmem:s6+$0xFFFFFF10];
	v7 =	vmul.f32 v1, v7  }
0xc3: {  	v10 =	vmul.f32 v4, v10;
	v12 =	vld [tilespmem:s6+$0xFFFFFF20];
	[tilespmem:s6+$0xFFFFFEC0] =	vst v0  }
0xc4: {  	v0 =	vmul.f32 v4, v11;
	[tilespmem:s6+$0x130] =	vst v7;
	v7 =	vld [tilespmem:s6+$0xFFFFFF30]  }
0xc5: {  	[tilespmem:s6+$0xFFFFFED0] =	vst v10;
	v10 =	vld [tilespmem:s6+$0xFFFFFF40];
	v3 =	vmul.f32 v4, v3  }
0xc6: {  	[tilespmem:s6+$0xFFFFFEE0] =	vst v0;
	v0 =	vmul.f32 v4, v6;
	v6 =	vld [tilespmem:s6+$0xFFFFFF50]  }
0xc7: {  	[tilespmem:s6+$0xFFFFFEF0] =	vst v3;
	v3 =	vmul.f32 v4, v9;
	v9 =	vld [tilespmem:s6+$0xFFFFFF60]  }
0xc8: {  	v11 =	vld [tilespmem:s6+$0xFFFFFF70];
	[tilespmem:s6+$0xFFFFFF00] =	vst v0;
	v0 =	vmul.f32 v4, v12  }
0xc9: {  	[tilespmem:s6+$0xFFFFFF10] =	vst v3;
	v3 =	vmul.f32 v4, v7;
	v4 =	vld [tilespmem:s6+$0xFFFFFF80]  }
0xca: {  	[tilespmem:s6+$0xFFFFFF20] =	vst v0;
	v0 =	vmul.f32 v8, v10;
	v7 =	vld [tilespmem:s6+$0xFFFFFF90]  }
0xcb: {  	[tilespmem:s6+$0xFFFFFF30] =	vst v3;
	v3 =	vmul.f32 v8, v6;
	v6 =	vld [tilespmem:s6+$0xFFFFFFA0]  }
0xcc: {  	[tilespmem:s6+$0xFFFFFF40] =	vst v0;
	v0 =	vmul.f32 v8, v9;
	v9 =	vld [tilespmem:s6+$0xFFFFFFB0]  }
0xcd: {  	v10 =	vld [tilespmem:s6+$0xFFFFFFC0];
	[tilespmem:s6+$0xFFFFFF50] =	vst v3;
	v3 =	vmul.f32 v8, v11  }
0xce: {  	[tilespmem:s6+$0xFFFFFF60] =	vst v0;
	v0 =	vmul.f32 v8, v4;
	v4 =	vld [tilespmem:s6+$0xFFFFFFD0]  }
0xcf: {  	[tilespmem:s6+$0xFFFFFF70] =	vst v3;
	v3 =	vmul.f32 v8, v7;
	v7 =	vld [tilespmem:s6+$0xFFFFFFE0]  }
0xd0: {  	[tilespmem:s6+$0xFFFFFF80] =	vst v0;
	v0 =	vmul.f32 v8, v6;
	v6 =	vld [tilespmem:s6+$0xFFFFFFF0]  }
0xd1: {  	[tilespmem:s6+$0xFFFFFF90] =	vst v3;
	v3 =	vmul.f32 v8, v9;
	v8 =	vld [tilespmem:s6+$0x0]  }
0xd2: {  	v9 =	vld [tilespmem:s6+$0x10];
	[tilespmem:s6+$0xFFFFFFA0] =	vst v0;
	v0 =	vmul.f32 v2, v10  }
0xd3: {  	[tilespmem:s6+$0xFFFFFFB0] =	vst v3;
	v3 =	vmul.f32 v2, v4;
	v4 =	vld [tilespmem:s6+$0x20]  }
0xd4: {  	[tilespmem:s6+$0xFFFFFFC0] =	vst v0;
	v0 =	vmul.f32 v2, v7;
	v7 =	vld [tilespmem:s6+$0x30]  }
0xd5: {  	[tilespmem:s6+$0xFFFFFFD0] =	vst v3;
	v3 =	vmul.f32 v2, v6;
	v6 =	vld [tilespmem:s6+$0x40]  }
0xd6: {  	[tilespmem:s6+$0xFFFFFFE0] =	vst v0;
	v0 =	vmul.f32 v2, v8;
	v8 =	vld [tilespmem:s6+$0x50]  }
0xd7: {  	[tilespmem:s6+$0xFFFFFFF0] =	vst v3;
	v3 =	vmul.f32 v2, v9;
	v9 =	vld [tilespmem:s6+$0x60]  }
0xd8: {  	[tilespmem:s6+$0x0] =	vst v0;
	v0 =	vmul.f32 v2, v4;
	v4 =	vld [tilespmem:s6+$0x70]  }
0xd9: {  	[tilespmem:s6+$0x10] =	vst v3;
	v2 =	vmul.f32 v2, v7;
	v3 =	vld [tilespmem:s6+$0x80]  }
0xda: {  	[tilespmem:s6+$0x20] =	vst v0;
	v0 =	vmul.f32 v5, v6;
	v6 =	vld [tilespmem:s6+$0x90]  }
0xdb: {  	v7 =	vld [tilespmem:s6+$0xA0];
	[tilespmem:s6+$0x30] =	vst v2;
	v2 =	vmul.f32 v5, v8  }
0xdc: {  	v8 =	vld [tilespmem:s6+$0xB0];
	[tilespmem:s6+$0x40] =	vst v0;
	v0 =	vmul.f32 v5, v9  }
0xdd: {  	[tilespmem:s6+$0x50] =	vst v2;
	v2 =	vmul.f32 v5, v4;
	v4 =	vld [tilespmem:s6+$0xC0]  }
0xde: {  	[tilespmem:s6+$0x60] =	vst v0;
	v0 =	vmul.f32 v5, v3;
	v3 =	vld [tilespmem:s6+$0xD0]  }
0xdf: {  	[tilespmem:s6+$0x70] =	vst v2;
	v2 =	vmul.f32 v5, v6;
	v6 =	vld [tilespmem:s6+$0xE0]  }
0xe0: {  	[tilespmem:s6+$0x80] =	vst v0;
	v0 =	vmul.f32 v5, v7;
	v7 =	vld [tilespmem:s6+$0xF0]  }
0xe1: {  	[tilespmem:s6+$0x90] =	vst v2;
	v2 =	vmul.f32 v5, v8;
	v5 =	vld [tilespmem:s6+$0x100]  }
0xe2: {  	[tilespmem:s6+$0xA0] =	vst v0;
	v0 =	vmul.f32 v1, v4;
	v4 =	vld [tilespmem:s6+$0x110]  }
0xe3: {  	[tilespmem:s6+$0xB0] =	vst v2;
	v2 =	vmul.f32 v1, v3;
	v3 =	vld [tilespmem:s6+$0x120]  }
0xe4: {  	[tilespmem:s6+$0xC0] =	vst v0;
	v0 =	vmul.f32 v1, v6  }
0xe5: {  	[tilespmem:s6+$0xD0] =	vst v2;
	v2 =	vmul.f32 v1, v7  }
0xe6: {  	[tilespmem:s6+$0xE0] =	vst v0;
	v0 =	vmul.f32 v1, v5  }
0xe7: {  	[tilespmem:s6+$0xF0] =	vst v2;
	v2 =	vmul.f32 v1, v4  }
0xe8: {  	[tilespmem:s6+$0x100] =	vst v0;
	v0 =	vmul.f32 v1, v3  }
0xe9: {  	[tilespmem:s6+$0x110] =	vst v2  }
0xea: {  	[tilespmem:s6+$0x120] =	vst v0  }
0xeb: {  	v0 =	vld [tilespmem:$0x13900]  }
0xec: {  	v1 =	vld [tilespmem:$0x13910]  }
0xed: {  	v2 =	vld [tilespmem:$0x13920]  }
0xee: {  	v3 =	vld [tilespmem:$0x13930]  }
0xef: {  	v4 =	vld [tilespmem:$0x13940]  }
0xf0: {  	[tilespmem:$0x1FC80] =	vst v0;
	v0 =	vld [tilespmem:$0x13950]  }
0xf1: {  	[tilespmem:$0x1FC90] =	vst v1;
	v1 =	vld [tilespmem:$0x13960]  }
0xf2: {  	[tilespmem:$0x1FCA0] =	vst v2;
	v2 =	vld [tilespmem:$0x1396D]  }
0xf3: {  	[tilespmem:$0x1FCB0] =	vst v3  }
0xf4: {  	[tilespmem:$0x1FCC0] =	vst v4  }
0xf5: {  	[tilespmem:$0x1FCD0] =	vst v0  }
0xf6: {  	[tilespmem:$0x1FCE0] =	vst v1  }
0xf7: {  	s8 =	simm.s32 @!p1 $0x13880;
	[tilespmem:$0x1FCED] =	vst v2  }
0xf8: {  	[spmem:s3] =	stream.indirect.scatter.add.f32 [tilespmem:s20], [sflag:$0x7], $0x80, s29, s19, $0xb8;
	[tilespmem:$0x1FE80] =	vst v63  }
0xf9: {  	p2 =	por p2, p1;
	s4 =	sadd.s32 @!p1 s10, s23;
	s6 =	simm.s32 @!p1 $0x0  }
0xfa: {  	[tilespmem:s8], [sflag:$0x1] =	stream.linear.gather @!p1 [hbm4b:s4+s6], $0x180, $0x38;
	[tilespmem:$0x1FE80] =	vst v63  }
0xfb: {  	s4 =	simm.s32 @!p2 $0x9  }
0xfc: {  	_ =	swait.ge @!p2 [sflag:s4], $0x3E80  }
0xfd: {  	s10 =	simm.s32 $0x0;
	[sflag:s4] =	ssyncset.done @!p2 $0x0  }
0xfe: {  	s11 =	simm.s32 $0x1;
	v0 =	vmov s10;
	[sflag:s4] =	ssyncadd.s32 @!p2 $0xFFFFC180;
	s4 =	simm.s32 @!p1 $0x3  }
0xff: {  	v1 =	vmov s11;
	v0 =	vand.u32 $0x7F, v0;
	_ =	swait.ge @!p1 [sflag:s4], $0x180  }
0x100: {  	v1 =	vand.u32 $0xFF, v1;
	v0 =	vor.u32 $0x280, v0;
	s6 =	simm.s32 @!p1 $0x13B80;
	[sflag:s4] =	ssyncset.done @!p1 $0x0  }
0x101: {  	v1 =	vadd.s32 $0x280, v1;
	v0 =	vbroadcast v0, $0x0;
	s8 =	simm.s32 @!p1 $0x1BD80;
	[sflag:s4] =	ssyncadd.s32 @!p1 $0xFFFFFE80;
	s4 =	simm.s32 @!p1 $0x7D  }
0x102: {  	[tilespmem:s8], [sflag:$0x6] =	stream.indirect.gather @!p1 [hbm4b:s1+s4], $0x80, s6, s4, $0xb8;
	[tilespmem:$0x1FE80] =	vst v63  }
0x103: {  	_ =	swait.ge [sflag:s30], $0x3E80  }
0x104: {  	[sflag:s30] =	ssyncset.done $0x0  }
0x105: {  	[sflag:s30] =	ssyncadd.s32 $0xFFFFC180  }
0x106: {  	v2 =	vld.idx.msk [tilespmem:v1+s15+$0x0], $0xffff  }
0x107: {  	s10 =	simm.s32 $0x18170;
	v0 =	vld.idx.msk [tilespmem:v0+s15+$0x0], $0xffff  }
0x108: {  	v1 =	vld [tilespmem:s10+$0xFFFFFE00]  }
0x109: {  	v3 =	vld [tilespmem:s10+$0xFFFFFD90]  }
0x10a: {  	s21 =	simm.s32 $0x2;
	v4 =	vld [tilespmem:s10+$0xFFFFFDA0]  }
0x10b: {  	v10 =	vmov s21;
	v5 =	vld [tilespmem:s10+$0xFFFFFDB0]  }
0x10c: {  	v10 =	vand.u32 $0xFF, v10;
	v6 =	vld [tilespmem:s10+$0xFFFFFDC0]  }
0x10d: {  	v10 =	vadd.s32 $0x280, v10;
	v7 =	vld [tilespmem:s10+$0xFFFFFDD0]  }
0x10e: {  	v8 =	vld [tilespmem:s10+$0xFFFFFDE0]  }
0x10f: {  	v9 =	vld [tilespmem:s10+$0xFFFFFDF0]  }
0x110: {  	v11 =	vld [tilespmem:s10+$0xFFFFFE10];
	v1 =	vmul.f32 v0, v1  }
0x111: {  	v12 =	vld [tilespmem:s10+$0xFFFFFE20];
	v3 =	vmul.f32 v0, v3  }
0x112: {  	v10 =	vld.idx.msk [tilespmem:v10+s15+$0x0], $0xffff;
	v4 =	vmul.f32 v0, v4;
	[tilespmem:s10+$0xFFFFFE00] =	vst v1  }
0x113: {  	v7 =	vmul.f32 v0, v7;
	v1 =	vld [tilespmem:s10+$0xFFFFFE30];
	[tilespmem:s10+$0xFFFFFD90] =	vst v3  }
0x114: {  	v8 =	vmul.f32 v0, v8;
	v3 =	vmul.f32 v0, v5;
	v5 =	vld [tilespmem:s10+$0xFFFFFE40];
	[tilespmem:s10+$0xFFFFFDA0] =	vst v4  }
0x115: {  	v4 =	vmul.f32 v0, v6;
	v6 =	vld [tilespmem:s10+$0xFFFFFE50];
	[tilespmem:s10+$0xFFFFFDD0] =	vst v7  }
0x116: {  	v0 =	vmul.f32 v0, v9;
	[tilespmem:s10+$0xFFFFFDE0] =	vst v8;
	v9 =	vld [tilespmem:s10+$0xFFFFFE90]  }
0x117: {  	v8 =	vmul.f32 v2, v12;
	v12 =	vld [tilespmem:s10+$0xFFFFFEA0];
	[tilespmem:s10+$0xFFFFFDB0] =	vst v3  }
0x118: {  	v3 =	vmul.f32 v2, v11;
	v11 =	vld [tilespmem:s10+$0xFFFFFE60];
	[tilespmem:s10+$0xFFFFFDC0] =	vst v4  }
0x119: {  	s6 =	simm.s32 $0x3;
	v4 =	vld [tilespmem:s10+$0xFFFFFE70];
	[tilespmem:s10+$0xFFFFFDF0] =	vst v0  }
0x11a: {  	v7 =	vmov s6;
	[tilespmem:s10+$0xFFFFFE20] =	vst v8;
	v8 =	vld [tilespmem:s10+$0xFFFFFED0];
	v0 =	vmul.f32 v2, v1  }
0x11b: {  	v7 =	vand.u32 $0xFF, v7;
	[tilespmem:s10+$0xFFFFFE10] =	vst v3;
	v3 =	vld [tilespmem:s10+$0xFFFFFE80];
	v5 =	vmul.f32 v2, v5  }
0x11c: {  	v1 =	vadd.s32 $0x280, v7;
	v7 =	vld [tilespmem:s10+$0xFFFFFEB0];
	[tilespmem:s10+$0xFFFFFE30] =	vst v0;
	v0 =	vmul.f32 v2, v6  }
0x11d: {  	v6 =	vld [tilespmem:s10+$0xFFFFFEC0];
	[tilespmem:s10+$0xFFFFFE40] =	vst v5;
	v5 =	vmul.f32 v2, v11  }
0x11e: {  	v4 =	vmul.f32 v2, v4;
	v11 =	vld [tilespmem:s10+$0xFFFFFF60];
	[tilespmem:s10+$0xFFFFFE50] =	vst v0  }
0x11f: {  	v0 =	vmul.f32 v10, v9;
	v9 =	vld [tilespmem:s10+$0xFFFFFEE0];
	[tilespmem:s10+$0xFFFFFE60] =	vst v5  }
0x120: {  	v2 =	vmul.f32 v2, v3;
	[tilespmem:s10+$0xFFFFFE70] =	vst v4;
	v3 =	vld [tilespmem:s10+$0xFFFFFF00]  }
0x121: {  	s8 =	simm.s32 $0x4;
	v5 =	vld [tilespmem:s10+$0xFFFFFEF0];
	[tilespmem:s10+$0xFFFFFE90] =	vst v0;
	v0 =	vmul.f32 v10, v12  }
0x122: {  	v4 =	vmov s8;
	v1 =	vld.idx.msk [tilespmem:v1+s15+$0x0], $0xffff;
	[tilespmem:s10+$0xFFFFFE80] =	vst v2;
	v2 =	vmul.f32 v10, v7  }
0x123: {  	v4 =	vand.u32 $0xFF, v4;
	v7 =	vld [tilespmem:s10+$0xFFFFFF10];
	[tilespmem:s10+$0xFFFFFEA0] =	vst v0;
	v0 =	vmul.f32 v10, v6  }
0x124: {  	v4 =	vadd.s32 $0x280, v4;
	v6 =	vld [tilespmem:s10+$0xFFFFFF20];
	[tilespmem:s10+$0xFFFFFEB0] =	vst v2;
	v2 =	vmul.f32 v10, v8  }
0x125: {  	v8 =	vld [tilespmem:s10+$0xFFFFFF30];
	v3 =	vmul.f32 v10, v3;
	[tilespmem:s10+$0xFFFFFEC0] =	vst v0  }
0x126: {  	v0 =	vmul.f32 v10, v9;
	v9 =	vld [tilespmem:s10+$0xFFFFFF40];
	[tilespmem:s10+$0xFFFFFED0] =	vst v2  }
0x127: {  	v2 =	vmul.f32 v10, v5;
	v5 =	vld [tilespmem:s10+$0xFFFFFF50];
	[tilespmem:s10+$0xFFFFFF00] =	vst v3  }
0x128: {  	v12 =	vld [tilespmem:s10+$0xFFFFFF70];
	v7 =	vmul.f32 v1, v7;
	[tilespmem:s10+$0xFFFFFEE0] =	vst v0  }
0x129: {  	s8 =	simm.s32 $0x8;
	[tilespmem:s10+$0xFFFFFEF0] =	vst v2;
	v0 =	vld.idx.msk [tilespmem:v4+s15+$0x0], $0xffff;
	v4 =	vmul.f32 v1, v6  }
0x12a: {  	s11 =	simm.s32 $0x6;
	v10 =	vmov s8;
	v11 =	vmul.f32 v1, v11;
	v2 =	vld [tilespmem:s10+$0xFFFFFF80];
	[tilespmem:s10+$0xFFFFFF10] =	vst v7;
	v8 =	vmul.f32 v1, v8  }
0x12b: {  	s21 =	simm.s32 $0x7;
	v3 =	vmov s11;
	v10 =	vand.u32 $0xFF, v10;
	v6 =	vld [tilespmem:s10+$0xFFFFFF90];
	[tilespmem:s10+$0xFFFFFF20] =	vst v4;
	v4 =	vmul.f32 v1, v9  }
0x12c: {  	s11 =	simm.s32 $0x9;
	v14 =	vand.u32 $0xFF, v3;
	v3 =	vld [tilespmem:s10+$0xFFFFFFA0];
	v7 =	vmov s21;
	[tilespmem:s10+$0xFFFFFF30] =	vst v8;
	v5 =	vmul.f32 v1, v5  }
0x12d: {  	v12 =	vmul.f32 v1, v12;
	v13 =	vmov s11;
	s21 =	simm.s32 $0x5;
	v9 =	vand.u32 $0xFF, v7;
	[tilespmem:s10+$0xFFFFFF40] =	vst v4;
	v4 =	vld [tilespmem:s10+$0xFFFFFFB0]  }
0x12e: {  	s4 =	simm.s32 $0x18170;
	s6 =	simm.s32 $0xA;
	v8 =	vand.u32 $0xFF, v13;
	v13 =	vmov s21;
	v7 =	vadd.s32 $0x280, v14;
	[tilespmem:s10+$0xFFFFFF50] =	vst v5;
	v5 =	vld [tilespmem:s10+$0xFFFFFFC0]  }
.LBB2_8:
0x12f: {  	p2 =	slt.u32 s6, $0x78;
	v13 =	vand.u32 $0x7F, v13;
	v9 =	vadd.s32 $0x280, v9;
	[tilespmem:s10+$0xFFFFFF60] =	vst v11;
	v1 =	vmul.f32 v1, v2;
	v2 =	vld [tilespmem:s10+$0xFFFFFFD0]  }
0x130: {  	v10 =	vadd.s32 $0x280, v10;
	v11 =	vor.u32 $0x280, v13;
	[tilespmem:s10+$0xFFFFFF70] =	vst v12;
	v6 =	vmul.f32 v0, v6;
	v12 =	vld [tilespmem:s10+$0xFFFFFFE0]  }
0x131: {  	v8 =	vadd.s32 $0x280, v8;
	v11 =	vbroadcast v11, $0x0;
	[tilespmem:s10+$0xFFFFFF80] =	vst v1;
	v1 =	vmul.f32 v0, v3;
	v3 =	vld [tilespmem:s10+$0xFFFFFFF0]  }
0x132: {  	[tilespmem:s10+$0xFFFFFF90] =	vst v6;
	v4 =	vmul.f32 v0, v4;
	v6 =	vld [tilespmem:s10+$0x0]  }
0x133: {  	v7 =	vld.idx.msk [tilespmem:v7+s15+$0x0], $0xffff;
	[tilespmem:s10+$0xFFFFFFA0] =	vst v1;
	v5 =	vmul.f32 v0, v5  }
0x134: {  	v9 =	vld.idx.msk [tilespmem:v9+s15+$0x0], $0xffff;
	[tilespmem:s10+$0xFFFFFFB0] =	vst v4;
	v2 =	vmul.f32 v0, v2  }
0x135: {  	v1 =	vld.idx.msk [tilespmem:v10+s15+$0x0], $0xffff;
	[tilespmem:s10+$0xFFFFFFC0] =	vst v5;
	v4 =	vmul.f32 v0, v12  }
0x136: {  	v5 =	vld.idx.msk [tilespmem:v8+s15+$0x0], $0xffff;
	[tilespmem:s10+$0xFFFFFFD0] =	vst v2;
	v2 =	vmul.f32 v0, v3  }
0x137: {  	s10 =	sadd.s32 $0x280, s10;
	v3 =	vld.idx.msk [tilespmem:v11+s15+$0x0], $0xffff;
	[tilespmem:s4+$0xFFFFFFE0] =	vst v4;
	v0 =	vmul.f32 v0, v6  }
0x138: {  	v4 =	vld [tilespmem:s10+$0xFFFFFE00];
	[tilespmem:s4+$0xFFFFFFF0] =	vst v2  }
0x139: {  	v2 =	vld [tilespmem:s10+$0xFFFFFD90];
	[tilespmem:s4+$0x0] =	vst v0;
	s4 =	smov.u32 s10  }
0x13a: {  	v6 =	vld [tilespmem:s10+$0xFFFFFDA0]  }
0x13b: {  	v8 =	vld [tilespmem:s10+$0xFFFFFDB0]  }
0x13c: {  	v0 =	vmov v5;
	v10 =	vld [tilespmem:s10+$0xFFFFFDC0]  }
0x13d: {  	v5 =	vld [tilespmem:s10+$0xFFFFFDD0];
	v4 =	vmul.f32 v3, v4  }
0x13e: {  	v2 =	vmul.f32 v3, v2;
	v11 =	vld [tilespmem:s10+$0xFFFFFDE0]  }
0x13f: {  	v6 =	vmul.f32 v3, v6;
	v12 =	vld [tilespmem:s10+$0xFFFFFDF0];
	[tilespmem:s10+$0xFFFFFE00] =	vst v4  }
0x140: {  	[tilespmem:s10+$0xFFFFFD90] =	vst v2;
	v2 =	vmul.f32 v3, v8;
	v4 =	vld [tilespmem:s10+$0xFFFFFE10]  }
0x141: {  	[tilespmem:s10+$0xFFFFFDA0] =	vst v6;
	v6 =	vmul.f32 v3, v10;
	v8 =	vld [tilespmem:s10+$0xFFFFFE20]  }
0x142: {  	[tilespmem:s10+$0xFFFFFDB0] =	vst v2;
	v2 =	vmul.f32 v3, v5;
	v5 =	vld [tilespmem:s10+$0xFFFFFE30]  }
0x143: {  	[tilespmem:s10+$0xFFFFFDC0] =	vst v6;
	v6 =	vmul.f32 v3, v11;
	v10 =	vld [tilespmem:s10+$0xFFFFFE40]  }
0x144: {  	[tilespmem:s10+$0xFFFFFDD0] =	vst v2;
	v2 =	vmul.f32 v3, v12;
	v3 =	vld [tilespmem:s10+$0xFFFFFE50]  }
0x145: {  	[tilespmem:s10+$0xFFFFFDE0] =	vst v6;
	v4 =	vmul.f32 v7, v4;
	v6 =	vld [tilespmem:s10+$0xFFFFFE60]  }
0x146: {  	[tilespmem:s10+$0xFFFFFDF0] =	vst v2;
	v2 =	vmul.f32 v7, v8;
	v8 =	vld [tilespmem:s10+$0xFFFFFE70]  }
0x147: {  	[tilespmem:s10+$0xFFFFFE10] =	vst v4;
	v4 =	vmul.f32 v7, v5;
	v5 =	vld [tilespmem:s10+$0xFFFFFE80]  }
0x148: {  	[tilespmem:s10+$0xFFFFFE20] =	vst v2;
	v2 =	vmul.f32 v7, v10;
	v10 =	vld [tilespmem:s10+$0xFFFFFE90]  }
0x149: {  	[tilespmem:s10+$0xFFFFFE30] =	vst v4;
	v3 =	vmul.f32 v7, v3;
	v4 =	vld [tilespmem:s10+$0xFFFFFEA0]  }
0x14a: {  	[tilespmem:s10+$0xFFFFFE40] =	vst v2;
	v2 =	vmul.f32 v7, v6;
	v6 =	vld [tilespmem:s10+$0xFFFFFEB0]  }
0x14b: {  	[tilespmem:s10+$0xFFFFFE50] =	vst v3;
	v3 =	vmul.f32 v7, v8;
	v8 =	vld [tilespmem:s10+$0xFFFFFEC0]  }
0x14c: {  	[tilespmem:s10+$0xFFFFFE60] =	vst v2;
	v2 =	vmul.f32 v7, v5;
	v5 =	vld [tilespmem:s10+$0xFFFFFED0]  }
0x14d: {  	[tilespmem:s10+$0xFFFFFE70] =	vst v3;
	v3 =	vmul.f32 v9, v10;
	v7 =	vld [tilespmem:s10+$0xFFFFFEE0]  }
0x14e: {  	[tilespmem:s10+$0xFFFFFE80] =	vst v2;
	v2 =	vmul.f32 v9, v4;
	v4 =	vld [tilespmem:s10+$0xFFFFFEF0]  }
0x14f: {  	[tilespmem:s10+$0xFFFFFE90] =	vst v3;
	v3 =	vmul.f32 v9, v6;
	v6 =	vld [tilespmem:s10+$0xFFFFFF00]  }
0x150: {  	[tilespmem:s10+$0xFFFFFEA0] =	vst v2;
	v2 =	vmul.f32 v9, v8;
	v8 =	vld [tilespmem:s10+$0xFFFFFF10]  }
0x151: {  	[tilespmem:s10+$0xFFFFFEB0] =	vst v3;
	v3 =	vmul.f32 v9, v5;
	v5 =	vld [tilespmem:s10+$0xFFFFFF20]  }
0x152: {  	[tilespmem:s10+$0xFFFFFEC0] =	vst v2;
	v2 =	vmul.f32 v9, v7;
	v7 =	vld [tilespmem:s10+$0xFFFFFF30]  }
0x153: {  	[tilespmem:s10+$0xFFFFFED0] =	vst v3;
	v3 =	vmul.f32 v9, v4;
	v4 =	vld [tilespmem:s10+$0xFFFFFF40]  }
0x154: {  	[tilespmem:s10+$0xFFFFFEE0] =	vst v2;
	v2 =	vmul.f32 v9, v6;
	v10 =	vld [tilespmem:s10+$0xFFFFFF50]  }
0x155: {  	[tilespmem:s10+$0xFFFFFEF0] =	vst v3;
	v3 =	vmul.f32 v1, v8;
	v11 =	vld [tilespmem:s10+$0xFFFFFF60]  }
0x156: {  	s8 =	sadd.s32 $0x1, s6;
	s11 =	sadd.s32 $0x2, s6;
	[tilespmem:s10+$0xFFFFFF00] =	vst v2;
	v5 =	vmul.f32 v1, v5;
	v12 =	vld [tilespmem:s10+$0xFFFFFF70]  }
.Ltmp5:
0x157: {  	v9 =	vmov s11;
	s11 =	sadd.s32 $0x4, s6;
	v8 =	vmov s8;
	s8 =	sadd.s32 $0x3, s6;
	[tilespmem:s10+$0xFFFFFF10] =	vst v3;
	v3 =	vmul.f32 v1, v7;
	v2 =	vld [tilespmem:s10+$0xFFFFFF80];
	(pc) =	sbr.rel @p2 .LBB2_8-.Ltmp5, $4  }
0x158: {  	v13 =	vmov s11;
	v7 =	vmov s8;
	[tilespmem:s10+$0xFFFFFF20] =	vst v5;
	v4 =	vmul.f32 v1, v4;
	v6 =	vld [tilespmem:s10+$0xFFFFFF90]  }
0x159: {  	v9 =	vand.u32 $0xFF, v9;
	v5 =	vand.u32 $0xFF, v8;
	[tilespmem:s10+$0xFFFFFF30] =	vst v3;
	v14 =	vmul.f32 v1, v10;
	v3 =	vld [tilespmem:s10+$0xFFFFFFA0]  }
0x15a: {  	v8 =	vand.u32 $0xFF, v13;
	v10 =	vand.u32 $0xFF, v7;
	[tilespmem:s10+$0xFFFFFF40] =	vst v4;
	v11 =	vmul.f32 v1, v11;
	v4 =	vld [tilespmem:s10+$0xFFFFFFB0]  }
0x15b: {  	v13 =	vmov s6;
	s6 =	sadd.s32 $0x5, s6;
	v7 =	vadd.s32 $0x280, v5;
	[tilespmem:s10+$0xFFFFFF50] =	vst v14;
	v12 =	vmul.f32 v1, v12;
	v5 =	vld [tilespmem:s10+$0xFFFFFFC0]  }
0x15c: {  	v14 =	vld [tilespmem:s10+$0xFFFFFFD0]  }
0x15d: {  	v15 =	vld [tilespmem:s10+$0xFFFFFFE0]  }
0x15e: {  	v16 =	vld [tilespmem:s10+$0xFFFFFFF0]  }
0x15f: {  	v25 =	vld [tilespmem:s10+$0x0]  }
0x160: {  	v7 =	vld.idx.msk [tilespmem:v7+s15+$0x0], $0xffff;
	s6 =	sadd.s32 $0x280, s10  }
0x161: {  	[tilespmem:s10+$0xFFFFFF60] =	vst v11;
	v2 =	vmul.f32 v1, v2;
	v29 =	vld [tilespmem:s6+$0xFFFFFE00]  }
0x162: {  	v6 =	vmul.f32 v0, v6;
	[tilespmem:s10+$0xFFFFFF70] =	vst v12;
	v44 =	vld [tilespmem:s6+$0xFFFFFE10]  }
0x163: {  	v45 =	vld [tilespmem:s6+$0xFFFFFE20];
	v3 =	vmul.f32 v0, v3;
	[tilespmem:s10+$0xFFFFFF80] =	vst v2  }
0x164: {  	v47 =	vld [tilespmem:s6+$0xFFFFFE30];
	[tilespmem:s10+$0xFFFFFF90] =	vst v6;
	v26 =	vmul.f32 v0, v4  }
0x165: {  	v49 =	vld [tilespmem:s6+$0xFFFFFE40];
	[tilespmem:s10+$0xFFFFFFA0] =	vst v3;
	v28 =	vmul.f32 v0, v5  }
0x166: {  	v51 =	vld [tilespmem:s6+$0xFFFFFE50];
	[tilespmem:s10+$0xFFFFFFB0] =	vst v26;
	v30 =	vmul.f32 v0, v14  }
0x167: {  	v53 =	vld [tilespmem:s6+$0xFFFFFE60];
	v32 =	vmul.f32 v0, v15;
	[tilespmem:s10+$0xFFFFFFC0] =	vst v28  }
0x168: {  	v9 =	vadd.s32 $0x280, v9;
	v55 =	vld [tilespmem:s6+$0xFFFFFE70];
	v34 =	vmul.f32 v0, v16;
	[tilespmem:s10+$0xFFFFFFD0] =	vst v30  }
0x169: {  	v13 =	vand.u32 $0x7F, v13;
	v56 =	vld [tilespmem:s6+$0xFFFFFE80];
	v36 =	vmul.f32 v0, v25;
	[tilespmem:s4+$0xFFFFFFE0] =	vst v32  }
0x16a: {  	v8 =	vadd.s32 $0x280, v8;
	v13 =	vor.u32 $0x280, v13;
	v58 =	vld [tilespmem:s6+$0xFFFFFE90];
	v52 =	vmul.f32 v7, v44;
	[tilespmem:s4+$0xFFFFFFF0] =	vst v34  }
0x16b: {  	v60 =	vld [tilespmem:s6+$0xFFFFFEA0];
	v13 =	vbroadcast v13, $0x0;
	v54 =	vmul.f32 v7, v45;
	[tilespmem:s4+$0x0] =	vst v36  }
0x16c: {  	v62 =	vld [tilespmem:s6+$0xFFFFFEB0];
	v2 =	vmul.f32 v7, v47;
	[tilespmem:s6+$0xFFFFFE10] =	vst v52  }
0x16d: {  	v9 =	vld.idx.msk [tilespmem:v9+s15+$0x0], $0xffff;
	v57 =	vmul.f32 v7, v49;
	[tilespmem:s6+$0xFFFFFE20] =	vst v54  }
0x16e: {  	v12 =	vld [tilespmem:s6+$0xFFFFFEC0];
	v59 =	vmul.f32 v7, v51;
	[tilespmem:s6+$0xFFFFFE30] =	vst v2  }
0x16f: {  	v1 =	vld.idx.msk [tilespmem:v8+s15+$0x0], $0xffff;
	v61 =	vmul.f32 v7, v53;
	[tilespmem:s6+$0xFFFFFE40] =	vst v57  }
0x170: {  	v14 =	vld [tilespmem:s6+$0xFFFFFED0];
	v63 =	vmul.f32 v7, v55;
	[tilespmem:s6+$0xFFFFFE50] =	vst v59  }
0x171: {  	v27 =	vld.idx.msk [tilespmem:v13+s15+$0x0], $0xffff;
	[tilespmem:s6+$0xFFFFFE60] =	vst v61;
	v13 =	vmul.f32 v7, v56  }
0x172: {  	v16 =	vld [tilespmem:s6+$0xFFFFFEE0];
	[tilespmem:s6+$0xFFFFFE70] =	vst v63;
	v15 =	vmul.f32 v9, v58  }
0x173: {  	v44 =	vld [tilespmem:s6+$0xFFFFFFC0];
	[tilespmem:s6+$0xFFFFFE80] =	vst v13;
	v17 =	vmul.f32 v9, v60  }
0x174: {  	v31 =	vld [tilespmem:s6+$0xFFFFFD90];
	v19 =	vmul.f32 v9, v62;
	[tilespmem:s6+$0xFFFFFE90] =	vst v15  }
0x175: {  	v33 =	vld [tilespmem:s6+$0xFFFFFDA0];
	v21 =	vmul.f32 v9, v12;
	[tilespmem:s6+$0xFFFFFEA0] =	vst v17  }
0x176: {  	v35 =	vld [tilespmem:s6+$0xFFFFFDB0];
	v23 =	vmul.f32 v9, v14;
	[tilespmem:s6+$0xFFFFFEB0] =	vst v19  }
0x177: {  	v37 =	vld [tilespmem:s6+$0xFFFFFDC0];
	v25 =	vmul.f32 v9, v16;
	[tilespmem:s6+$0xFFFFFEC0] =	vst v21  }
0x178: {  	v38 =	vld [tilespmem:s6+$0xFFFFFDD0];
	v53 =	vmul.f32 v1, v44;
	[tilespmem:s6+$0xFFFFFED0] =	vst v23  }
0x179: {  	v10 =	vadd.s32 $0x280, v10;
	v40 =	vld [tilespmem:s6+$0xFFFFFDE0];
	[tilespmem:s6+$0xFFFFFEE0] =	vst v25;
	v5 =	vmul.f32 v27, v29  }
0x17a: {  	v42 =	vld [tilespmem:s6+$0xFFFFFDF0];
	v39 =	vmul.f32 v27, v31;
	[tilespmem:s6+$0xFFFFFFC0] =	vst v53  }
0x17b: {  	v18 =	vld [tilespmem:s6+$0xFFFFFEF0];
	v41 =	vmul.f32 v27, v33;
	[tilespmem:s6+$0xFFFFFE00] =	vst v5  }
0x17c: {  	v20 =	vld [tilespmem:s6+$0xFFFFFF00];
	v43 =	vmul.f32 v27, v35;
	[tilespmem:s6+$0xFFFFFD90] =	vst v39  }
0x17d: {  	v22 =	vld [tilespmem:s6+$0xFFFFFF10];
	v3 =	vmul.f32 v27, v37;
	[tilespmem:s6+$0xFFFFFDA0] =	vst v41  }
0x17e: {  	v10 =	vld.idx.msk [tilespmem:v10+s15+$0x0], $0xffff;
	v46 =	vmul.f32 v27, v38;
	[tilespmem:s6+$0xFFFFFDB0] =	vst v43  }
0x17f: {  	v24 =	vld [tilespmem:s6+$0xFFFFFF20];
	v48 =	vmul.f32 v27, v40;
	[tilespmem:s6+$0xFFFFFDC0] =	vst v3  }
0x180: {  	v26 =	vld [tilespmem:s6+$0xFFFFFF30];
	v50 =	vmul.f32 v27, v42;
	[tilespmem:s6+$0xFFFFFDD0] =	vst v46  }
0x181: {  	v28 =	vld [tilespmem:s6+$0xFFFFFF40];
	v27 =	vmul.f32 v9, v18;
	[tilespmem:s6+$0xFFFFFDE0] =	vst v48  }
0x182: {  	v36 =	vld [tilespmem:s6+$0xFFFFFF80];
	v29 =	vmul.f32 v9, v20;
	[tilespmem:s6+$0xFFFFFDF0] =	vst v50  }
0x183: {  	v52 =	vld [tilespmem:s6+$0x0];
	v31 =	vmul.f32 v10, v22;
	[tilespmem:s6+$0xFFFFFEF0] =	vst v27  }
0x184: {  	v30 =	vld [tilespmem:s6+$0xFFFFFF50];
	v33 =	vmul.f32 v10, v24;
	[tilespmem:s6+$0xFFFFFF00] =	vst v29  }
0x185: {  	v32 =	vld [tilespmem:s6+$0xFFFFFF60];
	v35 =	vmul.f32 v10, v26;
	[tilespmem:s6+$0xFFFFFF10] =	vst v31  }
0x186: {  	v34 =	vld [tilespmem:s6+$0xFFFFFF70];
	v37 =	vmul.f32 v10, v28;
	[tilespmem:s6+$0xFFFFFF20] =	vst v33  }
0x187: {  	v38 =	vld [tilespmem:s6+$0xFFFFFF90];
	v45 =	vmul.f32 v10, v36;
	[tilespmem:s6+$0xFFFFFF30] =	vst v35  }
0x188: {  	v40 =	vld [tilespmem:s6+$0xFFFFFFA0];
	v57 =	vmul.f32 v1, v52;
	[tilespmem:s6+$0xFFFFFF40] =	vst v37  }
0x189: {  	v42 =	vld [tilespmem:s6+$0xFFFFFFB0];
	v39 =	vmul.f32 v10, v30;
	[tilespmem:s6+$0xFFFFFF80] =	vst v45  }
0x18a: {  	v41 =	vmul.f32 v10, v32;
	v46 =	vld [tilespmem:s6+$0xFFFFFFD0];
	[tilespmem:s6+$0x0] =	vst v57  }
0x18b: {  	v43 =	vmul.f32 v10, v34;
	v48 =	vld [tilespmem:s6+$0xFFFFFFE0];
	[tilespmem:s6+$0xFFFFFF50] =	vst v39  }
0x18c: {  	v50 =	vld [tilespmem:s6+$0xFFFFFFF0];
	[tilespmem:s6+$0xFFFFFF60] =	vst v41;
	v47 =	vmul.f32 v1, v38  }
0x18d: {  	[tilespmem:s6+$0xFFFFFF70] =	vst v43;
	v49 =	vmul.f32 v1, v40  }
0x18e: {  	v51 =	vmul.f32 v1, v42;
	[tilespmem:s6+$0xFFFFFF90] =	vst v47  }
0x18f: {  	[tilespmem:s6+$0xFFFFFFA0] =	vst v49;
	v54 =	vmul.f32 v1, v46  }
0x190: {  	[tilespmem:s6+$0xFFFFFFB0] =	vst v51;
	v55 =	vmul.f32 v1, v48  }
0x191: {  	v56 =	vmul.f32 v1, v50;
	[tilespmem:s6+$0xFFFFFFD0] =	vst v54  }
0x192: {  	[tilespmem:s6+$0xFFFFFFE0] =	vst v55  }
0x193: {  	[tilespmem:s6+$0xFFFFFFF0] =	vst v56  }
0x194: {  	v0 =	vld [tilespmem:$0x13A80]  }
0x195: {  	v58 =	vld [tilespmem:$0x13A90]  }
0x196: {  	v2 =	vld [tilespmem:$0x13AA0]  }
0x197: {  	v59 =	vld [tilespmem:$0x13AB0]  }
0x198: {  	v60 =	vld [tilespmem:$0x13AC0]  }
0x199: {  	v61 =	vld [tilespmem:$0x13AD0];
	[tilespmem:$0x1FD00] =	vst v0  }
0x19a: {  	v62 =	vld [tilespmem:$0x13AE0];
	[tilespmem:$0x1FD10] =	vst v58  }
0x19b: {  	v63 =	vld [tilespmem:$0x13AED];
	[tilespmem:$0x1FD20] =	vst v2  }
0x19c: {  	[tilespmem:$0x1FD30] =	vst v59  }
.Ltmp6:
0x19d: {  	[tilespmem:$0x1FD40] =	vst v60;
	(pc) =	sbr.rel @p1 .LBB2_13-.Ltmp6, $4  }
0x19e: {  	[tilespmem:$0x1FD50] =	vst v61  }
0x19f: {  	[tilespmem:$0x1FD60] =	vst v62  }
0x1a0: {  	[tilespmem:$0x1FD6D] =	vst v63  }
0x1a1: {  	[spmem:s3] =	stream.indirect.scatter.add.f32 [tilespmem:s26], [sflag:$0x8], $0x80, s31, s19, $0xb8;
	[tilespmem:$0x1FE80] =	vst v63  }
0x1a2: {  	s4 =	smul.u32 $0xC0, s7;
	_ =	sdelay $0x1  }
0x1a3: {  	s6 =	simm.s32 $0x0;
	s4 =	sadd.s32 s4, s24  }
0x1a4: {  	[tilespmem:s17], [sflag:$0x2] =	stream.linear.gather [hbm4b:s4+s6], $0x180, $0x38;
	[tilespmem:$0x1FE80] =	vst v63  }
0x1a5: {  	_ =	swait.ge [sflag:s2], $0x3E80  }
0x1a6: {  	v0 =	vmov s6;
	s6 =	simm.s32 $0x4;
	[sflag:s2] =	ssyncset.done $0x0  }
0x1a7: {  	v0 =	vand.u32 $0x7F, v0;
	v1 =	vmov s6;
	[sflag:s2] =	ssyncadd.s32 $0xFFFFC180  }
0x1a8: {  	v0 =	vor.u32 $0x400, v0;
	v1 =	vand.u32 $0xFF, v1;
	_ =	swait.ge [sflag:s18], $0x180  }
0x1a9: {  	v0 =	vbroadcast v0, $0x0;
	v1 =	vor.u32 $0x400, v1;
	[sflag:s18] =	ssyncset.done $0x0  }
0x1aa: {  	v1 =	vbroadcast v1, $0x0;
	[sflag:s18] =	ssyncadd.s32 $0xFFFFFE80  }
0x1ab: {  	[tilespmem:s20], [sflag:$0x4] =	stream.indirect.gather [hbm4b:s1+s19], $0x80, s15, s19, $0xb8;
	[tilespmem:$0x1FE80] =	vst v63  }
0x1ac: {  	_ =	swait.ge [sflag:s9], $0x3E80  }
0x1ad: {  	[sflag:s9] =	ssyncset.done $0x0  }
0x1ae: {  	[sflag:s9] =	ssyncadd.s32 $0xFFFFC180  }
0x1af: {  	s8 =	simm.s32 $0x1;
	v2 =	vld.idx.msk [tilespmem:v0+s15+$0x0], $0xffff  }
0x1b0: {  	s10 =	simm.s32 $0x1BD80;
	v3 =	vmov s8;
	v0 =	vld.idx.msk [tilespmem:v1+s15+$0x0], $0xffff  }
0x1b1: {  	v1 =	vand.u32 $0xFF, v3;
	v3 =	vld [tilespmem:s10+$0x270]  }
0x1b2: {  	v4 =	vld [tilespmem:s10+$0x0];
	v1 =	vor.u32 $0x400, v1  }
0x1b3: {  	v5 =	vld [tilespmem:s10+$0x10];
	v1 =	vbroadcast v1, $0x0  }
0x1b4: {  	v6 =	vld [tilespmem:s10+$0x20]  }
0x1b5: {  	v7 =	vld [tilespmem:s10+$0x30]  }
0x1b6: {  	v8 =	vld [tilespmem:s10+$0x40]  }
0x1b7: {  	s11 =	simm.s32 $0x2;
	v9 =	vld [tilespmem:s10+$0x50]  }
0x1b8: {  	v11 =	vmov s11;
	v10 =	vld [tilespmem:s10+$0x60];
	v3 =	vmul.f32 v0, v3  }
0x1b9: {  	v4 =	vmul.f32 v2, v4;
	v12 =	vld.idx.msk [tilespmem:v1+s15+$0x0], $0xffff;
	v1 =	vand.u32 $0xFF, v11  }
0x1ba: {  	v13 =	vld [tilespmem:s10+$0x90];
	[tilespmem:s10+$0x270] =	vst v3;
	v3 =	vmul.f32 v2, v6;
	v1 =	vor.u32 $0x400, v1  }
0x1bb: {  	v5 =	vmul.f32 v2, v5;
	[tilespmem:s10+$0x0] =	vst v4;
	v11 =	vld [tilespmem:s10+$0x80];
	v1 =	vbroadcast v1, $0x0  }
0x1bc: {  	v4 =	vld [tilespmem:s10+$0x70];
	[tilespmem:s10+$0x20] =	vst v3;
	v3 =	vmul.f32 v2, v8  }
0x1bd: {  	v9 =	vmul.f32 v2, v9;
	v6 =	vld [tilespmem:s10+$0xA0];
	[tilespmem:s10+$0x10] =	vst v5  }
0x1be: {  	v5 =	vmul.f32 v2, v7;
	[tilespmem:s10+$0x40] =	vst v3;
	v3 =	vld [tilespmem:s10+$0xE0]  }
0x1bf: {  	v7 =	vld [tilespmem:s10+$0xB0];
	[tilespmem:s10+$0x50] =	vst v9  }
0x1c0: {  	v9 =	vld [tilespmem:s10+$0x100];
	[tilespmem:s10+$0x30] =	vst v5;
	v5 =	vmul.f32 v12, v11  }
0x1c1: {  	v14 =	vld.idx.msk [tilespmem:v1+s15+$0x0], $0xffff;
	v1 =	vmul.f32 v2, v10  }
0x1c2: {  	s21 =	simm.s32 $0x3;
	v8 =	vld [tilespmem:s10+$0xC0];
	[tilespmem:s10+$0x80] =	vst v5;
	v2 =	vmul.f32 v2, v4  }
0x1c3: {  	v5 =	vmov s21;
	v4 =	vld [tilespmem:s10+$0xF0];
	v3 =	vmul.f32 v12, v3;
	[tilespmem:s10+$0x60] =	vst v1  }
0x1c4: {  	v11 =	vld [tilespmem:s10+$0xD0];
	v5 =	vand.u32 $0xFF, v5;
	v1 =	vmul.f32 v12, v13;
	[tilespmem:s10+$0x70] =	vst v2  }
0x1c5: {  	v10 =	vld [tilespmem:s10+$0x140];
	v5 =	vor.u32 $0x400, v5;
	v2 =	vmul.f32 v12, v6;
	[tilespmem:s10+$0xE0] =	vst v3  }
0x1c6: {  	v5 =	vbroadcast v5, $0x0;
	v3 =	vld [tilespmem:s10+$0x170];
	[tilespmem:s10+$0x90] =	vst v1;
	v1 =	vmul.f32 v12, v7  }
0x1c7: {  	v6 =	vld [tilespmem:s10+$0x110];
	[tilespmem:s10+$0xA0] =	vst v2;
	v2 =	vmul.f32 v12, v8  }
0x1c8: {  	v7 =	vld [tilespmem:s10+$0x120];
	v4 =	vmul.f32 v12, v4;
	[tilespmem:s10+$0xB0] =	vst v1  }
0x1c9: {  	v8 =	vld [tilespmem:s10+$0x130];
	v1 =	vmul.f32 v12, v11;
	[tilespmem:s10+$0xC0] =	vst v2  }
0x1ca: {  	v2 =	vmul.f32 v14, v9;
	v9 =	vld [tilespmem:s10+$0x150];
	[tilespmem:s10+$0xF0] =	vst v4  }
0x1cb: {  	v11 =	vld [tilespmem:s10+$0x160];
	v12 =	vmul.f32 v14, v3;
	[tilespmem:s10+$0xD0] =	vst v1  }
0x1cc: {  	v1 =	vld.idx.msk [tilespmem:v5+s15+$0x0], $0xffff;
	[tilespmem:s10+$0x100] =	vst v2;
	v2 =	vmul.f32 v14, v6  }
0x1cd: {  	v5 =	vld [tilespmem:s10+$0x180];
	v4 =	vmul.f32 v14, v7;
	[tilespmem:s10+$0x170] =	vst v12  }
0x1ce: {  	v6 =	vld [tilespmem:s10+$0x190];
	[tilespmem:s10+$0x110] =	vst v2;
	v2 =	vmul.f32 v14, v8  }
0x1cf: {  	s11 =	simm.s32 $0x7;
	v7 =	vld [tilespmem:s10+$0x1A0];
	[tilespmem:s10+$0x120] =	vst v4;
	v4 =	vmul.f32 v14, v10  }
0x1d0: {  	s6 =	simm.s32 $0x5;
	v13 =	vmov s11;
	v8 =	vld [tilespmem:s10+$0x1B0];
	[tilespmem:s10+$0x130] =	vst v2;
	v2 =	vmul.f32 v14, v9  }
0x1d1: {  	v12 =	vand.u32 $0xFF, v13;
	v10 =	vld [tilespmem:s10+$0x1C0];
	v9 =	vmov s6;
	[tilespmem:s10+$0x140] =	vst v4;
	v4 =	vmul.f32 v14, v11  }
0x1d2: {  	s8 =	simm.s32 $0x6;
	s21 =	simm.s32 $0x8;
	v12 =	vor.u32 $0x400, v12;
	v9 =	vand.u32 $0x7F, v9;
	v5 =	vmul.f32 v1, v5;
	[tilespmem:s10+$0x150] =	vst v2;
	v2 =	vld [tilespmem:s10+$0x1D0]  }
0x1d3: {  	v3 =	vld [tilespmem:s10+$0x1E0];
	v11 =	vmov s8;
	v14 =	vmov s21;
	v6 =	vmul.f32 v1, v6;
	[tilespmem:s10+$0x160] =	vst v4  }
0x1d4: {  	v13 =	vand.u32 $0xFF, v14;
	v7 =	vmul.f32 v1, v7;
	[tilespmem:s10+$0x180] =	vst v5;
	v4 =	vor.u32 $0x400, v9;
	v5 =	vld [tilespmem:s10+$0x1F0]  }
0x1d5: {  	v9 =	vand.u32 $0xFF, v11;
	[tilespmem:s10+$0x190] =	vst v6;
	v8 =	vmul.f32 v1, v8;
	v6 =	vld [tilespmem:s10+$0x200];
	v4 =	vbroadcast v4, $0x0  }
0x1d6: {  	s4 =	simm.s32 $0x1BD80;
	s6 =	simm.s32 $0xA;
	s8 =	simm.s32 $0x9;
	v11 =	vor.u32 $0x400, v9;
	v9 =	vor.u32 $0x400, v13;
	[tilespmem:s10+$0x1A0] =	vst v7;
	v10 =	vmul.f32 v1, v10;
	v7 =	vld [tilespmem:s10+$0x210]  }
.LBB2_11:
0x1d7: {  	p1 =	slt.u32 s6, $0x78;
	v11 =	vbroadcast v11, $0x0;
	v13 =	vmov s8;
	[tilespmem:s10+$0x1B0] =	vst v8;
	v2 =	vmul.f32 v1, v2;
	v8 =	vld [tilespmem:s10+$0x220]  }
0x1d8: {  	v12 =	vbroadcast v12, $0x0;
	v13 =	vand.u32 $0xFF, v13;
	[tilespmem:s10+$0x1C0] =	vst v10;
	v3 =	vmul.f32 v1, v3;
	v10 =	vld [tilespmem:s10+$0x230]  }
0x1d9: {  	v9 =	vbroadcast v9, $0x0;
	v13 =	vor.u32 $0x400, v13;
	[tilespmem:s10+$0x1D0] =	vst v2;
	v1 =	vmul.f32 v1, v5;
	v2 =	vld [tilespmem:s10+$0x240]  }
0x1da: {  	v5 =	vbroadcast v13, $0x0;
	[tilespmem:s10+$0x1E0] =	vst v3;
	v3 =	vmul.f32 v0, v6;
	v6 =	vld [tilespmem:s10+$0x250]  }
0x1db: {  	[tilespmem:s10+$0x1F0] =	vst v1;
	v1 =	vmul.f32 v0, v7;
	v7 =	vld [tilespmem:s10+$0x260]  }
0x1dc: {  	v4 =	vld.idx.msk [tilespmem:v4+s15+$0x0], $0xffff;
	[tilespmem:s10+$0x200] =	vst v3;
	v3 =	vmul.f32 v0, v8  }
0x1dd: {  	v8 =	vld.idx.msk [tilespmem:v11+s15+$0x0], $0xffff;
	[tilespmem:s10+$0x210] =	vst v1;
	v10 =	vmul.f32 v0, v10  }
0x1de: {  	v11 =	vld.idx.msk [tilespmem:v12+s15+$0x0], $0xffff;
	[tilespmem:s10+$0x220] =	vst v3;
	v2 =	vmul.f32 v0, v2  }
0x1df: {  	v1 =	vld.idx.msk [tilespmem:v9+s15+$0x0], $0xffff;
	[tilespmem:s10+$0x230] =	vst v10;
	v3 =	vmul.f32 v0, v6  }
0x1e0: {  	s10 =	sadd.s32 $0x280, s10;
	[tilespmem:s4+$0x240] =	vst v2;
	v2 =	vmul.f32 v0, v7;
	v0 =	vld.idx.msk [tilespmem:v5+s15+$0x0], $0xffff  }
0x1e1: {  	v5 =	vld [tilespmem:s10+$0x270];
	[tilespmem:s4+$0x250] =	vst v3  }
0x1e2: {  	v3 =	vld [tilespmem:s10+$0x0];
	[tilespmem:s4+$0x260] =	vst v2;
	s4 =	smov.u32 s10  }
0x1e3: {  	v2 =	vld [tilespmem:s10+$0x10]  }
0x1e4: {  	v6 =	vld [tilespmem:s10+$0x20]  }
0x1e5: {  	v7 =	vld [tilespmem:s10+$0x30]  }
0x1e6: {  	v9 =	vld [tilespmem:s10+$0x40];
	v5 =	vmul.f32 v0, v5  }
0x1e7: {  	v3 =	vmul.f32 v4, v3;
	v10 =	vld [tilespmem:s10+$0x50]  }
0x1e8: {  	v2 =	vmul.f32 v4, v2;
	v12 =	vld [tilespmem:s10+$0x60];
	[tilespmem:s10+$0x270] =	vst v5  }
0x1e9: {  	[tilespmem:s10+$0x0] =	vst v3;
	v3 =	vmul.f32 v4, v6;
	v5 =	vld [tilespmem:s10+$0x70]  }
0x1ea: {  	[tilespmem:s10+$0x10] =	vst v2;
	v2 =	vmul.f32 v4, v7;
	v6 =	vld [tilespmem:s10+$0x80]  }
0x1eb: {  	[tilespmem:s10+$0x20] =	vst v3;
	v3 =	vmul.f32 v4, v9;
	v7 =	vld [tilespmem:s10+$0x90]  }
0x1ec: {  	[tilespmem:s10+$0x30] =	vst v2;
	v2 =	vmul.f32 v4, v10;
	v9 =	vld [tilespmem:s10+$0xA0]  }
0x1ed: {  	[tilespmem:s10+$0x40] =	vst v3;
	v3 =	vmul.f32 v4, v12;
	v10 =	vld [tilespmem:s10+$0xB0]  }
0x1ee: {  	[tilespmem:s10+$0x50] =	vst v2;
	v2 =	vmul.f32 v4, v5;
	v4 =	vld [tilespmem:s10+$0xC0]  }
0x1ef: {  	[tilespmem:s10+$0x60] =	vst v3;
	v3 =	vmul.f32 v8, v6;
	v5 =	vld [tilespmem:s10+$0xD0]  }
0x1f0: {  	[tilespmem:s10+$0x70] =	vst v2;
	v2 =	vmul.f32 v8, v7;
	v6 =	vld [tilespmem:s10+$0xE0]  }
0x1f1: {  	[tilespmem:s10+$0x80] =	vst v3;
	v3 =	vmul.f32 v8, v9;
	v7 =	vld [tilespmem:s10+$0xF0]  }
0x1f2: {  	[tilespmem:s10+$0x90] =	vst v2;
	v2 =	vmul.f32 v8, v10;
	v9 =	vld [tilespmem:s10+$0x100]  }
0x1f3: {  	[tilespmem:s10+$0xA0] =	vst v3;
	v3 =	vmul.f32 v8, v4;
	v4 =	vld [tilespmem:s10+$0x110]  }
0x1f4: {  	[tilespmem:s10+$0xB0] =	vst v2;
	v2 =	vmul.f32 v8, v5;
	v5 =	vld [tilespmem:s10+$0x120]  }
0x1f5: {  	[tilespmem:s10+$0xC0] =	vst v3;
	v3 =	vmul.f32 v8, v6;
	v6 =	vld [tilespmem:s10+$0x130]  }
0x1f6: {  	[tilespmem:s10+$0xD0] =	vst v2;
	v2 =	vmul.f32 v8, v7;
	v7 =	vld [tilespmem:s10+$0x140]  }
0x1f7: {  	[tilespmem:s10+$0xE0] =	vst v3;
	v3 =	vmul.f32 v11, v9;
	v8 =	vld [tilespmem:s10+$0x150]  }
0x1f8: {  	[tilespmem:s10+$0xF0] =	vst v2;
	v2 =	vmul.f32 v11, v4;
	v4 =	vld [tilespmem:s10+$0x160]  }
0x1f9: {  	[tilespmem:s10+$0x100] =	vst v3;
	v3 =	vmul.f32 v11, v5;
	v5 =	vld [tilespmem:s10+$0x170]  }
0x1fa: {  	[tilespmem:s10+$0x110] =	vst v2;
	v2 =	vmul.f32 v11, v6;
	v6 =	vld [tilespmem:s10+$0x180]  }
0x1fb: {  	[tilespmem:s10+$0x120] =	vst v3;
	v3 =	vmul.f32 v11, v7;
	v7 =	vld [tilespmem:s10+$0x190]  }
0x1fc: {  	[tilespmem:s10+$0x130] =	vst v2;
	v2 =	vmul.f32 v11, v8;
	v8 =	vld [tilespmem:s10+$0x1A0]  }
0x1fd: {  	s8 =	sadd.s32 $0x1, s6;
	v9 =	vmov s6;
	[tilespmem:s10+$0x140] =	vst v3;
	v3 =	vmul.f32 v11, v4;
	v10 =	vld [tilespmem:s10+$0x1B0]  }
0x1fe: {  	s11 =	sadd.s32 $0x3, s6;
	v4 =	vand.u32 $0x7F, v9;
	v9 =	vmov s8;
	s8 =	sadd.s32 $0x2, s6;
	[tilespmem:s10+$0x150] =	vst v2;
	v5 =	vmul.f32 v11, v5;
	v13 =	vld [tilespmem:s10+$0x1C0]  }
.Ltmp7:
0x1ff: {  	v12 =	vmov s11;
	v11 =	vmov s8;
	[tilespmem:s10+$0x160] =	vst v3;
	v6 =	vmul.f32 v1, v6;
	v2 =	vld [tilespmem:s10+$0x1D0];
	(pc) =	sbr.rel @p1 .LBB2_11-.Ltmp7, $4  }
0x200: {  	v4 =	vor.u32 $0x400, v4;
	v9 =	vand.u32 $0xFF, v9;
	[tilespmem:s10+$0x170] =	vst v5;
	v7 =	vmul.f32 v1, v7;
	v3 =	vld [tilespmem:s10+$0x1E0]  }
0x201: {  	v15 =	vand.u32 $0xFF, v12;
	v14 =	vand.u32 $0xFF, v11;
	[tilespmem:s10+$0x180] =	vst v6;
	v16 =	vmul.f32 v1, v8;
	v5 =	vld [tilespmem:s10+$0x1F0]  }
0x202: {  	v4 =	vbroadcast v4, $0x0;
	v11 =	vor.u32 $0x400, v9;
	[tilespmem:s10+$0x190] =	vst v7;
	v8 =	vmul.f32 v1, v10;
	v6 =	vld [tilespmem:s10+$0x200]  }
0x203: {  	s8 =	sadd.s32 $0x4, s6;
	s6 =	sadd.s32 $0x5, s6;
	v9 =	vor.u32 $0x400, v15;
	v12 =	vor.u32 $0x400, v14;
	[tilespmem:s10+$0x1A0] =	vst v16;
	v10 =	vmul.f32 v1, v13;
	v7 =	vld [tilespmem:s10+$0x210]  }
0x204: {  	v14 =	vld [tilespmem:s10+$0x220]  }
0x205: {  	v15 =	vld [tilespmem:s10+$0x230]  }
0x206: {  	v16 =	vld [tilespmem:s10+$0x240]  }
0x207: {  	v17 =	vld [tilespmem:s10+$0x250]  }
0x208: {  	v18 =	vld [tilespmem:s10+$0x260]  }
0x209: {  	[tilespmem:s10+$0x1B0] =	vst v8;
	v2 =	vmul.f32 v1, v2;
	v4 =	vld.idx.msk [tilespmem:v4+s15+$0x0], $0xffff;
	s6 =	sadd.s32 $0x280, s10  }
0x20a: {  	[tilespmem:s10+$0x1C0] =	vst v10;
	v3 =	vmul.f32 v1, v3;
	v30 =	vld [tilespmem:s6+$0x270]  }
0x20b: {  	v32 =	vld [tilespmem:s6+$0x0];
	[tilespmem:s10+$0x1D0] =	vst v2;
	v26 =	vmul.f32 v1, v5  }
0x20c: {  	v34 =	vld [tilespmem:s6+$0x10];
	[tilespmem:s10+$0x1E0] =	vst v3;
	v27 =	vmul.f32 v0, v6  }
0x20d: {  	v36 =	vld [tilespmem:s6+$0x20];
	[tilespmem:s10+$0x1F0] =	vst v26;
	v28 =	vmul.f32 v0, v7  }
0x20e: {  	v38 =	vld [tilespmem:s6+$0x30];
	[tilespmem:s10+$0x200] =	vst v27;
	v29 =	vmul.f32 v0, v14  }
0x20f: {  	v39 =	vld [tilespmem:s6+$0x40];
	v31 =	vmul.f32 v0, v15;
	[tilespmem:s10+$0x210] =	vst v28  }
0x210: {  	v11 =	vbroadcast v11, $0x0;
	v41 =	vld [tilespmem:s6+$0x50];
	v33 =	vmul.f32 v0, v16;
	[tilespmem:s10+$0x220] =	vst v29  }
0x211: {  	v42 =	vld [tilespmem:s6+$0x60];
	v35 =	vmul.f32 v0, v17;
	[tilespmem:s10+$0x230] =	vst v31  }
0x212: {  	v44 =	vld [tilespmem:s6+$0x70];
	v37 =	vmul.f32 v0, v18;
	[tilespmem:s4+$0x240] =	vst v33  }
0x213: {  	v45 =	vld [tilespmem:s6+$0x80];
	v40 =	vmul.f32 v4, v32;
	[tilespmem:s4+$0x250] =	vst v35  }
0x214: {  	v47 =	vld [tilespmem:s6+$0x90];
	v10 =	vmul.f32 v4, v34;
	[tilespmem:s4+$0x260] =	vst v37  }
0x215: {  	v49 =	vld [tilespmem:s6+$0xA0];
	v43 =	vmul.f32 v4, v36;
	[tilespmem:s6+$0x0] =	vst v40  }
0x216: {  	v25 =	vld.idx.msk [tilespmem:v11+s15+$0x0], $0xffff;
	v3 =	vmul.f32 v4, v38;
	[tilespmem:s6+$0x10] =	vst v10  }
0x217: {  	v51 =	vld [tilespmem:s6+$0xB0];
	v46 =	vmul.f32 v4, v39;
	[tilespmem:s6+$0x20] =	vst v43  }
0x218: {  	v12 =	vbroadcast v12, $0x0;
	v53 =	vld [tilespmem:s6+$0xC0];
	v48 =	vmul.f32 v4, v41;
	[tilespmem:s6+$0x30] =	vst v3  }
0x219: {  	v55 =	vld [tilespmem:s6+$0xD0];
	v50 =	vmul.f32 v4, v42;
	[tilespmem:s6+$0x40] =	vst v46  }
0x21a: {  	v57 =	vld [tilespmem:s6+$0xE0];
	v52 =	vmul.f32 v4, v44;
	[tilespmem:s6+$0x50] =	vst v48  }
0x21b: {  	v59 =	vld [tilespmem:s6+$0xF0];
	[tilespmem:s6+$0x60] =	vst v50;
	v54 =	vmul.f32 v25, v45  }
0x21c: {  	v61 =	vld [tilespmem:s6+$0x100];
	[tilespmem:s6+$0x70] =	vst v52;
	v56 =	vmul.f32 v25, v47  }
0x21d: {  	v9 =	vbroadcast v9, $0x0;
	v63 =	vld [tilespmem:s6+$0x110];
	v58 =	vmul.f32 v25, v49;
	[tilespmem:s6+$0x80] =	vst v54  }
0x21e: {  	v2 =	vld.idx.msk [tilespmem:v12+s15+$0x0], $0xffff;
	v60 =	vmul.f32 v25, v51;
	[tilespmem:s6+$0x90] =	vst v56  }
0x21f: {  	v19 =	vld [tilespmem:s6+$0x150];
	v62 =	vmul.f32 v25, v53;
	[tilespmem:s6+$0xA0] =	vst v58  }
0x220: {  	v15 =	vld [tilespmem:s6+$0x130];
	v12 =	vmul.f32 v25, v55;
	[tilespmem:s6+$0xB0] =	vst v60  }
0x221: {  	v13 =	vmov s8;
	v17 =	vld [tilespmem:s6+$0x140];
	v14 =	vmul.f32 v25, v57;
	[tilespmem:s6+$0xC0] =	vst v62  }
0x222: {  	v13 =	vand.u32 $0xFF, v13;
	v27 =	vld [tilespmem:s6+$0x190];
	v16 =	vmul.f32 v25, v59;
	[tilespmem:s6+$0xD0] =	vst v12  }
0x223: {  	v13 =	vor.u32 $0x400, v13;
	v5 =	vld.idx.msk [tilespmem:v9+s15+$0x0], $0xffff;
	v18 =	vmul.f32 v2, v61;
	[tilespmem:s6+$0xE0] =	vst v14  }
0x224: {  	v13 =	vbroadcast v13, $0x0;
	v32 =	vld [tilespmem:s6+$0x1C0];
	v20 =	vmul.f32 v2, v63;
	[tilespmem:s6+$0xF0] =	vst v16  }
0x225: {  	v34 =	vld [tilespmem:s6+$0x1D0];
	v24 =	vmul.f32 v2, v15;
	[tilespmem:s6+$0x100] =	vst v18  }
0x226: {  	v36 =	vld [tilespmem:s6+$0x1E0];
	v26 =	vmul.f32 v2, v17;
	[tilespmem:s6+$0x110] =	vst v20  }
0x227: {  	v38 =	vld [tilespmem:s6+$0x1F0];
	v28 =	vmul.f32 v2, v19;
	[tilespmem:s6+$0x130] =	vst v24  }
0x228: {  	v29 =	vld [tilespmem:s6+$0x1A0];
	v35 =	vmul.f32 v5, v27;
	[tilespmem:s6+$0x140] =	vst v26  }
0x229: {  	v31 =	vld [tilespmem:s6+$0x1B0];
	v41 =	vmul.f32 v5, v32;
	[tilespmem:s6+$0x150] =	vst v28  }
0x22a: {  	v1 =	vld.idx.msk [tilespmem:v13+s15+$0x0], $0xffff;
	v43 =	vmul.f32 v5, v34;
	[tilespmem:s6+$0x190] =	vst v35  }
0x22b: {  	v13 =	vld [tilespmem:s6+$0x120];
	v45 =	vmul.f32 v5, v36;
	[tilespmem:s6+$0x1C0] =	vst v41  }
0x22c: {  	v21 =	vld [tilespmem:s6+$0x160];
	v47 =	vmul.f32 v5, v38;
	[tilespmem:s6+$0x1D0] =	vst v43  }
0x22d: {  	v23 =	vld [tilespmem:s6+$0x170];
	v37 =	vmul.f32 v5, v29;
	[tilespmem:s6+$0x1E0] =	vst v45  }
0x22e: {  	v40 =	vld [tilespmem:s6+$0x200];
	v39 =	vmul.f32 v5, v31;
	[tilespmem:s6+$0x1F0] =	vst v47  }
0x22f: {  	v42 =	vld [tilespmem:s6+$0x210];
	v7 =	vmul.f32 v1, v30;
	[tilespmem:s6+$0x1A0] =	vst v37  }
0x230: {  	v44 =	vld [tilespmem:s6+$0x220];
	v22 =	vmul.f32 v2, v13;
	[tilespmem:s6+$0x1B0] =	vst v39  }
0x231: {  	v46 =	vld [tilespmem:s6+$0x230];
	v30 =	vmul.f32 v2, v21;
	[tilespmem:s6+$0x270] =	vst v7  }
0x232: {  	v48 =	vld [tilespmem:s6+$0x240];
	v2 =	vmul.f32 v2, v23;
	[tilespmem:s6+$0x120] =	vst v22  }
0x233: {  	v50 =	vld [tilespmem:s6+$0x250];
	v49 =	vmul.f32 v1, v40;
	[tilespmem:s6+$0x160] =	vst v30  }
0x234: {  	v52 =	vld [tilespmem:s6+$0x260];
	v51 =	vmul.f32 v1, v42;
	[tilespmem:s6+$0x170] =	vst v2  }
0x235: {  	v25 =	vld [tilespmem:s6+$0x180];
	v53 =	vmul.f32 v1, v44;
	[tilespmem:s6+$0x200] =	vst v49  }
0x236: {  	v54 =	vmul.f32 v1, v46;
	[tilespmem:s6+$0x210] =	vst v51  }
0x237: {  	v55 =	vmul.f32 v1, v48;
	[tilespmem:s6+$0x220] =	vst v53  }
0x238: {  	v56 =	vmul.f32 v1, v50;
	[tilespmem:s6+$0x230] =	vst v54  }
0x239: {  	v57 =	vmul.f32 v1, v52;
	[tilespmem:s6+$0x240] =	vst v55  }
0x23a: {  	v33 =	vmul.f32 v5, v25;
	[tilespmem:s6+$0x250] =	vst v56  }
0x23b: {  	[tilespmem:s6+$0x260] =	vst v57  }
0x23c: {  	[tilespmem:s6+$0x180] =	vst v33  }
0x23d: {  	v0 =	vld [tilespmem:$0x13C00]  }
0x23e: {  	v58 =	vld [tilespmem:$0x13C10]  }
0x23f: {  	v2 =	vld [tilespmem:$0x13C20]  }
0x240: {  	v59 =	vld [tilespmem:$0x13C30]  }
0x241: {  	v60 =	vld [tilespmem:$0x13C40]  }
0x242: {  	v61 =	vld [tilespmem:$0x13C50];
	[tilespmem:$0x1FD80] =	vst v0  }
0x243: {  	v62 =	vld [tilespmem:$0x13C60];
	[tilespmem:$0x1FD90] =	vst v58  }
0x244: {  	v63 =	vld [tilespmem:$0x13C6D];
	[tilespmem:$0x1FDA0] =	vst v2  }
0x245: {  	[tilespmem:$0x1FDB0] =	vst v59  }
.Ltmp8:
0x246: {  	[tilespmem:$0x1FDC0] =	vst v60;
	(pc) =	sbr.rel .LBB2_2-.Ltmp8, $4  }
0x247: {  	[tilespmem:$0x1FDD0] =	vst v61  }
0x248: {  	[tilespmem:$0x1FDE0] =	vst v62  }
0x249: {  	s7 =	sadd.s32 $0x1, s7;
	[tilespmem:$0x1FDED] =	vst v63  }
0x24a: {  	[spmem:s3] =	stream.indirect.scatter.add.f32 [tilespmem:s16], [sflag:$0x9], $0x80, s12, s19, $0xb8;
	[tilespmem:$0x1FE80] =	vst v63  }
.LBB2_14:
0x24b: {  	_ =	sfence.sel $0x180000  }
0x24c: {  	[bflag:$0x0] =	sbarrier.arrive $0xFFFF  }
0x24d: {  	_ =	strace $0x90000047  }
0x24e: {  	s0 =	stileid.u32;
	[bflag:$0x2] =	sbarrier.arrive $0xFFFF  }
0x24f: {  	p0 =	sne.s32 s0, $0x0;
	s0 =	rddreg [dreg:$0x3]  }
0x250: {  	s0 =	sadd.s32 @!p0 $0x100000, s0  }
0x251: {  	[sflag:s0] =	ssyncadd.tile.s32 @!p0 $0x1;
	_ =	shalt  }
.Lfunc_end2:
_tile_overlayer_lowered:
.L_overlay_start_2:
0x252: {  	(tag) =	ssettag $0x2  }
0x253: {  	s0 =	rddreg [dreg:$0x0];
	s2 =	stileid.u32  }
0x254: {  	s1 =	rddreg [dreg:$0x1];
	p0 =	sne.s32 s2, $0x0  }
0x255: {  	s3 =	rddreg [dreg:$0x2];
	[bflag:$0x3] =	sbarrier.arrive $0xFFFF;
	s2 =	simm.s32 @!p0 $0x1C0B  }
0x256: {  	[timem:s3], [sflag:s2] =	dma.local @!p0 [hbm:s0], s1  }
0x257: {  	s0 =	simm.s32 @!p0 $0xB  }
0x258: {  	_ =	swait.ge @!p0 [sflag:s0], s1  }
0x259: {  	s1 =	ssub.s32 @!p0 $0x0, s1;
	[sflag:s0] =	ssyncset.done @!p0 $0x0  }
0x25a: {  	[sflag:s0] =	ssyncadd.s32 @!p0 s1  }
0x25b: {  	[bflag:$0x3] =	sbarrier.arrive $0xFFFF  }
0x25c: {  	_ =	shalt  }

</sc_bundles>
